<compile_context>
chip_gen: v7x
topology: tpu7x:2x2x1
jax: 0.10.2.dev20260603
libtpu: 0.0.44.dev20260713+nightly
codegen_flags: <defaults>
</compile_context>

<pallas_src>
import functools

import jax
import jax.numpy as jnp
from jax import lax
from jax.experimental import pallas as pl
from jax.experimental.pallas import tpu as pltpu
from jax.experimental.pallas import tpu_sc as plsc

N = 10000
E = 320000
D = 128
C = 1000

NC = 2
NS = 16
NW = NC * NS
CH = 80
EPW = E // NW
ECH = EPW // CH
NCHN = N // CH
STRIDE = 624
ZR = 640
C0 = 640
C1 = C - STRIDE

_MESH = plsc.VectorSubcoreMesh(core_axis_name="c", subcore_axis_name="s")


def _wid(cid, sid):
    return sid * NC + cid


@functools.partial(
    pl.kernel,
    mesh=_MESH,
    out_type=[
        jax.ShapeDtypeStruct((NC, N, D), jnp.float32),
        jax.ShapeDtypeStruct((NC, C, D), jnp.float32),
    ],
    scratch_types=[
        pltpu.VMEM((CH,), jnp.int32),
        pltpu.VMEM((CH,), jnp.int32),
        pltpu.VMEM((CH, D), jnp.float32),
        pltpu.VMEM_SHARED((N, D), jnp.float32),
        pltpu.VMEM_SHARED((C, D), jnp.float32),
        pltpu.SemaphoreType.DMA,
        pltpu.SemaphoreType.DMA,
    ],
)
def _sc_counts(dst_flat, ca_flat, ones_hbm, zrows, degp, cntp, idx_c0,
               idx_c1, ones_v, dacc, cacc, sem0, sem1):
    cid = lax.axis_index("c")
    sid = lax.axis_index("s")
    wid = _wid(cid, sid)
    row0 = sid * STRIDE
    pltpu.sync_copy(zrows, dacc.at[pl.ds(row0, ZR)])

    @pl.when(sid == 0)
    def _():
        pltpu.sync_copy(zrows.at[pl.ds(0, C0)], cacc.at[pl.ds(0, C0)])

    @pl.when(sid == 1)
    def _():
        pltpu.sync_copy(zrows.at[pl.ds(0, C1)], cacc.at[pl.ds(STRIDE, C1)])

    plsc.subcore_barrier()

    pltpu.sync_copy(ones_hbm, ones_v)
    ebase = wid * EPW

    pltpu.sync_copy(dst_flat.at[pl.ds(ebase, CH)], idx_c0)
    pltpu.async_copy(ones_v, dacc.at[idx_c0], sem0, add=True)

    def deg_body(k, carry):
        a = 2 * k
        pltpu.sync_copy(dst_flat.at[pl.ds(ebase + (a + 1) * CH, CH)], idx_c1)
        pltpu.async_copy(ones_v, dacc.at[idx_c1], sem1, add=True)
        pltpu.make_async_copy(ones_v, dacc.at[idx_c0], sem0).wait()
        pltpu.sync_copy(dst_flat.at[pl.ds(ebase + (a + 2) * CH, CH)], idx_c0)
        pltpu.async_copy(ones_v, dacc.at[idx_c0], sem0, add=True)
        pltpu.make_async_copy(ones_v, dacc.at[idx_c1], sem1).wait()
        return carry

    lax.fori_loop(0, (ECH - 1) // 2, deg_body, 0)
    pltpu.make_async_copy(ones_v, dacc.at[idx_c0], sem0).wait()

    lo = wid * NCHN // NW
    hi = (wid + 1) * NCHN // NW

    def cnt_body(g, carry):
        pltpu.sync_copy(ca_flat.at[pl.ds(g * CH, CH)], idx_c0)
        pltpu.sync_copy(ones_v, cacc.at[idx_c0], add=True)
        return carry

    lax.fori_loop(lo, hi, cnt_body, 0)

    plsc.subcore_barrier()

    pltpu.sync_copy(dacc.at[pl.ds(row0, ZR)],
                    degp.at[cid].at[pl.ds(row0, ZR)])

    @pl.when(sid == 0)
    def _():
        pltpu.sync_copy(cacc.at[pl.ds(0, C0)], cntp.at[cid].at[pl.ds(0, C0)])

    @pl.when(sid == 1)
    def _():
        pltpu.sync_copy(cacc.at[pl.ds(STRIDE, C1)],
                        cntp.at[cid].at[pl.ds(STRIDE, C1)])


@functools.partial(
    pl.kernel,
    mesh=_MESH,
    out_type=jax.ShapeDtypeStruct((NC, N, D), jnp.float32),
    scratch_types=[
        pltpu.VMEM((ECH, CH), jnp.int32),
        pltpu.VMEM((CH,), jnp.int32),
        pltpu.VMEM((CH,), jnp.int32),
        pltpu.VMEM((CH,), jnp.int32),
        pltpu.VMEM((CH, D), jnp.float32),
        pltpu.VMEM((CH, D), jnp.float32),
        pltpu.VMEM((CH, D), jnp.float32),
        pltpu.VMEM_SHARED((N, D), jnp.float32),
        pltpu.SemaphoreType.DMA,
        pltpu.SemaphoreType.DMA,
        pltpu.SemaphoreType.DMA,
        pltpu.SemaphoreType.DMA,
        pltpu.SemaphoreType.DMA,
        pltpu.SemaphoreType.DMA,
        pltpu.SemaphoreType.DMA,
        pltpu.SemaphoreType.DMA,
        pltpu.SemaphoreType.DMA,
    ],
)
def _sc_aggregate(src3, dst_flat, h, zrows, aggp, src_v, dc0, dc1, dc2,
                  rw0, rw1, rw2, acc, gs0, gs1, gs2,
                  is0, is1, is2, ss0, ss1, ss2):
    dst_c = [dc0, dc1, dc2]
    rows = [rw0, rw1, rw2]
    gsem = [gs0, gs1, gs2]
    isem = [is0, is1, is2]
    ssem = [ss0, ss1, ss2]
    cid = lax.axis_index("c")
    sid = lax.axis_index("s")
    wid = _wid(cid, sid)
    row0 = sid * STRIDE
    pltpu.sync_copy(zrows, acc.at[pl.ds(row0, ZR)])
    plsc.subcore_barrier()

    pltpu.sync_copy(src3.at[wid], src_v)
    ebase = wid * EPW

    def idx_start(a, c, s):
        return pltpu.async_copy(dst_flat.at[pl.ds(ebase + a * CH, CH)], c, s)

    def idx_wait(a, c, s):
        pltpu.make_async_copy(dst_flat.at[pl.ds(ebase + a * CH, CH)], c,
                              s).wait()

    def gat_start(a, r, s):
        return pltpu.async_copy(h.at[src_v.at[a]], r, s)

    def gat_wait(a, r, s):
        pltpu.make_async_copy(h.at[src_v.at[a]], r, s).wait()

    def sca_start(a, b):
        return pltpu.async_copy(rows[b], acc.at[dst_c[b]], ssem[b], add=True)

    def sca_wait(b):
        pltpu.make_async_copy(rows[b], acc.at[dst_c[b]], ssem[b]).wait()

    def phase(a, b, prefetch, swait):
        gat_wait(a, rows[b], gsem[b])
        idx_wait(a, dst_c[b], isem[b])
        sca_start(a, b)
        b2 = (b + 2) % 3
        if swait:
            sca_wait(b2)
        if prefetch:
            idx_start(a + 2, dst_c[b2], isem[b2])
            gat_start(a + 2, rows[b2], gsem[b2])

    idx_start(0, dst_c[0], isem[0])
    gat_start(0, rows[0], gsem[0])
    idx_start(1, dst_c[1], isem[1])
    gat_start(1, rows[1], gsem[1])

    phase(0, 0, True, False)
    phase(1, 1, True, True)

    def body(k, carry):
        base = 3 * k + 2
        for p in range(3):
            phase(base + p, (2 + p) % 3, True, True)
        return carry

    lax.fori_loop(0, (ECH - 5) // 3, body, 0)

    phase(ECH - 3, 2, True, True)
    phase(ECH - 2, 0, False, True)
    phase(ECH - 1, 1, False, True)
    sca_wait(1)

    plsc.subcore_barrier()
    pltpu.sync_copy(acc.at[pl.ds(row0, ZR)],
                    aggp.at[cid].at[pl.ds(row0, ZR)])


@functools.partial(
    pl.kernel,
    mesh=_MESH,
    out_type=jax.ShapeDtypeStruct((NC, C, D), jnp.float32),
    scratch_types=[
        pltpu.VMEM((CH,), jnp.int32),
        pltpu.VMEM((CH, D), jnp.float32),
        pltpu.VMEM_SHARED((C, D), jnp.float32),
    ],
)
def _sc_cluster_sum(h, ca_flat, zrows, csump, ca_c, rows_v, cacc):
    cid = lax.axis_index("c")
    sid = lax.axis_index("s")
    wid = _wid(cid, sid)

    @pl.when(sid == 0)
    def _():
        pltpu.sync_copy(zrows.at[pl.ds(0, C0)], cacc.at[pl.ds(0, C0)])

    @pl.when(sid == 1)
    def _():
        pltpu.sync_copy(zrows.at[pl.ds(0, C1)], cacc.at[pl.ds(STRIDE, C1)])

    plsc.subcore_barrier()

    lo = wid * NCHN // NW
    hi = (wid + 1) * NCHN // NW

    def body(g, carry):
        pltpu.sync_copy(ca_flat.at[pl.ds(g * CH, CH)], ca_c)
        pltpu.sync_copy(h.at[pl.ds(g * CH, CH)], rows_v)
        pltpu.sync_copy(rows_v, cacc.at[ca_c], add=True)
        return carry

    lax.fori_loop(lo, hi, body, 0)

    plsc.subcore_barrier()

    @pl.when(sid == 0)
    def _():
        pltpu.sync_copy(cacc.at[pl.ds(0, C0)], csump.at[cid].at[pl.ds(0, C0)])

    @pl.when(sid == 1)
    def _():
        pltpu.sync_copy(cacc.at[pl.ds(STRIDE, C1)],
                        csump.at[cid].at[pl.ds(STRIDE, C1)])


@functools.partial(
    pl.kernel,
    mesh=_MESH,
    out_type=jax.ShapeDtypeStruct((N, D), jnp.float32),
    scratch_types=[
        pltpu.VMEM((CH,), jnp.int32),
        pltpu.VMEM((CH, D), jnp.float32),
        pltpu.SemaphoreType.DMA,
    ],
)
def _sc_gather(cmean, ca_flat, out, ca_c, rows_v, sem):
    cid = lax.axis_index("c")
    sid = lax.axis_index("s")
    wid = _wid(cid, sid)
    lo = wid * NCHN // NW
    hi = (wid + 1) * NCHN // NW

    def body(g, carry):
        pltpu.sync_copy(ca_flat.at[pl.ds(g * CH, CH)], ca_c)
        pltpu.async_copy(cmean.at[ca_c], rows_v, sem).wait()
        pltpu.sync_copy(rows_v, out.at[pl.ds(g * CH, CH)])
        return carry

    lax.fori_loop(lo, hi, body, 0)


BN = 1000


def _tc_layer_body(relu, h_ref, aggp_ref, degp_ref, ws_ref, wn_ref, b_ref,
                   out_ref):
    deg = degp_ref[0, :, 0:1] + degp_ref[1, :, 0:1]
    deg = jnp.maximum(deg, 1.0)
    agg = (aggp_ref[0] + aggp_ref[1]) / deg
    acc = jnp.dot(h_ref[...], ws_ref[...], preferred_element_type=jnp.float32)
    acc += jnp.dot(agg, wn_ref[...], preferred_element_type=jnp.float32)
    acc += b_ref[...]
    if relu:
        acc = jnp.maximum(acc, 0.0)
    out_ref[...] = acc


def _tc_layer(h, aggp, degp, ws, wn, b2, relu):
    grid = (N // BN,)
    return pl.pallas_call(
        functools.partial(_tc_layer_body, relu),
        grid=grid,
        in_specs=[
            pl.BlockSpec((BN, D), lambda i: (i, 0)),
            pl.BlockSpec((NC, BN, D), lambda i: (0, i, 0)),
            pl.BlockSpec((NC, BN, D), lambda i: (0, i, 0)),
            pl.BlockSpec((D, D), lambda i: (0, 0)),
            pl.BlockSpec((D, D), lambda i: (0, 0)),
            pl.BlockSpec((1, D), lambda i: (0, 0)),
        ],
        out_specs=pl.BlockSpec((BN, D), lambda i: (i, 0)),
        out_shape=jax.ShapeDtypeStruct((N, D), jnp.float32),
    )(h, aggp, degp, ws, wn, b2)


def _tc_cmean_body(csump_ref, cntp_ref, out_ref):
    cnt = cntp_ref[0, :, 0:1] + cntp_ref[1, :, 0:1]
    cnt = jnp.maximum(cnt, 1.0)
    out_ref[...] = (csump_ref[0] + csump_ref[1]) / cnt


def _tc_cmean(csump, cntp):
    return pl.pallas_call(
        _tc_cmean_body,
        in_specs=[
            pl.BlockSpec((NC, C, D), lambda: (0, 0, 0)),
            pl.BlockSpec((NC, C, D), lambda: (0, 0, 0)),
        ],
        out_specs=pl.BlockSpec((C, D), lambda: (0, 0)),
        out_shape=jax.ShapeDtypeStruct((C, D), jnp.float32),
    )(csump, cntp)


def kernel(x, edge_index, cluster_assignment, W_self, W_neigh, b):
    src3 = edge_index[0].reshape(NW, ECH, CH).astype(jnp.int32)
    dst_flat = edge_index[1].astype(jnp.int32)
    ca_flat = cluster_assignment.astype(jnp.int32)
    zrows = jnp.zeros((ZR, D), jnp.float32)
    ones_rows = jnp.ones((CH, D), jnp.float32)

    degp, cntp = _sc_counts(dst_flat, ca_flat, ones_rows, zrows)

    h = x
    for i in range(3):
        aggp = _sc_aggregate(src3, dst_flat, h, zrows)
        h = _tc_layer(h, aggp, degp, W_self[i], W_neigh[i],
                      b[i].reshape(1, D), relu=(i < 2))

    csump = _sc_cluster_sum(h, ca_flat, zrows)
    cmean = _tc_cmean(csump, cntp)
    return _sc_gather(cmean, ca_flat)

# --- scband reference (transcript-rebuilt; emitter-appended) ---
"""Pipeline reference for scband-encoder-71519795413444 (READ-ONLY COPY).

The authoritative reference and input builder live on the scoring server;
editing this copy changes nothing except your own understanding.
"""

import jax, jax.numpy as jnp
import numpy as np

N = 10000
E = 320000
D = 128
L = 3
C = 1000


def setup_inputs(seed: int = 0) -> dict:
    key = jax.random.key(seed)
    ks = jax.random.split(key, 6)
    x = jax.random.normal(ks[0], (N, D), dtype=jnp.float32)
    edge_index = jax.random.randint(ks[1], (2, E), 0, N)
    cluster_assignment = jax.random.randint(ks[2], (N,), 0, C)
    W_self = jax.random.normal(ks[3], (L, D, D), dtype=jnp.float32) * 0.05
    W_neigh = jax.random.normal(ks[4], (L, D, D), dtype=jnp.float32) * 0.05
    b = jnp.zeros((L, D), dtype=jnp.float32)
    return {
        'x': x,
        'edge_index': edge_index,
        'cluster_assignment': cluster_assignment,
        'W_self': W_self,
        'W_neigh': W_neigh,
        'b': b,
    }


def reference(x, edge_index, cluster_assignment, W_self, W_neigh, b):
    # Concrete GraphConv-style layers implementing the abstract Encoder:
    #   layer_i(h, edge_index) = h @ W_self[i] + mean_agg(h[src] -> dst) @ W_neigh[i] + b[i]
    # relu between all layers except after the last (per Encoder.forward),
    # then cluster scatter-mean and gather-back if cluster_assignment is given.
    src = edge_index[0]
    dst = edge_index[1]
    deg = jax.ops.segment_sum(jnp.ones((E,), dtype=jnp.float32), dst, num_segments=N)
    deg = jnp.clip(deg, 1.0)[:, None]
    h = x
    for i in range(L):
        msg = jnp.take(h, src, axis=0)
        agg = jax.ops.segment_sum(msg, dst, num_segments=N) / deg
        h = h @ W_self[i] + agg @ W_neigh[i] + b[i]
        if i < L - 1:
            h = jax.nn.relu(h)
    # scatter(x, cluster_assignment, dim=0, reduce='mean') then gather back
    sums = jax.ops.segment_sum(h, cluster_assignment, num_segments=C)
    cnts = jax.ops.segment_sum(jnp.ones((N,), dtype=jnp.float32), cluster_assignment, num_segments=C)
    cluster_mean = sums / jnp.clip(cnts, 1.0)[:, None]
    out = jnp.take(cluster_mean, cluster_assignment, axis=0)
    return out

if __name__ == "__main__":
    import jax
    _d = setup_inputs()
    print(jax.jit(kernel)(*tuple(_d.values())))

</pallas_src>

<mosaic_0001>
#map = affine_map<(d0, d1) -> (0, 0, 0)>
#map1 = affine_map<(d0, d1) -> (0)>
#map2 = affine_map<(d0, d1) -> (0, 0)>
module attributes {stable_mosaic.version = 14 : i64} {
  func.func @_sc_aggregate(%arg0: i32, %arg1: i32, %arg2: memref<32x125x80xi32, #tpu.memory_space<hbm>>, %arg3: memref<320000xi32, #tpu.memory_space<hbm>>, %arg4: memref<10000x128xf32, #tpu.memory_space<hbm>>, %arg5: memref<640x128xf32, #tpu.memory_space<hbm>>, %arg6: memref<2x10000x128xf32, #tpu.memory_space<hbm>>, %arg7: memref<125x80xi32, #tpu.memory_space<vmem>>, %arg8: memref<80xi32, #tpu.memory_space<vmem>>, %arg9: memref<80xi32, #tpu.memory_space<vmem>>, %arg10: memref<80xi32, #tpu.memory_space<vmem>>, %arg11: memref<80x128xf32, #tpu.memory_space<vmem>>, %arg12: memref<80x128xf32, #tpu.memory_space<vmem>>, %arg13: memref<80x128xf32, #tpu.memory_space<vmem>>, %arg14: memref<10000x128xf32, #tpu.memory_space<vmem_shared>>, %arg15: memref<!tpu.dma_semaphore, #tpu.memory_space<semaphore_mem>>, %arg16: memref<!tpu.dma_semaphore, #tpu.memory_space<semaphore_mem>>, %arg17: memref<!tpu.dma_semaphore, #tpu.memory_space<semaphore_mem>>, %arg18: memref<!tpu.dma_semaphore, #tpu.memory_space<semaphore_mem>>, %arg19: memref<!tpu.dma_semaphore, #tpu.memory_space<semaphore_mem>>, %arg20: memref<!tpu.dma_semaphore, #tpu.memory_space<semaphore_mem>>, %arg21: memref<!tpu.dma_semaphore, #tpu.memory_space<semaphore_mem>>, %arg22: memref<!tpu.dma_semaphore, #tpu.memory_space<semaphore_mem>>, %arg23: memref<!tpu.dma_semaphore, #tpu.memory_space<semaphore_mem>>) attributes {dimension_semantics = [#tpu.dimension_semantics<core_parallel>, #tpu.dimension_semantics<subcore_parallel>], iteration_bounds = array<i64: 2, 16>, scalar_prefetch = 0 : i64, scratch_operands = 17 : i64, tpu.core_type = #tpu.core_type<sc_vector_subcore>, window_params = [{transform_indices = #map}, {transform_indices = #map1}, {transform_indices = #map2}, {transform_indices = #map2}, {transform_indices = #map}]} {
    %mul3A = arith.constant 2 : i32
    %mul3A_0 = arith.muli %arg1, %mul3A : i32
    %add3A = arith.addi %mul3A_0, %arg0 : i32
    %mul3A_1 = arith.constant 624 : i32
    %mul3A_2 = arith.muli %arg1, %mul3A_1 : i32
    "tpu.region"() ({
      %run_scoped3A = tpu.sem_alloc : memref<!tpu.dma_semaphore, #tpu.memory_space<semaphore_mem>>
      %dma_start3A_149 = arith.constant 0 : i32
      %dma_start3A_150 = tpu.memref_slice %arg14[%mul3A_2, %dma_start3A_149] : memref<10000x128xf32, #tpu.memory_space<vmem_shared>> -> memref<640x128xf32, #tpu.memory_space<vmem_shared>>
      tpu.enqueue_dma source(%arg5 : memref<640x128xf32, #tpu.memory_space<hbm>>) target(%dma_start3A_150 : memref<640x128xf32, #tpu.memory_space<vmem_shared>>) target_semaphore(%run_scoped3A : memref<!tpu.dma_semaphore, #tpu.memory_space<semaphore_mem>>)
      %dma_wait3A_151 = arith.constant 0 : i32
      %dma_wait3A_152 = tpu.memref_slice %arg14[%mul3A_2, %dma_wait3A_151] : memref<10000x128xf32, #tpu.memory_space<vmem_shared>> -> memref<640x128xf32, #tpu.memory_space<vmem_shared>>
      tpu.wait_dma2 semaphore(%run_scoped3A : memref<!tpu.dma_semaphore, #tpu.memory_space<semaphore_mem>>) src(%arg5 : memref<640x128xf32, #tpu.memory_space<hbm>>) dst(%dma_wait3A_152 : memref<640x128xf32, #tpu.memory_space<vmem_shared>>)
      tpu.yield
    }) : () -> ()
    %barrier3A = arith.constant 0 : index
    tpu.barrier barrier_id(%barrier3A)
    "tpu.region"() ({
      %run_scoped3A = tpu.sem_alloc : memref<!tpu.dma_semaphore, #tpu.memory_space<semaphore_mem>>
      %dma_start3A_149 = arith.constant 0 : i32
      %dma_start3A_150 = arith.constant 0 : i32
      %dma_start3A_151 = tpu.memref_slice %arg2[%add3A, %dma_start3A_149, %dma_start3A_150] : memref<32x125x80xi32, #tpu.memory_space<hbm>> -> memref<1x125x80xi32, #tpu.memory_space<hbm>>
      %dma_start3A_152 = tpu.memref_squeeze %dma_start3A_151 : memref<1x125x80xi32, #tpu.memory_space<hbm>> -> memref<125x80xi32, #tpu.memory_space<hbm>>
      %dma_start3A_153 = arith.constant 0 : i32
      %dma_start3A_154 = arith.constant 0 : i32
      %dma_start3A_155 = tpu.memref_slice %arg2[%add3A, %dma_start3A_153, %dma_start3A_154] : memref<32x125x80xi32, #tpu.memory_space<hbm>> -> memref<1x125x80xi32, #tpu.memory_space<hbm>>
      %dma_start3A_156 = tpu.memref_squeeze %dma_start3A_155 : memref<1x125x80xi32, #tpu.memory_space<hbm>> -> memref<125x80xi32, #tpu.memory_space<hbm>>
      tpu.enqueue_dma source(%dma_start3A_156 : memref<125x80xi32, #tpu.memory_space<hbm>>) target(%arg7 : memref<125x80xi32, #tpu.memory_space<vmem>>) target_semaphore(%run_scoped3A : memref<!tpu.dma_semaphore, #tpu.memory_space<semaphore_mem>>)
      %dma_wait3A_157 = arith.constant 0 : i32
      %dma_wait3A_158 = arith.constant 0 : i32
      %dma_wait3A_159 = tpu.memref_slice %arg2[%add3A, %dma_wait3A_157, %dma_wait3A_158] : memref<32x125x80xi32, #tpu.memory_space<hbm>> -> memref<1x125x80xi32, #tpu.memory_space<hbm>>
      %dma_wait3A_160 = tpu.memref_squeeze %dma_wait3A_159 : memref<1x125x80xi32, #tpu.memory_space<hbm>> -> memref<125x80xi32, #tpu.memory_space<hbm>>
      %dma_wait3A_161 = arith.constant 0 : i32
      %dma_wait3A_162 = arith.constant 0 : i32
      %dma_wait3A_163 = tpu.memref_slice %arg2[%add3A, %dma_wait3A_161, %dma_wait3A_162] : memref<32x125x80xi32, #tpu.memory_space<hbm>> -> memref<1x125x80xi32, #tpu.memory_space<hbm>>
      %dma_wait3A_164 = tpu.memref_squeeze %dma_wait3A_163 : memref<1x125x80xi32, #tpu.memory_space<hbm>> -> memref<125x80xi32, #tpu.memory_space<hbm>>
      tpu.wait_dma2 semaphore(%run_scoped3A : memref<!tpu.dma_semaphore, #tpu.memory_space<semaphore_mem>>) src(%dma_wait3A_164 : memref<125x80xi32, #tpu.memory_space<hbm>>) dst(%arg7 : memref<125x80xi32, #tpu.memory_space<vmem>>)
      tpu.yield
    }) : () -> ()
    %mul3A_3 = arith.constant 10000 : i32
    %mul3A_4 = arith.muli %add3A, %mul3A_3 : i32
    %add3A_5 = arith.constant 0 : i32
    %add3A_6 = arith.addi %mul3A_4, %add3A_5 : i32
    %dma_start3A = tpu.memref_slice %arg3[%add3A_6] : memref<320000xi32, #tpu.memory_space<hbm>> -> memref<80xi32, #tpu.memory_space<hbm>>
    %dma_start3A_7 = tpu.memref_slice %arg3[%add3A_6] : memref<320000xi32, #tpu.memory_space<hbm>> -> memref<80xi32, #tpu.memory_space<hbm>>
    tpu.enqueue_dma source(%dma_start3A_7 : memref<80xi32, #tpu.memory_space<hbm>>) target(%arg8 : memref<80xi32, #tpu.memory_space<vmem>>) target_semaphore(%arg18 : memref<!tpu.dma_semaphore, #tpu.memory_space<semaphore_mem>>)
    %dma_start3A_8 = arith.constant 0 : i32
    %dma_start3A_9 = arith.constant 0 : i32
    %dma_start3A_10 = tpu.memref_slice %arg7[%dma_start3A_8, %dma_start3A_9] : memref<125x80xi32, #tpu.memory_space<vmem>> -> memref<1x80xi32, #tpu.memory_space<vmem>>
    %dma_start3A_11 = tpu.memref_squeeze %dma_start3A_10 : memref<1x80xi32, #tpu.memory_space<vmem>> -> memref<80xi32, #tpu.memory_space<vmem>>
    %dma_start3A_12 = arith.constant 0 : i32
    %dma_start3A_13 = arith.constant 0 : i32
    %dma_start3A_14 = tpu.memref_slice %arg4[%dma_start3A_12, %dma_start3A_13] : memref<10000x128xf32, #tpu.memory_space<hbm>> -> memref<10000x128xf32, #tpu.memory_space<hbm>>
    tpu.enqueue_indirect_dma source(%dma_start3A_14 : memref<10000x128xf32, #tpu.memory_space<hbm>>) target(%arg11 : memref<80x128xf32, #tpu.memory_space<vmem>>) offsets(%dma_start3A_11 : memref<80xi32, #tpu.memory_space<vmem>>) semaphore(%arg15 : memref<!tpu.dma_semaphore, #tpu.memory_space<semaphore_mem>>)
    %add3A_15 = arith.constant 80 : i32
    %add3A_16 = arith.addi %mul3A_4, %add3A_15 : i32
    %dma_start3A_17 = tpu.memref_slice %arg3[%add3A_16] : memref<320000xi32, #tpu.memory_space<hbm>> -> memref<80xi32, #tpu.memory_space<hbm>>
    %dma_start3A_18 = tpu.memref_slice %arg3[%add3A_16] : memref<320000xi32, #tpu.memory_space<hbm>> -> memref<80xi32, #tpu.memory_space<hbm>>
    tpu.enqueue_dma source(%dma_start3A_18 : memref<80xi32, #tpu.memory_space<hbm>>) target(%arg9 : memref<80xi32, #tpu.memory_space<vmem>>) target_semaphore(%arg19 : memref<!tpu.dma_semaphore, #tpu.memory_space<semaphore_mem>>)
    %dma_start3A_19 = arith.constant 1 : i32
    %dma_start3A_20 = arith.constant 0 : i32
    %dma_start3A_21 = tpu.memref_slice %arg7[%dma_start3A_19, %dma_start3A_20] : memref<125x80xi32, #tpu.memory_space<vmem>> -> memref<1x80xi32, #tpu.memory_space<vmem>>
    %dma_start3A_22 = tpu.memref_squeeze %dma_start3A_21 : memref<1x80xi32, #tpu.memory_space<vmem>> -> memref<80xi32, #tpu.memory_space<vmem>>
    %dma_start3A_23 = arith.constant 0 : i32
    %dma_start3A_24 = arith.constant 0 : i32
    %dma_start3A_25 = tpu.memref_slice %arg4[%dma_start3A_23, %dma_start3A_24] : memref<10000x128xf32, #tpu.memory_space<hbm>> -> memref<10000x128xf32, #tpu.memory_space<hbm>>
    tpu.enqueue_indirect_dma source(%dma_start3A_25 : memref<10000x128xf32, #tpu.memory_space<hbm>>) target(%arg12 : memref<80x128xf32, #tpu.memory_space<vmem>>) offsets(%dma_start3A_22 : memref<80xi32, #tpu.memory_space<vmem>>) semaphore(%arg16 : memref<!tpu.dma_semaphore, #tpu.memory_space<semaphore_mem>>)
    %dma_wait3A = arith.constant 0 : i32
    %dma_wait3A_26 = arith.constant 0 : i32
    %dma_wait3A_27 = tpu.memref_slice %arg7[%dma_wait3A, %dma_wait3A_26] : memref<125x80xi32, #tpu.memory_space<vmem>> -> memref<1x80xi32, #tpu.memory_space<vmem>>
    %dma_wait3A_28 = tpu.memref_squeeze %dma_wait3A_27 : memref<1x80xi32, #tpu.memory_space<vmem>> -> memref<80xi32, #tpu.memory_space<vmem>>
    %dma_wait3A_29 = arith.constant 0 : i32
    %dma_wait3A_30 = arith.constant 0 : i32
    %dma_wait3A_31 = tpu.memref_slice %arg4[%dma_wait3A_29, %dma_wait3A_30] : memref<10000x128xf32, #tpu.memory_space<hbm>> -> memref<10000x128xf32, #tpu.memory_space<hbm>>
    tpu.wait_indirect_dma semaphore(%arg15 : memref<!tpu.dma_semaphore, #tpu.memory_space<semaphore_mem>>) src(%dma_wait3A_31 : memref<10000x128xf32, #tpu.memory_space<hbm>>) dst(%arg11 : memref<80x128xf32, #tpu.memory_space<vmem>>)
    %add3A_32 = arith.constant 0 : i32
    %add3A_33 = arith.addi %mul3A_4, %add3A_32 : i32
    %dma_wait3A_34 = tpu.memref_slice %arg3[%add3A_33] : memref<320000xi32, #tpu.memory_space<hbm>> -> memref<80xi32, #tpu.memory_space<hbm>>
    %dma_wait3A_35 = tpu.memref_slice %arg3[%add3A_33] : memref<320000xi32, #tpu.memory_space<hbm>> -> memref<80xi32, #tpu.memory_space<hbm>>
    tpu.wait_dma2 semaphore(%arg18 : memref<!tpu.dma_semaphore, #tpu.memory_space<semaphore_mem>>) src(%dma_wait3A_35 : memref<80xi32, #tpu.memory_space<hbm>>) dst(%arg8 : memref<80xi32, #tpu.memory_space<vmem>>)
    %dma_start3A_36 = arith.constant 0 : i32
    %dma_start3A_37 = arith.constant 0 : i32
    %dma_start3A_38 = tpu.memref_slice %arg14[%dma_start3A_36, %dma_start3A_37] : memref<10000x128xf32, #tpu.memory_space<vmem_shared>> -> memref<10000x128xf32, #tpu.memory_space<vmem_shared>>
    tpu.enqueue_indirect_dma source(%arg11 : memref<80x128xf32, #tpu.memory_space<vmem>>) target(%dma_start3A_38 : memref<10000x128xf32, #tpu.memory_space<vmem_shared>>) offsets(%arg8 : memref<80xi32, #tpu.memory_space<vmem>>) semaphore(%arg21 : memref<!tpu.dma_semaphore, #tpu.memory_space<semaphore_mem>>) {add = true}
    %add3A_39 = arith.constant 160 : i32
    %add3A_40 = arith.addi %mul3A_4, %add3A_39 : i32
    %dma_start3A_41 = tpu.memref_slice %arg3[%add3A_40] : memref<320000xi32, #tpu.memory_space<hbm>> -> memref<80xi32, #tpu.memory_space<hbm>>
    %dma_start3A_42 = tpu.memref_slice %arg3[%add3A_40] : memref<320000xi32, #tpu.memory_space<hbm>> -> memref<80xi32, #tpu.memory_space<hbm>>
    tpu.enqueue_dma source(%dma_start3A_42 : memref<80xi32, #tpu.memory_space<hbm>>) target(%arg10 : memref<80xi32, #tpu.memory_space<vmem>>) target_semaphore(%arg20 : memref<!tpu.dma_semaphore, #tpu.memory_space<semaphore_mem>>)
    %dma_start3A_43 = arith.constant 2 : i32
    %dma_start3A_44 = arith.constant 0 : i32
    %dma_start3A_45 = tpu.memref_slice %arg7[%dma_start3A_43, %dma_start3A_44] : memref<125x80xi32, #tpu.memory_space<vmem>> -> memref<1x80xi32, #tpu.memory_space<vmem>>
    %dma_start3A_46 = tpu.memref_squeeze %dma_start3A_45 : memref<1x80xi32, #tpu.memory_space<vmem>> -> memref<80xi32, #tpu.memory_space<vmem>>
    %dma_start3A_47 = arith.constant 0 : i32
    %dma_start3A_48 = arith.constant 0 : i32
    %dma_start3A_49 = tpu.memref_slice %arg4[%dma_start3A_47, %dma_start3A_48] : memref<10000x128xf32, #tpu.memory_space<hbm>> -> memref<10000x128xf32, #tpu.memory_space<hbm>>
    tpu.enqueue_indirect_dma source(%dma_start3A_49 : memref<10000x128xf32, #tpu.memory_space<hbm>>) target(%arg13 : memref<80x128xf32, #tpu.memory_space<vmem>>) offsets(%dma_start3A_46 : memref<80xi32, #tpu.memory_space<vmem>>) semaphore(%arg17 : memref<!tpu.dma_semaphore, #tpu.memory_space<semaphore_mem>>)
    %dma_wait3A_50 = arith.constant 1 : i32
    %dma_wait3A_51 = arith.constant 0 : i32
    %dma_wait3A_52 = tpu.memref_slice %arg7[%dma_wait3A_50, %dma_wait3A_51] : memref<125x80xi32, #tpu.memory_space<vmem>> -> memref<1x80xi32, #tpu.memory_space<vmem>>
    %dma_wait3A_53 = tpu.memref_squeeze %dma_wait3A_52 : memref<1x80xi32, #tpu.memory_space<vmem>> -> memref<80xi32, #tpu.memory_space<vmem>>
    %dma_wait3A_54 = arith.constant 0 : i32
    %dma_wait3A_55 = arith.constant 0 : i32
    %dma_wait3A_56 = tpu.memref_slice %arg4[%dma_wait3A_54, %dma_wait3A_55] : memref<10000x128xf32, #tpu.memory_space<hbm>> -> memref<10000x128xf32, #tpu.memory_space<hbm>>
    tpu.wait_indirect_dma semaphore(%arg16 : memref<!tpu.dma_semaphore, #tpu.memory_space<semaphore_mem>>) src(%dma_wait3A_56 : memref<10000x128xf32, #tpu.memory_space<hbm>>) dst(%arg12 : memref<80x128xf32, #tpu.memory_space<vmem>>)
    %add3A_57 = arith.constant 80 : i32
    %add3A_58 = arith.addi %mul3A_4, %add3A_57 : i32
    %dma_wait3A_59 = tpu.memref_slice %arg3[%add3A_58] : memref<320000xi32, #tpu.memory_space<hbm>> -> memref<80xi32, #tpu.memory_space<hbm>>
    %dma_wait3A_60 = tpu.memref_slice %arg3[%add3A_58] : memref<320000xi32, #tpu.memory_space<hbm>> -> memref<80xi32, #tpu.memory_space<hbm>>
    tpu.wait_dma2 semaphore(%arg19 : memref<!tpu.dma_semaphore, #tpu.memory_space<semaphore_mem>>) src(%dma_wait3A_60 : memref<80xi32, #tpu.memory_space<hbm>>) dst(%arg9 : memref<80xi32, #tpu.memory_space<vmem>>)
    %dma_start3A_61 = arith.constant 0 : i32
    %dma_start3A_62 = arith.constant 0 : i32
    %dma_start3A_63 = tpu.memref_slice %arg14[%dma_start3A_61, %dma_start3A_62] : memref<10000x128xf32, #tpu.memory_space<vmem_shared>> -> memref<10000x128xf32, #tpu.memory_space<vmem_shared>>
    tpu.enqueue_indirect_dma source(%arg12 : memref<80x128xf32, #tpu.memory_space<vmem>>) target(%dma_start3A_63 : memref<10000x128xf32, #tpu.memory_space<vmem_shared>>) offsets(%arg9 : memref<80xi32, #tpu.memory_space<vmem>>) semaphore(%arg22 : memref<!tpu.dma_semaphore, #tpu.memory_space<semaphore_mem>>) {add = true}
    %dma_wait3A_64 = arith.constant 0 : i32
    %dma_wait3A_65 = arith.constant 0 : i32
    %dma_wait3A_66 = tpu.memref_slice %arg14[%dma_wait3A_64, %dma_wait3A_65] : memref<10000x128xf32, #tpu.memory_space<vmem_shared>> -> memref<10000x128xf32, #tpu.memory_space<vmem_shared>>
    tpu.wait_indirect_dma semaphore(%arg21 : memref<!tpu.dma_semaphore, #tpu.memory_space<semaphore_mem>>) src(%arg11 : memref<80x128xf32, #tpu.memory_space<vmem>>) dst(%dma_wait3A_66 : memref<10000x128xf32, #tpu.memory_space<vmem_shared>>)
    %add3A_67 = arith.constant 240 : i32
    %add3A_68 = arith.addi %mul3A_4, %add3A_67 : i32
    %dma_start3A_69 = tpu.memref_slice %arg3[%add3A_68] : memref<320000xi32, #tpu.memory_space<hbm>> -> memref<80xi32, #tpu.memory_space<hbm>>
    %dma_start3A_70 = tpu.memref_slice %arg3[%add3A_68] : memref<320000xi32, #tpu.memory_space<hbm>> -> memref<80xi32, #tpu.memory_space<hbm>>
    tpu.enqueue_dma source(%dma_start3A_70 : memref<80xi32, #tpu.memory_space<hbm>>) target(%arg8 : memref<80xi32, #tpu.memory_space<vmem>>) target_semaphore(%arg18 : memref<!tpu.dma_semaphore, #tpu.memory_space<semaphore_mem>>)
    %dma_start3A_71 = arith.constant 3 : i32
    %dma_start3A_72 = arith.constant 0 : i32
    %dma_start3A_73 = tpu.memref_slice %arg7[%dma_start3A_71, %dma_start3A_72] : memref<125x80xi32, #tpu.memory_space<vmem>> -> memref<1x80xi32, #tpu.memory_space<vmem>>
    %dma_start3A_74 = tpu.memref_squeeze %dma_start3A_73 : memref<1x80xi32, #tpu.memory_space<vmem>> -> memref<80xi32, #tpu.memory_space<vmem>>
    %dma_start3A_75 = arith.constant 0 : i32
    %dma_start3A_76 = arith.constant 0 : i32
    %dma_start3A_77 = tpu.memref_slice %arg4[%dma_start3A_75, %dma_start3A_76] : memref<10000x128xf32, #tpu.memory_space<hbm>> -> memref<10000x128xf32, #tpu.memory_space<hbm>>
    tpu.enqueue_indirect_dma source(%dma_start3A_77 : memref<10000x128xf32, #tpu.memory_space<hbm>>) target(%arg11 : memref<80x128xf32, #tpu.memory_space<vmem>>) offsets(%dma_start3A_74 : memref<80xi32, #tpu.memory_space<vmem>>) semaphore(%arg15 : memref<!tpu.dma_semaphore, #tpu.memory_space<semaphore_mem>>)
    %scan3A = arith.constant 0 : i32
    %scan3A_78 = arith.constant 0 : i32
    %scan3A_79 = arith.constant 40 : i32
    %scan3A_80 = arith.addi %scan3A_78, %scan3A_79 : i32
    %scan3A_81 = arith.constant 1 : i32
    scf.for %scan3A_149 = %scan3A_78 to %scan3A_80 step %scan3A_81  : i32 {
      %mul3A_150 = arith.constant 3 : i32
      %mul3A_151 = arith.muli %mul3A_150, %scan3A_149 : i32
      %add3A_152 = arith.constant 2 : i32
      %add3A_153 = arith.addi %mul3A_151, %add3A_152 : i32
      %add3A_154 = arith.constant 0 : i32
      %add3A_155 = arith.addi %add3A_153, %add3A_154 : i32
      %dma_wait3A_156 = arith.constant 0 : i32
      %dma_wait3A_157 = tpu.memref_slice %arg7[%add3A_155, %dma_wait3A_156] : memref<125x80xi32, #tpu.memory_space<vmem>> -> memref<1x80xi32, #tpu.memory_space<vmem>>
      %dma_wait3A_158 = tpu.memref_squeeze %dma_wait3A_157 : memref<1x80xi32, #tpu.memory_space<vmem>> -> memref<80xi32, #tpu.memory_space<vmem>>
      %dma_wait3A_159 = arith.constant 0 : i32
      %dma_wait3A_160 = arith.constant 0 : i32
      %dma_wait3A_161 = tpu.memref_slice %arg4[%dma_wait3A_159, %dma_wait3A_160] : memref<10000x128xf32, #tpu.memory_space<hbm>> -> memref<10000x128xf32, #tpu.memory_space<hbm>>
      tpu.wait_indirect_dma semaphore(%arg17 : memref<!tpu.dma_semaphore, #tpu.memory_space<semaphore_mem>>) src(%dma_wait3A_161 : memref<10000x128xf32, #tpu.memory_space<hbm>>) dst(%arg13 : memref<80x128xf32, #tpu.memory_space<vmem>>)
      %mul3A_162 = arith.constant 80 : i32
      %mul3A_163 = arith.muli %add3A_155, %mul3A_162 : i32
      %add3A_164 = arith.addi %mul3A_4, %mul3A_163 : i32
      %dma_wait3A_165 = tpu.memref_slice %arg3[%add3A_164] : memref<320000xi32, #tpu.memory_space<hbm>> -> memref<80xi32, #tpu.memory_space<hbm>>
      %dma_wait3A_166 = tpu.memref_slice %arg3[%add3A_164] : memref<320000xi32, #tpu.memory_space<hbm>> -> memref<80xi32, #tpu.memory_space<hbm>>
      tpu.wait_dma2 semaphore(%arg20 : memref<!tpu.dma_semaphore, #tpu.memory_space<semaphore_mem>>) src(%dma_wait3A_166 : memref<80xi32, #tpu.memory_space<hbm>>) dst(%arg10 : memref<80xi32, #tpu.memory_space<vmem>>)
      %dma_start3A_167 = arith.constant 0 : i32
      %dma_start3A_168 = arith.constant 0 : i32
      %dma_start3A_169 = tpu.memref_slice %arg14[%dma_start3A_167, %dma_start3A_168] : memref<10000x128xf32, #tpu.memory_space<vmem_shared>> -> memref<10000x128xf32, #tpu.memory_space<vmem_shared>>
      tpu.enqueue_indirect_dma source(%arg13 : memref<80x128xf32, #tpu.memory_space<vmem>>) target(%dma_start3A_169 : memref<10000x128xf32, #tpu.memory_space<vmem_shared>>) offsets(%arg10 : memref<80xi32, #tpu.memory_space<vmem>>) semaphore(%arg23 : memref<!tpu.dma_semaphore, #tpu.memory_space<semaphore_mem>>) {add = true}
      %dma_wait3A_170 = arith.constant 0 : i32
      %dma_wait3A_171 = arith.constant 0 : i32
      %dma_wait3A_172 = tpu.memref_slice %arg14[%dma_wait3A_170, %dma_wait3A_171] : memref<10000x128xf32, #tpu.memory_space<vmem_shared>> -> memref<10000x128xf32, #tpu.memory_space<vmem_shared>>
      tpu.wait_indirect_dma semaphore(%arg22 : memref<!tpu.dma_semaphore, #tpu.memory_space<semaphore_mem>>) src(%arg12 : memref<80x128xf32, #tpu.memory_space<vmem>>) dst(%dma_wait3A_172 : memref<10000x128xf32, #tpu.memory_space<vmem_shared>>)
      %add3A_173 = arith.constant 2 : i32
      %add3A_174 = arith.addi %add3A_155, %add3A_173 : i32
      %mul3A_175 = arith.constant 80 : i32
      %mul3A_176 = arith.muli %add3A_174, %mul3A_175 : i32
      %add3A_177 = arith.addi %mul3A_4, %mul3A_176 : i32
      %dma_start3A_178 = tpu.memref_slice %arg3[%add3A_177] : memref<320000xi32, #tpu.memory_space<hbm>> -> memref<80xi32, #tpu.memory_space<hbm>>
      %dma_start3A_179 = tpu.memref_slice %arg3[%add3A_177] : memref<320000xi32, #tpu.memory_space<hbm>> -> memref<80xi32, #tpu.memory_space<hbm>>
      tpu.enqueue_dma source(%dma_start3A_179 : memref<80xi32, #tpu.memory_space<hbm>>) target(%arg9 : memref<80xi32, #tpu.memory_space<vmem>>) target_semaphore(%arg19 : memref<!tpu.dma_semaphore, #tpu.memory_space<semaphore_mem>>)
      %add3A_180 = arith.constant 2 : i32
      %add3A_181 = arith.addi %add3A_155, %add3A_180 : i32
      %dma_start3A_182 = arith.constant 0 : i32
      %dma_start3A_183 = tpu.memref_slice %arg7[%add3A_181, %dma_start3A_182] : memref<125x80xi32, #tpu.memory_space<vmem>> -> memref<1x80xi32, #tpu.memory_space<vmem>>
      %dma_start3A_184 = tpu.memref_squeeze %dma_start3A_183 : memref<1x80xi32, #tpu.memory_space<vmem>> -> memref<80xi32, #tpu.memory_space<vmem>>
      %dma_start3A_185 = arith.constant 0 : i32
      %dma_start3A_186 = arith.constant 0 : i32
      %dma_start3A_187 = tpu.memref_slice %arg4[%dma_start3A_185, %dma_start3A_186] : memref<10000x128xf32, #tpu.memory_space<hbm>> -> memref<10000x128xf32, #tpu.memory_space<hbm>>
      tpu.enqueue_indirect_dma source(%dma_start3A_187 : memref<10000x128xf32, #tpu.memory_space<hbm>>) target(%arg12 : memref<80x128xf32, #tpu.memory_space<vmem>>) offsets(%dma_start3A_184 : memref<80xi32, #tpu.memory_space<vmem>>) semaphore(%arg16 : memref<!tpu.dma_semaphore, #tpu.memory_space<semaphore_mem>>)
      %add3A_188 = arith.constant 1 : i32
      %add3A_189 = arith.addi %add3A_153, %add3A_188 : i32
      %dma_wait3A_190 = arith.constant 0 : i32
      %dma_wait3A_191 = tpu.memref_slice %arg7[%add3A_189, %dma_wait3A_190] : memref<125x80xi32, #tpu.memory_space<vmem>> -> memref<1x80xi32, #tpu.memory_space<vmem>>
      %dma_wait3A_192 = tpu.memref_squeeze %dma_wait3A_191 : memref<1x80xi32, #tpu.memory_space<vmem>> -> memref<80xi32, #tpu.memory_space<vmem>>
      %dma_wait3A_193 = arith.constant 0 : i32
      %dma_wait3A_194 = arith.constant 0 : i32
      %dma_wait3A_195 = tpu.memref_slice %arg4[%dma_wait3A_193, %dma_wait3A_194] : memref<10000x128xf32, #tpu.memory_space<hbm>> -> memref<10000x128xf32, #tpu.memory_space<hbm>>
      tpu.wait_indirect_dma semaphore(%arg15 : memref<!tpu.dma_semaphore, #tpu.memory_space<semaphore_mem>>) src(%dma_wait3A_195 : memref<10000x128xf32, #tpu.memory_space<hbm>>) dst(%arg11 : memref<80x128xf32, #tpu.memory_space<vmem>>)
      %mul3A_196 = arith.constant 80 : i32
      %mul3A_197 = arith.muli %add3A_189, %mul3A_196 : i32
      %add3A_198 = arith.addi %mul3A_4, %mul3A_197 : i32
      %dma_wait3A_199 = tpu.memref_slice %arg3[%add3A_198] : memref<320000xi32, #tpu.memory_space<hbm>> -> memref<80xi32, #tpu.memory_space<hbm>>
      %dma_wait3A_200 = tpu.memref_slice %arg3[%add3A_198] : memref<320000xi32, #tpu.memory_space<hbm>> -> memref<80xi32, #tpu.memory_space<hbm>>
      tpu.wait_dma2 semaphore(%arg18 : memref<!tpu.dma_semaphore, #tpu.memory_space<semaphore_mem>>) src(%dma_wait3A_200 : memref<80xi32, #tpu.memory_space<hbm>>) dst(%arg8 : memref<80xi32, #tpu.memory_space<vmem>>)
      %dma_start3A_201 = arith.constant 0 : i32
      %dma_start3A_202 = arith.constant 0 : i32
      %dma_start3A_203 = tpu.memref_slice %arg14[%dma_start3A_201, %dma_start3A_202] : memref<10000x128xf32, #tpu.memory_space<vmem_shared>> -> memref<10000x128xf32, #tpu.memory_space<vmem_shared>>
      tpu.enqueue_indirect_dma source(%arg11 : memref<80x128xf32, #tpu.memory_space<vmem>>) target(%dma_start3A_203 : memref<10000x128xf32, #tpu.memory_space<vmem_shared>>) offsets(%arg8 : memref<80xi32, #tpu.memory_space<vmem>>) semaphore(%arg21 : memref<!tpu.dma_semaphore, #tpu.memory_space<semaphore_mem>>) {add = true}
      %dma_wait3A_204 = arith.constant 0 : i32
      %dma_wait3A_205 = arith.constant 0 : i32
      %dma_wait3A_206 = tpu.memref_slice %arg14[%dma_wait3A_204, %dma_wait3A_205] : memref<10000x128xf32, #tpu.memory_space<vmem_shared>> -> memref<10000x128xf32, #tpu.memory_space<vmem_shared>>
      tpu.wait_indirect_dma semaphore(%arg23 : memref<!tpu.dma_semaphore, #tpu.memory_space<semaphore_mem>>) src(%arg13 : memref<80x128xf32, #tpu.memory_space<vmem>>) dst(%dma_wait3A_206 : memref<10000x128xf32, #tpu.memory_space<vmem_shared>>)
      %add3A_207 = arith.constant 2 : i32
      %add3A_208 = arith.addi %add3A_189, %add3A_207 : i32
      %mul3A_209 = arith.constant 80 : i32
      %mul3A_210 = arith.muli %add3A_208, %mul3A_209 : i32
      %add3A_211 = arith.addi %mul3A_4, %mul3A_210 : i32
      %dma_start3A_212 = tpu.memref_slice %arg3[%add3A_211] : memref<320000xi32, #tpu.memory_space<hbm>> -> memref<80xi32, #tpu.memory_space<hbm>>
      %dma_start3A_213 = tpu.memref_slice %arg3[%add3A_211] : memref<320000xi32, #tpu.memory_space<hbm>> -> memref<80xi32, #tpu.memory_space<hbm>>
      tpu.enqueue_dma source(%dma_start3A_213 : memref<80xi32, #tpu.memory_space<hbm>>) target(%arg10 : memref<80xi32, #tpu.memory_space<vmem>>) target_semaphore(%arg20 : memref<!tpu.dma_semaphore, #tpu.memory_space<semaphore_mem>>)
      %add3A_214 = arith.constant 2 : i32
      %add3A_215 = arith.addi %add3A_189, %add3A_214 : i32
      %dma_start3A_216 = arith.constant 0 : i32
      %dma_start3A_217 = tpu.memref_slice %arg7[%add3A_215, %dma_start3A_216] : memref<125x80xi32, #tpu.memory_space<vmem>> -> memref<1x80xi32, #tpu.memory_space<vmem>>
      %dma_start3A_218 = tpu.memref_squeeze %dma_start3A_217 : memref<1x80xi32, #tpu.memory_space<vmem>> -> memref<80xi32, #tpu.memory_space<vmem>>
      %dma_start3A_219 = arith.constant 0 : i32
      %dma_start3A_220 = arith.constant 0 : i32
      %dma_start3A_221 = tpu.memref_slice %arg4[%dma_start3A_219, %dma_start3A_220] : memref<10000x128xf32, #tpu.memory_space<hbm>> -> memref<10000x128xf32, #tpu.memory_space<hbm>>
      tpu.enqueue_indirect_dma source(%dma_start3A_221 : memref<10000x128xf32, #tpu.memory_space<hbm>>) target(%arg13 : memref<80x128xf32, #tpu.memory_space<vmem>>) offsets(%dma_start3A_218 : memref<80xi32, #tpu.memory_space<vmem>>) semaphore(%arg17 : memref<!tpu.dma_semaphore, #tpu.memory_space<semaphore_mem>>)
      %add3A_222 = arith.constant 2 : i32
      %add3A_223 = arith.addi %add3A_153, %add3A_222 : i32
      %dma_wait3A_224 = arith.constant 0 : i32
      %dma_wait3A_225 = tpu.memref_slice %arg7[%add3A_223, %dma_wait3A_224] : memref<125x80xi32, #tpu.memory_space<vmem>> -> memref<1x80xi32, #tpu.memory_space<vmem>>
      %dma_wait3A_226 = tpu.memref_squeeze %dma_wait3A_225 : memref<1x80xi32, #tpu.memory_space<vmem>> -> memref<80xi32, #tpu.memory_space<vmem>>
      %dma_wait3A_227 = arith.constant 0 : i32
      %dma_wait3A_228 = arith.constant 0 : i32
      %dma_wait3A_229 = tpu.memref_slice %arg4[%dma_wait3A_227, %dma_wait3A_228] : memref<10000x128xf32, #tpu.memory_space<hbm>> -> memref<10000x128xf32, #tpu.memory_space<hbm>>
      tpu.wait_indirect_dma semaphore(%arg16 : memref<!tpu.dma_semaphore, #tpu.memory_space<semaphore_mem>>) src(%dma_wait3A_229 : memref<10000x128xf32, #tpu.memory_space<hbm>>) dst(%arg12 : memref<80x128xf32, #tpu.memory_space<vmem>>)
      %mul3A_230 = arith.constant 80 : i32
      %mul3A_231 = arith.muli %add3A_223, %mul3A_230 : i32
      %add3A_232 = arith.addi %mul3A_4, %mul3A_231 : i32
      %dma_wait3A_233 = tpu.memref_slice %arg3[%add3A_232] : memref<320000xi32, #tpu.memory_space<hbm>> -> memref<80xi32, #tpu.memory_space<hbm>>
      %dma_wait3A_234 = tpu.memref_slice %arg3[%add3A_232] : memref<320000xi32, #tpu.memory_space<hbm>> -> memref<80xi32, #tpu.memory_space<hbm>>
      tpu.wait_dma2 semaphore(%arg19 : memref<!tpu.dma_semaphore, #tpu.memory_space<semaphore_mem>>) src(%dma_wait3A_234 : memref<80xi32, #tpu.memory_space<hbm>>) dst(%arg9 : memref<80xi32, #tpu.memory_space<vmem>>)
      %dma_start3A_235 = arith.constant 0 : i32
      %dma_start3A_236 = arith.constant 0 : i32
      %dma_start3A_237 = tpu.memref_slice %arg14[%dma_start3A_235, %dma_start3A_236] : memref<10000x128xf32, #tpu.memory_space<vmem_shared>> -> memref<10000x128xf32, #tpu.memory_space<vmem_shared>>
      tpu.enqueue_indirect_dma source(%arg12 : memref<80x128xf32, #tpu.memory_space<vmem>>) target(%dma_start3A_237 : memref<10000x128xf32, #tpu.memory_space<vmem_shared>>) offsets(%arg9 : memref<80xi32, #tpu.memory_space<vmem>>) semaphore(%arg22 : memref<!tpu.dma_semaphore, #tpu.memory_space<semaphore_mem>>) {add = true}
      %dma_wait3A_238 = arith.constant 0 : i32
      %dma_wait3A_239 = arith.constant 0 : i32
      %dma_wait3A_240 = tpu.memref_slice %arg14[%dma_wait3A_238, %dma_wait3A_239] : memref<10000x128xf32, #tpu.memory_space<vmem_shared>> -> memref<10000x128xf32, #tpu.memory_space<vmem_shared>>
      tpu.wait_indirect_dma semaphore(%arg21 : memref<!tpu.dma_semaphore, #tpu.memory_space<semaphore_mem>>) src(%arg11 : memref<80x128xf32, #tpu.memory_space<vmem>>) dst(%dma_wait3A_240 : memref<10000x128xf32, #tpu.memory_space<vmem_shared>>)
      %add3A_241 = arith.constant 2 : i32
      %add3A_242 = arith.addi %add3A_223, %add3A_241 : i32
      %mul3A_243 = arith.constant 80 : i32
      %mul3A_244 = arith.muli %add3A_242, %mul3A_243 : i32
      %add3A_245 = arith.addi %mul3A_4, %mul3A_244 : i32
      %dma_start3A_246 = tpu.memref_slice %arg3[%add3A_245] : memref<320000xi32, #tpu.memory_space<hbm>> -> memref<80xi32, #tpu.memory_space<hbm>>
      %dma_start3A_247 = tpu.memref_slice %arg3[%add3A_245] : memref<320000xi32, #tpu.memory_space<hbm>> -> memref<80xi32, #tpu.memory_space<hbm>>
      tpu.enqueue_dma source(%dma_start3A_247 : memref<80xi32, #tpu.memory_space<hbm>>) target(%arg8 : memref<80xi32, #tpu.memory_space<vmem>>) target_semaphore(%arg18 : memref<!tpu.dma_semaphore, #tpu.memory_space<semaphore_mem>>)
      %add3A_248 = arith.constant 2 : i32
      %add3A_249 = arith.addi %add3A_223, %add3A_248 : i32
      %dma_start3A_250 = arith.constant 0 : i32
      %dma_start3A_251 = tpu.memref_slice %arg7[%add3A_249, %dma_start3A_250] : memref<125x80xi32, #tpu.memory_space<vmem>> -> memref<1x80xi32, #tpu.memory_space<vmem>>
      %dma_start3A_252 = tpu.memref_squeeze %dma_start3A_251 : memref<1x80xi32, #tpu.memory_space<vmem>> -> memref<80xi32, #tpu.memory_space<vmem>>
      %dma_start3A_253 = arith.constant 0 : i32
      %dma_start3A_254 = arith.constant 0 : i32
      %dma_start3A_255 = tpu.memref_slice %arg4[%dma_start3A_253, %dma_start3A_254] : memref<10000x128xf32, #tpu.memory_space<hbm>> -> memref<10000x128xf32, #tpu.memory_space<hbm>>
      tpu.enqueue_indirect_dma source(%dma_start3A_255 : memref<10000x128xf32, #tpu.memory_space<hbm>>) target(%arg11 : memref<80x128xf32, #tpu.memory_space<vmem>>) offsets(%dma_start3A_252 : memref<80xi32, #tpu.memory_space<vmem>>) semaphore(%arg15 : memref<!tpu.dma_semaphore, #tpu.memory_space<semaphore_mem>>)
    }
    %scan3A_82 = arith.constant 40 : i32
    %dma_wait3A_83 = arith.constant 122 : i32
    %dma_wait3A_84 = arith.constant 0 : i32
    %dma_wait3A_85 = tpu.memref_slice %arg7[%dma_wait3A_83, %dma_wait3A_84] : memref<125x80xi32, #tpu.memory_space<vmem>> -> memref<1x80xi32, #tpu.memory_space<vmem>>
    %dma_wait3A_86 = tpu.memref_squeeze %dma_wait3A_85 : memref<1x80xi32, #tpu.memory_space<vmem>> -> memref<80xi32, #tpu.memory_space<vmem>>
    %dma_wait3A_87 = arith.constant 0 : i32
    %dma_wait3A_88 = arith.constant 0 : i32
    %dma_wait3A_89 = tpu.memref_slice %arg4[%dma_wait3A_87, %dma_wait3A_88] : memref<10000x128xf32, #tpu.memory_space<hbm>> -> memref<10000x128xf32, #tpu.memory_space<hbm>>
    tpu.wait_indirect_dma semaphore(%arg17 : memref<!tpu.dma_semaphore, #tpu.memory_space<semaphore_mem>>) src(%dma_wait3A_89 : memref<10000x128xf32, #tpu.memory_space<hbm>>) dst(%arg13 : memref<80x128xf32, #tpu.memory_space<vmem>>)
    %add3A_90 = arith.constant 9760 : i32
    %add3A_91 = arith.addi %mul3A_4, %add3A_90 : i32
    %dma_wait3A_92 = tpu.memref_slice %arg3[%add3A_91] : memref<320000xi32, #tpu.memory_space<hbm>> -> memref<80xi32, #tpu.memory_space<hbm>>
    %dma_wait3A_93 = tpu.memref_slice %arg3[%add3A_91] : memref<320000xi32, #tpu.memory_space<hbm>> -> memref<80xi32, #tpu.memory_space<hbm>>
    tpu.wait_dma2 semaphore(%arg20 : memref<!tpu.dma_semaphore, #tpu.memory_space<semaphore_mem>>) src(%dma_wait3A_93 : memref<80xi32, #tpu.memory_space<hbm>>) dst(%arg10 : memref<80xi32, #tpu.memory_space<vmem>>)
    %dma_start3A_94 = arith.constant 0 : i32
    %dma_start3A_95 = arith.constant 0 : i32
    %dma_start3A_96 = tpu.memref_slice %arg14[%dma_start3A_94, %dma_start3A_95] : memref<10000x128xf32, #tpu.memory_space<vmem_shared>> -> memref<10000x128xf32, #tpu.memory_space<vmem_shared>>
    tpu.enqueue_indirect_dma source(%arg13 : memref<80x128xf32, #tpu.memory_space<vmem>>) target(%dma_start3A_96 : memref<10000x128xf32, #tpu.memory_space<vmem_shared>>) offsets(%arg10 : memref<80xi32, #tpu.memory_space<vmem>>) semaphore(%arg23 : memref<!tpu.dma_semaphore, #tpu.memory_space<semaphore_mem>>) {add = true}
    %dma_wait3A_97 = arith.constant 0 : i32
    %dma_wait3A_98 = arith.constant 0 : i32
    %dma_wait3A_99 = tpu.memref_slice %arg14[%dma_wait3A_97, %dma_wait3A_98] : memref<10000x128xf32, #tpu.memory_space<vmem_shared>> -> memref<10000x128xf32, #tpu.memory_space<vmem_shared>>
    tpu.wait_indirect_dma semaphore(%arg22 : memref<!tpu.dma_semaphore, #tpu.memory_space<semaphore_mem>>) src(%arg12 : memref<80x128xf32, #tpu.memory_space<vmem>>) dst(%dma_wait3A_99 : memref<10000x128xf32, #tpu.memory_space<vmem_shared>>)
    %add3A_100 = arith.constant 9920 : i32
    %add3A_101 = arith.addi %mul3A_4, %add3A_100 : i32
    %dma_start3A_102 = tpu.memref_slice %arg3[%add3A_101] : memref<320000xi32, #tpu.memory_space<hbm>> -> memref<80xi32, #tpu.memory_space<hbm>>
    %dma_start3A_103 = tpu.memref_slice %arg3[%add3A_101] : memref<320000xi32, #tpu.memory_space<hbm>> -> memref<80xi32, #tpu.memory_space<hbm>>
    tpu.enqueue_dma source(%dma_start3A_103 : memref<80xi32, #tpu.memory_space<hbm>>) target(%arg9 : memref<80xi32, #tpu.memory_space<vmem>>) target_semaphore(%arg19 : memref<!tpu.dma_semaphore, #tpu.memory_space<semaphore_mem>>)
    %dma_start3A_104 = arith.constant 124 : i32
    %dma_start3A_105 = arith.constant 0 : i32
    %dma_start3A_106 = tpu.memref_slice %arg7[%dma_start3A_104, %dma_start3A_105] : memref<125x80xi32, #tpu.memory_space<vmem>> -> memref<1x80xi32, #tpu.memory_space<vmem>>
    %dma_start3A_107 = tpu.memref_squeeze %dma_start3A_106 : memref<1x80xi32, #tpu.memory_space<vmem>> -> memref<80xi32, #tpu.memory_space<vmem>>
    %dma_start3A_108 = arith.constant 0 : i32
    %dma_start3A_109 = arith.constant 0 : i32
    %dma_start3A_110 = tpu.memref_slice %arg4[%dma_start3A_108, %dma_start3A_109] : memref<10000x128xf32, #tpu.memory_space<hbm>> -> memref<10000x128xf32, #tpu.memory_space<hbm>>
    tpu.enqueue_indirect_dma source(%dma_start3A_110 : memref<10000x128xf32, #tpu.memory_space<hbm>>) target(%arg12 : memref<80x128xf32, #tpu.memory_space<vmem>>) offsets(%dma_start3A_107 : memref<80xi32, #tpu.memory_space<vmem>>) semaphore(%arg16 : memref<!tpu.dma_semaphore, #tpu.memory_space<semaphore_mem>>)
    %dma_wait3A_111 = arith.constant 123 : i32
    %dma_wait3A_112 = arith.constant 0 : i32
    %dma_wait3A_113 = tpu.memref_slice %arg7[%dma_wait3A_111, %dma_wait3A_112] : memref<125x80xi32, #tpu.memory_space<vmem>> -> memref<1x80xi32, #tpu.memory_space<vmem>>
    %dma_wait3A_114 = tpu.memref_squeeze %dma_wait3A_113 : memref<1x80xi32, #tpu.memory_space<vmem>> -> memref<80xi32, #tpu.memory_space<vmem>>
    %dma_wait3A_115 = arith.constant 0 : i32
    %dma_wait3A_116 = arith.constant 0 : i32
    %dma_wait3A_117 = tpu.memref_slice %arg4[%dma_wait3A_115, %dma_wait3A_116] : memref<10000x128xf32, #tpu.memory_space<hbm>> -> memref<10000x128xf32, #tpu.memory_space<hbm>>
    tpu.wait_indirect_dma semaphore(%arg15 : memref<!tpu.dma_semaphore, #tpu.memory_space<semaphore_mem>>) src(%dma_wait3A_117 : memref<10000x128xf32, #tpu.memory_space<hbm>>) dst(%arg11 : memref<80x128xf32, #tpu.memory_space<vmem>>)
    %add3A_118 = arith.constant 9840 : i32
    %add3A_119 = arith.addi %mul3A_4, %add3A_118 : i32
    %dma_wait3A_120 = tpu.memref_slice %arg3[%add3A_119] : memref<320000xi32, #tpu.memory_space<hbm>> -> memref<80xi32, #tpu.memory_space<hbm>>
    %dma_wait3A_121 = tpu.memref_slice %arg3[%add3A_119] : memref<320000xi32, #tpu.memory_space<hbm>> -> memref<80xi32, #tpu.memory_space<hbm>>
    tpu.wait_dma2 semaphore(%arg18 : memref<!tpu.dma_semaphore, #tpu.memory_space<semaphore_mem>>) src(%dma_wait3A_121 : memref<80xi32, #tpu.memory_space<hbm>>) dst(%arg8 : memref<80xi32, #tpu.memory_space<vmem>>)
    %dma_start3A_122 = arith.constant 0 : i32
    %dma_start3A_123 = arith.constant 0 : i32
    %dma_start3A_124 = tpu.memref_slice %arg14[%dma_start3A_122, %dma_start3A_123] : memref<10000x128xf32, #tpu.memory_space<vmem_shared>> -> memref<10000x128xf32, #tpu.memory_space<vmem_shared>>
    tpu.enqueue_indirect_dma source(%arg11 : memref<80x128xf32, #tpu.memory_space<vmem>>) target(%dma_start3A_124 : memref<10000x128xf32, #tpu.memory_space<vmem_shared>>) offsets(%arg8 : memref<80xi32, #tpu.memory_space<vmem>>) semaphore(%arg21 : memref<!tpu.dma_semaphore, #tpu.memory_space<semaphore_mem>>) {add = true}
    %dma_wait3A_125 = arith.constant 0 : i32
    %dma_wait3A_126 = arith.constant 0 : i32
    %dma_wait3A_127 = tpu.memref_slice %arg14[%dma_wait3A_125, %dma_wait3A_126] : memref<10000x128xf32, #tpu.memory_space<vmem_shared>> -> memref<10000x128xf32, #tpu.memory_space<vmem_shared>>
    tpu.wait_indirect_dma semaphore(%arg23 : memref<!tpu.dma_semaphore, #tpu.memory_space<semaphore_mem>>) src(%arg13 : memref<80x128xf32, #tpu.memory_space<vmem>>) dst(%dma_wait3A_127 : memref<10000x128xf32, #tpu.memory_space<vmem_shared>>)
    %dma_wait3A_128 = arith.constant 124 : i32
    %dma_wait3A_129 = arith.constant 0 : i32
    %dma_wait3A_130 = tpu.memref_slice %arg7[%dma_wait3A_128, %dma_wait3A_129] : memref<125x80xi32, #tpu.memory_space<vmem>> -> memref<1x80xi32, #tpu.memory_space<vmem>>
    %dma_wait3A_131 = tpu.memref_squeeze %dma_wait3A_130 : memref<1x80xi32, #tpu.memory_space<vmem>> -> memref<80xi32, #tpu.memory_space<vmem>>
    %dma_wait3A_132 = arith.constant 0 : i32
    %dma_wait3A_133 = arith.constant 0 : i32
    %dma_wait3A_134 = tpu.memref_slice %arg4[%dma_wait3A_132, %dma_wait3A_133] : memref<10000x128xf32, #tpu.memory_space<hbm>> -> memref<10000x128xf32, #tpu.memory_space<hbm>>
    tpu.wait_indirect_dma semaphore(%arg16 : memref<!tpu.dma_semaphore, #tpu.memory_space<semaphore_mem>>) src(%dma_wait3A_134 : memref<10000x128xf32, #tpu.memory_space<hbm>>) dst(%arg12 : memref<80x128xf32, #tpu.memory_space<vmem>>)
    %add3A_135 = arith.constant 9920 : i32
    %add3A_136 = arith.addi %mul3A_4, %add3A_135 : i32
    %dma_wait3A_137 = tpu.memref_slice %arg3[%add3A_136] : memref<320000xi32, #tpu.memory_space<hbm>> -> memref<80xi32, #tpu.memory_space<hbm>>
    %dma_wait3A_138 = tpu.memref_slice %arg3[%add3A_136] : memref<320000xi32, #tpu.memory_space<hbm>> -> memref<80xi32, #tpu.memory_space<hbm>>
    tpu.wait_dma2 semaphore(%arg19 : memref<!tpu.dma_semaphore, #tpu.memory_space<semaphore_mem>>) src(%dma_wait3A_138 : memref<80xi32, #tpu.memory_space<hbm>>) dst(%arg9 : memref<80xi32, #tpu.memory_space<vmem>>)
    %dma_start3A_139 = arith.constant 0 : i32
    %dma_start3A_140 = arith.constant 0 : i32
    %dma_start3A_141 = tpu.memref_slice %arg14[%dma_start3A_139, %dma_start3A_140] : memref<10000x128xf32, #tpu.memory_space<vmem_shared>> -> memref<10000x128xf32, #tpu.memory_space<vmem_shared>>
    tpu.enqueue_indirect_dma source(%arg12 : memref<80x128xf32, #tpu.memory_space<vmem>>) target(%dma_start3A_141 : memref<10000x128xf32, #tpu.memory_space<vmem_shared>>) offsets(%arg9 : memref<80xi32, #tpu.memory_space<vmem>>) semaphore(%arg22 : memref<!tpu.dma_semaphore, #tpu.memory_space<semaphore_mem>>) {add = true}
    %dma_wait3A_142 = arith.constant 0 : i32
    %dma_wait3A_143 = arith.constant 0 : i32
    %dma_wait3A_144 = tpu.memref_slice %arg14[%dma_wait3A_142, %dma_wait3A_143] : memref<10000x128xf32, #tpu.memory_space<vmem_shared>> -> memref<10000x128xf32, #tpu.memory_space<vmem_shared>>
    tpu.wait_indirect_dma semaphore(%arg21 : memref<!tpu.dma_semaphore, #tpu.memory_space<semaphore_mem>>) src(%arg11 : memref<80x128xf32, #tpu.memory_space<vmem>>) dst(%dma_wait3A_144 : memref<10000x128xf32, #tpu.memory_space<vmem_shared>>)
    %dma_wait3A_145 = arith.constant 0 : i32
    %dma_wait3A_146 = arith.constant 0 : i32
    %dma_wait3A_147 = tpu.memref_slice %arg14[%dma_wait3A_145, %dma_wait3A_146] : memref<10000x128xf32, #tpu.memory_space<vmem_shared>> -> memref<10000x128xf32, #tpu.memory_space<vmem_shared>>
    tpu.wait_indirect_dma semaphore(%arg22 : memref<!tpu.dma_semaphore, #tpu.memory_space<semaphore_mem>>) src(%arg12 : memref<80x128xf32, #tpu.memory_space<vmem>>) dst(%dma_wait3A_147 : memref<10000x128xf32, #tpu.memory_space<vmem_shared>>)
    %barrier3A_148 = arith.constant 0 : index
    tpu.barrier barrier_id(%barrier3A_148)
    "tpu.region"() ({
      %run_scoped3A = tpu.sem_alloc : memref<!tpu.dma_semaphore, #tpu.memory_space<semaphore_mem>>
      %dma_start3A_149 = arith.constant 0 : i32
      %dma_start3A_150 = arith.constant 0 : i32
      %dma_start3A_151 = tpu.memref_slice %arg6[%arg0, %dma_start3A_149, %dma_start3A_150] : memref<2x10000x128xf32, #tpu.memory_space<hbm>> -> memref<1x10000x128xf32, #tpu.memory_space<hbm>>
      %dma_start3A_152 = tpu.memref_squeeze %dma_start3A_151 : memref<1x10000x128xf32, #tpu.memory_space<hbm>> -> memref<10000x128xf32, #tpu.memory_space<hbm>>
      %dma_start3A_153 = arith.constant 0 : i32
      %dma_start3A_154 = tpu.memref_slice %dma_start3A_152[%mul3A_2, %dma_start3A_153] : memref<10000x128xf32, #tpu.memory_space<hbm>> -> memref<640x128xf32, #tpu.memory_space<hbm>>
      %dma_start3A_155 = arith.constant 0 : i32
      %dma_start3A_156 = tpu.memref_slice %arg14[%mul3A_2, %dma_start3A_155] : memref<10000x128xf32, #tpu.memory_space<vmem_shared>> -> memref<640x128xf32, #tpu.memory_space<vmem_shared>>
      tpu.enqueue_dma source(%dma_start3A_156 : memref<640x128xf32, #tpu.memory_space<vmem_shared>>) target(%dma_start3A_154 : memref<640x128xf32, #tpu.memory_space<hbm>>) target_semaphore(%run_scoped3A : memref<!tpu.dma_semaphore, #tpu.memory_space<semaphore_mem>>)
      %dma_wait3A_157 = arith.constant 0 : i32
      %dma_wait3A_158 = arith.constant 0 : i32
      %dma_wait3A_159 = tpu.memref_slice %arg6[%arg0, %dma_wait3A_157, %dma_wait3A_158] : memref<2x10000x128xf32, #tpu.memory_space<hbm>> -> memref<1x10000x128xf32, #tpu.memory_space<hbm>>
      %dma_wait3A_160 = tpu.memref_squeeze %dma_wait3A_159 : memref<1x10000x128xf32, #tpu.memory_space<hbm>> -> memref<10000x128xf32, #tpu.memory_space<hbm>>
      %dma_wait3A_161 = arith.constant 0 : i32
      %dma_wait3A_162 = tpu.memref_slice %dma_wait3A_160[%mul3A_2, %dma_wait3A_161] : memref<10000x128xf32, #tpu.memory_space<hbm>> -> memref<640x128xf32, #tpu.memory_space<hbm>>
      %dma_wait3A_163 = arith.constant 0 : i32
      %dma_wait3A_164 = tpu.memref_slice %arg14[%mul3A_2, %dma_wait3A_163] : memref<10000x128xf32, #tpu.memory_space<vmem_shared>> -> memref<640x128xf32, #tpu.memory_space<vmem_shared>>
      tpu.wait_dma2 semaphore(%run_scoped3A : memref<!tpu.dma_semaphore, #tpu.memory_space<semaphore_mem>>) src(%dma_wait3A_164 : memref<640x128xf32, #tpu.memory_space<vmem_shared>>) dst(%dma_wait3A_162 : memref<640x128xf32, #tpu.memory_space<hbm>>)
      tpu.yield
    }) : () -> ()
    return
  }
}

#map = affine_map<(d0, d1) -> (0, 0, 0)>
#map1 = affine_map<(d0, d1) -> (0)>
#map2 = affine_map<(d0, d1) -> (0, 0)>
module attributes {stable_mosaic.version = 14 : i64} {
  func.func @_sc_aggregate(%arg0: i32, %arg1: i32, %arg2: memref<32x125x80xi32, #tpu.memory_space<hbm>>, %arg3: memref<320000xi32, #tpu.memory_space<hbm>>, %arg4: memref<10000x128xf32, #tpu.memory_space<hbm>>, %arg5: memref<640x128xf32, #tpu.memory_space<hbm>>, %arg6: memref<2x10000x128xf32, #tpu.memory_space<hbm>>, %arg7: memref<125x80xi32, #tpu.memory_space<vmem>>, %arg8: memref<80xi32, #tpu.memory_space<vmem>>, %arg9: memref<80xi32, #tpu.memory_space<vmem>>, %arg10: memref<80xi32, #tpu.memory_space<vmem>>, %arg11: memref<80x128xf32, #tpu.memory_space<vmem>>, %arg12: memref<80x128xf32, #tpu.memory_space<vmem>>, %arg13: memref<80x128xf32, #tpu.memory_space<vmem>>, %arg14: memref<10000x128xf32, #tpu.memory_space<vmem_shared>>, %arg15: memref<!tpu.dma_semaphore, #tpu.memory_space<semaphore_mem>>, %arg16: memref<!tpu.dma_semaphore, #tpu.memory_space<semaphore_mem>>, %arg17: memref<!tpu.dma_semaphore, #tpu.memory_space<semaphore_mem>>, %arg18: memref<!tpu.dma_semaphore, #tpu.memory_space<semaphore_mem>>, %arg19: memref<!tpu.dma_semaphore, #tpu.memory_space<semaphore_mem>>, %arg20: memref<!tpu.dma_semaphore, #tpu.memory_space<semaphore_mem>>, %arg21: memref<!tpu.dma_semaphore, #tpu.memory_space<semaphore_mem>>, %arg22: memref<!tpu.dma_semaphore, #tpu.memory_space<semaphore_mem>>, %arg23: memref<!tpu.dma_semaphore, #tpu.memory_space<semaphore_mem>>) attributes {dimension_semantics = [#tpu.dimension_semantics<core_parallel>, #tpu.dimension_semantics<subcore_parallel>], iteration_bounds = array<i64: 2, 16>, scalar_prefetch = 0 : i64, scratch_operands = 17 : i64, tpu.core_type = #tpu.core_type<sc_vector_subcore>, window_params = [{transform_indices = #map}, {transform_indices = #map1}, {transform_indices = #map2}, {transform_indices = #map2}, {transform_indices = #map}]} {
    %mul3A = arith.constant 2 : i32
    %mul3A_0 = arith.muli %arg1, %mul3A : i32
    %add3A = arith.addi %mul3A_0, %arg0 : i32
    %mul3A_1 = arith.constant 624 : i32
    %mul3A_2 = arith.muli %arg1, %mul3A_1 : i32
    "tpu.region"() ({
      %run_scoped3A = tpu.sem_alloc : memref<!tpu.dma_semaphore, #tpu.memory_space<semaphore_mem>>
      %dma_start3A_149 = arith.constant 0 : i32
      %dma_start3A_150 = tpu.memref_slice %arg14[%mul3A_2, %dma_start3A_149] : memref<10000x128xf32, #tpu.memory_space<vmem_shared>> -> memref<640x128xf32, #tpu.memory_space<vmem_shared>>
      tpu.enqueue_dma source(%arg5 : memref<640x128xf32, #tpu.memory_space<hbm>>) target(%dma_start3A_150 : memref<640x128xf32, #tpu.memory_space<vmem_shared>>) target_semaphore(%run_scoped3A : memref<!tpu.dma_semaphore, #tpu.memory_space<semaphore_mem>>)
      %dma_wait3A_151 = arith.constant 0 : i32
      %dma_wait3A_152 = tpu.memref_slice %arg14[%mul3A_2, %dma_wait3A_151] : memref<10000x128xf32, #tpu.memory_space<vmem_shared>> -> memref<640x128xf32, #tpu.memory_space<vmem_shared>>
      tpu.wait_dma2 semaphore(%run_scoped3A : memref<!tpu.dma_semaphore, #tpu.memory_space<semaphore_mem>>) src(%arg5 : memref<640x128xf32, #tpu.memory_space<hbm>>) dst(%dma_wait3A_152 : memref<640x128xf32, #tpu.memory_space<vmem_shared>>)
      tpu.yield
    }) : () -> ()
    %barrier3A = arith.constant 0 : index
    tpu.barrier barrier_id(%barrier3A)
    "tpu.region"() ({
      %run_scoped3A = tpu.sem_alloc : memref<!tpu.dma_semaphore, #tpu.memory_space<semaphore_mem>>
      %dma_start3A_149 = arith.constant 0 : i32
      %dma_start3A_150 = arith.constant 0 : i32
      %dma_start3A_151 = tpu.memref_slice %arg2[%add3A, %dma_start3A_149, %dma_start3A_150] : memref<32x125x80xi32, #tpu.memory_space<hbm>> -> memref<1x125x80xi32, #tpu.memory_space<hbm>>
      %dma_start3A_152 = tpu.memref_squeeze %dma_start3A_151 : memref<1x125x80xi32, #tpu.memory_space<hbm>> -> memref<125x80xi32, #tpu.memory_space<hbm>>
      %dma_start3A_153 = arith.constant 0 : i32
      %dma_start3A_154 = arith.constant 0 : i32
      %dma_start3A_155 = tpu.memref_slice %arg2[%add3A, %dma_start3A_153, %dma_start3A_154] : memref<32x125x80xi32, #tpu.memory_space<hbm>> -> memref<1x125x80xi32, #tpu.memory_space<hbm>>
      %dma_start3A_156 = tpu.memref_squeeze %dma_start3A_155 : memref<1x125x80xi32, #tpu.memory_space<hbm>> -> memref<125x80xi32, #tpu.memory_space<hbm>>
      tpu.enqueue_dma source(%dma_start3A_156 : memref<125x80xi32, #tpu.memory_space<hbm>>) target(%arg7 : memref<125x80xi32, #tpu.memory_space<vmem>>) target_semaphore(%run_scoped3A : memref<!tpu.dma_semaphore, #tpu.memory_space<semaphore_mem>>)
      %dma_wait3A_157 = arith.constant 0 : i32
      %dma_wait3A_158 = arith.constant 0 : i32
      %dma_wait3A_159 = tpu.memref_slice %arg2[%add3A, %dma_wait3A_157, %dma_wait3A_158] : memref<32x125x80xi32, #tpu.memory_space<hbm>> -> memref<1x125x80xi32, #tpu.memory_space<hbm>>
      %dma_wait3A_160 = tpu.memref_squeeze %dma_wait3A_159 : memref<1x125x80xi32, #tpu.memory_space<hbm>> -> memref<125x80xi32, #tpu.memory_space<hbm>>
      %dma_wait3A_161 = arith.constant 0 : i32
      %dma_wait3A_162 = arith.constant 0 : i32
      %dma_wait3A_163 = tpu.memref_slice %arg2[%add3A, %dma_wait3A_161, %dma_wait3A_162] : memref<32x125x80xi32, #tpu.memory_space<hbm>> -> memref<1x125x80xi32, #tpu.memory_space<hbm>>
      %dma_wait3A_164 = tpu.memref_squeeze %dma_wait3A_163 : memref<1x125x80xi32, #tpu.memory_space<hbm>> -> memref<125x80xi32, #tpu.memory_space<hbm>>
      tpu.wait_dma2 semaphore(%run_scoped3A : memref<!tpu.dma_semaphore, #tpu.memory_space<semaphore_mem>>) src(%dma_wait3A_164 : memref<125x80xi32, #tpu.memory_space<hbm>>) dst(%arg7 : memref<125x80xi32, #tpu.memory_space<vmem>>)
      tpu.yield
    }) : () -> ()
    %mul3A_3 = arith.constant 10000 : i32
    %mul3A_4 = arith.muli %add3A, %mul3A_3 : i32
    %add3A_5 = arith.constant 0 : i32
    %add3A_6 = arith.addi %mul3A_4, %add3A_5 : i32
    %dma_start3A = tpu.memref_slice %arg3[%add3A_6] : memref<320000xi32, #tpu.memory_space<hbm>> -> memref<80xi32, #tpu.memory_space<hbm>>
    %dma_start3A_7 = tpu.memref_slice %arg3[%add3A_6] : memref<320000xi32, #tpu.memory_space<hbm>> -> memref<80xi32, #tpu.memory_space<hbm>>
    tpu.enqueue_dma source(%dma_start3A_7 : memref<80xi32, #tpu.memory_space<hbm>>) target(%arg8 : memref<80xi32, #tpu.memory_space<vmem>>) target_semaphore(%arg18 : memref<!tpu.dma_semaphore, #tpu.memory_space<semaphore_mem>>)
    %dma_start3A_8 = arith.constant 0 : i32
    %dma_start3A_9 = arith.constant 0 : i32
    %dma_start3A_10 = tpu.memref_slice %arg7[%dma_start3A_8, %dma_start3A_9] : memref<125x80xi32, #tpu.memory_space<vmem>> -> memref<1x80xi32, #tpu.memory_space<vmem>>
    %dma_start3A_11 = tpu.memref_squeeze %dma_start3A_10 : memref<1x80xi32, #tpu.memory_space<vmem>> -> memref<80xi32, #tpu.memory_space<vmem>>
    %dma_start3A_12 = arith.constant 0 : i32
    %dma_start3A_13 = arith.constant 0 : i32
    %dma_start3A_14 = tpu.memref_slice %arg4[%dma_start3A_12, %dma_start3A_13] : memref<10000x128xf32, #tpu.memory_space<hbm>> -> memref<10000x128xf32, #tpu.memory_space<hbm>>
    tpu.enqueue_indirect_dma source(%dma_start3A_14 : memref<10000x128xf32, #tpu.memory_space<hbm>>) target(%arg11 : memref<80x128xf32, #tpu.memory_space<vmem>>) offsets(%dma_start3A_11 : memref<80xi32, #tpu.memory_space<vmem>>) semaphore(%arg15 : memref<!tpu.dma_semaphore, #tpu.memory_space<semaphore_mem>>)
    %add3A_15 = arith.constant 80 : i32
    %add3A_16 = arith.addi %mul3A_4, %add3A_15 : i32
    %dma_start3A_17 = tpu.memref_slice %arg3[%add3A_16] : memref<320000xi32, #tpu.memory_space<hbm>> -> memref<80xi32, #tpu.memory_space<hbm>>
    %dma_start3A_18 = tpu.memref_slice %arg3[%add3A_16] : memref<320000xi32, #tpu.memory_space<hbm>> -> memref<80xi32, #tpu.memory_space<hbm>>
    tpu.enqueue_dma source(%dma_start3A_18 : memref<80xi32, #tpu.memory_space<hbm>>) target(%arg9 : memref<80xi32, #tpu.memory_space<vmem>>) target_semaphore(%arg19 : memref<!tpu.dma_semaphore, #tpu.memory_space<semaphore_mem>>)
    %dma_start3A_19 = arith.constant 1 : i32
    %dma_start3A_20 = arith.constant 0 : i32
    %dma_start3A_21 = tpu.memref_slice %arg7[%dma_start3A_19, %dma_start3A_20] : memref<125x80xi32, #tpu.memory_space<vmem>> -> memref<1x80xi32, #tpu.memory_space<vmem>>
    %dma_start3A_22 = tpu.memref_squeeze %dma_start3A_21 : memref<1x80xi32, #tpu.memory_space<vmem>> -> memref<80xi32, #tpu.memory_space<vmem>>
    %dma_start3A_23 = arith.constant 0 : i32
    %dma_start3A_24 = arith.constant 0 : i32
    %dma_start3A_25 = tpu.memref_slice %arg4[%dma_start3A_23, %dma_start3A_24] : memref<10000x128xf32, #tpu.memory_space<hbm>> -> memref<10000x128xf32, #tpu.memory_space<hbm>>
    tpu.enqueue_indirect_dma source(%dma_start3A_25 : memref<10000x128xf32, #tpu.memory_space<hbm>>) target(%arg12 : memref<80x128xf32, #tpu.memory_space<vmem>>) offsets(%dma_start3A_22 : memref<80xi32, #tpu.memory_space<vmem>>) semaphore(%arg16 : memref<!tpu.dma_semaphore, #tpu.memory_space<semaphore_mem>>)
    %dma_wait3A = arith.constant 0 : i32
    %dma_wait3A_26 = arith.constant 0 : i32
    %dma_wait3A_27 = tpu.memref_slice %arg7[%dma_wait3A, %dma_wait3A_26] : memref<125x80xi32, #tpu.memory_space<vmem>> -> memref<1x80xi32, #tpu.memory_space<vmem>>
    %dma_wait3A_28 = tpu.memref_squeeze %dma_wait3A_27 : memref<1x80xi32, #tpu.memory_space<vmem>> -> memref<80xi32, #tpu.memory_space<vmem>>
    %dma_wait3A_29 = arith.constant 0 : i32
    %dma_wait3A_30 = arith.constant 0 : i32
    %dma_wait3A_31 = tpu.memref_slice %arg4[%dma_wait3A_29, %dma_wait3A_30] : memref<10000x128xf32, #tpu.memory_space<hbm>> -> memref<10000x128xf32, #tpu.memory_space<hbm>>
    tpu.wait_indirect_dma semaphore(%arg15 : memref<!tpu.dma_semaphore, #tpu.memory_space<semaphore_mem>>) src(%dma_wait3A_31 : memref<10000x128xf32, #tpu.memory_space<hbm>>) dst(%arg11 : memref<80x128xf32, #tpu.memory_space<vmem>>)
    %add3A_32 = arith.constant 0 : i32
    %add3A_33 = arith.addi %mul3A_4, %add3A_32 : i32
    %dma_wait3A_34 = tpu.memref_slice %arg3[%add3A_33] : memref<320000xi32, #tpu.memory_space<hbm>> -> memref<80xi32, #tpu.memory_space<hbm>>
    %dma_wait3A_35 = tpu.memref_slice %arg3[%add3A_33] : memref<320000xi32, #tpu.memory_space<hbm>> -> memref<80xi32, #tpu.memory_space<hbm>>
    tpu.wait_dma2 semaphore(%arg18 : memref<!tpu.dma_semaphore, #tpu.memory_space<semaphore_mem>>) src(%dma_wait3A_35 : memref<80xi32, #tpu.memory_space<hbm>>) dst(%arg8 : memref<80xi32, #tpu.memory_space<vmem>>)
    %dma_start3A_36 = arith.constant 0 : i32
    %dma_start3A_37 = arith.constant 0 : i32
    %dma_start3A_38 = tpu.memref_slice %arg14[%dma_start3A_36, %dma_start3A_37] : memref<10000x128xf32, #tpu.memory_space<vmem_shared>> -> memref<10000x128xf32, #tpu.memory_space<vmem_shared>>
    tpu.enqueue_indirect_dma source(%arg11 : memref<80x128xf32, #tpu.memory_space<vmem>>) target(%dma_start3A_38 : memref<10000x128xf32, #tpu.memory_space<vmem_shared>>) offsets(%arg8 : memref<80xi32, #tpu.memory_space<vmem>>) semaphore(%arg21 : memref<!tpu.dma_semaphore, #tpu.memory_space<semaphore_mem>>) {add = true}
    %add3A_39 = arith.constant 160 : i32
    %add3A_40 = arith.addi %mul3A_4, %add3A_39 : i32
    %dma_start3A_41 = tpu.memref_slice %arg3[%add3A_40] : memref<320000xi32, #tpu.memory_space<hbm>> -> memref<80xi32, #tpu.memory_space<hbm>>
    %dma_start3A_42 = tpu.memref_slice %arg3[%add3A_40] : memref<320000xi32, #tpu.memory_space<hbm>> -> memref<80xi32, #tpu.memory_space<hbm>>
    tpu.enqueue_dma source(%dma_start3A_42 : memref<80xi32, #tpu.memory_space<hbm>>) target(%arg10 : memref<80xi32, #tpu.memory_space<vmem>>) target_semaphore(%arg20 : memref<!tpu.dma_semaphore, #tpu.memory_space<semaphore_mem>>)
    %dma_start3A_43 = arith.constant 2 : i32
    %dma_start3A_44 = arith.constant 0 : i32
    %dma_start3A_45 = tpu.memref_slice %arg7[%dma_start3A_43, %dma_start3A_44] : memref<125x80xi32, #tpu.memory_space<vmem>> -> memref<1x80xi32, #tpu.memory_space<vmem>>
    %dma_start3A_46 = tpu.memref_squeeze %dma_start3A_45 : memref<1x80xi32, #tpu.memory_space<vmem>> -> memref<80xi32, #tpu.memory_space<vmem>>
    %dma_start3A_47 = arith.constant 0 : i32
    %dma_start3A_48 = arith.constant 0 : i32
    %dma_start3A_49 = tpu.memref_slice %arg4[%dma_start3A_47, %dma_start3A_48] : memref<10000x128xf32, #tpu.memory_space<hbm>> -> memref<10000x128xf32, #tpu.memory_space<hbm>>
    tpu.enqueue_indirect_dma source(%dma_start3A_49 : memref<10000x128xf32, #tpu.memory_space<hbm>>) target(%arg13 : memref<80x128xf32, #tpu.memory_space<vmem>>) offsets(%dma_start3A_46 : memref<80xi32, #tpu.memory_space<vmem>>) semaphore(%arg17 : memref<!tpu.dma_semaphore, #tpu.memory_space<semaphore_mem>>)
    %dma_wait3A_50 = arith.constant 1 : i32
    %dma_wait3A_51 = arith.constant 0 : i32
    %dma_wait3A_52 = tpu.memref_slice %arg7[%dma_wait3A_50, %dma_wait3A_51] : memref<125x80xi32, #tpu.memory_space<vmem>> -> memref<1x80xi32, #tpu.memory_space<vmem>>
    %dma_wait3A_53 = tpu.memref_squeeze %dma_wait3A_52 : memref<1x80xi32, #tpu.memory_space<vmem>> -> memref<80xi32, #tpu.memory_space<vmem>>
    %dma_wait3A_54 = arith.constant 0 : i32
    %dma_wait3A_55 = arith.constant 0 : i32
    %dma_wait3A_56 = tpu.memref_slice %arg4[%dma_wait3A_54, %dma_wait3A_55] : memref<10000x128xf32, #tpu.memory_space<hbm>> -> memref<10000x128xf32, #tpu.memory_space<hbm>>
    tpu.wait_indirect_dma semaphore(%arg16 : memref<!tpu.dma_semaphore, #tpu.memory_space<semaphore_mem>>) src(%dma_wait3A_56 : memref<10000x128xf32, #tpu.memory_space<hbm>>) dst(%arg12 : memref<80x128xf32, #tpu.memory_space<vmem>>)
    %add3A_57 = arith.constant 80 : i32
    %add3A_58 = arith.addi %mul3A_4, %add3A_57 : i32
    %dma_wait3A_59 = tpu.memref_slice %arg3[%add3A_58] : memref<320000xi32, #tpu.memory_space<hbm>> -> memref<80xi32, #tpu.memory_space<hbm>>
    %dma_wait3A_60 = tpu.memref_slice %arg3[%add3A_58] : memref<320000xi32, #tpu.memory_space<hbm>> -> memref<80xi32, #tpu.memory_space<hbm>>
    tpu.wait_dma2 semaphore(%arg19 : memref<!tpu.dma_semaphore, #tpu.memory_space<semaphore_mem>>) src(%dma_wait3A_60 : memref<80xi32, #tpu.memory_space<hbm>>) dst(%arg9 : memref<80xi32, #tpu.memory_space<vmem>>)
    %dma_start3A_61 = arith.constant 0 : i32
    %dma_start3A_62 = arith.constant 0 : i32
    %dma_start3A_63 = tpu.memref_slice %arg14[%dma_start3A_61, %dma_start3A_62] : memref<10000x128xf32, #tpu.memory_space<vmem_shared>> -> memref<10000x128xf32, #tpu.memory_space<vmem_shared>>
    tpu.enqueue_indirect_dma source(%arg12 : memref<80x128xf32, #tpu.memory_space<vmem>>) target(%dma_start3A_63 : memref<10000x128xf32, #tpu.memory_space<vmem_shared>>) offsets(%arg9 : memref<80xi32, #tpu.memory_space<vmem>>) semaphore(%arg22 : memref<!tpu.dma_semaphore, #tpu.memory_space<semaphore_mem>>) {add = true}
    %dma_wait3A_64 = arith.constant 0 : i32
    %dma_wait3A_65 = arith.constant 0 : i32
    %dma_wait3A_66 = tpu.memref_slice %arg14[%dma_wait3A_64, %dma_wait3A_65] : memref<10000x128xf32, #tpu.memory_space<vmem_shared>> -> memref<10000x128xf32, #tpu.memory_space<vmem_shared>>
    tpu.wait_indirect_dma semaphore(%arg21 : memref<!tpu.dma_semaphore, #tpu.memory_space<semaphore_mem>>) src(%arg11 : memref<80x128xf32, #tpu.memory_space<vmem>>) dst(%dma_wait3A_66 : memref<10000x128xf32, #tpu.memory_space<vmem_shared>>)
    %add3A_67 = arith.constant 240 : i32
    %add3A_68 = arith.addi %mul3A_4, %add3A_67 : i32
    %dma_start3A_69 = tpu.memref_slice %arg3[%add3A_68] : memref<320000xi32, #tpu.memory_space<hbm>> -> memref<80xi32, #tpu.memory_space<hbm>>
    %dma_start3A_70 = tpu.memref_slice %arg3[%add3A_68] : memref<320000xi32, #tpu.memory_space<hbm>> -> memref<80xi32, #tpu.memory_space<hbm>>
    tpu.enqueue_dma source(%dma_start3A_70 : memref<80xi32, #tpu.memory_space<hbm>>) target(%arg8 : memref<80xi32, #tpu.memory_space<vmem>>) target_semaphore(%arg18 : memref<!tpu.dma_semaphore, #tpu.memory_space<semaphore_mem>>)
    %dma_start3A_71 = arith.constant 3 : i32
    %dma_start3A_72 = arith.constant 0 : i32
    %dma_start3A_73 = tpu.memref_slice %arg7[%dma_start3A_71, %dma_start3A_72] : memref<125x80xi32, #tpu.memory_space<vmem>> -> memref<1x80xi32, #tpu.memory_space<vmem>>
    %dma_start3A_74 = tpu.memref_squeeze %dma_start3A_73 : memref<1x80xi32, #tpu.memory_space<vmem>> -> memref<80xi32, #tpu.memory_space<vmem>>
    %dma_start3A_75 = arith.constant 0 : i32
    %dma_start3A_76 = arith.constant 0 : i32
    %dma_start3A_77 = tpu.memref_slice %arg4[%dma_start3A_75, %dma_start3A_76] : memref<10000x128xf32, #tpu.memory_space<hbm>> -> memref<10000x128xf32, #tpu.memory_space<hbm>>
    tpu.enqueue_indirect_dma source(%dma_start3A_77 : memref<10000x128xf32, #tpu.memory_space<hbm>>) target(%arg11 : memref<80x128xf32, #tpu.memory_space<vmem>>) offsets(%dma_start3A_74 : memref<80xi32, #tpu.memory_space<vmem>>) semaphore(%arg15 : memref<!tpu.dma_semaphore, #tpu.memory_space<semaphore_mem>>)
    %scan3A = arith.constant 0 : i32
    %scan3A_78 = arith.constant 0 : i32
    %scan3A_79 = arith.constant 40 : i32
    %scan3A_80 = arith.addi %scan3A_78, %scan3A_79 : i32
    %scan3A_81 = arith.constant 1 : i32
    scf.for %scan3A_149 = %scan3A_78 to %scan3A_80 step %scan3A_81  : i32 {
      %mul3A_150 = arith.constant 3 : i32
      %mul3A_151 = arith.muli %mul3A_150, %scan3A_149 : i32
      %add3A_152 = arith.constant 2 : i32
      %add3A_153 = arith.addi %mul3A_151, %add3A_152 : i32
      %add3A_154 = arith.constant 0 : i32
      %add3A_155 = arith.addi %add3A_153, %add3A_154 : i32
      %dma_wait3A_156 = arith.constant 0 : i32
      %dma_wait3A_157 = tpu.memref_slice %arg7[%add3A_155, %dma_wait3A_156] : memref<125x80xi32, #tpu.memory_space<vmem>> -> memref<1x80xi32, #tpu.memory_space<vmem>>
      %dma_wait3A_158 = tpu.memref_squeeze %dma_wait3A_157 : memref<1x80xi32, #tpu.memory_space<vmem>> -> memref<80xi32, #tpu.memory_space<vmem>>
      %dma_wait3A_159 = arith.constant 0 : i32
      %dma_wait3A_160 = arith.constant 0 : i32
      %dma_wait3A_161 = tpu.memref_slice %arg4[%dma_wait3A_159, %dma_wait3A_160] : memref<10000x128xf32, #tpu.memory_space<hbm>> -> memref<10000x128xf32, #tpu.memory_space<hbm>>
      tpu.wait_indirect_dma semaphore(%arg17 : memref<!tpu.dma_semaphore, #tpu.memory_space<semaphore_mem>>) src(%dma_wait3A_161 : memref<10000x128xf32, #tpu.memory_space<hbm>>) dst(%arg13 : memref<80x128xf32, #tpu.memory_space<vmem>>)
      %mul3A_162 = arith.constant 80 : i32
      %mul3A_163 = arith.muli %add3A_155, %mul3A_162 : i32
      %add3A_164 = arith.addi %mul3A_4, %mul3A_163 : i32
      %dma_wait3A_165 = tpu.memref_slice %arg3[%add3A_164] : memref<320000xi32, #tpu.memory_space<hbm>> -> memref<80xi32, #tpu.memory_space<hbm>>
      %dma_wait3A_166 = tpu.memref_slice %arg3[%add3A_164] : memref<320000xi32, #tpu.memory_space<hbm>> -> memref<80xi32, #tpu.memory_space<hbm>>
      tpu.wait_dma2 semaphore(%arg20 : memref<!tpu.dma_semaphore, #tpu.memory_space<semaphore_mem>>) src(%dma_wait3A_166 : memref<80xi32, #tpu.memory_space<hbm>>) dst(%arg10 : memref<80xi32, #tpu.memory_space<vmem>>)
      %dma_start3A_167 = arith.constant 0 : i32
      %dma_start3A_168 = arith.constant 0 : i32
      %dma_start3A_169 = tpu.memref_slice %arg14[%dma_start3A_167, %dma_start3A_168] : memref<10000x128xf32, #tpu.memory_space<vmem_shared>> -> memref<10000x128xf32, #tpu.memory_space<vmem_shared>>
      tpu.enqueue_indirect_dma source(%arg13 : memref<80x128xf32, #tpu.memory_space<vmem>>) target(%dma_start3A_169 : memref<10000x128xf32, #tpu.memory_space<vmem_shared>>) offsets(%arg10 : memref<80xi32, #tpu.memory_space<vmem>>) semaphore(%arg23 : memref<!tpu.dma_semaphore, #tpu.memory_space<semaphore_mem>>) {add = true}
      %dma_wait3A_170 = arith.constant 0 : i32
      %dma_wait3A_171 = arith.constant 0 : i32
      %dma_wait3A_172 = tpu.memref_slice %arg14[%dma_wait3A_170, %dma_wait3A_171] : memref<10000x128xf32, #tpu.memory_space<vmem_shared>> -> memref<10000x128xf32, #tpu.memory_space<vmem_shared>>
      tpu.wait_indirect_dma semaphore(%arg22 : memref<!tpu.dma_semaphore, #tpu.memory_space<semaphore_mem>>) src(%arg12 : memref<80x128xf32, #tpu.memory_space<vmem>>) dst(%dma_wait3A_172 : memref<10000x128xf32, #tpu.memory_space<vmem_shared>>)
      %add3A_173 = arith.constant 2 : i32
      %add3A_174 = arith.addi %add3A_155, %add3A_173 : i32
      %mul3A_175 = arith.constant 80 : i32
      %mul3A_176 = arith.muli %add3A_174, %mul3A_175 : i32
      %add3A_177 = arith.addi %mul3A_4, %mul3A_176 : i32
      %dma_start3A_178 = tpu.memref_slice %arg3[%add3A_177] : memref<320000xi32, #tpu.memory_space<hbm>> -> memref<80xi32, #tpu.memory_space<hbm>>
      %dma_start3A_179 = tpu.memref_slice %arg3[%add3A_177] : memref<320000xi32, #tpu.memory_space<hbm>> -> memref<80xi32, #tpu.memory_space<hbm>>
      tpu.enqueue_dma source(%dma_start3A_179 : memref<80xi32, #tpu.memory_space<hbm>>) target(%arg9 : memref<80xi32, #tpu.memory_space<vmem>>) target_semaphore(%arg19 : memref<!tpu.dma_semaphore, #tpu.memory_space<semaphore_mem>>)
      %add3A_180 = arith.constant 2 : i32
      %add3A_181 = arith.addi %add3A_155, %add3A_180 : i32
      %dma_start3A_182 = arith.constant 0 : i32
      %dma_start3A_183 = tpu.memref_slice %arg7[%add3A_181, %dma_start3A_182] : memref<125x80xi32, #tpu.memory_space<vmem>> -> memref<1x80xi32, #tpu.memory_space<vmem>>
      %dma_start3A_184 = tpu.memref_squeeze %dma_start3A_183 : memref<1x80xi32, #tpu.memory_space<vmem>> -> memref<80xi32, #tpu.memory_space<vmem>>
      %dma_start3A_185 = arith.constant 0 : i32
      %dma_start3A_186 = arith.constant 0 : i32
      %dma_start3A_187 = tpu.memref_slice %arg4[%dma_start3A_185, %dma_start3A_186] : memref<10000x128xf32, #tpu.memory_space<hbm>> -> memref<10000x128xf32, #tpu.memory_space<hbm>>
      tpu.enqueue_indirect_dma source(%dma_start3A_187 : memref<10000x128xf32, #tpu.memory_space<hbm>>) target(%arg12 : memref<80x128xf32, #tpu.memory_space<vmem>>) offsets(%dma_start3A_184 : memref<80xi32, #tpu.memory_space<vmem>>) semaphore(%arg16 : memref<!tpu.dma_semaphore, #tpu.memory_space<semaphore_mem>>)
      %add3A_188 = arith.constant 1 : i32
      %add3A_189 = arith.addi %add3A_153, %add3A_188 : i32
      %dma_wait3A_190 = arith.constant 0 : i32
      %dma_wait3A_191 = tpu.memref_slice %arg7[%add3A_189, %dma_wait3A_190] : memref<125x80xi32, #tpu.memory_space<vmem>> -> memref<1x80xi32, #tpu.memory_space<vmem>>
      %dma_wait3A_192 = tpu.memref_squeeze %dma_wait3A_191 : memref<1x80xi32, #tpu.memory_space<vmem>> -> memref<80xi32, #tpu.memory_space<vmem>>
      %dma_wait3A_193 = arith.constant 0 : i32
      %dma_wait3A_194 = arith.constant 0 : i32
      %dma_wait3A_195 = tpu.memref_slice %arg4[%dma_wait3A_193, %dma_wait3A_194] : memref<10000x128xf32, #tpu.memory_space<hbm>> -> memref<10000x128xf32, #tpu.memory_space<hbm>>
      tpu.wait_indirect_dma semaphore(%arg15 : memref<!tpu.dma_semaphore, #tpu.memory_space<semaphore_mem>>) src(%dma_wait3A_195 : memref<10000x128xf32, #tpu.memory_space<hbm>>) dst(%arg11 : memref<80x128xf32, #tpu.memory_space<vmem>>)
      %mul3A_196 = arith.constant 80 : i32
      %mul3A_197 = arith.muli %add3A_189, %mul3A_196 : i32
      %add3A_198 = arith.addi %mul3A_4, %mul3A_197 : i32
      %dma_wait3A_199 = tpu.memref_slice %arg3[%add3A_198] : memref<320000xi32, #tpu.memory_space<hbm>> -> memref<80xi32, #tpu.memory_space<hbm>>
      %dma_wait3A_200 = tpu.memref_slice %arg3[%add3A_198] : memref<320000xi32, #tpu.memory_space<hbm>> -> memref<80xi32, #tpu.memory_space<hbm>>
      tpu.wait_dma2 semaphore(%arg18 : memref<!tpu.dma_semaphore, #tpu.memory_space<semaphore_mem>>) src(%dma_wait3A_200 : memref<80xi32, #tpu.memory_space<hbm>>) dst(%arg8 : memref<80xi32, #tpu.memory_space<vmem>>)
      %dma_start3A_201 = arith.constant 0 : i32
      %dma_start3A_202 = arith.constant 0 : i32
      %dma_start3A_203 = tpu.memref_slice %arg14[%dma_start3A_201, %dma_start3A_202] : memref<10000x128xf32, #tpu.memory_space<vmem_shared>> -> memref<10000x128xf32, #tpu.memory_space<vmem_shared>>
      tpu.enqueue_indirect_dma source(%arg11 : memref<80x128xf32, #tpu.memory_space<vmem>>) target(%dma_start3A_203 : memref<10000x128xf32, #tpu.memory_space<vmem_shared>>) offsets(%arg8 : memref<80xi32, #tpu.memory_space<vmem>>) semaphore(%arg21 : memref<!tpu.dma_semaphore, #tpu.memory_space<semaphore_mem>>) {add = true}
      %dma_wait3A_204 = arith.constant 0 : i32
      %dma_wait3A_205 = arith.constant 0 : i32
      %dma_wait3A_206 = tpu.memref_slice %arg14[%dma_wait3A_204, %dma_wait3A_205] : memref<10000x128xf32, #tpu.memory_space<vmem_shared>> -> memref<10000x128xf32, #tpu.memory_space<vmem_shared>>
      tpu.wait_indirect_dma semaphore(%arg23 : memref<!tpu.dma_semaphore, #tpu.memory_space<semaphore_mem>>) src(%arg13 : memref<80x128xf32, #tpu.memory_space<vmem>>) dst(%dma_wait3A_206 : memref<10000x128xf32, #tpu.memory_space<vmem_shared>>)
      %add3A_207 = arith.constant 2 : i32
      %add3A_208 = arith.addi %add3A_189, %add3A_207 : i32
      %mul3A_209 = arith.constant 80 : i32
      %mul3A_210 = arith.muli %add3A_208, %mul3A_209 : i32
      %add3A_211 = arith.addi %mul3A_4, %mul3A_210 : i32
      %dma_start3A_212 = tpu.memref_slice %arg3[%add3A_211] : memref<320000xi32, #tpu.memory_space<hbm>> -> memref<80xi32, #tpu.memory_space<hbm>>
      %dma_start3A_213 = tpu.memref_slice %arg3[%add3A_211] : memref<320000xi32, #tpu.memory_space<hbm>> -> memref<80xi32, #tpu.memory_space<hbm>>
      tpu.enqueue_dma source(%dma_start3A_213 : memref<80xi32, #tpu.memory_space<hbm>>) target(%arg10 : memref<80xi32, #tpu.memory_space<vmem>>) target_semaphore(%arg20 : memref<!tpu.dma_semaphore, #tpu.memory_space<semaphore_mem>>)
      %add3A_214 = arith.constant 2 : i32
      %add3A_215 = arith.addi %add3A_189, %add3A_214 : i32
      %dma_start3A_216 = arith.constant 0 : i32
      %dma_start3A_217 = tpu.memref_slice %arg7[%add3A_215, %dma_start3A_216] : memref<125x80xi32, #tpu.memory_space<vmem>> -> memref<1x80xi32, #tpu.memory_space<vmem>>
      %dma_start3A_218 = tpu.memref_squeeze %dma_start3A_217 : memref<1x80xi32, #tpu.memory_space<vmem>> -> memref<80xi32, #tpu.memory_space<vmem>>
      %dma_start3A_219 = arith.constant 0 : i32
      %dma_start3A_220 = arith.constant 0 : i32
      %dma_start3A_221 = tpu.memref_slice %arg4[%dma_start3A_219, %dma_start3A_220] : memref<10000x128xf32, #tpu.memory_space<hbm>> -> memref<10000x128xf32, #tpu.memory_space<hbm>>
      tpu.enqueue_indirect_dma source(%dma_start3A_221 : memref<10000x128xf32, #tpu.memory_space<hbm>>) target(%arg13 : memref<80x128xf32, #tpu.memory_space<vmem>>) offsets(%dma_start3A_218 : memref<80xi32, #tpu.memory_space<vmem>>) semaphore(%arg17 : memref<!tpu.dma_semaphore, #tpu.memory_space<semaphore_mem>>)
      %add3A_222 = arith.constant 2 : i32
      %add3A_223 = arith.addi %add3A_153, %add3A_222 : i32
      %dma_wait3A_224 = arith.constant 0 : i32
      %dma_wait3A_225 = tpu.memref_slice %arg7[%add3A_223, %dma_wait3A_224] : memref<125x80xi32, #tpu.memory_space<vmem>> -> memref<1x80xi32, #tpu.memory_space<vmem>>
      %dma_wait3A_226 = tpu.memref_squeeze %dma_wait3A_225 : memref<1x80xi32, #tpu.memory_space<vmem>> -> memref<80xi32, #tpu.memory_space<vmem>>
      %dma_wait3A_227 = arith.constant 0 : i32
      %dma_wait3A_228 = arith.constant 0 : i32
      %dma_wait3A_229 = tpu.memref_slice %arg4[%dma_wait3A_227, %dma_wait3A_228] : memref<10000x128xf32, #tpu.memory_space<hbm>> -> memref<10000x128xf32, #tpu.memory_space<hbm>>
      tpu.wait_indirect_dma semaphore(%arg16 : memref<!tpu.dma_semaphore, #tpu.memory_space<semaphore_mem>>) src(%dma_wait3A_229 : memref<10000x128xf32, #tpu.memory_space<hbm>>) dst(%arg12 : memref<80x128xf32, #tpu.memory_space<vmem>>)
      %mul3A_230 = arith.constant 80 : i32
      %mul3A_231 = arith.muli %add3A_223, %mul3A_230 : i32
      %add3A_232 = arith.addi %mul3A_4, %mul3A_231 : i32
      %dma_wait3A_233 = tpu.memref_slice %arg3[%add3A_232] : memref<320000xi32, #tpu.memory_space<hbm>> -> memref<80xi32, #tpu.memory_space<hbm>>
      %dma_wait3A_234 = tpu.memref_slice %arg3[%add3A_232] : memref<320000xi32, #tpu.memory_space<hbm>> -> memref<80xi32, #tpu.memory_space<hbm>>
      tpu.wait_dma2 semaphore(%arg19 : memref<!tpu.dma_semaphore, #tpu.memory_space<semaphore_mem>>) src(%dma_wait3A_234 : memref<80xi32, #tpu.memory_space<hbm>>) dst(%arg9 : memref<80xi32, #tpu.memory_space<vmem>>)
      %dma_start3A_235 = arith.constant 0 : i32
      %dma_start3A_236 = arith.constant 0 : i32
      %dma_start3A_237 = tpu.memref_slice %arg14[%dma_start3A_235, %dma_start3A_236] : memref<10000x128xf32, #tpu.memory_space<vmem_shared>> -> memref<10000x128xf32, #tpu.memory_space<vmem_shared>>
      tpu.enqueue_indirect_dma source(%arg12 : memref<80x128xf32, #tpu.memory_space<vmem>>) target(%dma_start3A_237 : memref<10000x128xf32, #tpu.memory_space<vmem_shared>>) offsets(%arg9 : memref<80xi32, #tpu.memory_space<vmem>>) semaphore(%arg22 : memref<!tpu.dma_semaphore, #tpu.memory_space<semaphore_mem>>) {add = true}
      %dma_wait3A_238 = arith.constant 0 : i32
      %dma_wait3A_239 = arith.constant 0 : i32
      %dma_wait3A_240 = tpu.memref_slice %arg14[%dma_wait3A_238, %dma_wait3A_239] : memref<10000x128xf32, #tpu.memory_space<vmem_shared>> -> memref<10000x128xf32, #tpu.memory_space<vmem_shared>>
      tpu.wait_indirect_dma semaphore(%arg21 : memref<!tpu.dma_semaphore, #tpu.memory_space<semaphore_mem>>) src(%arg11 : memref<80x128xf32, #tpu.memory_space<vmem>>) dst(%dma_wait3A_240 : memref<10000x128xf32, #tpu.memory_space<vmem_shared>>)
      %add3A_241 = arith.constant 2 : i32
      %add3A_242 = arith.addi %add3A_223, %add3A_241 : i32
      %mul3A_243 = arith.constant 80 : i32
      %mul3A_244 = arith.muli %add3A_242, %mul3A_243 : i32
      %add3A_245 = arith.addi %mul3A_4, %mul3A_244 : i32
      %dma_start3A_246 = tpu.memref_slice %arg3[%add3A_245] : memref<320000xi32, #tpu.memory_space<hbm>> -> memref<80xi32, #tpu.memory_space<hbm>>
      %dma_start3A_247 = tpu.memref_slice %arg3[%add3A_245] : memref<320000xi32, #tpu.memory_space<hbm>> -> memref<80xi32, #tpu.memory_space<hbm>>
      tpu.enqueue_dma source(%dma_start3A_247 : memref<80xi32, #tpu.memory_space<hbm>>) target(%arg8 : memref<80xi32, #tpu.memory_space<vmem>>) target_semaphore(%arg18 : memref<!tpu.dma_semaphore, #tpu.memory_space<semaphore_mem>>)
      %add3A_248 = arith.constant 2 : i32
      %add3A_249 = arith.addi %add3A_223, %add3A_248 : i32
      %dma_start3A_250 = arith.constant 0 : i32
      %dma_start3A_251 = tpu.memref_slice %arg7[%add3A_249, %dma_start3A_250] : memref<125x80xi32, #tpu.memory_space<vmem>> -> memref<1x80xi32, #tpu.memory_space<vmem>>
      %dma_start3A_252 = tpu.memref_squeeze %dma_start3A_251 : memref<1x80xi32, #tpu.memory_space<vmem>> -> memref<80xi32, #tpu.memory_space<vmem>>
      %dma_start3A_253 = arith.constant 0 : i32
      %dma_start3A_254 = arith.constant 0 : i32
      %dma_start3A_255 = tpu.memref_slice %arg4[%dma_start3A_253, %dma_start3A_254] : memref<10000x128xf32, #tpu.memory_space<hbm>> -> memref<10000x128xf32, #tpu.memory_space<hbm>>
      tpu.enqueue_indirect_dma source(%dma_start3A_255 : memref<10000x128xf32, #tpu.memory_space<hbm>>) target(%arg11 : memref<80x128xf32, #tpu.memory_space<vmem>>) offsets(%dma_start3A_252 : memref<80xi32, #tpu.memory_space<vmem>>) semaphore(%arg15 : memref<!tpu.dma_semaphore, #tpu.memory_space<semaphore_mem>>)
    }
    %scan3A_82 = arith.constant 40 : i32
    %dma_wait3A_83 = arith.constant 122 : i32
    %dma_wait3A_84 = arith.constant 0 : i32
    %dma_wait3A_85 = tpu.memref_slice %arg7[%dma_wait3A_83, %dma_wait3A_84] : memref<125x80xi32, #tpu.memory_space<vmem>> -> memref<1x80xi32, #tpu.memory_space<vmem>>
    %dma_wait3A_86 = tpu.memref_squeeze %dma_wait3A_85 : memref<1x80xi32, #tpu.memory_space<vmem>> -> memref<80xi32, #tpu.memory_space<vmem>>
    %dma_wait3A_87 = arith.constant 0 : i32
    %dma_wait3A_88 = arith.constant 0 : i32
    %dma_wait3A_89 = tpu.memref_slice %arg4[%dma_wait3A_87, %dma_wait3A_88] : memref<10000x128xf32, #tpu.memory_space<hbm>> -> memref<10000x128xf32, #tpu.memory_space<hbm>>
    tpu.wait_indirect_dma semaphore(%arg17 : memref<!tpu.dma_semaphore, #tpu.memory_space<semaphore_mem>>) src(%dma_wait3A_89 : memref<10000x128xf32, #tpu.memory_space<hbm>>) dst(%arg13 : memref<80x128xf32, #tpu.memory_space<vmem>>)
    %add3A_90 = arith.constant 9760 : i32
    %add3A_91 = arith.addi %mul3A_4, %add3A_90 : i32
    %dma_wait3A_92 = tpu.memref_slice %arg3[%add3A_91] : memref<320000xi32, #tpu.memory_space<hbm>> -> memref<80xi32, #tpu.memory_space<hbm>>
    %dma_wait3A_93 = tpu.memref_slice %arg3[%add3A_91] : memref<320000xi32, #tpu.memory_space<hbm>> -> memref<80xi32, #tpu.memory_space<hbm>>
    tpu.wait_dma2 semaphore(%arg20 : memref<!tpu.dma_semaphore, #tpu.memory_space<semaphore_mem>>) src(%dma_wait3A_93 : memref<80xi32, #tpu.memory_space<hbm>>) dst(%arg10 : memref<80xi32, #tpu.memory_space<vmem>>)
    %dma_start3A_94 = arith.constant 0 : i32
    %dma_start3A_95 = arith.constant 0 : i32
    %dma_start3A_96 = tpu.memref_slice %arg14[%dma_start3A_94, %dma_start3A_95] : memref<10000x128xf32, #tpu.memory_space<vmem_shared>> -> memref<10000x128xf32, #tpu.memory_space<vmem_shared>>
    tpu.enqueue_indirect_dma source(%arg13 : memref<80x128xf32, #tpu.memory_space<vmem>>) target(%dma_start3A_96 : memref<10000x128xf32, #tpu.memory_space<vmem_shared>>) offsets(%arg10 : memref<80xi32, #tpu.memory_space<vmem>>) semaphore(%arg23 : memref<!tpu.dma_semaphore, #tpu.memory_space<semaphore_mem>>) {add = true}
    %dma_wait3A_97 = arith.constant 0 : i32
    %dma_wait3A_98 = arith.constant 0 : i32
    %dma_wait3A_99 = tpu.memref_slice %arg14[%dma_wait3A_97, %dma_wait3A_98] : memref<10000x128xf32, #tpu.memory_space<vmem_shared>> -> memref<10000x128xf32, #tpu.memory_space<vmem_shared>>
    tpu.wait_indirect_dma semaphore(%arg22 : memref<!tpu.dma_semaphore, #tpu.memory_space<semaphore_mem>>) src(%arg12 : memref<80x128xf32, #tpu.memory_space<vmem>>) dst(%dma_wait3A_99 : memref<10000x128xf32, #tpu.memory_space<vmem_shared>>)
    %add3A_100 = arith.constant 9920 : i32
    %add3A_101 = arith.addi %mul3A_4, %add3A_100 : i32
    %dma_start3A_102 = tpu.memref_slice %arg3[%add3A_101] : memref<320000xi32, #tpu.memory_space<hbm>> -> memref<80xi32, #tpu.memory_space<hbm>>
    %dma_start3A_103 = tpu.memref_slice %arg3[%add3A_101] : memref<320000xi32, #tpu.memory_space<hbm>> -> memref<80xi32, #tpu.memory_space<hbm>>
    tpu.enqueue_dma source(%dma_start3A_103 : memref<80xi32, #tpu.memory_space<hbm>>) target(%arg9 : memref<80xi32, #tpu.memory_space<vmem>>) target_semaphore(%arg19 : memref<!tpu.dma_semaphore, #tpu.memory_space<semaphore_mem>>)
    %dma_start3A_104 = arith.constant 124 : i32
    %dma_start3A_105 = arith.constant 0 : i32
    %dma_start3A_106 = tpu.memref_slice %arg7[%dma_start3A_104, %dma_start3A_105] : memref<125x80xi32, #tpu.memory_space<vmem>> -> memref<1x80xi32, #tpu.memory_space<vmem>>
    %dma_start3A_107 = tpu.memref_squeeze %dma_start3A_106 : memref<1x80xi32, #tpu.memory_space<vmem>> -> memref<80xi32, #tpu.memory_space<vmem>>
    %dma_start3A_108 = arith.constant 0 : i32
    %dma_start3A_109 = arith.constant 0 : i32
    %dma_start3A_110 = tpu.memref_slice %arg4[%dma_start3A_108, %dma_start3A_109] : memref<10000x128xf32, #tpu.memory_space<hbm>> -> memref<10000x128xf32, #tpu.memory_space<hbm>>
    tpu.enqueue_indirect_dma source(%dma_start3A_110 : memref<10000x128xf32, #tpu.memory_space<hbm>>) target(%arg12 : memref<80x128xf32, #tpu.memory_space<vmem>>) offsets(%dma_start3A_107 : memref<80xi32, #tpu.memory_space<vmem>>) semaphore(%arg16 : memref<!tpu.dma_semaphore, #tpu.memory_space<semaphore_mem>>)
    %dma_wait3A_111 = arith.constant 123 : i32
    %dma_wait3A_112 = arith.constant 0 : i32
    %dma_wait3A_113 = tpu.memref_slice %arg7[%dma_wait3A_111, %dma_wait3A_112] : memref<125x80xi32, #tpu.memory_space<vmem>> -> memref<1x80xi32, #tpu.memory_space<vmem>>
    %dma_wait3A_114 = tpu.memref_squeeze %dma_wait3A_113 : memref<1x80xi32, #tpu.memory_space<vmem>> -> memref<80xi32, #tpu.memory_space<vmem>>
    %dma_wait3A_115 = arith.constant 0 : i32
    %dma_wait3A_116 = arith.constant 0 : i32
    %dma_wait3A_117 = tpu.memref_slice %arg4[%dma_wait3A_115, %dma_wait3A_116] : memref<10000x128xf32, #tpu.memory_space<hbm>> -> memref<10000x128xf32, #tpu.memory_space<hbm>>
    tpu.wait_indirect_dma semaphore(%arg15 : memref<!tpu.dma_semaphore, #tpu.memory_space<semaphore_mem>>) src(%dma_wait3A_117 : memref<10000x128xf32, #tpu.memory_space<hbm>>) dst(%arg11 : memref<80x128xf32, #tpu.memory_space<vmem>>)
    %add3A_118 = arith.constant 9840 : i32
    %add3A_119 = arith.addi %mul3A_4, %add3A_118 : i32
    %dma_wait3A_120 = tpu.memref_slice %arg3[%add3A_119] : memref<320000xi32, #tpu.memory_space<hbm>> -> memref<80xi32, #tpu.memory_space<hbm>>
    %dma_wait3A_121 = tpu.memref_slice %arg3[%add3A_119] : memref<320000xi32, #tpu.memory_space<hbm>> -> memref<80xi32, #tpu.memory_space<hbm>>
    tpu.wait_dma2 semaphore(%arg18 : memref<!tpu.dma_semaphore, #tpu.memory_space<semaphore_mem>>) src(%dma_wait3A_121 : memref<80xi32, #tpu.memory_space<hbm>>) dst(%arg8 : memref<80xi32, #tpu.memory_space<vmem>>)
    %dma_start3A_122 = arith.constant 0 : i32
    %dma_start3A_123 = arith.constant 0 : i32
    %dma_start3A_124 = tpu.memref_slice %arg14[%dma_start3A_122, %dma_start3A_123] : memref<10000x128xf32, #tpu.memory_space<vmem_shared>> -> memref<10000x128xf32, #tpu.memory_space<vmem_shared>>
    tpu.enqueue_indirect_dma source(%arg11 : memref<80x128xf32, #tpu.memory_space<vmem>>) target(%dma_start3A_124 : memref<10000x128xf32, #tpu.memory_space<vmem_shared>>) offsets(%arg8 : memref<80xi32, #tpu.memory_space<vmem>>) semaphore(%arg21 : memref<!tpu.dma_semaphore, #tpu.memory_space<semaphore_mem>>) {add = true}
    %dma_wait3A_125 = arith.constant 0 : i32
    %dma_wait3A_126 = arith.constant 0 : i32
    %dma_wait3A_127 = tpu.memref_slice %arg14[%dma_wait3A_125, %dma_wait3A_126] : memref<10000x128xf32, #tpu.memory_space<vmem_shared>> -> memref<10000x128xf32, #tpu.memory_space<vmem_shared>>
    tpu.wait_indirect_dma semaphore(%arg23 : memref<!tpu.dma_semaphore, #tpu.memory_space<semaphore_mem>>) src(%arg13 : memref<80x128xf32, #tpu.memory_space<vmem>>) dst(%dma_wait3A_127 : memref<10000x128xf32, #tpu.memory_space<vmem_shared>>)
    %dma_wait3A_128 = arith.constant 124 : i32
    %dma_wait3A_129 = arith.constant 0 : i32
    %dma_wait3A_130 = tpu.memref_slice %arg7[%dma_wait3A_128, %dma_wait3A_129] : memref<125x80xi32, #tpu.memory_space<vmem>> -> memref<1x80xi32, #tpu.memory_space<vmem>>
    %dma_wait3A_131 = tpu.memref_squeeze %dma_wait3A_130 : memref<1x80xi32, #tpu.memory_space<vmem>> -> memref<80xi32, #tpu.memory_space<vmem>>
    %dma_wait3A_132 = arith.constant 0 : i32
    %dma_wait3A_133 = arith.constant 0 : i32
    %dma_wait3A_134 = tpu.memref_slice %arg4[%dma_wait3A_132, %dma_wait3A_133] : memref<10000x128xf32, #tpu.memory_space<hbm>> -> memref<10000x128xf32, #tpu.memory_space<hbm>>
    tpu.wait_indirect_dma semaphore(%arg16 : memref<!tpu.dma_semaphore, #tpu.memory_space<semaphore_mem>>) src(%dma_wait3A_134 : memref<10000x128xf32, #tpu.memory_space<hbm>>) dst(%arg12 : memref<80x128xf32, #tpu.memory_space<vmem>>)
    %add3A_135 = arith.constant 9920 : i32
    %add3A_136 = arith.addi %mul3A_4, %add3A_135 : i32
    %dma_wait3A_137 = tpu.memref_slice %arg3[%add3A_136] : memref<320000xi32, #tpu.memory_space<hbm>> -> memref<80xi32, #tpu.memory_space<hbm>>
    %dma_wait3A_138 = tpu.memref_slice %arg3[%add3A_136] : memref<320000xi32, #tpu.memory_space<hbm>> -> memref<80xi32, #tpu.memory_space<hbm>>
    tpu.wait_dma2 semaphore(%arg19 : memref<!tpu.dma_semaphore, #tpu.memory_space<semaphore_mem>>) src(%dma_wait3A_138 : memref<80xi32, #tpu.memory_space<hbm>>) dst(%arg9 : memref<80xi32, #tpu.memory_space<vmem>>)
    %dma_start3A_139 = arith.constant 0 : i32
    %dma_start3A_140 = arith.constant 0 : i32
    %dma_start3A_141 = tpu.memref_slice %arg14[%dma_start3A_139, %dma_start3A_140] : memref<10000x128xf32, #tpu.memory_space<vmem_shared>> -> memref<10000x128xf32, #tpu.memory_space<vmem_shared>>
    tpu.enqueue_indirect_dma source(%arg12 : memref<80x128xf32, #tpu.memory_space<vmem>>) target(%dma_start3A_141 : memref<10000x128xf32, #tpu.memory_space<vmem_shared>>) offsets(%arg9 : memref<80xi32, #tpu.memory_space<vmem>>) semaphore(%arg22 : memref<!tpu.dma_semaphore, #tpu.memory_space<semaphore_mem>>) {add = true}
    %dma_wait3A_142 = arith.constant 0 : i32
    %dma_wait3A_143 = arith.constant 0 : i32
    %dma_wait3A_144 = tpu.memref_slice %arg14[%dma_wait3A_142, %dma_wait3A_143] : memref<10000x128xf32, #tpu.memory_space<vmem_shared>> -> memref<10000x128xf32, #tpu.memory_space<vmem_shared>>
    tpu.wait_indirect_dma semaphore(%arg21 : memref<!tpu.dma_semaphore, #tpu.memory_space<semaphore_mem>>) src(%arg11 : memref<80x128xf32, #tpu.memory_space<vmem>>) dst(%dma_wait3A_144 : memref<10000x128xf32, #tpu.memory_space<vmem_shared>>)
    %dma_wait3A_145 = arith.constant 0 : i32
    %dma_wait3A_146 = arith.constant 0 : i32
    %dma_wait3A_147 = tpu.memref_slice %arg14[%dma_wait3A_145, %dma_wait3A_146] : memref<10000x128xf32, #tpu.memory_space<vmem_shared>> -> memref<10000x128xf32, #tpu.memory_space<vmem_shared>>
    tpu.wait_indirect_dma semaphore(%arg22 : memref<!tpu.dma_semaphore, #tpu.memory_space<semaphore_mem>>) src(%arg12 : memref<80x128xf32, #tpu.memory_space<vmem>>) dst(%dma_wait3A_147 : memref<10000x128xf32, #tpu.memory_space<vmem_shared>>)
    %barrier3A_148 = arith.constant 0 : index
    tpu.barrier barrier_id(%barrier3A_148)
    "tpu.region"() ({
      %run_scoped3A = tpu.sem_alloc : memref<!tpu.dma_semaphore, #tpu.memory_space<semaphore_mem>>
      %dma_start3A_149 = arith.constant 0 : i32
      %dma_start3A_150 = arith.constant 0 : i32
      %dma_start3A_151 = tpu.memref_slice %arg6[%arg0, %dma_start3A_149, %dma_start3A_150] : memref<2x10000x128xf32, #tpu.memory_space<hbm>> -> memref<1x10000x128xf32, #tpu.memory_space<hbm>>
      %dma_start3A_152 = tpu.memref_squeeze %dma_start3A_151 : memref<1x10000x128xf32, #tpu.memory_space<hbm>> -> memref<10000x128xf32, #tpu.memory_space<hbm>>
      %dma_start3A_153 = arith.constant 0 : i32
      %dma_start3A_154 = tpu.memref_slice %dma_start3A_152[%mul3A_2, %dma_start3A_153] : memref<10000x128xf32, #tpu.memory_space<hbm>> -> memref<640x128xf32, #tpu.memory_space<hbm>>
      %dma_start3A_155 = arith.constant 0 : i32
      %dma_start3A_156 = tpu.memref_slice %arg14[%mul3A_2, %dma_start3A_155] : memref<10000x128xf32, #tpu.memory_space<vmem_shared>> -> memref<640x128xf32, #tpu.memory_space<vmem_shared>>
      tpu.enqueue_dma source(%dma_start3A_156 : memref<640x128xf32, #tpu.memory_space<vmem_shared>>) target(%dma_start3A_154 : memref<640x128xf32, #tpu.memory_space<hbm>>) target_semaphore(%run_scoped3A : memref<!tpu.dma_semaphore, #tpu.memory_space<semaphore_mem>>)
      %dma_wait3A_157 = arith.constant 0 : i32
      %dma_wait3A_158 = arith.constant 0 : i32
      %dma_wait3A_159 = tpu.memref_slice %arg6[%arg0, %dma_wait3A_157, %dma_wait3A_158] : memref<2x10000x128xf32, #tpu.memory_space<hbm>> -> memref<1x10000x128xf32, #tpu.memory_space<hbm>>
      %dma_wait3A_160 = tpu.memref_squeeze %dma_wait3A_159 : memref<1x10000x128xf32, #tpu.memory_space<hbm>> -> memref<10000x128xf32, #tpu.memory_space<hbm>>
      %dma_wait3A_161 = arith.constant 0 : i32
      %dma_wait3A_162 = tpu.memref_slice %dma_wait3A_160[%mul3A_2, %dma_wait3A_161] : memref<10000x128xf32, #tpu.memory_space<hbm>> -> memref<640x128xf32, #tpu.memory_space<hbm>>
      %dma_wait3A_163 = arith.constant 0 : i32
      %dma_wait3A_164 = tpu.memref_slice %arg14[%mul3A_2, %dma_wait3A_163] : memref<10000x128xf32, #tpu.memory_space<vmem_shared>> -> memref<640x128xf32, #tpu.memory_space<vmem_shared>>
      tpu.wait_dma2 semaphore(%run_scoped3A : memref<!tpu.dma_semaphore, #tpu.memory_space<semaphore_mem>>) src(%dma_wait3A_164 : memref<640x128xf32, #tpu.memory_space<vmem_shared>>) dst(%dma_wait3A_162 : memref<640x128xf32, #tpu.memory_space<hbm>>)
      tpu.yield
    }) : () -> ()
    return
  }
}

#map = affine_map<(d0, d1) -> (0, 0, 0)>
#map1 = affine_map<(d0, d1) -> (0)>
#map2 = affine_map<(d0, d1) -> (0, 0)>
module attributes {stable_mosaic.version = 14 : i64} {
  func.func @_sc_aggregate(%arg0: i32, %arg1: i32, %arg2: memref<32x125x80xi32, #tpu.memory_space<hbm>>, %arg3: memref<320000xi32, #tpu.memory_space<hbm>>, %arg4: memref<10000x128xf32, #tpu.memory_space<hbm>>, %arg5: memref<640x128xf32, #tpu.memory_space<hbm>>, %arg6: memref<2x10000x128xf32, #tpu.memory_space<hbm>>, %arg7: memref<125x80xi32, #tpu.memory_space<vmem>>, %arg8: memref<80xi32, #tpu.memory_space<vmem>>, %arg9: memref<80xi32, #tpu.memory_space<vmem>>, %arg10: memref<80xi32, #tpu.memory_space<vmem>>, %arg11: memref<80x128xf32, #tpu.memory_space<vmem>>, %arg12: memref<80x128xf32, #tpu.memory_space<vmem>>, %arg13: memref<80x128xf32, #tpu.memory_space<vmem>>, %arg14: memref<10000x128xf32, #tpu.memory_space<vmem_shared>>, %arg15: memref<!tpu.dma_semaphore, #tpu.memory_space<semaphore_mem>>, %arg16: memref<!tpu.dma_semaphore, #tpu.memory_space<semaphore_mem>>, %arg17: memref<!tpu.dma_semaphore, #tpu.memory_space<semaphore_mem>>, %arg18: memref<!tpu.dma_semaphore, #tpu.memory_space<semaphore_mem>>, %arg19: memref<!tpu.dma_semaphore, #tpu.memory_space<semaphore_mem>>, %arg20: memref<!tpu.dma_semaphore, #tpu.memory_space<semaphore_mem>>, %arg21: memref<!tpu.dma_semaphore, #tpu.memory_space<semaphore_mem>>, %arg22: memref<!tpu.dma_semaphore, #tpu.memory_space<semaphore_mem>>, %arg23: memref<!tpu.dma_semaphore, #tpu.memory_space<semaphore_mem>>) attributes {dimension_semantics = [#tpu.dimension_semantics<core_parallel>, #tpu.dimension_semantics<subcore_parallel>], iteration_bounds = array<i64: 2, 16>, scalar_prefetch = 0 : i64, scratch_operands = 17 : i64, tpu.core_type = #tpu.core_type<sc_vector_subcore>, window_params = [{transform_indices = #map}, {transform_indices = #map1}, {transform_indices = #map2}, {transform_indices = #map2}, {transform_indices = #map}]} {
    %mul3A = arith.constant 2 : i32
    %mul3A_0 = arith.muli %arg1, %mul3A : i32
    %add3A = arith.addi %mul3A_0, %arg0 : i32
    %mul3A_1 = arith.constant 624 : i32
    %mul3A_2 = arith.muli %arg1, %mul3A_1 : i32
    "tpu.region"() ({
      %run_scoped3A = tpu.sem_alloc : memref<!tpu.dma_semaphore, #tpu.memory_space<semaphore_mem>>
      %dma_start3A_149 = arith.constant 0 : i32
      %dma_start3A_150 = tpu.memref_slice %arg14[%mul3A_2, %dma_start3A_149] : memref<10000x128xf32, #tpu.memory_space<vmem_shared>> -> memref<640x128xf32, #tpu.memory_space<vmem_shared>>
      tpu.enqueue_dma source(%arg5 : memref<640x128xf32, #tpu.memory_space<hbm>>) target(%dma_start3A_150 : memref<640x128xf32, #tpu.memory_space<vmem_shared>>) target_semaphore(%run_scoped3A : memref<!tpu.dma_semaphore, #tpu.memory_space<semaphore_mem>>)
      %dma_wait3A_151 = arith.constant 0 : i32
      %dma_wait3A_152 = tpu.memref_slice %arg14[%mul3A_2, %dma_wait3A_151] : memref<10000x128xf32, #tpu.memory_space<vmem_shared>> -> memref<640x128xf32, #tpu.memory_space<vmem_shared>>
      tpu.wait_dma2 semaphore(%run_scoped3A : memref<!tpu.dma_semaphore, #tpu.memory_space<semaphore_mem>>) src(%arg5 : memref<640x128xf32, #tpu.memory_space<hbm>>) dst(%dma_wait3A_152 : memref<640x128xf32, #tpu.memory_space<vmem_shared>>)
      tpu.yield
    }) : () -> ()
    %barrier3A = arith.constant 0 : index
    tpu.barrier barrier_id(%barrier3A)
    "tpu.region"() ({
      %run_scoped3A = tpu.sem_alloc : memref<!tpu.dma_semaphore, #tpu.memory_space<semaphore_mem>>
      %dma_start3A_149 = arith.constant 0 : i32
      %dma_start3A_150 = arith.constant 0 : i32
      %dma_start3A_151 = tpu.memref_slice %arg2[%add3A, %dma_start3A_149, %dma_start3A_150] : memref<32x125x80xi32, #tpu.memory_space<hbm>> -> memref<1x125x80xi32, #tpu.memory_space<hbm>>
      %dma_start3A_152 = tpu.memref_squeeze %dma_start3A_151 : memref<1x125x80xi32, #tpu.memory_space<hbm>> -> memref<125x80xi32, #tpu.memory_space<hbm>>
      %dma_start3A_153 = arith.constant 0 : i32
      %dma_start3A_154 = arith.constant 0 : i32
      %dma_start3A_155 = tpu.memref_slice %arg2[%add3A, %dma_start3A_153, %dma_start3A_154] : memref<32x125x80xi32, #tpu.memory_space<hbm>> -> memref<1x125x80xi32, #tpu.memory_space<hbm>>
      %dma_start3A_156 = tpu.memref_squeeze %dma_start3A_155 : memref<1x125x80xi32, #tpu.memory_space<hbm>> -> memref<125x80xi32, #tpu.memory_space<hbm>>
      tpu.enqueue_dma source(%dma_start3A_156 : memref<125x80xi32, #tpu.memory_space<hbm>>) target(%arg7 : memref<125x80xi32, #tpu.memory_space<vmem>>) target_semaphore(%run_scoped3A : memref<!tpu.dma_semaphore, #tpu.memory_space<semaphore_mem>>)
      %dma_wait3A_157 = arith.constant 0 : i32
      %dma_wait3A_158 = arith.constant 0 : i32
      %dma_wait3A_159 = tpu.memref_slice %arg2[%add3A, %dma_wait3A_157, %dma_wait3A_158] : memref<32x125x80xi32, #tpu.memory_space<hbm>> -> memref<1x125x80xi32, #tpu.memory_space<hbm>>
      %dma_wait3A_160 = tpu.memref_squeeze %dma_wait3A_159 : memref<1x125x80xi32, #tpu.memory_space<hbm>> -> memref<125x80xi32, #tpu.memory_space<hbm>>
      %dma_wait3A_161 = arith.constant 0 : i32
      %dma_wait3A_162 = arith.constant 0 : i32
      %dma_wait3A_163 = tpu.memref_slice %arg2[%add3A, %dma_wait3A_161, %dma_wait3A_162] : memref<32x125x80xi32, #tpu.memory_space<hbm>> -> memref<1x125x80xi32, #tpu.memory_space<hbm>>
      %dma_wait3A_164 = tpu.memref_squeeze %dma_wait3A_163 : memref<1x125x80xi32, #tpu.memory_space<hbm>> -> memref<125x80xi32, #tpu.memory_space<hbm>>
      tpu.wait_dma2 semaphore(%run_scoped3A : memref<!tpu.dma_semaphore, #tpu.memory_space<semaphore_mem>>) src(%dma_wait3A_164 : memref<125x80xi32, #tpu.memory_space<hbm>>) dst(%arg7 : memref<125x80xi32, #tpu.memory_space<vmem>>)
      tpu.yield
    }) : () -> ()
    %mul3A_3 = arith.constant 10000 : i32
    %mul3A_4 = arith.muli %add3A, %mul3A_3 : i32
    %add3A_5 = arith.constant 0 : i32
    %add3A_6 = arith.addi %mul3A_4, %add3A_5 : i32
    %dma_start3A = tpu.memref_slice %arg3[%add3A_6] : memref<320000xi32, #tpu.memory_space<hbm>> -> memref<80xi32, #tpu.memory_space<hbm>>
    %dma_start3A_7 = tpu.memref_slice %arg3[%add3A_6] : memref<320000xi32, #tpu.memory_space<hbm>> -> memref<80xi32, #tpu.memory_space<hbm>>
    tpu.enqueue_dma source(%dma_start3A_7 : memref<80xi32, #tpu.memory_space<hbm>>) target(%arg8 : memref<80xi32, #tpu.memory_space<vmem>>) target_semaphore(%arg18 : memref<!tpu.dma_semaphore, #tpu.memory_space<semaphore_mem>>)
    %dma_start3A_8 = arith.constant 0 : i32
    %dma_start3A_9 = arith.constant 0 : i32
    %dma_start3A_10 = tpu.memref_slice %arg7[%dma_start3A_8, %dma_start3A_9] : memref<125x80xi32, #tpu.memory_space<vmem>> -> memref<1x80xi32, #tpu.memory_space<vmem>>
    %dma_start3A_11 = tpu.memref_squeeze %dma_start3A_10 : memref<1x80xi32, #tpu.memory_space<vmem>> -> memref<80xi32, #tpu.memory_space<vmem>>
    %dma_start3A_12 = arith.constant 0 : i32
    %dma_start3A_13 = arith.constant 0 : i32
    %dma_start3A_14 = tpu.memref_slice %arg4[%dma_start3A_12, %dma_start3A_13] : memref<10000x128xf32, #tpu.memory_space<hbm>> -> memref<10000x128xf32, #tpu.memory_space<hbm>>
    tpu.enqueue_indirect_dma source(%dma_start3A_14 : memref<10000x128xf32, #tpu.memory_space<hbm>>) target(%arg11 : memref<80x128xf32, #tpu.memory_space<vmem>>) offsets(%dma_start3A_11 : memref<80xi32, #tpu.memory_space<vmem>>) semaphore(%arg15 : memref<!tpu.dma_semaphore, #tpu.memory_space<semaphore_mem>>)
    %add3A_15 = arith.constant 80 : i32
    %add3A_16 = arith.addi %mul3A_4, %add3A_15 : i32
    %dma_start3A_17 = tpu.memref_slice %arg3[%add3A_16] : memref<320000xi32, #tpu.memory_space<hbm>> -> memref<80xi32, #tpu.memory_space<hbm>>
    %dma_start3A_18 = tpu.memref_slice %arg3[%add3A_16] : memref<320000xi32, #tpu.memory_space<hbm>> -> memref<80xi32, #tpu.memory_space<hbm>>
    tpu.enqueue_dma source(%dma_start3A_18 : memref<80xi32, #tpu.memory_space<hbm>>) target(%arg9 : memref<80xi32, #tpu.memory_space<vmem>>) target_semaphore(%arg19 : memref<!tpu.dma_semaphore, #tpu.memory_space<semaphore_mem>>)
    %dma_start3A_19 = arith.constant 1 : i32
    %dma_start3A_20 = arith.constant 0 : i32
    %dma_start3A_21 = tpu.memref_slice %arg7[%dma_start3A_19, %dma_start3A_20] : memref<125x80xi32, #tpu.memory_space<vmem>> -> memref<1x80xi32, #tpu.memory_space<vmem>>
    %dma_start3A_22 = tpu.memref_squeeze %dma_start3A_21 : memref<1x80xi32, #tpu.memory_space<vmem>> -> memref<80xi32, #tpu.memory_space<vmem>>
    %dma_start3A_23 = arith.constant 0 : i32
    %dma_start3A_24 = arith.constant 0 : i32
    %dma_start3A_25 = tpu.memref_slice %arg4[%dma_start3A_23, %dma_start3A_24] : memref<10000x128xf32, #tpu.memory_space<hbm>> -> memref<10000x128xf32, #tpu.memory_space<hbm>>
    tpu.enqueue_indirect_dma source(%dma_start3A_25 : memref<10000x128xf32, #tpu.memory_space<hbm>>) target(%arg12 : memref<80x128xf32, #tpu.memory_space<vmem>>) offsets(%dma_start3A_22 : memref<80xi32, #tpu.memory_space<vmem>>) semaphore(%arg16 : memref<!tpu.dma_semaphore, #tpu.memory_space<semaphore_mem>>)
    %dma_wait3A = arith.constant 0 : i32
    %dma_wait3A_26 = arith.constant 0 : i32
    %dma_wait3A_27 = tpu.memref_slice %arg7[%dma_wait3A, %dma_wait3A_26] : memref<125x80xi32, #tpu.memory_space<vmem>> -> memref<1x80xi32, #tpu.memory_space<vmem>>
    %dma_wait3A_28 = tpu.memref_squeeze %dma_wait3A_27 : memref<1x80xi32, #tpu.memory_space<vmem>> -> memref<80xi32, #tpu.memory_space<vmem>>
    %dma_wait3A_29 = arith.constant 0 : i32
    %dma_wait3A_30 = arith.constant 0 : i32
    %dma_wait3A_31 = tpu.memref_slice %arg4[%dma_wait3A_29, %dma_wait3A_30] : memref<10000x128xf32, #tpu.memory_space<hbm>> -> memref<10000x128xf32, #tpu.memory_space<hbm>>
    tpu.wait_indirect_dma semaphore(%arg15 : memref<!tpu.dma_semaphore, #tpu.memory_space<semaphore_mem>>) src(%dma_wait3A_31 : memref<10000x128xf32, #tpu.memory_space<hbm>>) dst(%arg11 : memref<80x128xf32, #tpu.memory_space<vmem>>)
    %add3A_32 = arith.constant 0 : i32
    %add3A_33 = arith.addi %mul3A_4, %add3A_32 : i32
    %dma_wait3A_34 = tpu.memref_slice %arg3[%add3A_33] : memref<320000xi32, #tpu.memory_space<hbm>> -> memref<80xi32, #tpu.memory_space<hbm>>
    %dma_wait3A_35 = tpu.memref_slice %arg3[%add3A_33] : memref<320000xi32, #tpu.memory_space<hbm>> -> memref<80xi32, #tpu.memory_space<hbm>>
    tpu.wait_dma2 semaphore(%arg18 : memref<!tpu.dma_semaphore, #tpu.memory_space<semaphore_mem>>) src(%dma_wait3A_35 : memref<80xi32, #tpu.memory_space<hbm>>) dst(%arg8 : memref<80xi32, #tpu.memory_space<vmem>>)
    %dma_start3A_36 = arith.constant 0 : i32
    %dma_start3A_37 = arith.constant 0 : i32
    %dma_start3A_38 = tpu.memref_slice %arg14[%dma_start3A_36, %dma_start3A_37] : memref<10000x128xf32, #tpu.memory_space<vmem_shared>> -> memref<10000x128xf32, #tpu.memory_space<vmem_shared>>
    tpu.enqueue_indirect_dma source(%arg11 : memref<80x128xf32, #tpu.memory_space<vmem>>) target(%dma_start3A_38 : memref<10000x128xf32, #tpu.memory_space<vmem_shared>>) offsets(%arg8 : memref<80xi32, #tpu.memory_space<vmem>>) semaphore(%arg21 : memref<!tpu.dma_semaphore, #tpu.memory_space<semaphore_mem>>) {add = true}
    %add3A_39 = arith.constant 160 : i32
    %add3A_40 = arith.addi %mul3A_4, %add3A_39 : i32
    %dma_start3A_41 = tpu.memref_slice %arg3[%add3A_40] : memref<320000xi32, #tpu.memory_space<hbm>> -> memref<80xi32, #tpu.memory_space<hbm>>
    %dma_start3A_42 = tpu.memref_slice %arg3[%add3A_40] : memref<320000xi32, #tpu.memory_space<hbm>> -> memref<80xi32, #tpu.memory_space<hbm>>
    tpu.enqueue_dma source(%dma_start3A_42 : memref<80xi32, #tpu.memory_space<hbm>>) target(%arg10 : memref<80xi32, #tpu.memory_space<vmem>>) target_semaphore(%arg20 : memref<!tpu.dma_semaphore, #tpu.memory_space<semaphore_mem>>)
    %dma_start3A_43 = arith.constant 2 : i32
    %dma_start3A_44 = arith.constant 0 : i32
    %dma_start3A_45 = tpu.memref_slice %arg7[%dma_start3A_43, %dma_start3A_44] : memref<125x80xi32, #tpu.memory_space<vmem>> -> memref<1x80xi32, #tpu.memory_space<vmem>>
    %dma_start3A_46 = tpu.memref_squeeze %dma_start3A_45 : memref<1x80xi32, #tpu.memory_space<vmem>> -> memref<80xi32, #tpu.memory_space<vmem>>
    %dma_start3A_47 = arith.constant 0 : i32
    %dma_start3A_48 = arith.constant 0 : i32
    %dma_start3A_49 = tpu.memref_slice %arg4[%dma_start3A_47, %dma_start3A_48] : memref<10000x128xf32, #tpu.memory_space<hbm>> -> memref<10000x128xf32, #tpu.memory_space<hbm>>
    tpu.enqueue_indirect_dma source(%dma_start3A_49 : memref<10000x128xf32, #tpu.memory_space<hbm>>) target(%arg13 : memref<80x128xf32, #tpu.memory_space<vmem>>) offsets(%dma_start3A_46 : memref<80xi32, #tpu.memory_space<vmem>>) semaphore(%arg17 : memref<!tpu.dma_semaphore, #tpu.memory_space<semaphore_mem>>)
    %dma_wait3A_50 = arith.constant 1 : i32
    %dma_wait3A_51 = arith.constant 0 : i32
    %dma_wait3A_52 = tpu.memref_slice %arg7[%dma_wait3A_50, %dma_wait3A_51] : memref<125x80xi32, #tpu.memory_space<vmem>> -> memref<1x80xi32, #tpu.memory_space<vmem>>
    %dma_wait3A_53 = tpu.memref_squeeze %dma_wait3A_52 : memref<1x80xi32, #tpu.memory_space<vmem>> -> memref<80xi32, #tpu.memory_space<vmem>>
    %dma_wait3A_54 = arith.constant 0 : i32
    %dma_wait3A_55 = arith.constant 0 : i32
    %dma_wait3A_56 = tpu.memref_slice %arg4[%dma_wait3A_54, %dma_wait3A_55] : memref<10000x128xf32, #tpu.memory_space<hbm>> -> memref<10000x128xf32, #tpu.memory_space<hbm>>
    tpu.wait_indirect_dma semaphore(%arg16 : memref<!tpu.dma_semaphore, #tpu.memory_space<semaphore_mem>>) src(%dma_wait3A_56 : memref<10000x128xf32, #tpu.memory_space<hbm>>) dst(%arg12 : memref<80x128xf32, #tpu.memory_space<vmem>>)
    %add3A_57 = arith.constant 80 : i32
    %add3A_58 = arith.addi %mul3A_4, %add3A_57 : i32
    %dma_wait3A_59 = tpu.memref_slice %arg3[%add3A_58] : memref<320000xi32, #tpu.memory_space<hbm>> -> memref<80xi32, #tpu.memory_space<hbm>>
    %dma_wait3A_60 = tpu.memref_slice %arg3[%add3A_58] : memref<320000xi32, #tpu.memory_space<hbm>> -> memref<80xi32, #tpu.memory_space<hbm>>
    tpu.wait_dma2 semaphore(%arg19 : memref<!tpu.dma_semaphore, #tpu.memory_space<semaphore_mem>>) src(%dma_wait3A_60 : memref<80xi32, #tpu.memory_space<hbm>>) dst(%arg9 : memref<80xi32, #tpu.memory_space<vmem>>)
    %dma_start3A_61 = arith.constant 0 : i32
    %dma_start3A_62 = arith.constant 0 : i32
    %dma_start3A_63 = tpu.memref_slice %arg14[%dma_start3A_61, %dma_start3A_62] : memref<10000x128xf32, #tpu.memory_space<vmem_shared>> -> memref<10000x128xf32, #tpu.memory_space<vmem_shared>>
    tpu.enqueue_indirect_dma source(%arg12 : memref<80x128xf32, #tpu.memory_space<vmem>>) target(%dma_start3A_63 : memref<10000x128xf32, #tpu.memory_space<vmem_shared>>) offsets(%arg9 : memref<80xi32, #tpu.memory_space<vmem>>) semaphore(%arg22 : memref<!tpu.dma_semaphore, #tpu.memory_space<semaphore_mem>>) {add = true}
    %dma_wait3A_64 = arith.constant 0 : i32
    %dma_wait3A_65 = arith.constant 0 : i32
    %dma_wait3A_66 = tpu.memref_slice %arg14[%dma_wait3A_64, %dma_wait3A_65] : memref<10000x128xf32, #tpu.memory_space<vmem_shared>> -> memref<10000x128xf32, #tpu.memory_space<vmem_shared>>
    tpu.wait_indirect_dma semaphore(%arg21 : memref<!tpu.dma_semaphore, #tpu.memory_space<semaphore_mem>>) src(%arg11 : memref<80x128xf32, #tpu.memory_space<vmem>>) dst(%dma_wait3A_66 : memref<10000x128xf32, #tpu.memory_space<vmem_shared>>)
    %add3A_67 = arith.constant 240 : i32
    %add3A_68 = arith.addi %mul3A_4, %add3A_67 : i32
    %dma_start3A_69 = tpu.memref_slice %arg3[%add3A_68] : memref<320000xi32, #tpu.memory_space<hbm>> -> memref<80xi32, #tpu.memory_space<hbm>>
    %dma_start3A_70 = tpu.memref_slice %arg3[%add3A_68] : memref<320000xi32, #tpu.memory_space<hbm>> -> memref<80xi32, #tpu.memory_space<hbm>>
    tpu.enqueue_dma source(%dma_start3A_70 : memref<80xi32, #tpu.memory_space<hbm>>) target(%arg8 : memref<80xi32, #tpu.memory_space<vmem>>) target_semaphore(%arg18 : memref<!tpu.dma_semaphore, #tpu.memory_space<semaphore_mem>>)
    %dma_start3A_71 = arith.constant 3 : i32
    %dma_start3A_72 = arith.constant 0 : i32
    %dma_start3A_73 = tpu.memref_slice %arg7[%dma_start3A_71, %dma_start3A_72] : memref<125x80xi32, #tpu.memory_space<vmem>> -> memref<1x80xi32, #tpu.memory_space<vmem>>
    %dma_start3A_74 = tpu.memref_squeeze %dma_start3A_73 : memref<1x80xi32, #tpu.memory_space<vmem>> -> memref<80xi32, #tpu.memory_space<vmem>>
    %dma_start3A_75 = arith.constant 0 : i32
    %dma_start3A_76 = arith.constant 0 : i32
    %dma_start3A_77 = tpu.memref_slice %arg4[%dma_start3A_75, %dma_start3A_76] : memref<10000x128xf32, #tpu.memory_space<hbm>> -> memref<10000x128xf32, #tpu.memory_space<hbm>>
    tpu.enqueue_indirect_dma source(%dma_start3A_77 : memref<10000x128xf32, #tpu.memory_space<hbm>>) target(%arg11 : memref<80x128xf32, #tpu.memory_space<vmem>>) offsets(%dma_start3A_74 : memref<80xi32, #tpu.memory_space<vmem>>) semaphore(%arg15 : memref<!tpu.dma_semaphore, #tpu.memory_space<semaphore_mem>>)
    %scan3A = arith.constant 0 : i32
    %scan3A_78 = arith.constant 0 : i32
    %scan3A_79 = arith.constant 40 : i32
    %scan3A_80 = arith.addi %scan3A_78, %scan3A_79 : i32
    %scan3A_81 = arith.constant 1 : i32
    scf.for %scan3A_149 = %scan3A_78 to %scan3A_80 step %scan3A_81  : i32 {
      %mul3A_150 = arith.constant 3 : i32
      %mul3A_151 = arith.muli %mul3A_150, %scan3A_149 : i32
      %add3A_152 = arith.constant 2 : i32
      %add3A_153 = arith.addi %mul3A_151, %add3A_152 : i32
      %add3A_154 = arith.constant 0 : i32
      %add3A_155 = arith.addi %add3A_153, %add3A_154 : i32
      %dma_wait3A_156 = arith.constant 0 : i32
      %dma_wait3A_157 = tpu.memref_slice %arg7[%add3A_155, %dma_wait3A_156] : memref<125x80xi32, #tpu.memory_space<vmem>> -> memref<1x80xi32, #tpu.memory_space<vmem>>
      %dma_wait3A_158 = tpu.memref_squeeze %dma_wait3A_157 : memref<1x80xi32, #tpu.memory_space<vmem>> -> memref<80xi32, #tpu.memory_space<vmem>>
      %dma_wait3A_159 = arith.constant 0 : i32
      %dma_wait3A_160 = arith.constant 0 : i32
      %dma_wait3A_161 = tpu.memref_slice %arg4[%dma_wait3A_159, %dma_wait3A_160] : memref<10000x128xf32, #tpu.memory_space<hbm>> -> memref<10000x128xf32, #tpu.memory_space<hbm>>
      tpu.wait_indirect_dma semaphore(%arg17 : memref<!tpu.dma_semaphore, #tpu.memory_space<semaphore_mem>>) src(%dma_wait3A_161 : memref<10000x128xf32, #tpu.memory_space<hbm>>) dst(%arg13 : memref<80x128xf32, #tpu.memory_space<vmem>>)
      %mul3A_162 = arith.constant 80 : i32
      %mul3A_163 = arith.muli %add3A_155, %mul3A_162 : i32
      %add3A_164 = arith.addi %mul3A_4, %mul3A_163 : i32
      %dma_wait3A_165 = tpu.memref_slice %arg3[%add3A_164] : memref<320000xi32, #tpu.memory_space<hbm>> -> memref<80xi32, #tpu.memory_space<hbm>>
      %dma_wait3A_166 = tpu.memref_slice %arg3[%add3A_164] : memref<320000xi32, #tpu.memory_space<hbm>> -> memref<80xi32, #tpu.memory_space<hbm>>
      tpu.wait_dma2 semaphore(%arg20 : memref<!tpu.dma_semaphore, #tpu.memory_space<semaphore_mem>>) src(%dma_wait3A_166 : memref<80xi32, #tpu.memory_space<hbm>>) dst(%arg10 : memref<80xi32, #tpu.memory_space<vmem>>)
      %dma_start3A_167 = arith.constant 0 : i32
      %dma_start3A_168 = arith.constant 0 : i32
      %dma_start3A_169 = tpu.memref_slice %arg14[%dma_start3A_167, %dma_start3A_168] : memref<10000x128xf32, #tpu.memory_space<vmem_shared>> -> memref<10000x128xf32, #tpu.memory_space<vmem_shared>>
      tpu.enqueue_indirect_dma source(%arg13 : memref<80x128xf32, #tpu.memory_space<vmem>>) target(%dma_start3A_169 : memref<10000x128xf32, #tpu.memory_space<vmem_shared>>) offsets(%arg10 : memref<80xi32, #tpu.memory_space<vmem>>) semaphore(%arg23 : memref<!tpu.dma_semaphore, #tpu.memory_space<semaphore_mem>>) {add = true}
      %dma_wait3A_170 = arith.constant 0 : i32
      %dma_wait3A_171 = arith.constant 0 : i32
      %dma_wait3A_172 = tpu.memref_slice %arg14[%dma_wait3A_170, %dma_wait3A_171] : memref<10000x128xf32, #tpu.memory_space<vmem_shared>> -> memref<10000x128xf32, #tpu.memory_space<vmem_shared>>
      tpu.wait_indirect_dma semaphore(%arg22 : memref<!tpu.dma_semaphore, #tpu.memory_space<semaphore_mem>>) src(%arg12 : memref<80x128xf32, #tpu.memory_space<vmem>>) dst(%dma_wait3A_172 : memref<10000x128xf32, #tpu.memory_space<vmem_shared>>)
      %add3A_173 = arith.constant 2 : i32
      %add3A_174 = arith.addi %add3A_155, %add3A_173 : i32
      %mul3A_175 = arith.constant 80 : i32
      %mul3A_176 = arith.muli %add3A_174, %mul3A_175 : i32
      %add3A_177 = arith.addi %mul3A_4, %mul3A_176 : i32
      %dma_start3A_178 = tpu.memref_slice %arg3[%add3A_177] : memref<320000xi32, #tpu.memory_space<hbm>> -> memref<80xi32, #tpu.memory_space<hbm>>
      %dma_start3A_179 = tpu.memref_slice %arg3[%add3A_177] : memref<320000xi32, #tpu.memory_space<hbm>> -> memref<80xi32, #tpu.memory_space<hbm>>
      tpu.enqueue_dma source(%dma_start3A_179 : memref<80xi32, #tpu.memory_space<hbm>>) target(%arg9 : memref<80xi32, #tpu.memory_space<vmem>>) target_semaphore(%arg19 : memref<!tpu.dma_semaphore, #tpu.memory_space<semaphore_mem>>)
      %add3A_180 = arith.constant 2 : i32
      %add3A_181 = arith.addi %add3A_155, %add3A_180 : i32
      %dma_start3A_182 = arith.constant 0 : i32
      %dma_start3A_183 = tpu.memref_slice %arg7[%add3A_181, %dma_start3A_182] : memref<125x80xi32, #tpu.memory_space<vmem>> -> memref<1x80xi32, #tpu.memory_space<vmem>>
      %dma_start3A_184 = tpu.memref_squeeze %dma_start3A_183 : memref<1x80xi32, #tpu.memory_space<vmem>> -> memref<80xi32, #tpu.memory_space<vmem>>
      %dma_start3A_185 = arith.constant 0 : i32
      %dma_start3A_186 = arith.constant 0 : i32
      %dma_start3A_187 = tpu.memref_slice %arg4[%dma_start3A_185, %dma_start3A_186] : memref<10000x128xf32, #tpu.memory_space<hbm>> -> memref<10000x128xf32, #tpu.memory_space<hbm>>
      tpu.enqueue_indirect_dma source(%dma_start3A_187 : memref<10000x128xf32, #tpu.memory_space<hbm>>) target(%arg12 : memref<80x128xf32, #tpu.memory_space<vmem>>) offsets(%dma_start3A_184 : memref<80xi32, #tpu.memory_space<vmem>>) semaphore(%arg16 : memref<!tpu.dma_semaphore, #tpu.memory_space<semaphore_mem>>)
      %add3A_188 = arith.constant 1 : i32
      %add3A_189 = arith.addi %add3A_153, %add3A_188 : i32
      %dma_wait3A_190 = arith.constant 0 : i32
      %dma_wait3A_191 = tpu.memref_slice %arg7[%add3A_189, %dma_wait3A_190] : memref<125x80xi32, #tpu.memory_space<vmem>> -> memref<1x80xi32, #tpu.memory_space<vmem>>
      %dma_wait3A_192 = tpu.memref_squeeze %dma_wait3A_191 : memref<1x80xi32, #tpu.memory_space<vmem>> -> memref<80xi32, #tpu.memory_space<vmem>>
      %dma_wait3A_193 = arith.constant 0 : i32
      %dma_wait3A_194 = arith.constant 0 : i32
      %dma_wait3A_195 = tpu.memref_slice %arg4[%dma_wait3A_193, %dma_wait3A_194] : memref<10000x128xf32, #tpu.memory_space<hbm>> -> memref<10000x128xf32, #tpu.memory_space<hbm>>
      tpu.wait_indirect_dma semaphore(%arg15 : memref<!tpu.dma_semaphore, #tpu.memory_space<semaphore_mem>>) src(%dma_wait3A_195 : memref<10000x128xf32, #tpu.memory_space<hbm>>) dst(%arg11 : memref<80x128xf32, #tpu.memory_space<vmem>>)
      %mul3A_196 = arith.constant 80 : i32
      %mul3A_197 = arith.muli %add3A_189, %mul3A_196 : i32
      %add3A_198 = arith.addi %mul3A_4, %mul3A_197 : i32
      %dma_wait3A_199 = tpu.memref_slice %arg3[%add3A_198] : memref<320000xi32, #tpu.memory_space<hbm>> -> memref<80xi32, #tpu.memory_space<hbm>>
      %dma_wait3A_200 = tpu.memref_slice %arg3[%add3A_198] : memref<320000xi32, #tpu.memory_space<hbm>> -> memref<80xi32, #tpu.memory_space<hbm>>
      tpu.wait_dma2 semaphore(%arg18 : memref<!tpu.dma_semaphore, #tpu.memory_space<semaphore_mem>>) src(%dma_wait3A_200 : memref<80xi32, #tpu.memory_space<hbm>>) dst(%arg8 : memref<80xi32, #tpu.memory_space<vmem>>)
      %dma_start3A_201 = arith.constant 0 : i32
      %dma_start3A_202 = arith.constant 0 : i32
      %dma_start3A_203 = tpu.memref_slice %arg14[%dma_start3A_201, %dma_start3A_202] : memref<10000x128xf32, #tpu.memory_space<vmem_shared>> -> memref<10000x128xf32, #tpu.memory_space<vmem_shared>>
      tpu.enqueue_indirect_dma source(%arg11 : memref<80x128xf32, #tpu.memory_space<vmem>>) target(%dma_start3A_203 : memref<10000x128xf32, #tpu.memory_space<vmem_shared>>) offsets(%arg8 : memref<80xi32, #tpu.memory_space<vmem>>) semaphore(%arg21 : memref<!tpu.dma_semaphore, #tpu.memory_space<semaphore_mem>>) {add = true}
      %dma_wait3A_204 = arith.constant 0 : i32
      %dma_wait3A_205 = arith.constant 0 : i32
      %dma_wait3A_206 = tpu.memref_slice %arg14[%dma_wait3A_204, %dma_wait3A_205] : memref<10000x128xf32, #tpu.memory_space<vmem_shared>> -> memref<10000x128xf32, #tpu.memory_space<vmem_shared>>
      tpu.wait_indirect_dma semaphore(%arg23 : memref<!tpu.dma_semaphore, #tpu.memory_space<semaphore_mem>>) src(%arg13 : memref<80x128xf32, #tpu.memory_space<vmem>>) dst(%dma_wait3A_206 : memref<10000x128xf32, #tpu.memory_space<vmem_shared>>)
      %add3A_207 = arith.constant 2 : i32
      %add3A_208 = arith.addi %add3A_189, %add3A_207 : i32
      %mul3A_209 = arith.constant 80 : i32
      %mul3A_210 = arith.muli %add3A_208, %mul3A_209 : i32
      %add3A_211 = arith.addi %mul3A_4, %mul3A_210 : i32
      %dma_start3A_212 = tpu.memref_slice %arg3[%add3A_211] : memref<320000xi32, #tpu.memory_space<hbm>> -> memref<80xi32, #tpu.memory_space<hbm>>
      %dma_start3A_213 = tpu.memref_slice %arg3[%add3A_211] : memref<320000xi32, #tpu.memory_space<hbm>> -> memref<80xi32, #tpu.memory_space<hbm>>
      tpu.enqueue_dma source(%dma_start3A_213 : memref<80xi32, #tpu.memory_space<hbm>>) target(%arg10 : memref<80xi32, #tpu.memory_space<vmem>>) target_semaphore(%arg20 : memref<!tpu.dma_semaphore, #tpu.memory_space<semaphore_mem>>)
      %add3A_214 = arith.constant 2 : i32
      %add3A_215 = arith.addi %add3A_189, %add3A_214 : i32
      %dma_start3A_216 = arith.constant 0 : i32
      %dma_start3A_217 = tpu.memref_slice %arg7[%add3A_215, %dma_start3A_216] : memref<125x80xi32, #tpu.memory_space<vmem>> -> memref<1x80xi32, #tpu.memory_space<vmem>>
      %dma_start3A_218 = tpu.memref_squeeze %dma_start3A_217 : memref<1x80xi32, #tpu.memory_space<vmem>> -> memref<80xi32, #tpu.memory_space<vmem>>
      %dma_start3A_219 = arith.constant 0 : i32
      %dma_start3A_220 = arith.constant 0 : i32
      %dma_start3A_221 = tpu.memref_slice %arg4[%dma_start3A_219, %dma_start3A_220] : memref<10000x128xf32, #tpu.memory_space<hbm>> -> memref<10000x128xf32, #tpu.memory_space<hbm>>
      tpu.enqueue_indirect_dma source(%dma_start3A_221 : memref<10000x128xf32, #tpu.memory_space<hbm>>) target(%arg13 : memref<80x128xf32, #tpu.memory_space<vmem>>) offsets(%dma_start3A_218 : memref<80xi32, #tpu.memory_space<vmem>>) semaphore(%arg17 : memref<!tpu.dma_semaphore, #tpu.memory_space<semaphore_mem>>)
      %add3A_222 = arith.constant 2 : i32
      %add3A_223 = arith.addi %add3A_153, %add3A_222 : i32
      %dma_wait3A_224 = arith.constant 0 : i32
      %dma_wait3A_225 = tpu.memref_slice %arg7[%add3A_223, %dma_wait3A_224] : memref<125x80xi32, #tpu.memory_space<vmem>> -> memref<1x80xi32, #tpu.memory_space<vmem>>
      %dma_wait3A_226 = tpu.memref_squeeze %dma_wait3A_225 : memref<1x80xi32, #tpu.memory_space<vmem>> -> memref<80xi32, #tpu.memory_space<vmem>>
      %dma_wait3A_227 = arith.constant 0 : i32
      %dma_wait3A_228 = arith.constant 0 : i32
      %dma_wait3A_229 = tpu.memref_slice %arg4[%dma_wait3A_227, %dma_wait3A_228] : memref<10000x128xf32, #tpu.memory_space<hbm>> -> memref<10000x128xf32, #tpu.memory_space<hbm>>
      tpu.wait_indirect_dma semaphore(%arg16 : memref<!tpu.dma_semaphore, #tpu.memory_space<semaphore_mem>>) src(%dma_wait3A_229 : memref<10000x128xf32, #tpu.memory_space<hbm>>) dst(%arg12 : memref<80x128xf32, #tpu.memory_space<vmem>>)
      %mul3A_230 = arith.constant 80 : i32
      %mul3A_231 = arith.muli %add3A_223, %mul3A_230 : i32
      %add3A_232 = arith.addi %mul3A_4, %mul3A_231 : i32
      %dma_wait3A_233 = tpu.memref_slice %arg3[%add3A_232] : memref<320000xi32, #tpu.memory_space<hbm>> -> memref<80xi32, #tpu.memory_space<hbm>>
      %dma_wait3A_234 = tpu.memref_slice %arg3[%add3A_232] : memref<320000xi32, #tpu.memory_space<hbm>> -> memref<80xi32, #tpu.memory_space<hbm>>
      tpu.wait_dma2 semaphore(%arg19 : memref<!tpu.dma_semaphore, #tpu.memory_space<semaphore_mem>>) src(%dma_wait3A_234 : memref<80xi32, #tpu.memory_space<hbm>>) dst(%arg9 : memref<80xi32, #tpu.memory_space<vmem>>)
      %dma_start3A_235 = arith.constant 0 : i32
      %dma_start3A_236 = arith.constant 0 : i32
      %dma_start3A_237 = tpu.memref_slice %arg14[%dma_start3A_235, %dma_start3A_236] : memref<10000x128xf32, #tpu.memory_space<vmem_shared>> -> memref<10000x128xf32, #tpu.memory_space<vmem_shared>>
      tpu.enqueue_indirect_dma source(%arg12 : memref<80x128xf32, #tpu.memory_space<vmem>>) target(%dma_start3A_237 : memref<10000x128xf32, #tpu.memory_space<vmem_shared>>) offsets(%arg9 : memref<80xi32, #tpu.memory_space<vmem>>) semaphore(%arg22 : memref<!tpu.dma_semaphore, #tpu.memory_space<semaphore_mem>>) {add = true}
      %dma_wait3A_238 = arith.constant 0 : i32
      %dma_wait3A_239 = arith.constant 0 : i32
      %dma_wait3A_240 = tpu.memref_slice %arg14[%dma_wait3A_238, %dma_wait3A_239] : memref<10000x128xf32, #tpu.memory_space<vmem_shared>> -> memref<10000x128xf32, #tpu.memory_space<vmem_shared>>
      tpu.wait_indirect_dma semaphore(%arg21 : memref<!tpu.dma_semaphore, #tpu.memory_space<semaphore_mem>>) src(%arg11 : memref<80x128xf32, #tpu.memory_space<vmem>>) dst(%dma_wait3A_240 : memref<10000x128xf32, #tpu.memory_space<vmem_shared>>)
      %add3A_241 = arith.constant 2 : i32
      %add3A_242 = arith.addi %add3A_223, %add3A_241 : i32
      %mul3A_243 = arith.constant 80 : i32
      %mul3A_244 = arith.muli %add3A_242, %mul3A_243 : i32
      %add3A_245 = arith.addi %mul3A_4, %mul3A_244 : i32
      %dma_start3A_246 = tpu.memref_slice %arg3[%add3A_245] : memref<320000xi32, #tpu.memory_space<hbm>> -> memref<80xi32, #tpu.memory_space<hbm>>
      %dma_start3A_247 = tpu.memref_slice %arg3[%add3A_245] : memref<320000xi32, #tpu.memory_space<hbm>> -> memref<80xi32, #tpu.memory_space<hbm>>
      tpu.enqueue_dma source(%dma_start3A_247 : memref<80xi32, #tpu.memory_space<hbm>>) target(%arg8 : memref<80xi32, #tpu.memory_space<vmem>>) target_semaphore(%arg18 : memref<!tpu.dma_semaphore, #tpu.memory_space<semaphore_mem>>)
      %add3A_248 = arith.constant 2 : i32
      %add3A_249 = arith.addi %add3A_223, %add3A_248 : i32
      %dma_start3A_250 = arith.constant 0 : i32
      %dma_start3A_251 = tpu.memref_slice %arg7[%add3A_249, %dma_start3A_250] : memref<125x80xi32, #tpu.memory_space<vmem>> -> memref<1x80xi32, #tpu.memory_space<vmem>>
      %dma_start3A_252 = tpu.memref_squeeze %dma_start3A_251 : memref<1x80xi32, #tpu.memory_space<vmem>> -> memref<80xi32, #tpu.memory_space<vmem>>
      %dma_start3A_253 = arith.constant 0 : i32
      %dma_start3A_254 = arith.constant 0 : i32
      %dma_start3A_255 = tpu.memref_slice %arg4[%dma_start3A_253, %dma_start3A_254] : memref<10000x128xf32, #tpu.memory_space<hbm>> -> memref<10000x128xf32, #tpu.memory_space<hbm>>
      tpu.enqueue_indirect_dma source(%dma_start3A_255 : memref<10000x128xf32, #tpu.memory_space<hbm>>) target(%arg11 : memref<80x128xf32, #tpu.memory_space<vmem>>) offsets(%dma_start3A_252 : memref<80xi32, #tpu.memory_space<vmem>>) semaphore(%arg15 : memref<!tpu.dma_semaphore, #tpu.memory_space<semaphore_mem>>)
    }
    %scan3A_82 = arith.constant 40 : i32
    %dma_wait3A_83 = arith.constant 122 : i32
    %dma_wait3A_84 = arith.constant 0 : i32
    %dma_wait3A_85 = tpu.memref_slice %arg7[%dma_wait3A_83, %dma_wait3A_84] : memref<125x80xi32, #tpu.memory_space<vmem>> -> memref<1x80xi32, #tpu.memory_space<vmem>>
    %dma_wait3A_86 = tpu.memref_squeeze %dma_wait3A_85 : memref<1x80xi32, #tpu.memory_space<vmem>> -> memref<80xi32, #tpu.memory_space<vmem>>
    %dma_wait3A_87 = arith.constant 0 : i32
    %dma_wait3A_88 = arith.constant 0 : i32
    %dma_wait3A_89 = tpu.memref_slice %arg4[%dma_wait3A_87, %dma_wait3A_88] : memref<10000x128xf32, #tpu.memory_space<hbm>> -> memref<10000x128xf32, #tpu.memory_space<hbm>>
    tpu.wait_indirect_dma semaphore(%arg17 : memref<!tpu.dma_semaphore, #tpu.memory_space<semaphore_mem>>) src(%dma_wait3A_89 : memref<10000x128xf32, #tpu.memory_space<hbm>>) dst(%arg13 : memref<80x128xf32, #tpu.memory_space<vmem>>)
    %add3A_90 = arith.constant 9760 : i32
    %add3A_91 = arith.addi %mul3A_4, %add3A_90 : i32
    %dma_wait3A_92 = tpu.memref_slice %arg3[%add3A_91] : memref<320000xi32, #tpu.memory_space<hbm>> -> memref<80xi32, #tpu.memory_space<hbm>>
    %dma_wait3A_93 = tpu.memref_slice %arg3[%add3A_91] : memref<320000xi32, #tpu.memory_space<hbm>> -> memref<80xi32, #tpu.memory_space<hbm>>
    tpu.wait_dma2 semaphore(%arg20 : memref<!tpu.dma_semaphore, #tpu.memory_space<semaphore_mem>>) src(%dma_wait3A_93 : memref<80xi32, #tpu.memory_space<hbm>>) dst(%arg10 : memref<80xi32, #tpu.memory_space<vmem>>)
    %dma_start3A_94 = arith.constant 0 : i32
    %dma_start3A_95 = arith.constant 0 : i32
    %dma_start3A_96 = tpu.memref_slice %arg14[%dma_start3A_94, %dma_start3A_95] : memref<10000x128xf32, #tpu.memory_space<vmem_shared>> -> memref<10000x128xf32, #tpu.memory_space<vmem_shared>>
    tpu.enqueue_indirect_dma source(%arg13 : memref<80x128xf32, #tpu.memory_space<vmem>>) target(%dma_start3A_96 : memref<10000x128xf32, #tpu.memory_space<vmem_shared>>) offsets(%arg10 : memref<80xi32, #tpu.memory_space<vmem>>) semaphore(%arg23 : memref<!tpu.dma_semaphore, #tpu.memory_space<semaphore_mem>>) {add = true}
    %dma_wait3A_97 = arith.constant 0 : i32
    %dma_wait3A_98 = arith.constant 0 : i32
    %dma_wait3A_99 = tpu.memref_slice %arg14[%dma_wait3A_97, %dma_wait3A_98] : memref<10000x128xf32, #tpu.memory_space<vmem_shared>> -> memref<10000x128xf32, #tpu.memory_space<vmem_shared>>
    tpu.wait_indirect_dma semaphore(%arg22 : memref<!tpu.dma_semaphore, #tpu.memory_space<semaphore_mem>>) src(%arg12 : memref<80x128xf32, #tpu.memory_space<vmem>>) dst(%dma_wait3A_99 : memref<10000x128xf32, #tpu.memory_space<vmem_shared>>)
    %add3A_100 = arith.constant 9920 : i32
    %add3A_101 = arith.addi %mul3A_4, %add3A_100 : i32
    %dma_start3A_102 = tpu.memref_slice %arg3[%add3A_101] : memref<320000xi32, #tpu.memory_space<hbm>> -> memref<80xi32, #tpu.memory_space<hbm>>
    %dma_start3A_103 = tpu.memref_slice %arg3[%add3A_101] : memref<320000xi32, #tpu.memory_space<hbm>> -> memref<80xi32, #tpu.memory_space<hbm>>
    tpu.enqueue_dma source(%dma_start3A_103 : memref<80xi32, #tpu.memory_space<hbm>>) target(%arg9 : memref<80xi32, #tpu.memory_space<vmem>>) target_semaphore(%arg19 : memref<!tpu.dma_semaphore, #tpu.memory_space<semaphore_mem>>)
    %dma_start3A_104 = arith.constant 124 : i32
    %dma_start3A_105 = arith.constant 0 : i32
    %dma_start3A_106 = tpu.memref_slice %arg7[%dma_start3A_104, %dma_start3A_105] : memref<125x80xi32, #tpu.memory_space<vmem>> -> memref<1x80xi32, #tpu.memory_space<vmem>>
    %dma_start3A_107 = tpu.memref_squeeze %dma_start3A_106 : memref<1x80xi32, #tpu.memory_space<vmem>> -> memref<80xi32, #tpu.memory_space<vmem>>
    %dma_start3A_108 = arith.constant 0 : i32
    %dma_start3A_109 = arith.constant 0 : i32
    %dma_start3A_110 = tpu.memref_slice %arg4[%dma_start3A_108, %dma_start3A_109] : memref<10000x128xf32, #tpu.memory_space<hbm>> -> memref<10000x128xf32, #tpu.memory_space<hbm>>
    tpu.enqueue_indirect_dma source(%dma_start3A_110 : memref<10000x128xf32, #tpu.memory_space<hbm>>) target(%arg12 : memref<80x128xf32, #tpu.memory_space<vmem>>) offsets(%dma_start3A_107 : memref<80xi32, #tpu.memory_space<vmem>>) semaphore(%arg16 : memref<!tpu.dma_semaphore, #tpu.memory_space<semaphore_mem>>)
    %dma_wait3A_111 = arith.constant 123 : i32
    %dma_wait3A_112 = arith.constant 0 : i32
    %dma_wait3A_113 = tpu.memref_slice %arg7[%dma_wait3A_111, %dma_wait3A_112] : memref<125x80xi32, #tpu.memory_space<vmem>> -> memref<1x80xi32, #tpu.memory_space<vmem>>
    %dma_wait3A_114 = tpu.memref_squeeze %dma_wait3A_113 : memref<1x80xi32, #tpu.memory_space<vmem>> -> memref<80xi32, #tpu.memory_space<vmem>>
    %dma_wait3A_115 = arith.constant 0 : i32
    %dma_wait3A_116 = arith.constant 0 : i32
    %dma_wait3A_117 = tpu.memref_slice %arg4[%dma_wait3A_115, %dma_wait3A_116] : memref<10000x128xf32, #tpu.memory_space<hbm>> -> memref<10000x128xf32, #tpu.memory_space<hbm>>
    tpu.wait_indirect_dma semaphore(%arg15 : memref<!tpu.dma_semaphore, #tpu.memory_space<semaphore_mem>>) src(%dma_wait3A_117 : memref<10000x128xf32, #tpu.memory_space<hbm>>) dst(%arg11 : memref<80x128xf32, #tpu.memory_space<vmem>>)
    %add3A_118 = arith.constant 9840 : i32
    %add3A_119 = arith.addi %mul3A_4, %add3A_118 : i32
    %dma_wait3A_120 = tpu.memref_slice %arg3[%add3A_119] : memref<320000xi32, #tpu.memory_space<hbm>> -> memref<80xi32, #tpu.memory_space<hbm>>
    %dma_wait3A_121 = tpu.memref_slice %arg3[%add3A_119] : memref<320000xi32, #tpu.memory_space<hbm>> -> memref<80xi32, #tpu.memory_space<hbm>>
    tpu.wait_dma2 semaphore(%arg18 : memref<!tpu.dma_semaphore, #tpu.memory_space<semaphore_mem>>) src(%dma_wait3A_121 : memref<80xi32, #tpu.memory_space<hbm>>) dst(%arg8 : memref<80xi32, #tpu.memory_space<vmem>>)
    %dma_start3A_122 = arith.constant 0 : i32
    %dma_start3A_123 = arith.constant 0 : i32
    %dma_start3A_124 = tpu.memref_slice %arg14[%dma_start3A_122, %dma_start3A_123] : memref<10000x128xf32, #tpu.memory_space<vmem_shared>> -> memref<10000x128xf32, #tpu.memory_space<vmem_shared>>
    tpu.enqueue_indirect_dma source(%arg11 : memref<80x128xf32, #tpu.memory_space<vmem>>) target(%dma_start3A_124 : memref<10000x128xf32, #tpu.memory_space<vmem_shared>>) offsets(%arg8 : memref<80xi32, #tpu.memory_space<vmem>>) semaphore(%arg21 : memref<!tpu.dma_semaphore, #tpu.memory_space<semaphore_mem>>) {add = true}
    %dma_wait3A_125 = arith.constant 0 : i32
    %dma_wait3A_126 = arith.constant 0 : i32
    %dma_wait3A_127 = tpu.memref_slice %arg14[%dma_wait3A_125, %dma_wait3A_126] : memref<10000x128xf32, #tpu.memory_space<vmem_shared>> -> memref<10000x128xf32, #tpu.memory_space<vmem_shared>>
    tpu.wait_indirect_dma semaphore(%arg23 : memref<!tpu.dma_semaphore, #tpu.memory_space<semaphore_mem>>) src(%arg13 : memref<80x128xf32, #tpu.memory_space<vmem>>) dst(%dma_wait3A_127 : memref<10000x128xf32, #tpu.memory_space<vmem_shared>>)
    %dma_wait3A_128 = arith.constant 124 : i32
    %dma_wait3A_129 = arith.constant 0 : i32
    %dma_wait3A_130 = tpu.memref_slice %arg7[%dma_wait3A_128, %dma_wait3A_129] : memref<125x80xi32, #tpu.memory_space<vmem>> -> memref<1x80xi32, #tpu.memory_space<vmem>>
    %dma_wait3A_131 = tpu.memref_squeeze %dma_wait3A_130 : memref<1x80xi32, #tpu.memory_space<vmem>> -> memref<80xi32, #tpu.memory_space<vmem>>
    %dma_wait3A_132 = arith.constant 0 : i32
    %dma_wait3A_133 = arith.constant 0 : i32
    %dma_wait3A_134 = tpu.memref_slice %arg4[%dma_wait3A_132, %dma_wait3A_133] : memref<10000x128xf32, #tpu.memory_space<hbm>> -> memref<10000x128xf32, #tpu.memory_space<hbm>>
    tpu.wait_indirect_dma semaphore(%arg16 : memref<!tpu.dma_semaphore, #tpu.memory_space<semaphore_mem>>) src(%dma_wait3A_134 : memref<10000x128xf32, #tpu.memory_space<hbm>>) dst(%arg12 : memref<80x128xf32, #tpu.memory_space<vmem>>)
    %add3A_135 = arith.constant 9920 : i32
    %add3A_136 = arith.addi %mul3A_4, %add3A_135 : i32
    %dma_wait3A_137 = tpu.memref_slice %arg3[%add3A_136] : memref<320000xi32, #tpu.memory_space<hbm>> -> memref<80xi32, #tpu.memory_space<hbm>>
    %dma_wait3A_138 = tpu.memref_slice %arg3[%add3A_136] : memref<320000xi32, #tpu.memory_space<hbm>> -> memref<80xi32, #tpu.memory_space<hbm>>
    tpu.wait_dma2 semaphore(%arg19 : memref<!tpu.dma_semaphore, #tpu.memory_space<semaphore_mem>>) src(%dma_wait3A_138 : memref<80xi32, #tpu.memory_space<hbm>>) dst(%arg9 : memref<80xi32, #tpu.memory_space<vmem>>)
    %dma_start3A_139 = arith.constant 0 : i32
    %dma_start3A_140 = arith.constant 0 : i32
    %dma_start3A_141 = tpu.memref_slice %arg14[%dma_start3A_139, %dma_start3A_140] : memref<10000x128xf32, #tpu.memory_space<vmem_shared>> -> memref<10000x128xf32, #tpu.memory_space<vmem_shared>>
    tpu.enqueue_indirect_dma source(%arg12 : memref<80x128xf32, #tpu.memory_space<vmem>>) target(%dma_start3A_141 : memref<10000x128xf32, #tpu.memory_space<vmem_shared>>) offsets(%arg9 : memref<80xi32, #tpu.memory_space<vmem>>) semaphore(%arg22 : memref<!tpu.dma_semaphore, #tpu.memory_space<semaphore_mem>>) {add = true}
    %dma_wait3A_142 = arith.constant 0 : i32
    %dma_wait3A_143 = arith.constant 0 : i32
    %dma_wait3A_144 = tpu.memref_slice %arg14[%dma_wait3A_142, %dma_wait3A_143] : memref<10000x128xf32, #tpu.memory_space<vmem_shared>> -> memref<10000x128xf32, #tpu.memory_space<vmem_shared>>
    tpu.wait_indirect_dma semaphore(%arg21 : memref<!tpu.dma_semaphore, #tpu.memory_space<semaphore_mem>>) src(%arg11 : memref<80x128xf32, #tpu.memory_space<vmem>>) dst(%dma_wait3A_144 : memref<10000x128xf32, #tpu.memory_space<vmem_shared>>)
    %dma_wait3A_145 = arith.constant 0 : i32
    %dma_wait3A_146 = arith.constant 0 : i32
    %dma_wait3A_147 = tpu.memref_slice %arg14[%dma_wait3A_145, %dma_wait3A_146] : memref<10000x128xf32, #tpu.memory_space<vmem_shared>> -> memref<10000x128xf32, #tpu.memory_space<vmem_shared>>
    tpu.wait_indirect_dma semaphore(%arg22 : memref<!tpu.dma_semaphore, #tpu.memory_space<semaphore_mem>>) src(%arg12 : memref<80x128xf32, #tpu.memory_space<vmem>>) dst(%dma_wait3A_147 : memref<10000x128xf32, #tpu.memory_space<vmem_shared>>)
    %barrier3A_148 = arith.constant 0 : index
    tpu.barrier barrier_id(%barrier3A_148)
    "tpu.region"() ({
      %run_scoped3A = tpu.sem_alloc : memref<!tpu.dma_semaphore, #tpu.memory_space<semaphore_mem>>
      %dma_start3A_149 = arith.constant 0 : i32
      %dma_start3A_150 = arith.constant 0 : i32
      %dma_start3A_151 = tpu.memref_slice %arg6[%arg0, %dma_start3A_149, %dma_start3A_150] : memref<2x10000x128xf32, #tpu.memory_space<hbm>> -> memref<1x10000x128xf32, #tpu.memory_space<hbm>>
      %dma_start3A_152 = tpu.memref_squeeze %dma_start3A_151 : memref<1x10000x128xf32, #tpu.memory_space<hbm>> -> memref<10000x128xf32, #tpu.memory_space<hbm>>
      %dma_start3A_153 = arith.constant 0 : i32
      %dma_start3A_154 = tpu.memref_slice %dma_start3A_152[%mul3A_2, %dma_start3A_153] : memref<10000x128xf32, #tpu.memory_space<hbm>> -> memref<640x128xf32, #tpu.memory_space<hbm>>
      %dma_start3A_155 = arith.constant 0 : i32
      %dma_start3A_156 = tpu.memref_slice %arg14[%mul3A_2, %dma_start3A_155] : memref<10000x128xf32, #tpu.memory_space<vmem_shared>> -> memref<640x128xf32, #tpu.memory_space<vmem_shared>>
      tpu.enqueue_dma source(%dma_start3A_156 : memref<640x128xf32, #tpu.memory_space<vmem_shared>>) target(%dma_start3A_154 : memref<640x128xf32, #tpu.memory_space<hbm>>) target_semaphore(%run_scoped3A : memref<!tpu.dma_semaphore, #tpu.memory_space<semaphore_mem>>)
      %dma_wait3A_157 = arith.constant 0 : i32
      %dma_wait3A_158 = arith.constant 0 : i32
      %dma_wait3A_159 = tpu.memref_slice %arg6[%arg0, %dma_wait3A_157, %dma_wait3A_158] : memref<2x10000x128xf32, #tpu.memory_space<hbm>> -> memref<1x10000x128xf32, #tpu.memory_space<hbm>>
      %dma_wait3A_160 = tpu.memref_squeeze %dma_wait3A_159 : memref<1x10000x128xf32, #tpu.memory_space<hbm>> -> memref<10000x128xf32, #tpu.memory_space<hbm>>
      %dma_wait3A_161 = arith.constant 0 : i32
      %dma_wait3A_162 = tpu.memref_slice %dma_wait3A_160[%mul3A_2, %dma_wait3A_161] : memref<10000x128xf32, #tpu.memory_space<hbm>> -> memref<640x128xf32, #tpu.memory_space<hbm>>
      %dma_wait3A_163 = arith.constant 0 : i32
      %dma_wait3A_164 = tpu.memref_slice %arg14[%mul3A_2, %dma_wait3A_163] : memref<10000x128xf32, #tpu.memory_space<vmem_shared>> -> memref<640x128xf32, #tpu.memory_space<vmem_shared>>
      tpu.wait_dma2 semaphore(%run_scoped3A : memref<!tpu.dma_semaphore, #tpu.memory_space<semaphore_mem>>) src(%dma_wait3A_164 : memref<640x128xf32, #tpu.memory_space<vmem_shared>>) dst(%dma_wait3A_162 : memref<640x128xf32, #tpu.memory_space<hbm>>)
      tpu.yield
    }) : () -> ()
    return
  }
}

#map = affine_map<(d0, d1) -> (0)>
#map1 = affine_map<(d0, d1) -> (0, 0)>
#map2 = affine_map<(d0, d1) -> (0, 0, 0)>
module attributes {stable_mosaic.version = 14 : i64} {
  func.func @_sc_counts(%arg0: i32, %arg1: i32, %arg2: memref<320000xi32, #tpu.memory_space<hbm>>, %arg3: memref<10000xi32, #tpu.memory_space<hbm>>, %arg4: memref<80x128xf32, #tpu.memory_space<hbm>>, %arg5: memref<640x128xf32, #tpu.memory_space<hbm>>, %arg6: memref<2x10000x128xf32, #tpu.memory_space<hbm>>, %arg7: memref<2x1000x128xf32, #tpu.memory_space<hbm>>, %arg8: memref<80xi32, #tpu.memory_space<vmem>>, %arg9: memref<80xi32, #tpu.memory_space<vmem>>, %arg10: memref<80x128xf32, #tpu.memory_space<vmem>>, %arg11: memref<10000x128xf32, #tpu.memory_space<vmem_shared>>, %arg12: memref<1000x128xf32, #tpu.memory_space<vmem_shared>>, %arg13: memref<!tpu.dma_semaphore, #tpu.memory_space<semaphore_mem>>, %arg14: memref<!tpu.dma_semaphore, #tpu.memory_space<semaphore_mem>>) attributes {dimension_semantics = [#tpu.dimension_semantics<core_parallel>, #tpu.dimension_semantics<subcore_parallel>], iteration_bounds = array<i64: 2, 16>, scalar_prefetch = 0 : i64, scratch_operands = 7 : i64, tpu.core_type = #tpu.core_type<sc_vector_subcore>, window_params = [{transform_indices = #map}, {transform_indices = #map}, {transform_indices = #map1}, {transform_indices = #map1}, {transform_indices = #map2}, {transform_indices = #map2}]} {
    %mul3A = arith.constant 2 : i32
    %mul3A_0 = arith.muli %arg1, %mul3A : i32
    %add3A = arith.addi %mul3A_0, %arg0 : i32
    %mul3A_1 = arith.constant 624 : i32
    %mul3A_2 = arith.muli %arg1, %mul3A_1 : i32
    "tpu.region"() ({
      %run_scoped3A = tpu.sem_alloc : memref<!tpu.dma_semaphore, #tpu.memory_space<semaphore_mem>>
      %dma_start3A_86 = arith.constant 0 : i32
      %dma_start3A_87 = tpu.memref_slice %arg11[%mul3A_2, %dma_start3A_86] : memref<10000x128xf32, #tpu.memory_space<vmem_shared>> -> memref<640x128xf32, #tpu.memory_space<vmem_shared>>
      tpu.enqueue_dma source(%arg5 : memref<640x128xf32, #tpu.memory_space<hbm>>) target(%dma_start3A_87 : memref<640x128xf32, #tpu.memory_space<vmem_shared>>) target_semaphore(%run_scoped3A : memref<!tpu.dma_semaphore, #tpu.memory_space<semaphore_mem>>)
      %dma_wait3A_88 = arith.constant 0 : i32
      %dma_wait3A_89 = tpu.memref_slice %arg11[%mul3A_2, %dma_wait3A_88] : memref<10000x128xf32, #tpu.memory_space<vmem_shared>> -> memref<640x128xf32, #tpu.memory_space<vmem_shared>>
      tpu.wait_dma2 semaphore(%run_scoped3A : memref<!tpu.dma_semaphore, #tpu.memory_space<semaphore_mem>>) src(%arg5 : memref<640x128xf32, #tpu.memory_space<hbm>>) dst(%dma_wait3A_89 : memref<640x128xf32, #tpu.memory_space<vmem_shared>>)
      tpu.yield
    }) : () -> ()
    %eq3A = arith.constant 0 : i32
    %eq3A_3 = arith.cmpi eq, %arg1, %eq3A : i32
    %convert_element_type3A = arith.extui %eq3A_3 : i1 to i32
    %cond3A = arith.constant 0 : i32
    %cond3A_4 = arith.cmpi ne, %convert_element_type3A, %cond3A : i32
    scf.if %cond3A_4 {
      "tpu.region"() ({
        %run_scoped3A = tpu.sem_alloc : memref<!tpu.dma_semaphore, #tpu.memory_space<semaphore_mem>>
        %dma_start3A_86 = arith.constant 0 : i32
        %dma_start3A_87 = arith.constant 0 : i32
        %dma_start3A_88 = tpu.memref_slice %arg12[%dma_start3A_86, %dma_start3A_87] : memref<1000x128xf32, #tpu.memory_space<vmem_shared>> -> memref<640x128xf32, #tpu.memory_space<vmem_shared>>
        %dma_start3A_89 = arith.constant 0 : i32
        %dma_start3A_90 = arith.constant 0 : i32
        %dma_start3A_91 = tpu.memref_slice %arg5[%dma_start3A_89, %dma_start3A_90] : memref<640x128xf32, #tpu.memory_space<hbm>> -> memref<640x128xf32, #tpu.memory_space<hbm>>
        tpu.enqueue_dma source(%dma_start3A_91 : memref<640x128xf32, #tpu.memory_space<hbm>>) target(%dma_start3A_88 : memref<640x128xf32, #tpu.memory_space<vmem_shared>>) target_semaphore(%run_scoped3A : memref<!tpu.dma_semaphore, #tpu.memory_space<semaphore_mem>>)
        %dma_wait3A_92 = arith.constant 0 : i32
        %dma_wait3A_93 = arith.constant 0 : i32
        %dma_wait3A_94 = tpu.memref_slice %arg12[%dma_wait3A_92, %dma_wait3A_93] : memref<1000x128xf32, #tpu.memory_space<vmem_shared>> -> memref<640x128xf32, #tpu.memory_space<vmem_shared>>
        %dma_wait3A_95 = arith.constant 0 : i32
        %dma_wait3A_96 = arith.constant 0 : i32
        %dma_wait3A_97 = tpu.memref_slice %arg5[%dma_wait3A_95, %dma_wait3A_96] : memref<640x128xf32, #tpu.memory_space<hbm>> -> memref<640x128xf32, #tpu.memory_space<hbm>>
        tpu.wait_dma2 semaphore(%run_scoped3A : memref<!tpu.dma_semaphore, #tpu.memory_space<semaphore_mem>>) src(%dma_wait3A_97 : memref<640x128xf32, #tpu.memory_space<hbm>>) dst(%dma_wait3A_94 : memref<640x128xf32, #tpu.memory_space<vmem_shared>>)
        tpu.yield
      }) : () -> ()
    } else {
    }
    %eq3A_5 = arith.constant 1 : i32
    %eq3A_6 = arith.cmpi eq, %arg1, %eq3A_5 : i32
    %convert_element_type3A_7 = arith.extui %eq3A_6 : i1 to i32
    %cond3A_8 = arith.constant 0 : i32
    %cond3A_9 = arith.cmpi ne, %convert_element_type3A_7, %cond3A_8 : i32
    scf.if %cond3A_9 {
      "tpu.region"() ({
        %run_scoped3A = tpu.sem_alloc : memref<!tpu.dma_semaphore, #tpu.memory_space<semaphore_mem>>
        %dma_start3A_86 = arith.constant 624 : i32
        %dma_start3A_87 = arith.constant 0 : i32
        %dma_start3A_88 = tpu.memref_slice %arg12[%dma_start3A_86, %dma_start3A_87] : memref<1000x128xf32, #tpu.memory_space<vmem_shared>> -> memref<376x128xf32, #tpu.memory_space<vmem_shared>>
        %dma_start3A_89 = arith.constant 0 : i32
        %dma_start3A_90 = arith.constant 0 : i32
        %dma_start3A_91 = tpu.memref_slice %arg5[%dma_start3A_89, %dma_start3A_90] : memref<640x128xf32, #tpu.memory_space<hbm>> -> memref<376x128xf32, #tpu.memory_space<hbm>>
        tpu.enqueue_dma source(%dma_start3A_91 : memref<376x128xf32, #tpu.memory_space<hbm>>) target(%dma_start3A_88 : memref<376x128xf32, #tpu.memory_space<vmem_shared>>) target_semaphore(%run_scoped3A : memref<!tpu.dma_semaphore, #tpu.memory_space<semaphore_mem>>)
        %dma_wait3A_92 = arith.constant 624 : i32
        %dma_wait3A_93 = arith.constant 0 : i32
        %dma_wait3A_94 = tpu.memref_slice %arg12[%dma_wait3A_92, %dma_wait3A_93] : memref<1000x128xf32, #tpu.memory_space<vmem_shared>> -> memref<376x128xf32, #tpu.memory_space<vmem_shared>>
        %dma_wait3A_95 = arith.constant 0 : i32
        %dma_wait3A_96 = arith.constant 0 : i32
        %dma_wait3A_97 = tpu.memref_slice %arg5[%dma_wait3A_95, %dma_wait3A_96] : memref<640x128xf32, #tpu.memory_space<hbm>> -> memref<376x128xf32, #tpu.memory_space<hbm>>
        tpu.wait_dma2 semaphore(%run_scoped3A : memref<!tpu.dma_semaphore, #tpu.memory_space<semaphore_mem>>) src(%dma_wait3A_97 : memref<376x128xf32, #tpu.memory_space<hbm>>) dst(%dma_wait3A_94 : memref<376x128xf32, #tpu.memory_space<vmem_shared>>)
        tpu.yield
      }) : () -> ()
    } else {
    }
    %barrier3A = arith.constant 0 : index
    tpu.barrier barrier_id(%barrier3A)
    "tpu.region"() ({
      %run_scoped3A = tpu.sem_alloc : memref<!tpu.dma_semaphore, #tpu.memory_space<semaphore_mem>>
      tpu.enqueue_dma source(%arg4 : memref<80x128xf32, #tpu.memory_space<hbm>>) target(%arg10 : memref<80x128xf32, #tpu.memory_space<vmem>>) target_semaphore(%run_scoped3A : memref<!tpu.dma_semaphore, #tpu.memory_space<semaphore_mem>>)
      tpu.wait_dma2 semaphore(%run_scoped3A : memref<!tpu.dma_semaphore, #tpu.memory_space<semaphore_mem>>) src(%arg4 : memref<80x128xf32, #tpu.memory_space<hbm>>) dst(%arg10 : memref<80x128xf32, #tpu.memory_space<vmem>>)
      tpu.yield
    }) : () -> ()
    %mul3A_10 = arith.constant 10000 : i32
    %mul3A_11 = arith.muli %add3A, %mul3A_10 : i32
    "tpu.region"() ({
      %run_scoped3A = tpu.sem_alloc : memref<!tpu.dma_semaphore, #tpu.memory_space<semaphore_mem>>
      %dma_start3A_86 = tpu.memref_slice %arg2[%mul3A_11] : memref<320000xi32, #tpu.memory_space<hbm>> -> memref<80xi32, #tpu.memory_space<hbm>>
      %dma_start3A_87 = tpu.memref_slice %arg2[%mul3A_11] : memref<320000xi32, #tpu.memory_space<hbm>> -> memref<80xi32, #tpu.memory_space<hbm>>
      tpu.enqueue_dma source(%dma_start3A_87 : memref<80xi32, #tpu.memory_space<hbm>>) target(%arg8 : memref<80xi32, #tpu.memory_space<vmem>>) target_semaphore(%run_scoped3A : memref<!tpu.dma_semaphore, #tpu.memory_space<semaphore_mem>>)
      %dma_wait3A_88 = tpu.memref_slice %arg2[%mul3A_11] : memref<320000xi32, #tpu.memory_space<hbm>> -> memref<80xi32, #tpu.memory_space<hbm>>
      %dma_wait3A_89 = tpu.memref_slice %arg2[%mul3A_11] : memref<320000xi32, #tpu.memory_space<hbm>> -> memref<80xi32, #tpu.memory_space<hbm>>
      tpu.wait_dma2 semaphore(%run_scoped3A : memref<!tpu.dma_semaphore, #tpu.memory_space<semaphore_mem>>) src(%dma_wait3A_89 : memref<80xi32, #tpu.memory_space<hbm>>) dst(%arg8 : memref<80xi32, #tpu.memory_space<vmem>>)
      tpu.yield
    }) : () -> ()
    %dma_start3A = arith.constant 0 : i32
    %dma_start3A_12 = arith.constant 0 : i32
    %dma_start3A_13 = tpu.memref_slice %arg11[%dma_start3A, %dma_start3A_12] : memref<10000x128xf32, #tpu.memory_space<vmem_shared>> -> memref<10000x128xf32, #tpu.memory_space<vmem_shared>>
    tpu.enqueue_indirect_dma source(%arg10 : memref<80x128xf32, #tpu.memory_space<vmem>>) target(%dma_start3A_13 : memref<10000x128xf32, #tpu.memory_space<vmem_shared>>) offsets(%arg8 : memref<80xi32, #tpu.memory_space<vmem>>) semaphore(%arg13 : memref<!tpu.dma_semaphore, #tpu.memory_space<semaphore_mem>>) {add = true}
    %scan3A = arith.constant 0 : i32
    %scan3A_14 = arith.constant 0 : i32
    %scan3A_15 = arith.constant 62 : i32
    %scan3A_16 = arith.addi %scan3A_14, %scan3A_15 : i32
    %scan3A_17 = arith.constant 1 : i32
    scf.for %scan3A_86 = %scan3A_14 to %scan3A_16 step %scan3A_17  : i32 {
      %mul3A_87 = arith.constant 2 : i32
      %mul3A_88 = arith.muli %mul3A_87, %scan3A_86 : i32
      %add3A_89 = arith.constant 1 : i32
      %add3A_90 = arith.addi %mul3A_88, %add3A_89 : i32
      %mul3A_91 = arith.constant 80 : i32
      %mul3A_92 = arith.muli %add3A_90, %mul3A_91 : i32
      %add3A_93 = arith.addi %mul3A_11, %mul3A_92 : i32
      "tpu.region"() ({
        %run_scoped3A = tpu.sem_alloc : memref<!tpu.dma_semaphore, #tpu.memory_space<semaphore_mem>>
        %dma_start3A_111 = tpu.memref_slice %arg2[%add3A_93] : memref<320000xi32, #tpu.memory_space<hbm>> -> memref<80xi32, #tpu.memory_space<hbm>>
        %dma_start3A_112 = tpu.memref_slice %arg2[%add3A_93] : memref<320000xi32, #tpu.memory_space<hbm>> -> memref<80xi32, #tpu.memory_space<hbm>>
        tpu.enqueue_dma source(%dma_start3A_112 : memref<80xi32, #tpu.memory_space<hbm>>) target(%arg9 : memref<80xi32, #tpu.memory_space<vmem>>) target_semaphore(%run_scoped3A : memref<!tpu.dma_semaphore, #tpu.memory_space<semaphore_mem>>)
        %dma_wait3A_113 = tpu.memref_slice %arg2[%add3A_93] : memref<320000xi32, #tpu.memory_space<hbm>> -> memref<80xi32, #tpu.memory_space<hbm>>
        %dma_wait3A_114 = tpu.memref_slice %arg2[%add3A_93] : memref<320000xi32, #tpu.memory_space<hbm>> -> memref<80xi32, #tpu.memory_space<hbm>>
        tpu.wait_dma2 semaphore(%run_scoped3A : memref<!tpu.dma_semaphore, #tpu.memory_space<semaphore_mem>>) src(%dma_wait3A_114 : memref<80xi32, #tpu.memory_space<hbm>>) dst(%arg9 : memref<80xi32, #tpu.memory_space<vmem>>)
        tpu.yield
      }) : () -> ()
      %dma_start3A_94 = arith.constant 0 : i32
      %dma_start3A_95 = arith.constant 0 : i32
      %dma_start3A_96 = tpu.memref_slice %arg11[%dma_start3A_94, %dma_start3A_95] : memref<10000x128xf32, #tpu.memory_space<vmem_shared>> -> memref<10000x128xf32, #tpu.memory_space<vmem_shared>>
      tpu.enqueue_indirect_dma source(%arg10 : memref<80x128xf32, #tpu.memory_space<vmem>>) target(%dma_start3A_96 : memref<10000x128xf32, #tpu.memory_space<vmem_shared>>) offsets(%arg9 : memref<80xi32, #tpu.memory_space<vmem>>) semaphore(%arg14 : memref<!tpu.dma_semaphore, #tpu.memory_space<semaphore_mem>>) {add = true}
      %dma_wait3A_97 = arith.constant 0 : i32
      %dma_wait3A_98 = arith.constant 0 : i32
      %dma_wait3A_99 = tpu.memref_slice %arg11[%dma_wait3A_97, %dma_wait3A_98] : memref<10000x128xf32, #tpu.memory_space<vmem_shared>> -> memref<10000x128xf32, #tpu.memory_space<vmem_shared>>
      tpu.wait_indirect_dma semaphore(%arg13 : memref<!tpu.dma_semaphore, #tpu.memory_space<semaphore_mem>>) src(%arg10 : memref<80x128xf32, #tpu.memory_space<vmem>>) dst(%dma_wait3A_99 : memref<10000x128xf32, #tpu.memory_space<vmem_shared>>)
      %add3A_100 = arith.constant 2 : i32
      %add3A_101 = arith.addi %mul3A_88, %add3A_100 : i32
      %mul3A_102 = arith.constant 80 : i32
      %mul3A_103 = arith.muli %add3A_101, %mul3A_102 : i32
      %add3A_104 = arith.addi %mul3A_11, %mul3A_103 : i32
      "tpu.region"() ({
        %run_scoped3A = tpu.sem_alloc : memref<!tpu.dma_semaphore, #tpu.memory_space<semaphore_mem>>
        %dma_start3A_111 = tpu.memref_slice %arg2[%add3A_104] : memref<320000xi32, #tpu.memory_space<hbm>> -> memref<80xi32, #tpu.memory_space<hbm>>
        %dma_start3A_112 = tpu.memref_slice %arg2[%add3A_104] : memref<320000xi32, #tpu.memory_space<hbm>> -> memref<80xi32, #tpu.memory_space<hbm>>
        tpu.enqueue_dma source(%dma_start3A_112 : memref<80xi32, #tpu.memory_space<hbm>>) target(%arg8 : memref<80xi32, #tpu.memory_space<vmem>>) target_semaphore(%run_scoped3A : memref<!tpu.dma_semaphore, #tpu.memory_space<semaphore_mem>>)
        %dma_wait3A_113 = tpu.memref_slice %arg2[%add3A_104] : memref<320000xi32, #tpu.memory_space<hbm>> -> memref<80xi32, #tpu.memory_space<hbm>>
        %dma_wait3A_114 = tpu.memref_slice %arg2[%add3A_104] : memref<320000xi32, #tpu.memory_space<hbm>> -> memref<80xi32, #tpu.memory_space<hbm>>
        tpu.wait_dma2 semaphore(%run_scoped3A : memref<!tpu.dma_semaphore, #tpu.memory_space<semaphore_mem>>) src(%dma_wait3A_114 : memref<80xi32, #tpu.memory_space<hbm>>) dst(%arg8 : memref<80xi32, #tpu.memory_space<vmem>>)
        tpu.yield
      }) : () -> ()
      %dma_start3A_105 = arith.constant 0 : i32
      %dma_start3A_106 = arith.constant 0 : i32
      %dma_start3A_107 = tpu.memref_slice %arg11[%dma_start3A_105, %dma_start3A_106] : memref<10000x128xf32, #tpu.memory_space<vmem_shared>> -> memref<10000x128xf32, #tpu.memory_space<vmem_shared>>
      tpu.enqueue_indirect_dma source(%arg10 : memref<80x128xf32, #tpu.memory_space<vmem>>) target(%dma_start3A_107 : memref<10000x128xf32, #tpu.memory_space<vmem_shared>>) offsets(%arg8 : memref<80xi32, #tpu.memory_space<vmem>>) semaphore(%arg13 : memref<!tpu.dma_semaphore, #tpu.memory_space<semaphore_mem>>) {add = true}
      %dma_wait3A_108 = arith.constant 0 : i32
      %dma_wait3A_109 = arith.constant 0 : i32
      %dma_wait3A_110 = tpu.memref_slice %arg11[%dma_wait3A_108, %dma_wait3A_109] : memref<10000x128xf32, #tpu.memory_space<vmem_shared>> -> memref<10000x128xf32, #tpu.memory_space<vmem_shared>>
      tpu.wait_indirect_dma semaphore(%arg14 : memref<!tpu.dma_semaphore, #tpu.memory_space<semaphore_mem>>) src(%arg10 : memref<80x128xf32, #tpu.memory_space<vmem>>) dst(%dma_wait3A_110 : memref<10000x128xf32, #tpu.memory_space<vmem_shared>>)
    }
    %scan3A_18 = arith.constant 62 : i32
    %dma_wait3A = arith.constant 0 : i32
    %dma_wait3A_19 = arith.constant 0 : i32
    %dma_wait3A_20 = tpu.memref_slice %arg11[%dma_wait3A, %dma_wait3A_19] : memref<10000x128xf32, #tpu.memory_space<vmem_shared>> -> memref<10000x128xf32, #tpu.memory_space<vmem_shared>>
    tpu.wait_indirect_dma semaphore(%arg13 : memref<!tpu.dma_semaphore, #tpu.memory_space<semaphore_mem>>) src(%arg10 : memref<80x128xf32, #tpu.memory_space<vmem>>) dst(%dma_wait3A_20 : memref<10000x128xf32, #tpu.memory_space<vmem_shared>>)
    %mul3A_21 = arith.constant 125 : i32
    %mul3A_22 = arith.muli %add3A, %mul3A_21 : i32
    %jit3A = arith.constant 32 : i32
    %div3A = arith.divsi %mul3A_22, %jit3A : i32
    %sign3A = arith.constant 0 : i32
    %sign3A_23 = arith.cmpi sgt, %mul3A_22, %sign3A : i32
    %sign3A_24 = arith.extui %sign3A_23 : i1 to i32
    %sign3A_25 = arith.constant 0 : i32
    %sign3A_26 = arith.cmpi slt, %mul3A_22, %sign3A_25 : i32
    %sign3A_27 = arith.extui %sign3A_26 : i1 to i32
    %sign3A_28 = arith.subi %sign3A_24, %sign3A_27 : i32
    %sign3A_29 = arith.constant 0 : i32
    %sign3A_30 = arith.cmpi sgt, %jit3A, %sign3A_29 : i32
    %sign3A_31 = arith.extui %sign3A_30 : i1 to i32
    %sign3A_32 = arith.constant 0 : i32
    %sign3A_33 = arith.cmpi slt, %jit3A, %sign3A_32 : i32
    %sign3A_34 = arith.extui %sign3A_33 : i1 to i32
    %sign3A_35 = arith.subi %sign3A_31, %sign3A_34 : i32
    %ne3A = arith.cmpi ne, %sign3A_28, %sign3A_35 : i32
    %rem3A = arith.remsi %mul3A_22, %jit3A : i32
    %ne3A_36 = arith.constant 0 : i32
    %ne3A_37 = arith.cmpi ne, %rem3A, %ne3A_36 : i32
    %and3A = arith.andi %ne3A, %ne3A_37 : i1
    %sub3A = arith.constant 1 : i32
    %sub3A_38 = arith.subi %div3A, %sub3A : i32
    %select_n3A = arith.select %and3A, %sub3A_38, %div3A : i32
    %add3A_39 = arith.constant 1 : i32
    %add3A_40 = arith.addi %add3A, %add3A_39 : i32
    %mul3A_41 = arith.constant 125 : i32
    %mul3A_42 = arith.muli %add3A_40, %mul3A_41 : i32
    %jit3A_43 = arith.constant 32 : i32
    %div3A_44 = arith.divsi %mul3A_42, %jit3A_43 : i32
    %sign3A_45 = arith.constant 0 : i32
    %sign3A_46 = arith.cmpi sgt, %mul3A_42, %sign3A_45 : i32
    %sign3A_47 = arith.extui %sign3A_46 : i1 to i32
    %sign3A_48 = arith.constant 0 : i32
    %sign3A_49 = arith.cmpi slt, %mul3A_42, %sign3A_48 : i32
    %sign3A_50 = arith.extui %sign3A_49 : i1 to i32
    %sign3A_51 = arith.subi %sign3A_47, %sign3A_50 : i32
    %sign3A_52 = arith.constant 0 : i32
    %sign3A_53 = arith.cmpi sgt, %jit3A_43, %sign3A_52 : i32
    %sign3A_54 = arith.extui %sign3A_53 : i1 to i32
    %sign3A_55 = arith.constant 0 : i32
    %sign3A_56 = arith.cmpi slt, %jit3A_43, %sign3A_55 : i32
    %sign3A_57 = arith.extui %sign3A_56 : i1 to i32
    %sign3A_58 = arith.subi %sign3A_54, %sign3A_57 : i32
    %ne3A_59 = arith.cmpi ne, %sign3A_51, %sign3A_58 : i32
    %rem3A_60 = arith.remsi %mul3A_42, %jit3A_43 : i32
    %ne3A_61 = arith.constant 0 : i32
    %ne3A_62 = arith.cmpi ne, %rem3A_60, %ne3A_61 : i32
    %and3A_63 = arith.andi %ne3A_59, %ne3A_62 : i1
    %sub3A_64 = arith.constant 1 : i32
    %sub3A_65 = arith.subi %div3A_44, %sub3A_64 : i32
    %select_n3A_66 = arith.select %and3A_63, %sub3A_65, %div3A_44 : i32
    %while3A = arith.constant 0 : i32
    %while3A_67 = arith.subi %select_n3A_66, %select_n3A : i32
    %while3A_68 = arith.addi %select_n3A, %while3A_67 : i32
    %while3A_69 = arith.constant 1 : i32
    %while3A_70 = arith.divsi %while3A_67, %while3A_69 : i32
    %while3A_71 = arith.muli %while3A_70, %while3A_69 : i32
    %while3A_72 = arith.addi %select_n3A, %while3A_71 : i32
    %while3A_73 = arith.constant 1 : i32
    scf.for %while3A_86 = %select_n3A to %while3A_72 step %while3A_73  : i32 {
      %mul3A_87 = arith.constant 80 : i32
      %mul3A_88 = arith.muli %while3A_86, %mul3A_87 : i32
      "tpu.region"() ({
        %run_scoped3A = tpu.sem_alloc : memref<!tpu.dma_semaphore, #tpu.memory_space<semaphore_mem>>
        %dma_start3A_89 = tpu.memref_slice %arg3[%mul3A_88] : memref<10000xi32, #tpu.memory_space<hbm>> -> memref<80xi32, #tpu.memory_space<hbm>>
        %dma_start3A_90 = tpu.memref_slice %arg3[%mul3A_88] : memref<10000xi32, #tpu.memory_space<hbm>> -> memref<80xi32, #tpu.memory_space<hbm>>
        tpu.enqueue_dma source(%dma_start3A_90 : memref<80xi32, #tpu.memory_space<hbm>>) target(%arg8 : memref<80xi32, #tpu.memory_space<vmem>>) target_semaphore(%run_scoped3A : memref<!tpu.dma_semaphore, #tpu.memory_space<semaphore_mem>>)
        %dma_wait3A_91 = tpu.memref_slice %arg3[%mul3A_88] : memref<10000xi32, #tpu.memory_space<hbm>> -> memref<80xi32, #tpu.memory_space<hbm>>
        %dma_wait3A_92 = tpu.memref_slice %arg3[%mul3A_88] : memref<10000xi32, #tpu.memory_space<hbm>> -> memref<80xi32, #tpu.memory_space<hbm>>
        tpu.wait_dma2 semaphore(%run_scoped3A : memref<!tpu.dma_semaphore, #tpu.memory_space<semaphore_mem>>) src(%dma_wait3A_92 : memref<80xi32, #tpu.memory_space<hbm>>) dst(%arg8 : memref<80xi32, #tpu.memory_space<vmem>>)
        tpu.yield
      }) : () -> ()
      "tpu.region"() ({
        %run_scoped3A = tpu.sem_alloc : memref<!tpu.dma_semaphore, #tpu.memory_space<semaphore_mem>>
        %dma_start3A_89 = arith.constant 0 : i32
        %dma_start3A_90 = arith.constant 0 : i32
        %dma_start3A_91 = tpu.memref_slice %arg12[%dma_start3A_89, %dma_start3A_90] : memref<1000x128xf32, #tpu.memory_space<vmem_shared>> -> memref<1000x128xf32, #tpu.memory_space<vmem_shared>>
        tpu.enqueue_indirect_dma source(%arg10 : memref<80x128xf32, #tpu.memory_space<vmem>>) target(%dma_start3A_91 : memref<1000x128xf32, #tpu.memory_space<vmem_shared>>) offsets(%arg8 : memref<80xi32, #tpu.memory_space<vmem>>) semaphore(%run_scoped3A : memref<!tpu.dma_semaphore, #tpu.memory_space<semaphore_mem>>) {add = true}
        %dma_wait3A_92 = arith.constant 0 : i32
        %dma_wait3A_93 = arith.constant 0 : i32
        %dma_wait3A_94 = tpu.memref_slice %arg12[%dma_wait3A_92, %dma_wait3A_93] : memref<1000x128xf32, #tpu.memory_space<vmem_shared>> -> memref<1000x128xf32, #tpu.memory_space<vmem_shared>>
        tpu.wait_indirect_dma semaphore(%run_scoped3A : memref<!tpu.dma_semaphore, #tpu.memory_space<semaphore_mem>>) src(%arg10 : memref<80x128xf32, #tpu.memory_space<vmem>>) dst(%dma_wait3A_94 : memref<1000x128xf32, #tpu.memory_space<vmem_shared>>)
        tpu.yield
      }) : () -> ()
    }
    %while3A_74 = arith.constant 1 : i32
    scf.for %while3A_86 = %while3A_72 to %while3A_68 step %while3A_74  : i32 {
      %mul3A_87 = arith.constant 80 : i32
      %mul3A_88 = arith.muli %while3A_86, %mul3A_87 : i32
      "tpu.region"() ({
        %run_scoped3A = tpu.sem_alloc : memref<!tpu.dma_semaphore, #tpu.memory_space<semaphore_mem>>
        %dma_start3A_89 = tpu.memref_slice %arg3[%mul3A_88] : memref<10000xi32, #tpu.memory_space<hbm>> -> memref<80xi32, #tpu.memory_space<hbm>>
        %dma_start3A_90 = tpu.memref_slice %arg3[%mul3A_88] : memref<10000xi32, #tpu.memory_space<hbm>> -> memref<80xi32, #tpu.memory_space<hbm>>
        tpu.enqueue_dma source(%dma_start3A_90 : memref<80xi32, #tpu.memory_space<hbm>>) target(%arg8 : memref<80xi32, #tpu.memory_space<vmem>>) target_semaphore(%run_scoped3A : memref<!tpu.dma_semaphore, #tpu.memory_space<semaphore_mem>>)
        %dma_wait3A_91 = tpu.memref_slice %arg3[%mul3A_88] : memref<10000xi32, #tpu.memory_space<hbm>> -> memref<80xi32, #tpu.memory_space<hbm>>
        %dma_wait3A_92 = tpu.memref_slice %arg3[%mul3A_88] : memref<10000xi32, #tpu.memory_space<hbm>> -> memref<80xi32, #tpu.memory_space<hbm>>
        tpu.wait_dma2 semaphore(%run_scoped3A : memref<!tpu.dma_semaphore, #tpu.memory_space<semaphore_mem>>) src(%dma_wait3A_92 : memref<80xi32, #tpu.memory_space<hbm>>) dst(%arg8 : memref<80xi32, #tpu.memory_space<vmem>>)
        tpu.yield
      }) : () -> ()
      "tpu.region"() ({
        %run_scoped3A = tpu.sem_alloc : memref<!tpu.dma_semaphore, #tpu.memory_space<semaphore_mem>>
        %dma_start3A_89 = arith.constant 0 : i32
        %dma_start3A_90 = arith.constant 0 : i32
        %dma_start3A_91 = tpu.memref_slice %arg12[%dma_start3A_89, %dma_start3A_90] : memref<1000x128xf32, #tpu.memory_space<vmem_shared>> -> memref<1000x128xf32, #tpu.memory_space<vmem_shared>>
        tpu.enqueue_indirect_dma source(%arg10 : memref<80x128xf32, #tpu.memory_space<vmem>>) target(%dma_start3A_91 : memref<1000x128xf32, #tpu.memory_space<vmem_shared>>) offsets(%arg8 : memref<80xi32, #tpu.memory_space<vmem>>) semaphore(%run_scoped3A : memref<!tpu.dma_semaphore, #tpu.memory_space<semaphore_mem>>) {add = true}
        %dma_wait3A_92 = arith.constant 0 : i32
        %dma_wait3A_93 = arith.constant 0 : i32
        %dma_wait3A_94 = tpu.memref_slice %arg12[%dma_wait3A_92, %dma_wait3A_93] : memref<1000x128xf32, #tpu.memory_space<vmem_shared>> -> memref<1000x128xf32, #tpu.memory_space<vmem_shared>>
        tpu.wait_indirect_dma semaphore(%run_scoped3A : memref<!tpu.dma_semaphore, #tpu.memory_space<semaphore_mem>>) src(%arg10 : memref<80x128xf32, #tpu.memory_space<vmem>>) dst(%dma_wait3A_94 : memref<1000x128xf32, #tpu.memory_space<vmem_shared>>)
        tpu.yield
      }) : () -> ()
    }
    %barrier3A_75 = arith.constant 0 : index
    tpu.barrier barrier_id(%barrier3A_75)
    "tpu.region"() ({
      %run_scoped3A = tpu.sem_alloc : memref<!tpu.dma_semaphore, #tpu.memory_space<semaphore_mem>>
      %dma_start3A_86 = arith.constant 0 : i32
      %dma_start3A_87 = arith.constant 0 : i32
      %dma_start3A_88 = tpu.memref_slice %arg6[%arg0, %dma_start3A_86, %dma_start3A_87] : memref<2x10000x128xf32, #tpu.memory_space<hbm>> -> memref<1x10000x128xf32, #tpu.memory_space<hbm>>
      %dma_start3A_89 = tpu.memref_squeeze %dma_start3A_88 : memref<1x10000x128xf32, #tpu.memory_space<hbm>> -> memref<10000x128xf32, #tpu.memory_space<hbm>>
      %dma_start3A_90 = arith.constant 0 : i32
      %dma_start3A_91 = tpu.memref_slice %dma_start3A_89[%mul3A_2, %dma_start3A_90] : memref<10000x128xf32, #tpu.memory_space<hbm>> -> memref<640x128xf32, #tpu.memory_space<hbm>>
      %dma_start3A_92 = arith.constant 0 : i32
      %dma_start3A_93 = tpu.memref_slice %arg11[%mul3A_2, %dma_start3A_92] : memref<10000x128xf32, #tpu.memory_space<vmem_shared>> -> memref<640x128xf32, #tpu.memory_space<vmem_shared>>
      tpu.enqueue_dma source(%dma_start3A_93 : memref<640x128xf32, #tpu.memory_space<vmem_shared>>) target(%dma_start3A_91 : memref<640x128xf32, #tpu.memory_space<hbm>>) target_semaphore(%run_scoped3A : memref<!tpu.dma_semaphore, #tpu.memory_space<semaphore_mem>>)
      %dma_wait3A_94 = arith.constant 0 : i32
      %dma_wait3A_95 = arith.constant 0 : i32
      %dma_wait3A_96 = tpu.memref_slice %arg6[%arg0, %dma_wait3A_94, %dma_wait3A_95] : memref<2x10000x128xf32, #tpu.memory_space<hbm>> -> memref<1x10000x128xf32, #tpu.memory_space<hbm>>
      %dma_wait3A_97 = tpu.memref_squeeze %dma_wait3A_96 : memref<1x10000x128xf32, #tpu.memory_space<hbm>> -> memref<10000x128xf32, #tpu.memory_space<hbm>>
      %dma_wait3A_98 = arith.constant 0 : i32
      %dma_wait3A_99 = tpu.memref_slice %dma_wait3A_97[%mul3A_2, %dma_wait3A_98] : memref<10000x128xf32, #tpu.memory_space<hbm>> -> memref<640x128xf32, #tpu.memory_space<hbm>>
      %dma_wait3A_100 = arith.constant 0 : i32
      %dma_wait3A_101 = tpu.memref_slice %arg11[%mul3A_2, %dma_wait3A_100] : memref<10000x128xf32, #tpu.memory_space<vmem_shared>> -> memref<640x128xf32, #tpu.memory_space<vmem_shared>>
      tpu.wait_dma2 semaphore(%run_scoped3A : memref<!tpu.dma_semaphore, #tpu.memory_space<semaphore_mem>>) src(%dma_wait3A_101 : memref<640x128xf32, #tpu.memory_space<vmem_shared>>) dst(%dma_wait3A_99 : memref<640x128xf32, #tpu.memory_space<hbm>>)
      tpu.yield
    }) : () -> ()
    %eq3A_76 = arith.constant 0 : i32
    %eq3A_77 = arith.cmpi eq, %arg1, %eq3A_76 : i32
    %convert_element_type3A_78 = arith.extui %eq3A_77 : i1 to i32
    %cond3A_79 = arith.constant 0 : i32
    %cond3A_80 = arith.cmpi ne, %convert_element_type3A_78, %cond3A_79 : i32
    scf.if %cond3A_80 {
      "tpu.region"() ({
        %run_scoped3A = tpu.sem_alloc : memref<!tpu.dma_semaphore, #tpu.memory_space<semaphore_mem>>
        %dma_start3A_86 = arith.constant 0 : i32
        %dma_start3A_87 = arith.constant 0 : i32
        %dma_start3A_88 = tpu.memref_slice %arg7[%arg0, %dma_start3A_86, %dma_start3A_87] : memref<2x1000x128xf32, #tpu.memory_space<hbm>> -> memref<1x1000x128xf32, #tpu.memory_space<hbm>>
        %dma_start3A_89 = tpu.memref_squeeze %dma_start3A_88 : memref<1x1000x128xf32, #tpu.memory_space<hbm>> -> memref<1000x128xf32, #tpu.memory_space<hbm>>
        %dma_start3A_90 = arith.constant 0 : i32
        %dma_start3A_91 = arith.constant 0 : i32
        %dma_start3A_92 = tpu.memref_slice %dma_start3A_89[%dma_start3A_90, %dma_start3A_91] : memref<1000x128xf32, #tpu.memory_space<hbm>> -> memref<640x128xf32, #tpu.memory_space<hbm>>
        %dma_start3A_93 = arith.constant 0 : i32
        %dma_start3A_94 = arith.constant 0 : i32
        %dma_start3A_95 = tpu.memref_slice %arg12[%dma_start3A_93, %dma_start3A_94] : memref<1000x128xf32, #tpu.memory_space<vmem_shared>> -> memref<640x128xf32, #tpu.memory_space<vmem_shared>>
        tpu.enqueue_dma source(%dma_start3A_95 : memref<640x128xf32, #tpu.memory_space<vmem_shared>>) target(%dma_start3A_92 : memref<640x128xf32, #tpu.memory_space<hbm>>) target_semaphore(%run_scoped3A : memref<!tpu.dma_semaphore, #tpu.memory_space<semaphore_mem>>)
        %dma_wait3A_96 = arith.constant 0 : i32
        %dma_wait3A_97 = arith.constant 0 : i32
        %dma_wait3A_98 = tpu.memref_slice %arg7[%arg0, %dma_wait3A_96, %dma_wait3A_97] : memref<2x1000x128xf32, #tpu.memory_space<hbm>> -> memref<1x1000x128xf32, #tpu.memory_space<hbm>>
        %dma_wait3A_99 = tpu.memref_squeeze %dma_wait3A_98 : memref<1x1000x128xf32, #tpu.memory_space<hbm>> -> memref<1000x128xf32, #tpu.memory_space<hbm>>
        %dma_wait3A_100 = arith.constant 0 : i32
        %dma_wait3A_101 = arith.constant 0 : i32
        %dma_wait3A_102 = tpu.memref_slice %dma_wait3A_99[%dma_wait3A_100, %dma_wait3A_101] : memref<1000x128xf32, #tpu.memory_space<hbm>> -> memref<640x128xf32, #tpu.memory_space<hbm>>
        %dma_wait3A_103 = arith.constant 0 : i32
        %dma_wait3A_104 = arith.constant 0 : i32
        %dma_wait3A_105 = tpu.memref_slice %arg12[%dma_wait3A_103, %dma_wait3A_104] : memref<1000x128xf32, #tpu.memory_space<vmem_shared>> -> memref<640x128xf32, #tpu.memory_space<vmem_shared>>
        tpu.wait_dma2 semaphore(%run_scoped3A : memref<!tpu.dma_semaphore, #tpu.memory_space<semaphore_mem>>) src(%dma_wait3A_105 : memref<640x128xf32, #tpu.memory_space<vmem_shared>>) dst(%dma_wait3A_102 : memref<640x128xf32, #tpu.memory_space<hbm>>)
        tpu.yield
      }) : () -> ()
    } else {
    }
    %eq3A_81 = arith.constant 1 : i32
    %eq3A_82 = arith.cmpi eq, %arg1, %eq3A_81 : i32
    %convert_element_type3A_83 = arith.extui %eq3A_82 : i1 to i32
    %cond3A_84 = arith.constant 0 : i32
    %cond3A_85 = arith.cmpi ne, %convert_element_type3A_83, %cond3A_84 : i32
    scf.if %cond3A_85 {
      "tpu.region"() ({
        %run_scoped3A = tpu.sem_alloc : memref<!tpu.dma_semaphore, #tpu.memory_space<semaphore_mem>>
        %dma_start3A_86 = arith.constant 0 : i32
        %dma_start3A_87 = arith.constant 0 : i32
        %dma_start3A_88 = tpu.memref_slice %arg7[%arg0, %dma_start3A_86, %dma_start3A_87] : memref<2x1000x128xf32, #tpu.memory_space<hbm>> -> memref<1x1000x128xf32, #tpu.memory_space<hbm>>
        %dma_start3A_89 = tpu.memref_squeeze %dma_start3A_88 : memref<1x1000x128xf32, #tpu.memory_space<hbm>> -> memref<1000x128xf32, #tpu.memory_space<hbm>>
        %dma_start3A_90 = arith.constant 624 : i32
        %dma_start3A_91 = arith.constant 0 : i32
        %dma_start3A_92 = tpu.memref_slice %dma_start3A_89[%dma_start3A_90, %dma_start3A_91] : memref<1000x128xf32, #tpu.memory_space<hbm>> -> memref<376x128xf32, #tpu.memory_space<hbm>>
        %dma_start3A_93 = arith.constant 624 : i32
        %dma_start3A_94 = arith.constant 0 : i32
        %dma_start3A_95 = tpu.memref_slice %arg12[%dma_start3A_93, %dma_start3A_94] : memref<1000x128xf32, #tpu.memory_space<vmem_shared>> -> memref<376x128xf32, #tpu.memory_space<vmem_shared>>
        tpu.enqueue_dma source(%dma_start3A_95 : memref<376x128xf32, #tpu.memory_space<vmem_shared>>) target(%dma_start3A_92 : memref<376x128xf32, #tpu.memory_space<hbm>>) target_semaphore(%run_scoped3A : memref<!tpu.dma_semaphore, #tpu.memory_space<semaphore_mem>>)
        %dma_wait3A_96 = arith.constant 0 : i32
        %dma_wait3A_97 = arith.constant 0 : i32
        %dma_wait3A_98 = tpu.memref_slice %arg7[%arg0, %dma_wait3A_96, %dma_wait3A_97] : memref<2x1000x128xf32, #tpu.memory_space<hbm>> -> memref<1x1000x128xf32, #tpu.memory_space<hbm>>
        %dma_wait3A_99 = tpu.memref_squeeze %dma_wait3A_98 : memref<1x1000x128xf32, #tpu.memory_space<hbm>> -> memref<1000x128xf32, #tpu.memory_space<hbm>>
        %dma_wait3A_100 = arith.constant 624 : i32
        %dma_wait3A_101 = arith.constant 0 : i32
        %dma_wait3A_102 = tpu.memref_slice %dma_wait3A_99[%dma_wait3A_100, %dma_wait3A_101] : memref<1000x128xf32, #tpu.memory_space<hbm>> -> memref<376x128xf32, #tpu.memory_space<hbm>>
        %dma_wait3A_103 = arith.constant 624 : i32
        %dma_wait3A_104 = arith.constant 0 : i32
        %dma_wait3A_105 = tpu.memref_slice %arg12[%dma_wait3A_103, %dma_wait3A_104] : memref<1000x128xf32, #tpu.memory_space<vmem_shared>> -> memref<376x128xf32, #tpu.memory_space<vmem_shared>>
        tpu.wait_dma2 semaphore(%run_scoped3A : memref<!tpu.dma_semaphore, #tpu.memory_space<semaphore_mem>>) src(%dma_wait3A_105 : memref<376x128xf32, #tpu.memory_space<vmem_shared>>) dst(%dma_wait3A_102 : memref<376x128xf32, #tpu.memory_space<hbm>>)
        tpu.yield
      }) : () -> ()
    } else {
    }
    return
  }
}

#map = affine_map<(d0, d1) -> (0, 0)>
#map1 = affine_map<(d0, d1) -> (0)>
#map2 = affine_map<(d0, d1) -> (0, 0, 0)>
module attributes {stable_mosaic.version = 14 : i64} {
  func.func @_sc_cluster_sum(%arg0: i32, %arg1: i32, %arg2: memref<10000x128xf32, #tpu.memory_space<hbm>>, %arg3: memref<10000xi32, #tpu.memory_space<hbm>>, %arg4: memref<640x128xf32, #tpu.memory_space<hbm>>, %arg5: memref<2x1000x128xf32, #tpu.memory_space<hbm>>, %arg6: memref<80xi32, #tpu.memory_space<vmem>>, %arg7: memref<80x128xf32, #tpu.memory_space<vmem>>, %arg8: memref<1000x128xf32, #tpu.memory_space<vmem_shared>>) attributes {dimension_semantics = [#tpu.dimension_semantics<core_parallel>, #tpu.dimension_semantics<subcore_parallel>], iteration_bounds = array<i64: 2, 16>, scalar_prefetch = 0 : i64, scratch_operands = 3 : i64, tpu.core_type = #tpu.core_type<sc_vector_subcore>, window_params = [{transform_indices = #map}, {transform_indices = #map1}, {transform_indices = #map}, {transform_indices = #map2}]} {
    %mul3A = arith.constant 2 : i32
    %mul3A_0 = arith.muli %arg1, %mul3A : i32
    %add3A = arith.addi %mul3A_0, %arg0 : i32
    %eq3A = arith.constant 0 : i32
    %eq3A_1 = arith.cmpi eq, %arg1, %eq3A : i32
    %convert_element_type3A = arith.extui %eq3A_1 : i1 to i32
    %cond3A = arith.constant 0 : i32
    %cond3A_2 = arith.cmpi ne, %convert_element_type3A, %cond3A : i32
    scf.if %cond3A_2 {
      "tpu.region"() ({
        %run_scoped3A = tpu.sem_alloc : memref<!tpu.dma_semaphore, #tpu.memory_space<semaphore_mem>>
        %dma_start3A = arith.constant 0 : i32
        %dma_start3A_73 = arith.constant 0 : i32
        %dma_start3A_74 = tpu.memref_slice %arg8[%dma_start3A, %dma_start3A_73] : memref<1000x128xf32, #tpu.memory_space<vmem_shared>> -> memref<640x128xf32, #tpu.memory_space<vmem_shared>>
        %dma_start3A_75 = arith.constant 0 : i32
        %dma_start3A_76 = arith.constant 0 : i32
        %dma_start3A_77 = tpu.memref_slice %arg4[%dma_start3A_75, %dma_start3A_76] : memref<640x128xf32, #tpu.memory_space<hbm>> -> memref<640x128xf32, #tpu.memory_space<hbm>>
        tpu.enqueue_dma source(%dma_start3A_77 : memref<640x128xf32, #tpu.memory_space<hbm>>) target(%dma_start3A_74 : memref<640x128xf32, #tpu.memory_space<vmem_shared>>) target_semaphore(%run_scoped3A : memref<!tpu.dma_semaphore, #tpu.memory_space<semaphore_mem>>)
        %dma_wait3A = arith.constant 0 : i32
        %dma_wait3A_78 = arith.constant 0 : i32
        %dma_wait3A_79 = tpu.memref_slice %arg8[%dma_wait3A, %dma_wait3A_78] : memref<1000x128xf32, #tpu.memory_space<vmem_shared>> -> memref<640x128xf32, #tpu.memory_space<vmem_shared>>
        %dma_wait3A_80 = arith.constant 0 : i32
        %dma_wait3A_81 = arith.constant 0 : i32
        %dma_wait3A_82 = tpu.memref_slice %arg4[%dma_wait3A_80, %dma_wait3A_81] : memref<640x128xf32, #tpu.memory_space<hbm>> -> memref<640x128xf32, #tpu.memory_space<hbm>>
        tpu.wait_dma2 semaphore(%run_scoped3A : memref<!tpu.dma_semaphore, #tpu.memory_space<semaphore_mem>>) src(%dma_wait3A_82 : memref<640x128xf32, #tpu.memory_space<hbm>>) dst(%dma_wait3A_79 : memref<640x128xf32, #tpu.memory_space<vmem_shared>>)
        tpu.yield
      }) : () -> ()
    } else {
    }
    %eq3A_3 = arith.constant 1 : i32
    %eq3A_4 = arith.cmpi eq, %arg1, %eq3A_3 : i32
    %convert_element_type3A_5 = arith.extui %eq3A_4 : i1 to i32
    %cond3A_6 = arith.constant 0 : i32
    %cond3A_7 = arith.cmpi ne, %convert_element_type3A_5, %cond3A_6 : i32
    scf.if %cond3A_7 {
      "tpu.region"() ({
        %run_scoped3A = tpu.sem_alloc : memref<!tpu.dma_semaphore, #tpu.memory_space<semaphore_mem>>
        %dma_start3A = arith.constant 624 : i32
        %dma_start3A_73 = arith.constant 0 : i32
        %dma_start3A_74 = tpu.memref_slice %arg8[%dma_start3A, %dma_start3A_73] : memref<1000x128xf32, #tpu.memory_space<vmem_shared>> -> memref<376x128xf32, #tpu.memory_space<vmem_shared>>
        %dma_start3A_75 = arith.constant 0 : i32
        %dma_start3A_76 = arith.constant 0 : i32
        %dma_start3A_77 = tpu.memref_slice %arg4[%dma_start3A_75, %dma_start3A_76] : memref<640x128xf32, #tpu.memory_space<hbm>> -> memref<376x128xf32, #tpu.memory_space<hbm>>
        tpu.enqueue_dma source(%dma_start3A_77 : memref<376x128xf32, #tpu.memory_space<hbm>>) target(%dma_start3A_74 : memref<376x128xf32, #tpu.memory_space<vmem_shared>>) target_semaphore(%run_scoped3A : memref<!tpu.dma_semaphore, #tpu.memory_space<semaphore_mem>>)
        %dma_wait3A = arith.constant 624 : i32
        %dma_wait3A_78 = arith.constant 0 : i32
        %dma_wait3A_79 = tpu.memref_slice %arg8[%dma_wait3A, %dma_wait3A_78] : memref<1000x128xf32, #tpu.memory_space<vmem_shared>> -> memref<376x128xf32, #tpu.memory_space<vmem_shared>>
        %dma_wait3A_80 = arith.constant 0 : i32
        %dma_wait3A_81 = arith.constant 0 : i32
        %dma_wait3A_82 = tpu.memref_slice %arg4[%dma_wait3A_80, %dma_wait3A_81] : memref<640x128xf32, #tpu.memory_space<hbm>> -> memref<376x128xf32, #tpu.memory_space<hbm>>
        tpu.wait_dma2 semaphore(%run_scoped3A : memref<!tpu.dma_semaphore, #tpu.memory_space<semaphore_mem>>) src(%dma_wait3A_82 : memref<376x128xf32, #tpu.memory_space<hbm>>) dst(%dma_wait3A_79 : memref<376x128xf32, #tpu.memory_space<vmem_shared>>)
        tpu.yield
      }) : () -> ()
    } else {
    }
    %barrier3A = arith.constant 0 : index
    tpu.barrier barrier_id(%barrier3A)
    %mul3A_8 = arith.constant 125 : i32
    %mul3A_9 = arith.muli %add3A, %mul3A_8 : i32
    %jit3A = arith.constant 32 : i32
    %div3A = arith.divsi %mul3A_9, %jit3A : i32
    %sign3A = arith.constant 0 : i32
    %sign3A_10 = arith.cmpi sgt, %mul3A_9, %sign3A : i32
    %sign3A_11 = arith.extui %sign3A_10 : i1 to i32
    %sign3A_12 = arith.constant 0 : i32
    %sign3A_13 = arith.cmpi slt, %mul3A_9, %sign3A_12 : i32
    %sign3A_14 = arith.extui %sign3A_13 : i1 to i32
    %sign3A_15 = arith.subi %sign3A_11, %sign3A_14 : i32
    %sign3A_16 = arith.constant 0 : i32
    %sign3A_17 = arith.cmpi sgt, %jit3A, %sign3A_16 : i32
    %sign3A_18 = arith.extui %sign3A_17 : i1 to i32
    %sign3A_19 = arith.constant 0 : i32
    %sign3A_20 = arith.cmpi slt, %jit3A, %sign3A_19 : i32
    %sign3A_21 = arith.extui %sign3A_20 : i1 to i32
    %sign3A_22 = arith.subi %sign3A_18, %sign3A_21 : i32
    %ne3A = arith.cmpi ne, %sign3A_15, %sign3A_22 : i32
    %rem3A = arith.remsi %mul3A_9, %jit3A : i32
    %ne3A_23 = arith.constant 0 : i32
    %ne3A_24 = arith.cmpi ne, %rem3A, %ne3A_23 : i32
    %and3A = arith.andi %ne3A, %ne3A_24 : i1
    %sub3A = arith.constant 1 : i32
    %sub3A_25 = arith.subi %div3A, %sub3A : i32
    %select_n3A = arith.select %and3A, %sub3A_25, %div3A : i32
    %add3A_26 = arith.constant 1 : i32
    %add3A_27 = arith.addi %add3A, %add3A_26 : i32
    %mul3A_28 = arith.constant 125 : i32
    %mul3A_29 = arith.muli %add3A_27, %mul3A_28 : i32
    %jit3A_30 = arith.constant 32 : i32
    %div3A_31 = arith.divsi %mul3A_29, %jit3A_30 : i32
    %sign3A_32 = arith.constant 0 : i32
    %sign3A_33 = arith.cmpi sgt, %mul3A_29, %sign3A_32 : i32
    %sign3A_34 = arith.extui %sign3A_33 : i1 to i32
    %sign3A_35 = arith.constant 0 : i32
    %sign3A_36 = arith.cmpi slt, %mul3A_29, %sign3A_35 : i32
    %sign3A_37 = arith.extui %sign3A_36 : i1 to i32
    %sign3A_38 = arith.subi %sign3A_34, %sign3A_37 : i32
    %sign3A_39 = arith.constant 0 : i32
    %sign3A_40 = arith.cmpi sgt, %jit3A_30, %sign3A_39 : i32
    %sign3A_41 = arith.extui %sign3A_40 : i1 to i32
    %sign3A_42 = arith.constant 0 : i32
    %sign3A_43 = arith.cmpi slt, %jit3A_30, %sign3A_42 : i32
    %sign3A_44 = arith.extui %sign3A_43 : i1 to i32
    %sign3A_45 = arith.subi %sign3A_41, %sign3A_44 : i32
    %ne3A_46 = arith.cmpi ne, %sign3A_38, %sign3A_45 : i32
    %rem3A_47 = arith.remsi %mul3A_29, %jit3A_30 : i32
    %ne3A_48 = arith.constant 0 : i32
    %ne3A_49 = arith.cmpi ne, %rem3A_47, %ne3A_48 : i32
    %and3A_50 = arith.andi %ne3A_46, %ne3A_49 : i1
    %sub3A_51 = arith.constant 1 : i32
    %sub3A_52 = arith.subi %div3A_31, %sub3A_51 : i32
    %select_n3A_53 = arith.select %and3A_50, %sub3A_52, %div3A_31 : i32
    %while3A = arith.constant 0 : i32
    %while3A_54 = arith.subi %select_n3A_53, %select_n3A : i32
    %while3A_55 = arith.addi %select_n3A, %while3A_54 : i32
    %while3A_56 = arith.constant 1 : i32
    %while3A_57 = arith.divsi %while3A_54, %while3A_56 : i32
    %while3A_58 = arith.muli %while3A_57, %while3A_56 : i32
    %while3A_59 = arith.addi %select_n3A, %while3A_58 : i32
    %while3A_60 = arith.constant 1 : i32
    scf.for %while3A_73 = %select_n3A to %while3A_59 step %while3A_60  : i32 {
      %mul3A_74 = arith.constant 80 : i32
      %mul3A_75 = arith.muli %while3A_73, %mul3A_74 : i32
      "tpu.region"() ({
        %run_scoped3A = tpu.sem_alloc : memref<!tpu.dma_semaphore, #tpu.memory_space<semaphore_mem>>
        %dma_start3A = tpu.memref_slice %arg3[%mul3A_75] : memref<10000xi32, #tpu.memory_space<hbm>> -> memref<80xi32, #tpu.memory_space<hbm>>
        %dma_start3A_78 = tpu.memref_slice %arg3[%mul3A_75] : memref<10000xi32, #tpu.memory_space<hbm>> -> memref<80xi32, #tpu.memory_space<hbm>>
        tpu.enqueue_dma source(%dma_start3A_78 : memref<80xi32, #tpu.memory_space<hbm>>) target(%arg6 : memref<80xi32, #tpu.memory_space<vmem>>) target_semaphore(%run_scoped3A : memref<!tpu.dma_semaphore, #tpu.memory_space<semaphore_mem>>)
        %dma_wait3A = tpu.memref_slice %arg3[%mul3A_75] : memref<10000xi32, #tpu.memory_space<hbm>> -> memref<80xi32, #tpu.memory_space<hbm>>
        %dma_wait3A_79 = tpu.memref_slice %arg3[%mul3A_75] : memref<10000xi32, #tpu.memory_space<hbm>> -> memref<80xi32, #tpu.memory_space<hbm>>
        tpu.wait_dma2 semaphore(%run_scoped3A : memref<!tpu.dma_semaphore, #tpu.memory_space<semaphore_mem>>) src(%dma_wait3A_79 : memref<80xi32, #tpu.memory_space<hbm>>) dst(%arg6 : memref<80xi32, #tpu.memory_space<vmem>>)
        tpu.yield
      }) : () -> ()
      %mul3A_76 = arith.constant 80 : i32
      %mul3A_77 = arith.muli %while3A_73, %mul3A_76 : i32
      "tpu.region"() ({
        %run_scoped3A = tpu.sem_alloc : memref<!tpu.dma_semaphore, #tpu.memory_space<semaphore_mem>>
        %dma_start3A = arith.constant 0 : i32
        %dma_start3A_78 = tpu.memref_slice %arg2[%mul3A_77, %dma_start3A] : memref<10000x128xf32, #tpu.memory_space<hbm>> -> memref<80x128xf32, #tpu.memory_space<hbm>>
        %dma_start3A_79 = arith.constant 0 : i32
        %dma_start3A_80 = tpu.memref_slice %arg2[%mul3A_77, %dma_start3A_79] : memref<10000x128xf32, #tpu.memory_space<hbm>> -> memref<80x128xf32, #tpu.memory_space<hbm>>
        tpu.enqueue_dma source(%dma_start3A_80 : memref<80x128xf32, #tpu.memory_space<hbm>>) target(%arg7 : memref<80x128xf32, #tpu.memory_space<vmem>>) target_semaphore(%run_scoped3A : memref<!tpu.dma_semaphore, #tpu.memory_space<semaphore_mem>>)
        %dma_wait3A = arith.constant 0 : i32
        %dma_wait3A_81 = tpu.memref_slice %arg2[%mul3A_77, %dma_wait3A] : memref<10000x128xf32, #tpu.memory_space<hbm>> -> memref<80x128xf32, #tpu.memory_space<hbm>>
        %dma_wait3A_82 = arith.constant 0 : i32
        %dma_wait3A_83 = tpu.memref_slice %arg2[%mul3A_77, %dma_wait3A_82] : memref<10000x128xf32, #tpu.memory_space<hbm>> -> memref<80x128xf32, #tpu.memory_space<hbm>>
        tpu.wait_dma2 semaphore(%run_scoped3A : memref<!tpu.dma_semaphore, #tpu.memory_space<semaphore_mem>>) src(%dma_wait3A_83 : memref<80x128xf32, #tpu.memory_space<hbm>>) dst(%arg7 : memref<80x128xf32, #tpu.memory_space<vmem>>)
        tpu.yield
      }) : () -> ()
      "tpu.region"() ({
        %run_scoped3A = tpu.sem_alloc : memref<!tpu.dma_semaphore, #tpu.memory_space<semaphore_mem>>
        %dma_start3A = arith.constant 0 : i32
        %dma_start3A_78 = arith.constant 0 : i32
        %dma_start3A_79 = tpu.memref_slice %arg8[%dma_start3A, %dma_start3A_78] : memref<1000x128xf32, #tpu.memory_space<vmem_shared>> -> memref<1000x128xf32, #tpu.memory_space<vmem_shared>>
        tpu.enqueue_indirect_dma source(%arg7 : memref<80x128xf32, #tpu.memory_space<vmem>>) target(%dma_start3A_79 : memref<1000x128xf32, #tpu.memory_space<vmem_shared>>) offsets(%arg6 : memref<80xi32, #tpu.memory_space<vmem>>) semaphore(%run_scoped3A : memref<!tpu.dma_semaphore, #tpu.memory_space<semaphore_mem>>) {add = true}
        %dma_wait3A = arith.constant 0 : i32
        %dma_wait3A_80 = arith.constant 0 : i32
        %dma_wait3A_81 = tpu.memref_slice %arg8[%dma_wait3A, %dma_wait3A_80] : memref<1000x128xf32, #tpu.memory_space<vmem_shared>> -> memref<1000x128xf32, #tpu.memory_space<vmem_shared>>
        tpu.wait_indirect_dma semaphore(%run_scoped3A : memref<!tpu.dma_semaphore, #tpu.memory_space<semaphore_mem>>) src(%arg7 : memref<80x128xf32, #tpu.memory_space<vmem>>) dst(%dma_wait3A_81 : memref<1000x128xf32, #tpu.memory_space<vmem_shared>>)
        tpu.yield
      }) : () -> ()
    }
    %while3A_61 = arith.constant 1 : i32
    scf.for %while3A_73 = %while3A_59 to %while3A_55 step %while3A_61  : i32 {
      %mul3A_74 = arith.constant 80 : i32
      %mul3A_75 = arith.muli %while3A_73, %mul3A_74 : i32
      "tpu.region"() ({
        %run_scoped3A = tpu.sem_alloc : memref<!tpu.dma_semaphore, #tpu.memory_space<semaphore_mem>>
        %dma_start3A = tpu.memref_slice %arg3[%mul3A_75] : memref<10000xi32, #tpu.memory_space<hbm>> -> memref<80xi32, #tpu.memory_space<hbm>>
        %dma_start3A_78 = tpu.memref_slice %arg3[%mul3A_75] : memref<10000xi32, #tpu.memory_space<hbm>> -> memref<80xi32, #tpu.memory_space<hbm>>
        tpu.enqueue_dma source(%dma_start3A_78 : memref<80xi32, #tpu.memory_space<hbm>>) target(%arg6 : memref<80xi32, #tpu.memory_space<vmem>>) target_semaphore(%run_scoped3A : memref<!tpu.dma_semaphore, #tpu.memory_space<semaphore_mem>>)
        %dma_wait3A = tpu.memref_slice %arg3[%mul3A_75] : memref<10000xi32, #tpu.memory_space<hbm>> -> memref<80xi32, #tpu.memory_space<hbm>>
        %dma_wait3A_79 = tpu.memref_slice %arg3[%mul3A_75] : memref<10000xi32, #tpu.memory_space<hbm>> -> memref<80xi32, #tpu.memory_space<hbm>>
        tpu.wait_dma2 semaphore(%run_scoped3A : memref<!tpu.dma_semaphore, #tpu.memory_space<semaphore_mem>>) src(%dma_wait3A_79 : memref<80xi32, #tpu.memory_space<hbm>>) dst(%arg6 : memref<80xi32, #tpu.memory_space<vmem>>)
        tpu.yield
      }) : () -> ()
      %mul3A_76 = arith.constant 80 : i32
      %mul3A_77 = arith.muli %while3A_73, %mul3A_76 : i32
      "tpu.region"() ({
        %run_scoped3A = tpu.sem_alloc : memref<!tpu.dma_semaphore, #tpu.memory_space<semaphore_mem>>
        %dma_start3A = arith.constant 0 : i32
        %dma_start3A_78 = tpu.memref_slice %arg2[%mul3A_77, %dma_start3A] : memref<10000x128xf32, #tpu.memory_space<hbm>> -> memref<80x128xf32, #tpu.memory_space<hbm>>
        %dma_start3A_79 = arith.constant 0 : i32
        %dma_start3A_80 = tpu.memref_slice %arg2[%mul3A_77, %dma_start3A_79] : memref<10000x128xf32, #tpu.memory_space<hbm>> -> memref<80x128xf32, #tpu.memory_space<hbm>>
        tpu.enqueue_dma source(%dma_start3A_80 : memref<80x128xf32, #tpu.memory_space<hbm>>) target(%arg7 : memref<80x128xf32, #tpu.memory_space<vmem>>) target_semaphore(%run_scoped3A : memref<!tpu.dma_semaphore, #tpu.memory_space<semaphore_mem>>)
        %dma_wait3A = arith.constant 0 : i32
        %dma_wait3A_81 = tpu.memref_slice %arg2[%mul3A_77, %dma_wait3A] : memref<10000x128xf32, #tpu.memory_space<hbm>> -> memref<80x128xf32, #tpu.memory_space<hbm>>
        %dma_wait3A_82 = arith.constant 0 : i32
        %dma_wait3A_83 = tpu.memref_slice %arg2[%mul3A_77, %dma_wait3A_82] : memref<10000x128xf32, #tpu.memory_space<hbm>> -> memref<80x128xf32, #tpu.memory_space<hbm>>
        tpu.wait_dma2 semaphore(%run_scoped3A : memref<!tpu.dma_semaphore, #tpu.memory_space<semaphore_mem>>) src(%dma_wait3A_83 : memref<80x128xf32, #tpu.memory_space<hbm>>) dst(%arg7 : memref<80x128xf32, #tpu.memory_space<vmem>>)
        tpu.yield
      }) : () -> ()
      "tpu.region"() ({
        %run_scoped3A = tpu.sem_alloc : memref<!tpu.dma_semaphore, #tpu.memory_space<semaphore_mem>>
        %dma_start3A = arith.constant 0 : i32
        %dma_start3A_78 = arith.constant 0 : i32
        %dma_start3A_79 = tpu.memref_slice %arg8[%dma_start3A, %dma_start3A_78] : memref<1000x128xf32, #tpu.memory_space<vmem_shared>> -> memref<1000x128xf32, #tpu.memory_space<vmem_shared>>
        tpu.enqueue_indirect_dma source(%arg7 : memref<80x128xf32, #tpu.memory_space<vmem>>) target(%dma_start3A_79 : memref<1000x128xf32, #tpu.memory_space<vmem_shared>>) offsets(%arg6 : memref<80xi32, #tpu.memory_space<vmem>>) semaphore(%run_scoped3A : memref<!tpu.dma_semaphore, #tpu.memory_space<semaphore_mem>>) {add = true}
        %dma_wait3A = arith.constant 0 : i32
        %dma_wait3A_80 = arith.constant 0 : i32
        %dma_wait3A_81 = tpu.memref_slice %arg8[%dma_wait3A, %dma_wait3A_80] : memref<1000x128xf32, #tpu.memory_space<vmem_shared>> -> memref<1000x128xf32, #tpu.memory_space<vmem_shared>>
        tpu.wait_indirect_dma semaphore(%run_scoped3A : memref<!tpu.dma_semaphore, #tpu.memory_space<semaphore_mem>>) src(%arg7 : memref<80x128xf32, #tpu.memory_space<vmem>>) dst(%dma_wait3A_81 : memref<1000x128xf32, #tpu.memory_space<vmem_shared>>)
        tpu.yield
      }) : () -> ()
    }
    %barrier3A_62 = arith.constant 0 : index
    tpu.barrier barrier_id(%barrier3A_62)
    %eq3A_63 = arith.constant 0 : i32
    %eq3A_64 = arith.cmpi eq, %arg1, %eq3A_63 : i32
    %convert_element_type3A_65 = arith.extui %eq3A_64 : i1 to i32
    %cond3A_66 = arith.constant 0 : i32
    %cond3A_67 = arith.cmpi ne, %convert_element_type3A_65, %cond3A_66 : i32
    scf.if %cond3A_67 {
      "tpu.region"() ({
        %run_scoped3A = tpu.sem_alloc : memref<!tpu.dma_semaphore, #tpu.memory_space<semaphore_mem>>
        %dma_start3A = arith.constant 0 : i32
        %dma_start3A_73 = arith.constant 0 : i32
        %dma_start3A_74 = tpu.memref_slice %arg5[%arg0, %dma_start3A, %dma_start3A_73] : memref<2x1000x128xf32, #tpu.memory_space<hbm>> -> memref<1x1000x128xf32, #tpu.memory_space<hbm>>
        %dma_start3A_75 = tpu.memref_squeeze %dma_start3A_74 : memref<1x1000x128xf32, #tpu.memory_space<hbm>> -> memref<1000x128xf32, #tpu.memory_space<hbm>>
        %dma_start3A_76 = arith.constant 0 : i32
        %dma_start3A_77 = arith.constant 0 : i32
        %dma_start3A_78 = tpu.memref_slice %dma_start3A_75[%dma_start3A_76, %dma_start3A_77] : memref<1000x128xf32, #tpu.memory_space<hbm>> -> memref<640x128xf32, #tpu.memory_space<hbm>>
        %dma_start3A_79 = arith.constant 0 : i32
        %dma_start3A_80 = arith.constant 0 : i32
        %dma_start3A_81 = tpu.memref_slice %arg8[%dma_start3A_79, %dma_start3A_80] : memref<1000x128xf32, #tpu.memory_space<vmem_shared>> -> memref<640x128xf32, #tpu.memory_space<vmem_shared>>
        tpu.enqueue_dma source(%dma_start3A_81 : memref<640x128xf32, #tpu.memory_space<vmem_shared>>) target(%dma_start3A_78 : memref<640x128xf32, #tpu.memory_space<hbm>>) target_semaphore(%run_scoped3A : memref<!tpu.dma_semaphore, #tpu.memory_space<semaphore_mem>>)
        %dma_wait3A = arith.constant 0 : i32
        %dma_wait3A_82 = arith.constant 0 : i32
        %dma_wait3A_83 = tpu.memref_slice %arg5[%arg0, %dma_wait3A, %dma_wait3A_82] : memref<2x1000x128xf32, #tpu.memory_space<hbm>> -> memref<1x1000x128xf32, #tpu.memory_space<hbm>>
        %dma_wait3A_84 = tpu.memref_squeeze %dma_wait3A_83 : memref<1x1000x128xf32, #tpu.memory_space<hbm>> -> memref<1000x128xf32, #tpu.memory_space<hbm>>
        %dma_wait3A_85 = arith.constant 0 : i32
        %dma_wait3A_86 = arith.constant 0 : i32
        %dma_wait3A_87 = tpu.memref_slice %dma_wait3A_84[%dma_wait3A_85, %dma_wait3A_86] : memref<1000x128xf32, #tpu.memory_space<hbm>> -> memref<640x128xf32, #tpu.memory_space<hbm>>
        %dma_wait3A_88 = arith.constant 0 : i32
        %dma_wait3A_89 = arith.constant 0 : i32
        %dma_wait3A_90 = tpu.memref_slice %arg8[%dma_wait3A_88, %dma_wait3A_89] : memref<1000x128xf32, #tpu.memory_space<vmem_shared>> -> memref<640x128xf32, #tpu.memory_space<vmem_shared>>
        tpu.wait_dma2 semaphore(%run_scoped3A : memref<!tpu.dma_semaphore, #tpu.memory_space<semaphore_mem>>) src(%dma_wait3A_90 : memref<640x128xf32, #tpu.memory_space<vmem_shared>>) dst(%dma_wait3A_87 : memref<640x128xf32, #tpu.memory_space<hbm>>)
        tpu.yield
      }) : () -> ()
    } else {
    }
    %eq3A_68 = arith.constant 1 : i32
    %eq3A_69 = arith.cmpi eq, %arg1, %eq3A_68 : i32
    %convert_element_type3A_70 = arith.extui %eq3A_69 : i1 to i32
    %cond3A_71 = arith.constant 0 : i32
    %cond3A_72 = arith.cmpi ne, %convert_element_type3A_70, %cond3A_71 : i32
    scf.if %cond3A_72 {
      "tpu.region"() ({
        %run_scoped3A = tpu.sem_alloc : memref<!tpu.dma_semaphore, #tpu.memory_space<semaphore_mem>>
        %dma_start3A = arith.constant 0 : i32
        %dma_start3A_73 = arith.constant 0 : i32
        %dma_start3A_74 = tpu.memref_slice %arg5[%arg0, %dma_start3A, %dma_start3A_73] : memref<2x1000x128xf32, #tpu.memory_space<hbm>> -> memref<1x1000x128xf32, #tpu.memory_space<hbm>>
        %dma_start3A_75 = tpu.memref_squeeze %dma_start3A_74 : memref<1x1000x128xf32, #tpu.memory_space<hbm>> -> memref<1000x128xf32, #tpu.memory_space<hbm>>
        %dma_start3A_76 = arith.constant 624 : i32
        %dma_start3A_77 = arith.constant 0 : i32
        %dma_start3A_78 = tpu.memref_slice %dma_start3A_75[%dma_start3A_76, %dma_start3A_77] : memref<1000x128xf32, #tpu.memory_space<hbm>> -> memref<376x128xf32, #tpu.memory_space<hbm>>
        %dma_start3A_79 = arith.constant 624 : i32
        %dma_start3A_80 = arith.constant 0 : i32
        %dma_start3A_81 = tpu.memref_slice %arg8[%dma_start3A_79, %dma_start3A_80] : memref<1000x128xf32, #tpu.memory_space<vmem_shared>> -> memref<376x128xf32, #tpu.memory_space<vmem_shared>>
        tpu.enqueue_dma source(%dma_start3A_81 : memref<376x128xf32, #tpu.memory_space<vmem_shared>>) target(%dma_start3A_78 : memref<376x128xf32, #tpu.memory_space<hbm>>) target_semaphore(%run_scoped3A : memref<!tpu.dma_semaphore, #tpu.memory_space<semaphore_mem>>)
        %dma_wait3A = arith.constant 0 : i32
        %dma_wait3A_82 = arith.constant 0 : i32
        %dma_wait3A_83 = tpu.memref_slice %arg5[%arg0, %dma_wait3A, %dma_wait3A_82] : memref<2x1000x128xf32, #tpu.memory_space<hbm>> -> memref<1x1000x128xf32, #tpu.memory_space<hbm>>
        %dma_wait3A_84 = tpu.memref_squeeze %dma_wait3A_83 : memref<1x1000x128xf32, #tpu.memory_space<hbm>> -> memref<1000x128xf32, #tpu.memory_space<hbm>>
        %dma_wait3A_85 = arith.constant 624 : i32
        %dma_wait3A_86 = arith.constant 0 : i32
        %dma_wait3A_87 = tpu.memref_slice %dma_wait3A_84[%dma_wait3A_85, %dma_wait3A_86] : memref<1000x128xf32, #tpu.memory_space<hbm>> -> memref<376x128xf32, #tpu.memory_space<hbm>>
        %dma_wait3A_88 = arith.constant 624 : i32
        %dma_wait3A_89 = arith.constant 0 : i32
        %dma_wait3A_90 = tpu.memref_slice %arg8[%dma_wait3A_88, %dma_wait3A_89] : memref<1000x128xf32, #tpu.memory_space<vmem_shared>> -> memref<376x128xf32, #tpu.memory_space<vmem_shared>>
        tpu.wait_dma2 semaphore(%run_scoped3A : memref<!tpu.dma_semaphore, #tpu.memory_space<semaphore_mem>>) src(%dma_wait3A_90 : memref<376x128xf32, #tpu.memory_space<vmem_shared>>) dst(%dma_wait3A_87 : memref<376x128xf32, #tpu.memory_space<hbm>>)
        tpu.yield
      }) : () -> ()
    } else {
    }
    return
  }
}

#map = affine_map<(d0, d1) -> (0, 0)>
#map1 = affine_map<(d0, d1) -> (0)>
module attributes {stable_mosaic.version = 14 : i64} {
  func.func @_sc_gather(%arg0: i32, %arg1: i32, %arg2: memref<1000x128xf32, #tpu.memory_space<hbm>>, %arg3: memref<10000xi32, #tpu.memory_space<hbm>>, %arg4: memref<10000x128xf32, #tpu.memory_space<hbm>>, %arg5: memref<80xi32, #tpu.memory_space<vmem>>, %arg6: memref<80x128xf32, #tpu.memory_space<vmem>>, %arg7: memref<!tpu.dma_semaphore, #tpu.memory_space<semaphore_mem>>) attributes {dimension_semantics = [#tpu.dimension_semantics<core_parallel>, #tpu.dimension_semantics<subcore_parallel>], iteration_bounds = array<i64: 2, 16>, scalar_prefetch = 0 : i64, scratch_operands = 3 : i64, tpu.core_type = #tpu.core_type<sc_vector_subcore>, window_params = [{transform_indices = #map}, {transform_indices = #map1}, {transform_indices = #map}]} {
    %mul3A = arith.constant 2 : i32
    %mul3A_0 = arith.muli %arg1, %mul3A : i32
    %add3A = arith.addi %mul3A_0, %arg0 : i32
    %mul3A_1 = arith.constant 125 : i32
    %mul3A_2 = arith.muli %add3A, %mul3A_1 : i32
    %jit3A = arith.constant 32 : i32
    %div3A = arith.divsi %mul3A_2, %jit3A : i32
    %sign3A = arith.constant 0 : i32
    %sign3A_3 = arith.cmpi sgt, %mul3A_2, %sign3A : i32
    %sign3A_4 = arith.extui %sign3A_3 : i1 to i32
    %sign3A_5 = arith.constant 0 : i32
    %sign3A_6 = arith.cmpi slt, %mul3A_2, %sign3A_5 : i32
    %sign3A_7 = arith.extui %sign3A_6 : i1 to i32
    %sign3A_8 = arith.subi %sign3A_4, %sign3A_7 : i32
    %sign3A_9 = arith.constant 0 : i32
    %sign3A_10 = arith.cmpi sgt, %jit3A, %sign3A_9 : i32
    %sign3A_11 = arith.extui %sign3A_10 : i1 to i32
    %sign3A_12 = arith.constant 0 : i32
    %sign3A_13 = arith.cmpi slt, %jit3A, %sign3A_12 : i32
    %sign3A_14 = arith.extui %sign3A_13 : i1 to i32
    %sign3A_15 = arith.subi %sign3A_11, %sign3A_14 : i32
    %ne3A = arith.cmpi ne, %sign3A_8, %sign3A_15 : i32
    %rem3A = arith.remsi %mul3A_2, %jit3A : i32
    %ne3A_16 = arith.constant 0 : i32
    %ne3A_17 = arith.cmpi ne, %rem3A, %ne3A_16 : i32
    %and3A = arith.andi %ne3A, %ne3A_17 : i1
    %sub3A = arith.constant 1 : i32
    %sub3A_18 = arith.subi %div3A, %sub3A : i32
    %select_n3A = arith.select %and3A, %sub3A_18, %div3A : i32
    %add3A_19 = arith.constant 1 : i32
    %add3A_20 = arith.addi %add3A, %add3A_19 : i32
    %mul3A_21 = arith.constant 125 : i32
    %mul3A_22 = arith.muli %add3A_20, %mul3A_21 : i32
    %jit3A_23 = arith.constant 32 : i32
    %div3A_24 = arith.divsi %mul3A_22, %jit3A_23 : i32
    %sign3A_25 = arith.constant 0 : i32
    %sign3A_26 = arith.cmpi sgt, %mul3A_22, %sign3A_25 : i32
    %sign3A_27 = arith.extui %sign3A_26 : i1 to i32
    %sign3A_28 = arith.constant 0 : i32
    %sign3A_29 = arith.cmpi slt, %mul3A_22, %sign3A_28 : i32
    %sign3A_30 = arith.extui %sign3A_29 : i1 to i32
    %sign3A_31 = arith.subi %sign3A_27, %sign3A_30 : i32
    %sign3A_32 = arith.constant 0 : i32
    %sign3A_33 = arith.cmpi sgt, %jit3A_23, %sign3A_32 : i32
    %sign3A_34 = arith.extui %sign3A_33 : i1 to i32
    %sign3A_35 = arith.constant 0 : i32
    %sign3A_36 = arith.cmpi slt, %jit3A_23, %sign3A_35 : i32
    %sign3A_37 = arith.extui %sign3A_36 : i1 to i32
    %sign3A_38 = arith.subi %sign3A_34, %sign3A_37 : i32
    %ne3A_39 = arith.cmpi ne, %sign3A_31, %sign3A_38 : i32
    %rem3A_40 = arith.remsi %mul3A_22, %jit3A_23 : i32
    %ne3A_41 = arith.constant 0 : i32
    %ne3A_42 = arith.cmpi ne, %rem3A_40, %ne3A_41 : i32
    %and3A_43 = arith.andi %ne3A_39, %ne3A_42 : i1
    %sub3A_44 = arith.constant 1 : i32
    %sub3A_45 = arith.subi %div3A_24, %sub3A_44 : i32
    %select_n3A_46 = arith.select %and3A_43, %sub3A_45, %div3A_24 : i32
    %while3A = arith.constant 0 : i32
    %while3A_47 = arith.subi %select_n3A_46, %select_n3A : i32
    %while3A_48 = arith.addi %select_n3A, %while3A_47 : i32
    %while3A_49 = arith.constant 1 : i32
    %while3A_50 = arith.divsi %while3A_47, %while3A_49 : i32
    %while3A_51 = arith.muli %while3A_50, %while3A_49 : i32
    %while3A_52 = arith.addi %select_n3A, %while3A_51 : i32
    %while3A_53 = arith.constant 1 : i32
    scf.for %while3A_55 = %select_n3A to %while3A_52 step %while3A_53  : i32 {
      %mul3A_56 = arith.constant 80 : i32
      %mul3A_57 = arith.muli %while3A_55, %mul3A_56 : i32
      "tpu.region"() ({
        %run_scoped3A = tpu.sem_alloc : memref<!tpu.dma_semaphore, #tpu.memory_space<semaphore_mem>>
        %dma_start3A_64 = tpu.memref_slice %arg3[%mul3A_57] : memref<10000xi32, #tpu.memory_space<hbm>> -> memref<80xi32, #tpu.memory_space<hbm>>
        %dma_start3A_65 = tpu.memref_slice %arg3[%mul3A_57] : memref<10000xi32, #tpu.memory_space<hbm>> -> memref<80xi32, #tpu.memory_space<hbm>>
        tpu.enqueue_dma source(%dma_start3A_65 : memref<80xi32, #tpu.memory_space<hbm>>) target(%arg5 : memref<80xi32, #tpu.memory_space<vmem>>) target_semaphore(%run_scoped3A : memref<!tpu.dma_semaphore, #tpu.memory_space<semaphore_mem>>)
        %dma_wait3A_66 = tpu.memref_slice %arg3[%mul3A_57] : memref<10000xi32, #tpu.memory_space<hbm>> -> memref<80xi32, #tpu.memory_space<hbm>>
        %dma_wait3A_67 = tpu.memref_slice %arg3[%mul3A_57] : memref<10000xi32, #tpu.memory_space<hbm>> -> memref<80xi32, #tpu.memory_space<hbm>>
        tpu.wait_dma2 semaphore(%run_scoped3A : memref<!tpu.dma_semaphore, #tpu.memory_space<semaphore_mem>>) src(%dma_wait3A_67 : memref<80xi32, #tpu.memory_space<hbm>>) dst(%arg5 : memref<80xi32, #tpu.memory_space<vmem>>)
        tpu.yield
      }) : () -> ()
      %dma_start3A = arith.constant 0 : i32
      %dma_start3A_58 = arith.constant 0 : i32
      %dma_start3A_59 = tpu.memref_slice %arg2[%dma_start3A, %dma_start3A_58] : memref<1000x128xf32, #tpu.memory_space<hbm>> -> memref<1000x128xf32, #tpu.memory_space<hbm>>
      tpu.enqueue_indirect_dma source(%dma_start3A_59 : memref<1000x128xf32, #tpu.memory_space<hbm>>) target(%arg6 : memref<80x128xf32, #tpu.memory_space<vmem>>) offsets(%arg5 : memref<80xi32, #tpu.memory_space<vmem>>) semaphore(%arg7 : memref<!tpu.dma_semaphore, #tpu.memory_space<semaphore_mem>>)
      %dma_wait3A = arith.constant 0 : i32
      %dma_wait3A_60 = arith.constant 0 : i32
      %dma_wait3A_61 = tpu.memref_slice %arg2[%dma_wait3A, %dma_wait3A_60] : memref<1000x128xf32, #tpu.memory_space<hbm>> -> memref<1000x128xf32, #tpu.memory_space<hbm>>
      tpu.wait_indirect_dma semaphore(%arg7 : memref<!tpu.dma_semaphore, #tpu.memory_space<semaphore_mem>>) src(%dma_wait3A_61 : memref<1000x128xf32, #tpu.memory_space<hbm>>) dst(%arg6 : memref<80x128xf32, #tpu.memory_space<vmem>>)
      %mul3A_62 = arith.constant 80 : i32
      %mul3A_63 = arith.muli %while3A_55, %mul3A_62 : i32
      "tpu.region"() ({
        %run_scoped3A = tpu.sem_alloc : memref<!tpu.dma_semaphore, #tpu.memory_space<semaphore_mem>>
        %dma_start3A_64 = arith.constant 0 : i32
        %dma_start3A_65 = tpu.memref_slice %arg4[%mul3A_63, %dma_start3A_64] : memref<10000x128xf32, #tpu.memory_space<hbm>> -> memref<80x128xf32, #tpu.memory_space<hbm>>
        %dma_start3A_66 = arith.constant 0 : i32
        %dma_start3A_67 = tpu.memref_slice %arg4[%mul3A_63, %dma_start3A_66] : memref<10000x128xf32, #tpu.memory_space<hbm>> -> memref<80x128xf32, #tpu.memory_space<hbm>>
        tpu.enqueue_dma source(%arg6 : memref<80x128xf32, #tpu.memory_space<vmem>>) target(%dma_start3A_67 : memref<80x128xf32, #tpu.memory_space<hbm>>) target_semaphore(%run_scoped3A : memref<!tpu.dma_semaphore, #tpu.memory_space<semaphore_mem>>)
        %dma_wait3A_68 = arith.constant 0 : i32
        %dma_wait3A_69 = tpu.memref_slice %arg4[%mul3A_63, %dma_wait3A_68] : memref<10000x128xf32, #tpu.memory_space<hbm>> -> memref<80x128xf32, #tpu.memory_space<hbm>>
        %dma_wait3A_70 = arith.constant 0 : i32
        %dma_wait3A_71 = tpu.memref_slice %arg4[%mul3A_63, %dma_wait3A_70] : memref<10000x128xf32, #tpu.memory_space<hbm>> -> memref<80x128xf32, #tpu.memory_space<hbm>>
        tpu.wait_dma2 semaphore(%run_scoped3A : memref<!tpu.dma_semaphore, #tpu.memory_space<semaphore_mem>>) src(%arg6 : memref<80x128xf32, #tpu.memory_space<vmem>>) dst(%dma_wait3A_71 : memref<80x128xf32, #tpu.memory_space<hbm>>)
        tpu.yield
      }) : () -> ()
    }
    %while3A_54 = arith.constant 1 : i32
    scf.for %while3A_55 = %while3A_52 to %while3A_48 step %while3A_54  : i32 {
      %mul3A_56 = arith.constant 80 : i32
      %mul3A_57 = arith.muli %while3A_55, %mul3A_56 : i32
      "tpu.region"() ({
        %run_scoped3A = tpu.sem_alloc : memref<!tpu.dma_semaphore, #tpu.memory_space<semaphore_mem>>
        %dma_start3A_64 = tpu.memref_slice %arg3[%mul3A_57] : memref<10000xi32, #tpu.memory_space<hbm>> -> memref<80xi32, #tpu.memory_space<hbm>>
        %dma_start3A_65 = tpu.memref_slice %arg3[%mul3A_57] : memref<10000xi32, #tpu.memory_space<hbm>> -> memref<80xi32, #tpu.memory_space<hbm>>
        tpu.enqueue_dma source(%dma_start3A_65 : memref<80xi32, #tpu.memory_space<hbm>>) target(%arg5 : memref<80xi32, #tpu.memory_space<vmem>>) target_semaphore(%run_scoped3A : memref<!tpu.dma_semaphore, #tpu.memory_space<semaphore_mem>>)
        %dma_wait3A_66 = tpu.memref_slice %arg3[%mul3A_57] : memref<10000xi32, #tpu.memory_space<hbm>> -> memref<80xi32, #tpu.memory_space<hbm>>
        %dma_wait3A_67 = tpu.memref_slice %arg3[%mul3A_57] : memref<10000xi32, #tpu.memory_space<hbm>> -> memref<80xi32, #tpu.memory_space<hbm>>
        tpu.wait_dma2 semaphore(%run_scoped3A : memref<!tpu.dma_semaphore, #tpu.memory_space<semaphore_mem>>) src(%dma_wait3A_67 : memref<80xi32, #tpu.memory_space<hbm>>) dst(%arg5 : memref<80xi32, #tpu.memory_space<vmem>>)
        tpu.yield
      }) : () -> ()
      %dma_start3A = arith.constant 0 : i32
      %dma_start3A_58 = arith.constant 0 : i32
      %dma_start3A_59 = tpu.memref_slice %arg2[%dma_start3A, %dma_start3A_58] : memref<1000x128xf32, #tpu.memory_space<hbm>> -> memref<1000x128xf32, #tpu.memory_space<hbm>>
      tpu.enqueue_indirect_dma source(%dma_start3A_59 : memref<1000x128xf32, #tpu.memory_space<hbm>>) target(%arg6 : memref<80x128xf32, #tpu.memory_space<vmem>>) offsets(%arg5 : memref<80xi32, #tpu.memory_space<vmem>>) semaphore(%arg7 : memref<!tpu.dma_semaphore, #tpu.memory_space<semaphore_mem>>)
      %dma_wait3A = arith.constant 0 : i32
      %dma_wait3A_60 = arith.constant 0 : i32
      %dma_wait3A_61 = tpu.memref_slice %arg2[%dma_wait3A, %dma_wait3A_60] : memref<1000x128xf32, #tpu.memory_space<hbm>> -> memref<1000x128xf32, #tpu.memory_space<hbm>>
      tpu.wait_indirect_dma semaphore(%arg7 : memref<!tpu.dma_semaphore, #tpu.memory_space<semaphore_mem>>) src(%dma_wait3A_61 : memref<1000x128xf32, #tpu.memory_space<hbm>>) dst(%arg6 : memref<80x128xf32, #tpu.memory_space<vmem>>)
      %mul3A_62 = arith.constant 80 : i32
      %mul3A_63 = arith.muli %while3A_55, %mul3A_62 : i32
      "tpu.region"() ({
        %run_scoped3A = tpu.sem_alloc : memref<!tpu.dma_semaphore, #tpu.memory_space<semaphore_mem>>
        %dma_start3A_64 = arith.constant 0 : i32
        %dma_start3A_65 = tpu.memref_slice %arg4[%mul3A_63, %dma_start3A_64] : memref<10000x128xf32, #tpu.memory_space<hbm>> -> memref<80x128xf32, #tpu.memory_space<hbm>>
        %dma_start3A_66 = arith.constant 0 : i32
        %dma_start3A_67 = tpu.memref_slice %arg4[%mul3A_63, %dma_start3A_66] : memref<10000x128xf32, #tpu.memory_space<hbm>> -> memref<80x128xf32, #tpu.memory_space<hbm>>
        tpu.enqueue_dma source(%arg6 : memref<80x128xf32, #tpu.memory_space<vmem>>) target(%dma_start3A_67 : memref<80x128xf32, #tpu.memory_space<hbm>>) target_semaphore(%run_scoped3A : memref<!tpu.dma_semaphore, #tpu.memory_space<semaphore_mem>>)
        %dma_wait3A_68 = arith.constant 0 : i32
        %dma_wait3A_69 = tpu.memref_slice %arg4[%mul3A_63, %dma_wait3A_68] : memref<10000x128xf32, #tpu.memory_space<hbm>> -> memref<80x128xf32, #tpu.memory_space<hbm>>
        %dma_wait3A_70 = arith.constant 0 : i32
        %dma_wait3A_71 = tpu.memref_slice %arg4[%mul3A_63, %dma_wait3A_70] : memref<10000x128xf32, #tpu.memory_space<hbm>> -> memref<80x128xf32, #tpu.memory_space<hbm>>
        tpu.wait_dma2 semaphore(%run_scoped3A : memref<!tpu.dma_semaphore, #tpu.memory_space<semaphore_mem>>) src(%arg6 : memref<80x128xf32, #tpu.memory_space<vmem>>) dst(%dma_wait3A_71 : memref<80x128xf32, #tpu.memory_space<hbm>>)
        tpu.yield
      }) : () -> ()
    }
    return
  }
}

module attributes {stable_mosaic.version = 14 : i64} {
  func.func @_tc_layer_body(%arg0: i32, %arg1: memref<1000x128xf32, #tpu.memory_space<vmem>>, %arg2: memref<2x1000x128xf32, #tpu.memory_space<vmem>>, %arg3: memref<2x1000x128xf32, #tpu.memory_space<vmem>>, %arg4: memref<128x128xf32, #tpu.memory_space<vmem>>, %arg5: memref<128x128xf32, #tpu.memory_space<vmem>>, %arg6: memref<1x128xf32, #tpu.memory_space<vmem>>, %arg7: memref<1000x128xf32, #tpu.memory_space<vmem>>) attributes {dimension_semantics = [#tpu.dimension_semantics<arbitrary>], iteration_bounds = array<i64: 10>, scalar_prefetch = 0 : i64, scratch_operands = 0 : i64, tpu.core_type = #tpu.core_type<tc>, window_params = [{transform_indices = @transform_0, window_bounds = array<i64: 1000, 128>}, {transform_indices = @transform_1, window_bounds = array<i64: 2, 1000, 128>}, {transform_indices = @transform_2, window_bounds = array<i64: 2, 1000, 128>}, {pipeline_mode = #tpu.pipeline_mode<synchronous>, transform_indices = @transform_3, window_bounds = array<i64: 128, 128>}, {pipeline_mode = #tpu.pipeline_mode<synchronous>, transform_indices = @transform_4, window_bounds = array<i64: 128, 128>}, {pipeline_mode = #tpu.pipeline_mode<synchronous>, transform_indices = @transform_5, window_bounds = array<i64: 1, 128>}, {transform_indices = @transform_6, window_bounds = array<i64: 1000, 128>}]} {
    %get3A = arith.constant 0 : index
    %get3A_0 = arith.constant 0 : index
    %get3A_1 = arith.constant 0 : index
    %get3A_2 = vector.load %arg3[%get3A, %get3A_0, %get3A_1] : memref<2x1000x128xf32, #tpu.memory_space<vmem>>, vector<1x1000x1xf32>
    %get3A_3 = vector.shape_cast %get3A_2 : vector<1x1000x1xf32> to vector<1000x1xf32>
    %get3A_4 = arith.constant 1 : index
    %get3A_5 = arith.constant 0 : index
    %get3A_6 = arith.constant 0 : index
    %get3A_7 = vector.load %arg3[%get3A_4, %get3A_5, %get3A_6] : memref<2x1000x128xf32, #tpu.memory_space<vmem>>, vector<1x1000x1xf32>
    %get3A_8 = vector.shape_cast %get3A_7 : vector<1x1000x1xf32> to vector<1000x1xf32>
    %add3A = arith.addf %get3A_3, %get3A_8 : vector<1000x1xf32>
    %max3A = arith.constant 1.000000e+00 : f32
    %max3A_9 = vector.broadcast %max3A : f32 to vector<1000x1xf32>
    %max3A_10 = arith.maximumf %add3A, %max3A_9 : vector<1000x1xf32>
    %get3A_11 = arith.constant 0 : index
    %get3A_12 = arith.constant 0 : index
    %get3A_13 = arith.constant 0 : index
    %get3A_14 = vector.load %arg2[%get3A_11, %get3A_12, %get3A_13] : memref<2x1000x128xf32, #tpu.memory_space<vmem>>, vector<1x1000x128xf32>
    %get3A_15 = vector.shape_cast %get3A_14 : vector<1x1000x128xf32> to vector<1000x128xf32>
    %get3A_16 = arith.constant 1 : index
    %get3A_17 = arith.constant 0 : index
    %get3A_18 = arith.constant 0 : index
    %get3A_19 = vector.load %arg2[%get3A_16, %get3A_17, %get3A_18] : memref<2x1000x128xf32, #tpu.memory_space<vmem>>, vector<1x1000x128xf32>
    %get3A_20 = vector.shape_cast %get3A_19 : vector<1x1000x128xf32> to vector<1000x128xf32>
    %add3A_21 = arith.addf %get3A_15, %get3A_20 : vector<1000x128xf32>
    %div3A = vector.broadcast %max3A_10 : vector<1000x1xf32> to vector<1000x128xf32>
    %div3A_22 = arith.divf %add3A_21, %div3A : vector<1000x128xf32>
    %get3A_23 = arith.constant 0 : index
    %get3A_24 = arith.constant 0 : index
    %get3A_25 = vector.load %arg1[%get3A_23, %get3A_24] : memref<1000x128xf32, #tpu.memory_space<vmem>>, vector<1000x128xf32>
    %get3A_26 = arith.constant 0 : index
    %get3A_27 = arith.constant 0 : index
    %get3A_28 = vector.load %arg4[%get3A_26, %get3A_27] : memref<128x128xf32, #tpu.memory_space<vmem>>, vector<128x128xf32>
    %dot_general3A = arith.constant dense<0.000000e+00> : vector<1000x128xf32>
    %dot_general3A_29 = tpu.matmul %get3A_25, %get3A_28, %dot_general3A {dimension_numbers = #tpu.dot_dimension_numbers<[1], [0], [0], [1], [0, 0, 1, 1], [], []>, transpose_lhs_hint = false} : vector<1000x128xf32>, vector<128x128xf32>, vector<1000x128xf32> -> vector<1000x128xf32>
    %get3A_30 = arith.constant 0 : index
    %get3A_31 = arith.constant 0 : index
    %get3A_32 = vector.load %arg5[%get3A_30, %get3A_31] : memref<128x128xf32, #tpu.memory_space<vmem>>, vector<128x128xf32>
    %dot_general3A_33 = arith.constant dense<0.000000e+00> : vector<1000x128xf32>
    %dot_general3A_34 = tpu.matmul %div3A_22, %get3A_32, %dot_general3A_33 {dimension_numbers = #tpu.dot_dimension_numbers<[1], [0], [0], [1], [0, 0, 1, 1], [], []>, transpose_lhs_hint = false} : vector<1000x128xf32>, vector<128x128xf32>, vector<1000x128xf32> -> vector<1000x128xf32>
    %add3A_35 = arith.addf %dot_general3A_29, %dot_general3A_34 : vector<1000x128xf32>
    %get3A_36 = arith.constant 0 : index
    %get3A_37 = arith.constant 0 : index
    %get3A_38 = vector.load %arg6[%get3A_36, %get3A_37] : memref<1x128xf32, #tpu.memory_space<vmem>>, vector<1x128xf32>
    %add3A_39 = vector.broadcast %get3A_38 : vector<1x128xf32> to vector<1000x128xf32>
    %add3A_40 = arith.addf %add3A_35, %add3A_39 : vector<1000x128xf32>
    %max3A_41 = arith.constant 0.000000e+00 : f32
    %max3A_42 = vector.broadcast %max3A_41 : f32 to vector<1000x128xf32>
    %max3A_43 = arith.maximumf %add3A_40, %max3A_42 : vector<1000x128xf32>
    %swap3A = arith.constant 0 : index
    %swap3A_44 = arith.constant 0 : index
    %swap3A_45 = vector.load %arg7[%swap3A, %swap3A_44] : memref<1000x128xf32, #tpu.memory_space<vmem>>, vector<1000x128xf32>
    tpu.vector_store %arg7[%swap3A, %swap3A_44], %max3A_43 {strides = array<i32>} : memref<1000x128xf32, #tpu.memory_space<vmem>>, vector<1000x128xf32>,
    return
  }
  func.func @transform_0(%arg0: i32) -> (i32, i32) {
    %c0_i32 = arith.constant 0 : i32
    %c0_i32_0 = arith.constant 0 : i32
    return %arg0, %c0_i32 : i32, i32
  }
  func.func @transform_1(%arg0: i32) -> (i32, i32, i32) {
    %c0_i32 = arith.constant 0 : i32
    %c0_i32_0 = arith.constant 0 : i32
    %c0_i32_1 = arith.constant 0 : i32
    return %c0_i32, %arg0, %c0_i32_0 : i32, i32, i32
  }
  func.func @transform_2(%arg0: i32) -> (i32, i32, i32) {
    %c0_i32 = arith.constant 0 : i32
    %c0_i32_0 = arith.constant 0 : i32
    %c0_i32_1 = arith.constant 0 : i32
    return %c0_i32, %arg0, %c0_i32_0 : i32, i32, i32
  }
  func.func @transform_3(%arg0: i32) -> (i32, i32) {
    %c0_i32 = arith.constant 0 : i32
    %c0_i32_0 = arith.constant 0 : i32
    %c0_i32_1 = arith.constant 0 : i32
    return %c0_i32, %c0_i32_0 : i32, i32
  }
  func.func @transform_4(%arg0: i32) -> (i32, i32) {
    %c0_i32 = arith.constant 0 : i32
    %c0_i32_0 = arith.constant 0 : i32
    %c0_i32_1 = arith.constant 0 : i32
    return %c0_i32, %c0_i32_0 : i32, i32
  }
  func.func @transform_5(%arg0: i32) -> (i32, i32) {
    %c0_i32 = arith.constant 0 : i32
    %c0_i32_0 = arith.constant 0 : i32
    %c0_i32_1 = arith.constant 0 : i32
    return %c0_i32, %c0_i32_0 : i32, i32
  }
  func.func @transform_6(%arg0: i32) -> (i32, i32) {
    %c0_i32 = arith.constant 0 : i32
    %c0_i32_0 = arith.constant 0 : i32
    return %arg0, %c0_i32 : i32, i32
  }
}

module attributes {stable_mosaic.version = 14 : i64} {
  func.func @_tc_layer_body(%arg0: i32, %arg1: memref<1000x128xf32, #tpu.memory_space<vmem>>, %arg2: memref<2x1000x128xf32, #tpu.memory_space<vmem>>, %arg3: memref<2x1000x128xf32, #tpu.memory_space<vmem>>, %arg4: memref<128x128xf32, #tpu.memory_space<vmem>>, %arg5: memref<128x128xf32, #tpu.memory_space<vmem>>, %arg6: memref<1x128xf32, #tpu.memory_space<vmem>>, %arg7: memref<1000x128xf32, #tpu.memory_space<vmem>>) attributes {dimension_semantics = [#tpu.dimension_semantics<arbitrary>], iteration_bounds = array<i64: 10>, scalar_prefetch = 0 : i64, scratch_operands = 0 : i64, tpu.core_type = #tpu.core_type<tc>, window_params = [{transform_indices = @transform_0, window_bounds = array<i64: 1000, 128>}, {transform_indices = @transform_1, window_bounds = array<i64: 2, 1000, 128>}, {transform_indices = @transform_2, window_bounds = array<i64: 2, 1000, 128>}, {pipeline_mode = #tpu.pipeline_mode<synchronous>, transform_indices = @transform_3, window_bounds = array<i64: 128, 128>}, {pipeline_mode = #tpu.pipeline_mode<synchronous>, transform_indices = @transform_4, window_bounds = array<i64: 128, 128>}, {pipeline_mode = #tpu.pipeline_mode<synchronous>, transform_indices = @transform_5, window_bounds = array<i64: 1, 128>}, {transform_indices = @transform_6, window_bounds = array<i64: 1000, 128>}]} {
    %get3A = arith.constant 0 : index
    %get3A_0 = arith.constant 0 : index
    %get3A_1 = arith.constant 0 : index
    %get3A_2 = vector.load %arg3[%get3A, %get3A_0, %get3A_1] : memref<2x1000x128xf32, #tpu.memory_space<vmem>>, vector<1x1000x1xf32>
    %get3A_3 = vector.shape_cast %get3A_2 : vector<1x1000x1xf32> to vector<1000x1xf32>
    %get3A_4 = arith.constant 1 : index
    %get3A_5 = arith.constant 0 : index
    %get3A_6 = arith.constant 0 : index
    %get3A_7 = vector.load %arg3[%get3A_4, %get3A_5, %get3A_6] : memref<2x1000x128xf32, #tpu.memory_space<vmem>>, vector<1x1000x1xf32>
    %get3A_8 = vector.shape_cast %get3A_7 : vector<1x1000x1xf32> to vector<1000x1xf32>
    %add3A = arith.addf %get3A_3, %get3A_8 : vector<1000x1xf32>
    %max3A = arith.constant 1.000000e+00 : f32
    %max3A_9 = vector.broadcast %max3A : f32 to vector<1000x1xf32>
    %max3A_10 = arith.maximumf %add3A, %max3A_9 : vector<1000x1xf32>
    %get3A_11 = arith.constant 0 : index
    %get3A_12 = arith.constant 0 : index
    %get3A_13 = arith.constant 0 : index
    %get3A_14 = vector.load %arg2[%get3A_11, %get3A_12, %get3A_13] : memref<2x1000x128xf32, #tpu.memory_space<vmem>>, vector<1x1000x128xf32>
    %get3A_15 = vector.shape_cast %get3A_14 : vector<1x1000x128xf32> to vector<1000x128xf32>
    %get3A_16 = arith.constant 1 : index
    %get3A_17 = arith.constant 0 : index
    %get3A_18 = arith.constant 0 : index
    %get3A_19 = vector.load %arg2[%get3A_16, %get3A_17, %get3A_18] : memref<2x1000x128xf32, #tpu.memory_space<vmem>>, vector<1x1000x128xf32>
    %get3A_20 = vector.shape_cast %get3A_19 : vector<1x1000x128xf32> to vector<1000x128xf32>
    %add3A_21 = arith.addf %get3A_15, %get3A_20 : vector<1000x128xf32>
    %div3A = vector.broadcast %max3A_10 : vector<1000x1xf32> to vector<1000x128xf32>
    %div3A_22 = arith.divf %add3A_21, %div3A : vector<1000x128xf32>
    %get3A_23 = arith.constant 0 : index
    %get3A_24 = arith.constant 0 : index
    %get3A_25 = vector.load %arg1[%get3A_23, %get3A_24] : memref<1000x128xf32, #tpu.memory_space<vmem>>, vector<1000x128xf32>
    %get3A_26 = arith.constant 0 : index
    %get3A_27 = arith.constant 0 : index
    %get3A_28 = vector.load %arg4[%get3A_26, %get3A_27] : memref<128x128xf32, #tpu.memory_space<vmem>>, vector<128x128xf32>
    %dot_general3A = arith.constant dense<0.000000e+00> : vector<1000x128xf32>
    %dot_general3A_29 = tpu.matmul %get3A_25, %get3A_28, %dot_general3A {dimension_numbers = #tpu.dot_dimension_numbers<[1], [0], [0], [1], [0, 0, 1, 1], [], []>, transpose_lhs_hint = false} : vector<1000x128xf32>, vector<128x128xf32>, vector<1000x128xf32> -> vector<1000x128xf32>
    %get3A_30 = arith.constant 0 : index
    %get3A_31 = arith.constant 0 : index
    %get3A_32 = vector.load %arg5[%get3A_30, %get3A_31] : memref<128x128xf32, #tpu.memory_space<vmem>>, vector<128x128xf32>
    %dot_general3A_33 = arith.constant dense<0.000000e+00> : vector<1000x128xf32>
    %dot_general3A_34 = tpu.matmul %div3A_22, %get3A_32, %dot_general3A_33 {dimension_numbers = #tpu.dot_dimension_numbers<[1], [0], [0], [1], [0, 0, 1, 1], [], []>, transpose_lhs_hint = false} : vector<1000x128xf32>, vector<128x128xf32>, vector<1000x128xf32> -> vector<1000x128xf32>
    %add3A_35 = arith.addf %dot_general3A_29, %dot_general3A_34 : vector<1000x128xf32>
    %get3A_36 = arith.constant 0 : index
    %get3A_37 = arith.constant 0 : index
    %get3A_38 = vector.load %arg6[%get3A_36, %get3A_37] : memref<1x128xf32, #tpu.memory_space<vmem>>, vector<1x128xf32>
    %add3A_39 = vector.broadcast %get3A_38 : vector<1x128xf32> to vector<1000x128xf32>
    %add3A_40 = arith.addf %add3A_35, %add3A_39 : vector<1000x128xf32>
    %swap3A = arith.constant 0 : index
    %swap3A_41 = arith.constant 0 : index
    %swap3A_42 = vector.load %arg7[%swap3A, %swap3A_41] : memref<1000x128xf32, #tpu.memory_space<vmem>>, vector<1000x128xf32>
    tpu.vector_store %arg7[%swap3A, %swap3A_41], %add3A_40 {strides = array<i32>} : memref<1000x128xf32, #tpu.memory_space<vmem>>, vector<1000x128xf32>,
    return
  }
  func.func @transform_0(%arg0: i32) -> (i32, i32) {
    %c0_i32 = arith.constant 0 : i32
    %c0_i32_0 = arith.constant 0 : i32
    return %arg0, %c0_i32 : i32, i32
  }
  func.func @transform_1(%arg0: i32) -> (i32, i32, i32) {
    %c0_i32 = arith.constant 0 : i32
    %c0_i32_0 = arith.constant 0 : i32
    %c0_i32_1 = arith.constant 0 : i32
    return %c0_i32, %arg0, %c0_i32_0 : i32, i32, i32
  }
  func.func @transform_2(%arg0: i32) -> (i32, i32, i32) {
    %c0_i32 = arith.constant 0 : i32
    %c0_i32_0 = arith.constant 0 : i32
    %c0_i32_1 = arith.constant 0 : i32
    return %c0_i32, %arg0, %c0_i32_0 : i32, i32, i32
  }
  func.func @transform_3(%arg0: i32) -> (i32, i32) {
    %c0_i32 = arith.constant 0 : i32
    %c0_i32_0 = arith.constant 0 : i32
    %c0_i32_1 = arith.constant 0 : i32
    return %c0_i32, %c0_i32_0 : i32, i32
  }
  func.func @transform_4(%arg0: i32) -> (i32, i32) {
    %c0_i32 = arith.constant 0 : i32
    %c0_i32_0 = arith.constant 0 : i32
    %c0_i32_1 = arith.constant 0 : i32
    return %c0_i32, %c0_i32_0 : i32, i32
  }
  func.func @transform_5(%arg0: i32) -> (i32, i32) {
    %c0_i32 = arith.constant 0 : i32
    %c0_i32_0 = arith.constant 0 : i32
    %c0_i32_1 = arith.constant 0 : i32
    return %c0_i32, %c0_i32_0 : i32, i32
  }
  func.func @transform_6(%arg0: i32) -> (i32, i32) {
    %c0_i32 = arith.constant 0 : i32
    %c0_i32_0 = arith.constant 0 : i32
    return %arg0, %c0_i32 : i32, i32
  }
}

module attributes {stable_mosaic.version = 14 : i64} {
  func.func @_tc_cmean_body(%arg0: memref<2x1000x128xf32, #tpu.memory_space<vmem>>, %arg1: memref<2x1000x128xf32, #tpu.memory_space<vmem>>, %arg2: memref<1000x128xf32, #tpu.memory_space<vmem>>) attributes {dimension_semantics = [], scalar_prefetch = 0 : i64, scratch_operands = 0 : i64, tpu.core_type = #tpu.core_type<tc>} {
    %get3A = arith.constant 0 : index
    %get3A_0 = arith.constant 0 : index
    %get3A_1 = arith.constant 0 : index
    %get3A_2 = vector.load %arg1[%get3A, %get3A_0, %get3A_1] : memref<2x1000x128xf32, #tpu.memory_space<vmem>>, vector<1x1000x1xf32>
    %get3A_3 = vector.shape_cast %get3A_2 : vector<1x1000x1xf32> to vector<1000x1xf32>
    %get3A_4 = arith.constant 1 : index
    %get3A_5 = arith.constant 0 : index
    %get3A_6 = arith.constant 0 : index
    %get3A_7 = vector.load %arg1[%get3A_4, %get3A_5, %get3A_6] : memref<2x1000x128xf32, #tpu.memory_space<vmem>>, vector<1x1000x1xf32>
    %get3A_8 = vector.shape_cast %get3A_7 : vector<1x1000x1xf32> to vector<1000x1xf32>
    %add3A = arith.addf %get3A_3, %get3A_8 : vector<1000x1xf32>
    %max3A = arith.constant 1.000000e+00 : f32
    %max3A_9 = vector.broadcast %max3A : f32 to vector<1000x1xf32>
    %max3A_10 = arith.maximumf %add3A, %max3A_9 : vector<1000x1xf32>
    %get3A_11 = arith.constant 0 : index
    %get3A_12 = arith.constant 0 : index
    %get3A_13 = arith.constant 0 : index
    %get3A_14 = vector.load %arg0[%get3A_11, %get3A_12, %get3A_13] : memref<2x1000x128xf32, #tpu.memory_space<vmem>>, vector<1x1000x128xf32>
    %get3A_15 = vector.shape_cast %get3A_14 : vector<1x1000x128xf32> to vector<1000x128xf32>
    %get3A_16 = arith.constant 1 : index
    %get3A_17 = arith.constant 0 : index
    %get3A_18 = arith.constant 0 : index
    %get3A_19 = vector.load %arg0[%get3A_16, %get3A_17, %get3A_18] : memref<2x1000x128xf32, #tpu.memory_space<vmem>>, vector<1x1000x128xf32>
    %get3A_20 = vector.shape_cast %get3A_19 : vector<1x1000x128xf32> to vector<1000x128xf32>
    %add3A_21 = arith.addf %get3A_15, %get3A_20 : vector<1000x128xf32>
    %div3A = vector.broadcast %max3A_10 : vector<1000x1xf32> to vector<1000x128xf32>
    %div3A_22 = arith.divf %add3A_21, %div3A : vector<1000x128xf32>
    %swap3A = arith.constant 0 : index
    %swap3A_23 = arith.constant 0 : index
    %swap3A_24 = vector.load %arg2[%swap3A, %swap3A_23] : memref<1000x128xf32, #tpu.memory_space<vmem>>, vector<1000x128xf32>
    tpu.vector_store %arg2[%swap3A, %swap3A_23], %div3A_22 {strides = array<i32>} : memref<1000x128xf32, #tpu.memory_space<vmem>>, vector<1000x128xf32>,
    return
  }
}

</mosaic_0001>

<sc_bundles>
// kernel: kernel.12.cloned.1.call-start
scs
__scs_entry_jumppad:
0x0: {  	(pc) =	sbr.rel $0x88, $3  }
0x1: {  	(tag) =	ssettag $0x0;
	lr =	simm.s32 $0x1  }
0x2: {  	[smem:$0x3F9B] =	sst lr;
	_ =	strace $0xD0000000  }
0x3: {  	_ = 	snop  }
0x4: {  	_ = 	snop  }
0x5: {  	_ = 	snop  }
0x6: {  	_ = 	snop  }
0x7: {  	_ = 	snop  }
__scs_overlays_trampoline_lowered:
0x8: {  	[smem:$0x3FAA] =	sst s0  }
0x9: {  	[smem:$0x3FAB] =	sst s1  }
0xa: {  	[smem:$0x3FAC] =	sst s2  }
0xb: {  	[smem:$0x3FAD] =	sst s3  }
0xc: {  	[smem:$0x3FAE] =	sst s4  }
0xd: {  	[smem:$0x3FAF] =	sst s5  }
0xe: {  	[smem:$0x3FB0] =	sst s6  }
0xf: {  	[smem:$0x3FB1] =	sst s7  }
0x10: {  	[smem:$0x3FB2] =	sst s8  }
0x11: {  	[smem:$0x3FB3] =	sst s9;
	s0 =	simm.s32 @!p0 $0x0  }
0x12: {  	s1 =	sld [smem:$0x3F99];
	s0 =	simm.s32 @p0 $0x1  }
0x13: {  	[smem:$0x3FB4] =	sst s0;
	s0 =	simm.s32 @!p1 $0x0  }
0x14: {  	s2 =	sld [smem:$0x3F98];
	s0 =	simm.s32 @p1 $0x1  }
0x15: {  	[smem:$0x3FB5] =	sst s0;
	s0 =	simm.s32 @!p2 $0x0  }
0x16: {  	s3 =	sld [smem:$0x3FDB];
	s0 =	simm.s32 @p2 $0x1  }
0x17: {  	s4 =	simm.s32 $0x1BF5;
	[smem:$0x3FB7] =	sst s0  }
0x18: {  	s0 =	sld [smem:$0x3F9A];
	_ =	swait.ge [sflag:s4], $0x0  }
0x19: {  	s7 =	sld [smem:$0x3F9B]  }
0x1a: {  	s8 =	sadd.s32 $0xFFFFE003, lr  }
0x1b: {  	s9 =	sadd.s32 $0xFFFFFEF7, lr;
	s5 =	simm.s32 $0xFFFFFFFF;
	p2 =	slt.u32 s8, $0xFFFFF086  }
0x1c: {  	p1 =	slt.u32 s9, $0xF7A;
	s5 =	simm.s32 @!p2 $0x0  }
0x1d: {  	s5 =	simm.s32 @p1 $0x1;
	p0 =	seq.s32 s7, s2  }
0x1e: {  	s7 =	smul.u32 @!p0 $0xF7A, s2;
	p2 =	seq.s32 @!p0 s5, $0x0  }
0x1f: {  	s9 =	smul.u32 $0xF7A, s1;
	s8 =	simm.s32 @!p0 $0x1BF5;
	p2 =	por !p2, p0  }
0x20: {  	[sflag:s8] =	ssyncset.s32 @!p0 $0xFFFFF086;
	s6 =	sadd.s32 @!p0 s3, s7;
	s7 =	simm.s32 @!p0 $0x108  }
0x21: {  	s3 =	sadd.s32 s3, s9;
	s6 =	sadd.s32 @!p0 $0x88, s6;
	s7 =	simm.s32 @p2 $0x1082  }
0x22: {  	[simem:s7], [sflag:s8] =	dma.local @!p0 [hbm:s6], $0xF7A  }
0x23: {  	s9 =	sor.u32 $0xD0000000, s2;
	s6 =	simm.s32 $0x108;
	_ =	swait.ge @!p0 [sflag:s8], $0x0  }
0x24: {  	s3 =	sadd.s32 $0x88, s3;
	s6 =	simm.s32 @!p1 $0x1082;
	[sflag:s4] =	ssyncset.s32 $0xFFFFF086  }
0x25: {  	[simem:s6], [sflag:s4] =	dma.local [hbm:s3], $0xF7A  }
0x26: {  	[smem:$0x3F9B] =	sst s1;
	(tag) =	ssettag s2;
	_ =	strace s9  }
0x27: {  	s1 =	sld [smem:$0x3FAB]  }
0x28: {  	s2 =	sld [smem:$0x3FAC]  }
0x29: {  	s4 =	sld [smem:$0x3FAE]  }
0x2a: {  	p0 =	seq.s32 s5, $0x0;
	s5 =	sld [smem:$0x3FAF]  }
0x2b: {  	s6 =	sld [smem:$0x3FB0]  }
0x2c: {  	s7 =	sld [smem:$0x3FB1]  }
0x2d: {  	s3 =	simm.s32 $0x108;
	s8 =	sld [smem:$0x3FB2]  }
0x2e: {  	s3 =	simm.s32 @!p0 $0x1082;
	s9 =	sld [smem:$0x3FB3]  }
0x2f: {  	lr =	sadd.s32 s0, s3;
	s0 =	sld [smem:$0x3FAA]  }
0x30: {  	s3 =	sld [smem:$0x3FAD]  }
0x31: {  	[smem:$0x3FB6] =	sst s10  }
0x32: {  	s10 =	sld [smem:$0x3FB4];
	_ =	sdelay $0x3  }
0x33: {  	p0 =	seq.s32 s10, $0x1;
	s10 =	sld [smem:$0x3FB6];
	_ =	sdelay $0x3  }
0x34: {  	[smem:$0x3FB6] =	sst s10  }
0x35: {  	s10 =	sld [smem:$0x3FB5];
	_ =	sdelay $0x3  }
0x36: {  	p1 =	seq.s32 s10, $0x1;
	s10 =	sld [smem:$0x3FB6];
	_ =	sdelay $0x3  }
0x37: {  	[smem:$0x3FB6] =	sst s10  }
0x38: {  	s10 =	sld [smem:$0x3FB7]  }
0x39: {  	_ = 	snop;
	(pc) =	sbr.ind lr, $3  }
0x3a: {  	_ = 	snop  }
0x3b: {  	_ = 	snop  }
0x3c: {  	p2 =	seq.s32 s10, $0x1;
	s10 =	sld [smem:$0x3FB6]  }
0x3d: {  	_ =	shalt  }
0x3e: {  	_ =	shalt  }
0x3f: {  	_ =	shalt  }
0x40: {  	_ =	shalt  }
0x41: {  	_ =	shalt  }
0x42: {  	_ =	shalt  }
0x43: {  	_ =	shalt  }
0x44: {  	_ =	shalt  }
0x45: {  	_ =	shalt  }
0x46: {  	_ =	shalt  }
0x47: {  	_ =	shalt  }
0x48: {  	_ =	shalt  }
0x49: {  	_ =	shalt  }
0x4a: {  	_ =	shalt  }
0x4b: {  	_ =	shalt  }
0x4c: {  	_ =	shalt  }
0x4d: {  	_ =	shalt  }
0x4e: {  	_ =	shalt  }
0x4f: {  	_ =	shalt  }
0x50: {  	_ =	shalt  }
0x51: {  	_ =	shalt  }
0x52: {  	_ =	shalt  }
0x53: {  	_ =	shalt  }
0x54: {  	_ =	shalt  }
0x55: {  	_ =	shalt  }
0x56: {  	_ =	shalt  }
0x57: {  	_ =	shalt  }
0x58: {  	_ =	shalt  }
0x59: {  	_ =	shalt  }
0x5a: {  	_ =	shalt  }
0x5b: {  	_ =	shalt  }
0x5c: {  	_ =	shalt  }
0x5d: {  	_ =	shalt  }
0x5e: {  	_ =	shalt  }
0x5f: {  	_ =	shalt  }
0x60: {  	_ =	shalt  }
0x61: {  	_ =	shalt  }
0x62: {  	_ =	shalt  }
0x63: {  	_ =	shalt  }
0x64: {  	_ =	shalt  }
0x65: {  	_ =	shalt  }
0x66: {  	_ =	shalt  }
0x67: {  	_ =	shalt  }
0x68: {  	_ =	shalt  }
0x69: {  	_ =	shalt  }
0x6a: {  	_ =	shalt  }
0x6b: {  	_ =	shalt  }
0x6c: {  	_ =	shalt  }
0x6d: {  	_ =	shalt  }
0x6e: {  	_ =	shalt  }
0x6f: {  	_ =	shalt  }
0x70: {  	_ =	shalt  }
0x71: {  	_ =	shalt  }
0x72: {  	_ =	shalt  }
0x73: {  	_ =	shalt  }
0x74: {  	_ =	shalt  }
0x75: {  	_ =	shalt  }
0x76: {  	_ =	shalt  }
0x77: {  	_ =	shalt  }
0x78: {  	_ =	shalt  }
0x79: {  	_ =	shalt  }
0x7a: {  	_ =	shalt  }
0x7b: {  	_ =	shalt  }
0x7c: {  	_ =	shalt  }
0x7d: {  	_ =	shalt  }
0x7e: {  	_ =	shalt  }
0x7f: {  	_ =	shalt  }
0x80: {  	_ =	shalt  }
0x81: {  	_ =	shalt  }
0x82: {  	_ =	shalt  }
0x83: {  	_ =	shalt  }
0x84: {  	_ =	shalt  }
0x85: {  	_ =	shalt  }
0x86: {  	_ =	shalt  }
0x87: {  	_ =	shalt  }
.Lfunc_end0:
.L_simem_size_0:
called_computation_lowered:
.L_overlay_start_0:
0x88: {  	s2 =	sld [smem:$0x3FD9]  }
0x89: {  	s3 =	sld [smem:$0x3FFE];
	_ =	sdelay $0x1  }
0x8a: {  	s1 =	srdreg.scid  }
0x8b: {  	s0 =	sand.u32 $0x1, s1  }
0x8c: {  	s17 =	sshll.u32 s0, $0xA;
	s2 =	sadd.s32 s3, s2  }
0x8d: {  	s2 =	sadd.s32 s2, s17  }
0x8e: {  	[smem:$0x3FC2] =	sst s2  }
0x8f: {  	_ = 	snop  }
0x90: {  	s18 =	sld [smem:$0x3FC7]  }
0x91: {  	s4 =	sld [smem:$0x3FD0];
	(tm) =	ssettm $0x1  }
0x92: {  	s19 =	sld [smem:$0x3FFB];
	_ =	sdelay $0x3  }
0x93: {  	_ =	strace s19  }
0x94: {  	s2 =	sld [smem:$0x3FFC];
	_ =	sdelay $0x3  }
0x95: {  	_ =	strace s2  }
0x96: {  	s2 =	sld [smem:$0x3FFD];
	_ =	sdelay $0x3  }
0x97: {  	_ =	strace s2  }
0x98: {  	_ =	strace $0x8FFFFFFF  }
0x99: {  	s20 =	sld [smem:$0x3FDB];
	_ =	sdelay $0x1  }
0x9a: {  	s5 =	simm.s32 $_scs_section_size  }
0x9b: {  	s6 =	simm.s32 $_size__tile_overlayer_lowered;
	s7 =	simm.s32 $_tile_overlayer_lowered  }
0x9c: {  	s8 =	simm.s32 $0x1BFF;
	s21 =	sshll.u32 s7, $0x1;
	s5 =	sadd.s32 s5, s20  }
0x9d: {  	s22 =	simm.s32 $0x0;
	s6 =	sshll.u32 s6, $0x1;
	s7 =	sadd.s32 s21, s5  }
0x9e: {  	[timem:s22], [sflag:s8] =	dma.local [hbm:s7], s6  }
0x9f: {  	_ =	swait.ge [sflag:s8], s6  }
0xa0: {  	s6 =	ssub.s32 $0x0, s6;
	[sflag:s8] =	ssyncset.done $0x0  }
0xa1: {  	[sflag:s8] =	ssyncadd.s32 s6;
	_ =	sdelay $0x1  }
0xa2: {  	s23 =	simm.s32 $0x1B8B  }
0xa3: {  	_ =	swait.ge [sflag:s23], $0x1  }
0xa4: {  	[sflag:s23] =	ssyncset.done $0x0  }
0xa5: {  	[sflag:s23] =	ssyncadd.s32 $0xFFFFFFFF  }
0xa6: {  	s6 =	sld [smem:$0x0]  }
0xa7: {  	s7 =	sand.u32 $0xFFFFFFFE, s1  }
0xa8: {  	p0 =	sne.s32 s1, s7  }
0xa9: {  	s7 =	sshll.u32 @p0 s7, $0xE  }
0xaa: {  	s7 =	sadd.s32 @p0 $0x11B8D, s7;
	s8 =	sshll.u32 @p0 s6, $0x11  }
0xab: {  	s7 =	sor.u32 @p0 s8, s7  }
0xac: {  	[sflag:s7] =	ssyncadd.remote.s32 @p0 $0x1;
	_ =	sdelay $0x1  }
0xad: {  	s7 =	simm.s32 @p0 $0x1B8D  }
0xae: {  	_ =	swait.eq @p0 [sflag:s7], $0x1  }
0xaf: {  	[sflag:s7] =	ssyncadd.s32 @p0 $0xFFFFFFFF  }
0xb0: {  	s8 =	sshll.u32 @!p0 s1, $0xE  }
0xb1: {  	s8 =	sor.u32 @!p0 $0x4000, s8;
	s7 =	simm.s32 @!p0 $0x1B8D  }
0xb2: {  	s6 =	sshll.u32 @!p0 s6, $0x11;
	s8 =	sadd.s32 @!p0 $0x11B8D, s8;
	_ =	swait.eq @!p0 [sflag:s7], $0x1  }
0xb3: {  	s6 =	sor.u32 @!p0 s6, s8;
	[sflag:s7] =	ssyncadd.s32 @!p0 $0xFFFFFFFF  }
0xb4: {  	s25 =	simm.s32 $0x1B8E;
	s24 =	sld [smem:$0x3FFE];
	[sflag:s6] =	ssyncadd.remote.s32 @!p0 $0x1  }
0xb5: {  	s26 =	simm.s32 $execute0_lowered;
	[smem:$0x3FD2] =	sst s25  }
0xb6: {  	s7 =	sshll.u32 s26, $0x1;
	_ =	strace $0x80000049;
	[dreg:$0x1] =	wrdreg $0xFFFFFFFF  }
0xb7: {  	s28 =	simm.s32 $_size_execute0_lowered;
	s5 =	sadd.s32 s5, s7;
	[dreg:$0x0] =	wrdreg $0x0  }
0xb8: {  	s7 =	sshll.u32 s28, $0x1;
	[dreg:$0x2] =	wrdreg s5  }
0xb9: {  	[dreg:$0x3] =	wrdreg s7  }
0xba: {  	[dreg:$0x4] =	wrdreg $0xC0  }
0xbb: {  	_ =	task [dreg:s22], $0x5FFFF  }
0xbc: {  	[dreg:$0x1] =	wrdreg $0xFFFFFFFF  }
0xbd: {  	[dreg:$0x0] =	wrdreg $0x60  }
0xbe: {  	[dreg:$0x2] =	wrdreg s24  }
0xbf: {  	[dreg:$0x3] =	wrdreg s18  }
0xc0: {  	[dreg:$0x4] =	wrdreg s4  }
0xc1: {  	[dreg:$0x5] =	wrdreg $0x29000  }
0xc2: {  	[dreg:$0x6] =	wrdreg $0x161800  }
0xc3: {  	[dreg:$0x7] =	wrdreg $0x9  }
0xc4: {  	_ =	task.clear_ibuf [dreg:s22], $0x8FFFF;
	_ =	strace $0x90000049  }
0xc5: {  	s29 =	simm.s32 $0x9;
	_ =	strace $0x8000004B  }
0xc6: {  	_ =	swait.ge [sflag:s29], $0x1  }
0xc7: {  	[sflag:s29] =	ssyncadd.s32 $0xFFFFFFFF  }
0xc8: {  	_ =	strace $0x9000004B  }
0xc9: {  	_ =	sfence  }
0xca: {  	s30 =	sld [smem:$0x0];
	_ =	sdelay $0x2  }
0xcb: {  	s31 =	sshll.u32 s1, $0xD;
	s1 =	sshrl.u32 s1, $0x2  }
0xcc: {  	s4 =	sand.u32 $0x4000, s31;
	s1 =	sadd.s32 s1, s30  }
0xcd: {  	s0 =	sor.u32 s4, s0;
	s1 =	sshll.u32 s1, $0x11  }
0xce: {  	s0 =	sor.u32 s1, s0  }
0xcf: {  	s0 =	sadd.s32 $0x8F2B, s0  }
0xd0: {  	[sflag:s0] =	ssyncadd.remote.s32 $0x1  }
0xd1: {  	_ =	sfence.sel $0xFFFF  }
0xd2: {  	[dreg:$0x0] =	wrdreg $0xFFFFFFFF;
	(pc) =	sbr.abs _section_cstart, $3  }
0xd3: {  	[dreg:$0x1] =	wrdreg $0xFFFFFFFF  }
0xd4: {  	_ =	task.clear_ibuf [dreg:s22], $0x2FFFF;
	_ =	strace $0x9FFFFFFF  }
0xd5: {  	(tm) =	ssettm $0x7FFFFFFF  }
tec
execute0_lowered:
.L_overlay_start_1:
0x0: {  	(tag) =	ssettag $0x1  }
0x1: {  	s7 =	rddreg [dreg:$0x0]  }
0x2: {  	s16 =	rddreg [dreg:$0x1]  }
0x3: {  	s2 =	rddreg [dreg:$0x3]  }
0x4: {  	s3 =	rddreg [dreg:$0x4]  }
0x5: {  	s4 =	simm.s32 $0x0;
	s5 =	srdreg.scid;
	s23 =	stileid.u32  }
0x6: {  	s28 =	simm.s32 $0x0;
	p4 =	por $0x0, $0x0;
	s13 =	smul.u32 $0x4E000, s23  }
0x7: {  	[smem:$0x7FF] =	sst s4;
	s10 =	sand.u32 $0x1, s5;
	s0 =	smul.u32 $0x4E20, s23  }
0x8: {  	s5 =	sadd.s32 $0x3C00, s7;
	s6 =	sadd.s32 $0x1DA00, s7;
	s22 =	smul.u32 $0xFA, s23  }
0x9: {  	s11 =	sshll.u32 s23, $0x1;
	s31 =	sshll.u32 s23, $0x6;
	s25 =	smul.u32 $0x2700, s23  }
0xa: {  	p0 =	seq.s32 s23, $0x1;
	p2 =	sne.s32 s23, $0x0;
	s8 =	smul.u32 $0x27100, s10  }
0xb: {  	_ =	strace $0x8000004A;
	s9 =	smul.u32 $0x3E80, s10;
	s12 =	ssub.s32 $0x2, s10  }
0xc: {  	s11 =	sor.u32 s10, s11;
	s1 =	smul.u32 $0x2710, s10;
	p1 =	sne.s32 @!p0 s23, $0x0  }
0xd: {  	s23 =	simm.s32 $0x80;
	s29 =	sshrl.u32 s12, $0x1;
	s15 =	smul.u32 $0x2710, s11  }
0xe: {  	s11 =	smul.u32 $0x7D, s11;
	s30 =	sshrl.u32 s13, $0x2;
	p3 =	por p1, p0  }
0xf: {  	p1 =	por !p1, p0;
	s14 =	sadd.s32 s8, s7;
	s17 =	sadd.s32 s9, s7  }
0x10: {  	s18 =	ssub.s32 s12, s29;
	s19 =	sadd.s32 s30, s2;
	s7 =	sor.u32 $0x1C03, s31  }
0x11: {  	s8 =	sadd.s32 $0x13800, s3;
	s26 =	sadd.s32 s1, s0;
	s0 =	simm.s32 @!p1 $0x0  }
0x12: {  	s21 =	sshrl.u32 s15, $0x3;
	s20 =	sadd.s32 $0x7D, s11;
	s24 =	sadd.s32 $0x6E400, s14  }
0x13: {  	s12 =	sadd.s32 $0xBC600, s17;
	s30 =	sadd.s32 $0x50, s26;
	s13 =	smax.u32 s18, $0x1  }
0x14: {  	s14 =	sadd.s32 $0xA0, s26;
	s18 =	simm.s32 $0x3;
	s0 =	simm.s32 @p1 $0x1  }
0x15: {  	s26 =	simm.s32 $0x2;
	s9 =	sadd.s32 s5, s21;
	s21 =	smul.u32 $0x7D, s10  }
0x16: {  	s10 =	sshrl.u32 s11, $0x5;
	s11 =	sshrl.u32 s20, $0x5;
	s15 =	sshrl.u32 s30, $0x3  }
0x17: {  	s20 =	sshrl.u32 @!p3 s3, $0x3;
	[smem:$0x7FC] =	sst s0;
	s24 =	sadd.s32 s25, s24  }
.Ltmp0:
0x18: {  	p1 =	sge.u32 s10, s11;
	s29 =	sadd.s32 s21, s22;
	(pc) =	sbr.rel .LBB2_1-.Ltmp0, $4  }
0x19: {  	s25 =	simm.s32 $0x1;
	s0 =	simm.s32 @!p1 $0x0;
	s31 =	sshrl.u32 s29, $0x5  }
0x1a: {  	s15 =	sadd.s32 s15, s5;
	s0 =	simm.s32 @p1 $0x1;
	s17 =	smul.u32 $0xA, s31  }
0x1b: {  	s21 =	simm.s32 $0x100;
	s22 =	simm.s32 $0x50;
	[smem:$0x7FD] =	sst s0  }
0x1c: {  	s16 =	sadd.s32 s17, s16;
	s17 =	sshrl.u32 s19, $0x3;
	s19 =	sshrl.u32 @p0 s8, $0x3  }
.LBB2_6:
0x1d: {  	[sflag:s18] =	ssyncadd.s32 $0xFFFFD800  }
.LBB2_7:
0x1e: {  	[bflag:$0x0] =	sbarrier.arrive $0xFFFF  }
0x1f: {  	[hbm:s24], [sflag:s7] =	dma.local [spmem:s17], $0x2800  }
0x20: {  	_ =	swait.ge [sflag:s18], $0x2800  }
0x21: {  	[sflag:s18] =	ssyncset.done $0x0  }
0x22: {  	s0 =	sshrl.u32 @!p2 s3, $0x3;
	[sflag:s18] =	ssyncadd.s32 $0xFFFFD800  }
0x23: {  	[hbm:s12], [sflag:s7] =	dma.local @!p2 [spmem:s0], $0x2800  }
0x24: {  	s0 =	simm.s32 @!p2 $0x3  }
0x25: {  	_ =	swait.ge @!p2 [sflag:s0], $0x2800  }
0x26: {  	s1 =	sshrl.u32 @p6 s8, $0x3;
	s28 =	sadd.s32 $0x1, s28;
	[sflag:s0] =	ssyncset.done @!p2 $0x0  }
0x27: {  	p1 =	sne.s32 s28, s13;
	[sflag:s0] =	ssyncadd.s32 @!p2 $0xFFFFD800;
	s0 =	sadd.s32 @p6 $0x2700, s12  }
0x28: {  	[hbm:s0], [sflag:s7] =	dma.local @p6 [spmem:s1], $0x1780  }
.Ltmp1:
0x29: {  	_ = 	snop;
	(pc) =	sbr.rel @!p1 .LBB2_8-.Ltmp1, $4  }
0x2a: {  	s0 =	simm.s32 @p6 $0x3  }
0x2b: {  	_ =	swait.ge @p6 [sflag:s0], $0x1780  }
0x2c: {  	[sflag:s0] =	ssyncset.done @p6 $0x0  }
0x2d: {  	[sflag:s0] =	ssyncadd.s32 @p6 $0xFFFFE880  }
.LBB2_1:
0x2e: {  	[spmem:s17], [sflag:s7] =	dma.local [hbm:s6], $0x2800  }
0x2f: {  	_ =	swait.ge [sflag:s18], $0x2800  }
0x30: {  	[sflag:s18] =	ssyncset.done $0x0  }
0x31: {  	s29 =	simm.s32 @p0 $0x3;
	[sflag:s18] =	ssyncadd.s32 $0xFFFFD800  }
0x32: {  	[spmem:s19], [sflag:s7] =	dma.local @p0 [hbm:s6], $0x1780  }
0x33: {  	_ =	swait.ge @p0 [sflag:s29], $0x1780  }
0x34: {  	[sflag:s29] =	ssyncset.done @p0 $0x0  }
0x35: {  	[sflag:s29] =	ssyncadd.s32 @p0 $0xFFFFE880;
	s29 =	simm.s32 @!p3 $0x3  }
0x36: {  	[spmem:s20], [sflag:s7] =	dma.local @!p3 [hbm:s6], $0x2800  }
0x37: {  	_ =	swait.ge @!p3 [sflag:s29], $0x2800  }
0x38: {  	[sflag:s29] =	ssyncset.done @!p3 $0x0  }
0x39: {  	[sflag:s29] =	ssyncadd.s32 @!p3 $0xFFFFD800  }
0x3a: {  	[bflag:$0x0] =	sbarrier.arrive $0xFFFF  }
0x3b: {  	s0 =	rddreg [dreg:$0x2]  }
0x3c: {  	[tilespmem:s21], [sflag:$0x3] =	stream.linear.gather [hbm4b:s0+s4], $0x2800, $0x38;
	[tilespmem:$0x180C0] =	vst v63  }
0x3d: {  	_ =	swait.ge [sflag:s18], $0x2800  }
0x3e: {  	[sflag:s18] =	ssyncset.done $0x0  }
0x3f: {  	[sflag:s18] =	ssyncadd.s32 $0xFFFFD800  }
0x40: {  	[tilespmem:s4], [sflag:$0x3] =	stream.linear.gather [hbm4b:s9+s4], $0x50, $0x38;
	[tilespmem:$0x180C0] =	vst v63  }
0x41: {  	_ =	swait.ge [sflag:s18], $0x50  }
0x42: {  	[sflag:s18] =	ssyncset.done $0x0  }
0x43: {  	[sflag:s18] =	ssyncadd.s32 $0xFFFFFFB0  }
0x44: {  	[spmem:s2] =	stream.indirect.scatter.add.f32 [tilespmem:s21], [sflag:$0x1], $0x80, s4, s22, $0xb8;
	[tilespmem:$0x180C0] =	vst v63  }
0x45: {  	s29 =	sadd.s32 $0x0, s15  }
0x46: {  	[tilespmem:s23], [sflag:$0x3] =	stream.linear.gather [hbm4b:s29+s4], $0x50, $0x38;
	[tilespmem:$0x180C0] =	vst v63  }
0x47: {  	_ =	swait.ge [sflag:s18], $0x50  }
0x48: {  	[sflag:s18] =	ssyncset.done $0x0  }
0x49: {  	[sflag:s18] =	ssyncadd.s32 $0xFFFFFFB0  }
0x4a: {  	[spmem:s2] =	stream.indirect.scatter.add.f32 [tilespmem:s21], [sflag:$0x2], $0x80, s23, s22, $0xb8;
	[tilespmem:$0x180C0] =	vst v63  }
0x4b: {  	_ =	swait.ge [sflag:s25], $0x2800  }
0x4c: {  	s29 =	sshrl.u32 s14, $0x3;
	[sflag:s25] =	ssyncset.done $0x0  }
0x4d: {  	s29 =	sadd.s32 s5, s29;
	[sflag:s25] =	ssyncadd.s32 $0xFFFFD800  }
0x4e: {  	[tilespmem:s4], [sflag:$0x3] =	stream.linear.gather [hbm4b:s29+s4], $0x50, $0x38;
	[tilespmem:$0x180C0] =	vst v63  }
0x4f: {  	_ =	swait.ge [sflag:s18], $0x50  }
0x50: {  	[sflag:s18] =	ssyncset.done $0x0;
	s1 =	sld [smem:$0x7FC]  }
0x51: {  	p1 =	por @!p3 $0x0, $0x0;
	[sflag:s18] =	ssyncadd.s32 $0xFFFFFFB0  }
0x52: {  	[spmem:s2] =	stream.indirect.scatter.add.f32 [tilespmem:s21], [sflag:$0x1], $0x80, s4, s22, $0xb8;
	[tilespmem:$0x180C0] =	vst v63  }
0x53: {  	p6 =	por @p0 $0x1, $0x1;
	s30 =	simm.s32 $0x14;
	p5 =	seq.s32 s1, $0x1  }
0x54: {  	s31 =	simm.s32 $0x28;
	_ =	swait.ge [sflag:s26], $0x2800;
	p1 =	por @!p5 p4, p4  }
0x55: {  	s29 =	sadd.s32 $0xA0, s14;
	[sflag:s26] =	ssyncset.done $0x0;
	p6 =	por @!p0 p1, p1  }
.LBB2_2:
0x56: {  	s0 =	sadd.s32 s30, s15  }
0x57: {  	[sflag:s26] =	ssyncadd.s32 $0xFFFFD800;
	s30 =	smov.u32 s31;
	s1 =	sadd.s32 $0x14, s31  }
0x58: {  	[tilespmem:s23], [sflag:$0x3] =	stream.linear.gather [hbm4b:s0+s4], $0x50, $0x38;
	[tilespmem:$0x180C0] =	vst v63  }
0x59: {  	p1 =	sne.s32 s31, $0x4C4;
	_ =	swait.ge [sflag:s18], $0x50  }
0x5a: {  	[sflag:s18] =	ssyncset.done $0x0  }
0x5b: {  	[sflag:s18] =	ssyncadd.s32 $0xFFFFFFB0  }
0x5c: {  	[spmem:s2] =	stream.indirect.scatter.add.f32 [tilespmem:s21], [sflag:$0x2], $0x80, s23, s22, $0xb8;
	[tilespmem:$0x180C0] =	vst v63  }
0x5d: {  	_ =	swait.ge [sflag:s25], $0x2800  }
0x5e: {  	s0 =	sshrl.u32 s29, $0x3;
	[sflag:s25] =	ssyncset.done $0x0  }
0x5f: {  	s0 =	sadd.s32 s5, s0;
	[sflag:s25] =	ssyncadd.s32 $0xFFFFD800  }
0x60: {  	[tilespmem:s4], [sflag:$0x3] =	stream.linear.gather [hbm4b:s0+s4], $0x50, $0x38;
	[tilespmem:$0x180C0] =	vst v63  }
0x61: {  	_ =	swait.ge [sflag:s18], $0x50  }
.Ltmp2:
0x62: {  	[sflag:s18] =	ssyncset.done $0x0;
	(pc) =	sbr.rel @p1 .LBB2_2-.Ltmp2, $4  }
0x63: {  	[sflag:s18] =	ssyncadd.s32 $0xFFFFFFB0  }
0x64: {  	[spmem:s2] =	stream.indirect.scatter.add.f32 [tilespmem:s21], [sflag:$0x1], $0x80, s4, s22, $0xb8;
	[tilespmem:$0x180C0] =	vst v63  }
0x65: {  	_ =	swait.ge [sflag:s26], $0x2800  }
0x66: {  	s29 =	sadd.s32 $0xA0, s29;
	s31 =	smov.u32 s1;
	[sflag:s26] =	ssyncset.done $0x0  }
0x67: {  	s0 =	sadd.s32 s30, s15;
	[sflag:s26] =	ssyncadd.s32 $0xFFFFD800  }
0x68: {  	[tilespmem:s23], [sflag:$0x3] =	stream.linear.gather [hbm4b:s0+s4], $0x50, $0x38;
	[tilespmem:$0x180C0] =	vst v63  }
0x69: {  	_ =	swait.ge [sflag:s18], $0x50  }
0x6a: {  	[sflag:s18] =	ssyncset.done $0x0  }
0x6b: {  	[sflag:s18] =	ssyncadd.s32 $0xFFFFFFB0  }
0x6c: {  	[spmem:s2] =	stream.indirect.scatter.add.f32 [tilespmem:s21], [sflag:$0x2], $0x80, s23, s22, $0xb8;
	[tilespmem:$0x180C0] =	vst v63  }
0x6d: {  	_ =	swait.ge [sflag:s25], $0x2800  }
0x6e: {  	s30 =	sshrl.u32 s29, $0x3;
	[sflag:s25] =	ssyncset.done $0x0  }
0x6f: {  	s0 =	sadd.s32 s5, s30;
	[sflag:s25] =	ssyncadd.s32 $0xFFFFD800  }
0x70: {  	[tilespmem:s4], [sflag:$0x3] =	stream.linear.gather [hbm4b:s0+s4], $0x50, $0x38;
	[tilespmem:$0x180C0] =	vst v63  }
0x71: {  	_ =	swait.ge [sflag:s18], $0x50  }
0x72: {  	[sflag:s18] =	ssyncset.done $0x0  }
0x73: {  	[sflag:s18] =	ssyncadd.s32 $0xFFFFFFB0  }
0x74: {  	[spmem:s2] =	stream.indirect.scatter.add.f32 [tilespmem:s21], [sflag:$0x1], $0x80, s4, s22, $0xb8;
	[tilespmem:$0x180C0] =	vst v63  }
0x75: {  	_ =	swait.ge [sflag:s26], $0x2800  }
0x76: {  	[sflag:s26] =	ssyncset.done $0x0  }
0x77: {  	[sflag:s26] =	ssyncadd.s32 $0xFFFFD800  }
0x78: {  	_ =	swait.ge [sflag:s25], $0x2800  }
0x79: {  	s31 =	sld [smem:$0x7FD];
	_ =	sdelay $0x2  }
0x7a: {  	p1 =	seq.s32 s31, $0x1  }
.Ltmp3:
0x7b: {  	_ = 	snop;
	(pc) =	sbr.rel @p1 .LBB2_7-.Ltmp3, $3  }
0x7c: {  	_ =	sdelay $0x1  }
0x7d: {  	[sflag:s25] =	ssyncset.done $0x0  }
0x7e: {  	[sflag:s25] =	ssyncadd.s32 $0xFFFFD800  }
0x7f: {  	[tilespmem:s4], [sflag:$0x3] =	stream.linear.gather [hbm4b:s16+s4], $0x50, $0x38;
	[tilespmem:$0x180C0] =	vst v63  }
0x80: {  	s29 =	sadd.s32 $0x1, s10  }
0x81: {  	_ =	swait.ge [sflag:s18], $0x50;
	p1 =	slt.u32 s29, s11  }
.Ltmp4:
0x82: {  	[sflag:s18] =	ssyncset.done $0x0;
	(pc) =	sbr.rel @!p1 .LBB2_6-.Ltmp4, $4  }
0x83: {  	[sflag:s18] =	ssyncadd.s32 $0xFFFFFFB0  }
0x84: {  	[spmem:s3] =	stream.indirect.scatter.add.f32 [tilespmem:s21], [sflag:$0x3], $0x80, s4, s22, $0xb8;
	[tilespmem:$0x180C0] =	vst v63  }
0x85: {  	_ =	swait.ge [sflag:s18], $0x2800  }
0x86: {  	s30 =	smov.u32 s16;
	[sflag:s18] =	ssyncset.done $0x0  }
.LBB2_5:
0x87: {  	s29 =	sadd.s32 $0x1, s29;
	[sflag:s18] =	ssyncadd.s32 $0xFFFFD800;
	s30 =	sadd.s32 $0xA, s30  }
0x88: {  	[tilespmem:s4], [sflag:$0x3] =	stream.linear.gather [hbm4b:s30+s4], $0x50, $0x38;
	[tilespmem:$0x180C0] =	vst v63  }
0x89: {  	p1 =	slt.u32 s29, s11;
	_ =	swait.ge [sflag:s18], $0x50  }
.Ltmp5:
0x8a: {  	[sflag:s18] =	ssyncset.done $0x0;
	(pc) =	sbr.rel @p1 .LBB2_5-.Ltmp5, $4  }
0x8b: {  	[sflag:s18] =	ssyncadd.s32 $0xFFFFFFB0  }
0x8c: {  	[spmem:s3] =	stream.indirect.scatter.add.f32 [tilespmem:s21], [sflag:$0x3], $0x80, s4, s22, $0xb8;
	[tilespmem:$0x180C0] =	vst v63  }
0x8d: {  	_ =	swait.ge [sflag:s18], $0x2800  }
0x8e: {  	[sflag:s18] =	ssyncset.done $0x0  }
.Ltmp6:
0x8f: {  	_ = 	snop;
	(pc) =	sbr.rel .LBB2_6-.Ltmp6, $1  }
0x90: {  	_ =	sdelay $0x3  }
.LBB2_8:
0x91: {  	_ =	sfence.sel $0x180000  }
0x92: {  	[bflag:$0x0] =	sbarrier.arrive $0xFFFF  }
0x93: {  	_ =	strace $0x9000004A  }
0x94: {  	[bflag:$0x2] =	sbarrier.arrive $0xFFFF  }
0x95: {  	s0 =	rddreg [dreg:$0x5]  }
0x96: {  	s0 =	sadd.s32 @!p2 $0x100000, s0  }
0x97: {  	[sflag:s0] =	ssyncadd.tile.s32 @!p2 $0x1;
	_ =	shalt  }
.Lfunc_end2:
_tile_overlayer_lowered:
.L_overlay_start_2:
0x98: {  	(tag) =	ssettag $0x2  }
0x99: {  	s0 =	rddreg [dreg:$0x0];
	s2 =	stileid.u32  }
0x9a: {  	s1 =	rddreg [dreg:$0x1];
	p0 =	sne.s32 s2, $0x0  }
0x9b: {  	s3 =	rddreg [dreg:$0x2];
	[bflag:$0x3] =	sbarrier.arrive $0xFFFF;
	s2 =	simm.s32 @!p0 $0x1C03  }
0x9c: {  	[timem:s3], [sflag:s2] =	dma.local @!p0 [hbm:s0], s1  }
0x9d: {  	s0 =	simm.s32 @!p0 $0x3  }
0x9e: {  	_ =	swait.ge @!p0 [sflag:s0], s1  }
0x9f: {  	s1 =	ssub.s32 @!p0 $0x0, s1;
	[sflag:s0] =	ssyncset.done @!p0 $0x0  }
0xa0: {  	[sflag:s0] =	ssyncadd.s32 @!p0 s1  }
0xa1: {  	[bflag:$0x3] =	sbarrier.arrive $0xFFFF  }
0xa2: {  	_ =	shalt  }

// kernel: kernel.15.cloned.1.call-start
scs
__scs_entry_jumppad:
0x0: {  	(pc) =	sbr.rel $0x88, $3  }
0x1: {  	(tag) =	ssettag $0x0;
	lr =	simm.s32 $0x1  }
0x2: {  	[smem:$0x3F9B] =	sst lr;
	_ =	strace $0xD0000000  }
0x3: {  	_ = 	snop  }
0x4: {  	_ = 	snop  }
0x5: {  	_ = 	snop  }
0x6: {  	_ = 	snop  }
0x7: {  	_ = 	snop  }
__scs_overlays_trampoline_lowered:
0x8: {  	[smem:$0x3FAA] =	sst s0  }
0x9: {  	[smem:$0x3FAB] =	sst s1  }
0xa: {  	[smem:$0x3FAC] =	sst s2  }
0xb: {  	[smem:$0x3FAD] =	sst s3  }
0xc: {  	[smem:$0x3FAE] =	sst s4  }
0xd: {  	[smem:$0x3FAF] =	sst s5  }
0xe: {  	[smem:$0x3FB0] =	sst s6  }
0xf: {  	[smem:$0x3FB1] =	sst s7  }
0x10: {  	[smem:$0x3FB2] =	sst s8  }
0x11: {  	[smem:$0x3FB3] =	sst s9;
	s0 =	simm.s32 @!p0 $0x0  }
0x12: {  	s1 =	sld [smem:$0x3F99];
	s0 =	simm.s32 @p0 $0x1  }
0x13: {  	[smem:$0x3FB4] =	sst s0;
	s0 =	simm.s32 @!p1 $0x0  }
0x14: {  	s2 =	sld [smem:$0x3F98];
	s0 =	simm.s32 @p1 $0x1  }
0x15: {  	[smem:$0x3FB5] =	sst s0;
	s0 =	simm.s32 @!p2 $0x0  }
0x16: {  	s3 =	sld [smem:$0x3FDB];
	s0 =	simm.s32 @p2 $0x1  }
0x17: {  	s4 =	simm.s32 $0x1BF5;
	[smem:$0x3FB7] =	sst s0  }
0x18: {  	s0 =	sld [smem:$0x3F9A];
	_ =	swait.ge [sflag:s4], $0x0  }
0x19: {  	s7 =	sld [smem:$0x3F9B]  }
0x1a: {  	s8 =	sadd.s32 $0xFFFFE003, lr  }
0x1b: {  	s9 =	sadd.s32 $0xFFFFFEF7, lr;
	s5 =	simm.s32 $0xFFFFFFFF;
	p2 =	slt.u32 s8, $0xFFFFF086  }
0x1c: {  	p1 =	slt.u32 s9, $0xF7A;
	s5 =	simm.s32 @!p2 $0x0  }
0x1d: {  	s5 =	simm.s32 @p1 $0x1;
	p0 =	seq.s32 s7, s2  }
0x1e: {  	s7 =	smul.u32 @!p0 $0xF7A, s2;
	p2 =	seq.s32 @!p0 s5, $0x0  }
0x1f: {  	s9 =	smul.u32 $0xF7A, s1;
	s8 =	simm.s32 @!p0 $0x1BF5;
	p2 =	por !p2, p0  }
0x20: {  	[sflag:s8] =	ssyncset.s32 @!p0 $0xFFFFF086;
	s6 =	sadd.s32 @!p0 s3, s7;
	s7 =	simm.s32 @!p0 $0x108  }
0x21: {  	s3 =	sadd.s32 s3, s9;
	s6 =	sadd.s32 @!p0 $0x88, s6;
	s7 =	simm.s32 @p2 $0x1082  }
0x22: {  	[simem:s7], [sflag:s8] =	dma.local @!p0 [hbm:s6], $0xF7A  }
0x23: {  	s9 =	sor.u32 $0xD0000000, s2;
	s6 =	simm.s32 $0x108;
	_ =	swait.ge @!p0 [sflag:s8], $0x0  }
0x24: {  	s3 =	sadd.s32 $0x88, s3;
	s6 =	simm.s32 @!p1 $0x1082;
	[sflag:s4] =	ssyncset.s32 $0xFFFFF086  }
0x25: {  	[simem:s6], [sflag:s4] =	dma.local [hbm:s3], $0xF7A  }
0x26: {  	[smem:$0x3F9B] =	sst s1;
	(tag) =	ssettag s2;
	_ =	strace s9  }
0x27: {  	s1 =	sld [smem:$0x3FAB]  }
0x28: {  	s2 =	sld [smem:$0x3FAC]  }
0x29: {  	s4 =	sld [smem:$0x3FAE]  }
0x2a: {  	p0 =	seq.s32 s5, $0x0;
	s5 =	sld [smem:$0x3FAF]  }
0x2b: {  	s6 =	sld [smem:$0x3FB0]  }
0x2c: {  	s7 =	sld [smem:$0x3FB1]  }
0x2d: {  	s3 =	simm.s32 $0x108;
	s8 =	sld [smem:$0x3FB2]  }
0x2e: {  	s3 =	simm.s32 @!p0 $0x1082;
	s9 =	sld [smem:$0x3FB3]  }
0x2f: {  	lr =	sadd.s32 s0, s3;
	s0 =	sld [smem:$0x3FAA]  }
0x30: {  	s3 =	sld [smem:$0x3FAD]  }
0x31: {  	[smem:$0x3FB6] =	sst s10  }
0x32: {  	s10 =	sld [smem:$0x3FB4];
	_ =	sdelay $0x3  }
0x33: {  	p0 =	seq.s32 s10, $0x1;
	s10 =	sld [smem:$0x3FB6];
	_ =	sdelay $0x3  }
0x34: {  	[smem:$0x3FB6] =	sst s10  }
0x35: {  	s10 =	sld [smem:$0x3FB5];
	_ =	sdelay $0x3  }
0x36: {  	p1 =	seq.s32 s10, $0x1;
	s10 =	sld [smem:$0x3FB6];
	_ =	sdelay $0x3  }
0x37: {  	[smem:$0x3FB6] =	sst s10  }
0x38: {  	s10 =	sld [smem:$0x3FB7]  }
0x39: {  	_ = 	snop;
	(pc) =	sbr.ind lr, $3  }
0x3a: {  	_ = 	snop  }
0x3b: {  	_ = 	snop  }
0x3c: {  	p2 =	seq.s32 s10, $0x1;
	s10 =	sld [smem:$0x3FB6]  }
0x3d: {  	_ =	shalt  }
0x3e: {  	_ =	shalt  }
0x3f: {  	_ =	shalt  }
0x40: {  	_ =	shalt  }
0x41: {  	_ =	shalt  }
0x42: {  	_ =	shalt  }
0x43: {  	_ =	shalt  }
0x44: {  	_ =	shalt  }
0x45: {  	_ =	shalt  }
0x46: {  	_ =	shalt  }
0x47: {  	_ =	shalt  }
0x48: {  	_ =	shalt  }
0x49: {  	_ =	shalt  }
0x4a: {  	_ =	shalt  }
0x4b: {  	_ =	shalt  }
0x4c: {  	_ =	shalt  }
0x4d: {  	_ =	shalt  }
0x4e: {  	_ =	shalt  }
0x4f: {  	_ =	shalt  }
0x50: {  	_ =	shalt  }
0x51: {  	_ =	shalt  }
0x52: {  	_ =	shalt  }
0x53: {  	_ =	shalt  }
0x54: {  	_ =	shalt  }
0x55: {  	_ =	shalt  }
0x56: {  	_ =	shalt  }
0x57: {  	_ =	shalt  }
0x58: {  	_ =	shalt  }
0x59: {  	_ =	shalt  }
0x5a: {  	_ =	shalt  }
0x5b: {  	_ =	shalt  }
0x5c: {  	_ =	shalt  }
0x5d: {  	_ =	shalt  }
0x5e: {  	_ =	shalt  }
0x5f: {  	_ =	shalt  }
0x60: {  	_ =	shalt  }
0x61: {  	_ =	shalt  }
0x62: {  	_ =	shalt  }
0x63: {  	_ =	shalt  }
0x64: {  	_ =	shalt  }
0x65: {  	_ =	shalt  }
0x66: {  	_ =	shalt  }
0x67: {  	_ =	shalt  }
0x68: {  	_ =	shalt  }
0x69: {  	_ =	shalt  }
0x6a: {  	_ =	shalt  }
0x6b: {  	_ =	shalt  }
0x6c: {  	_ =	shalt  }
0x6d: {  	_ =	shalt  }
0x6e: {  	_ =	shalt  }
0x6f: {  	_ =	shalt  }
0x70: {  	_ =	shalt  }
0x71: {  	_ =	shalt  }
0x72: {  	_ =	shalt  }
0x73: {  	_ =	shalt  }
0x74: {  	_ =	shalt  }
0x75: {  	_ =	shalt  }
0x76: {  	_ =	shalt  }
0x77: {  	_ =	shalt  }
0x78: {  	_ =	shalt  }
0x79: {  	_ =	shalt  }
0x7a: {  	_ =	shalt  }
0x7b: {  	_ =	shalt  }
0x7c: {  	_ =	shalt  }
0x7d: {  	_ =	shalt  }
0x7e: {  	_ =	shalt  }
0x7f: {  	_ =	shalt  }
0x80: {  	_ =	shalt  }
0x81: {  	_ =	shalt  }
0x82: {  	_ =	shalt  }
0x83: {  	_ =	shalt  }
0x84: {  	_ =	shalt  }
0x85: {  	_ =	shalt  }
0x86: {  	_ =	shalt  }
0x87: {  	_ =	shalt  }
.Lfunc_end0:
.L_simem_size_0:
called_computation.1_lowered:
.L_overlay_start_0:
0x88: {  	s2 =	sld [smem:$0x3FD9]  }
0x89: {  	s3 =	sld [smem:$0x3FFE];
	_ =	sdelay $0x1  }
0x8a: {  	s1 =	srdreg.scid  }
0x8b: {  	s0 =	sand.u32 $0x1, s1  }
0x8c: {  	s17 =	sshll.u32 s0, $0xA;
	s2 =	sadd.s32 s3, s2  }
0x8d: {  	s2 =	sadd.s32 s2, s17  }
0x8e: {  	[smem:$0x3FC2] =	sst s2  }
0x8f: {  	_ = 	snop  }
0x90: {  	s2 =	sld [smem:$0x3FC9];
	(tm) =	ssettm $0x1  }
0x91: {  	s18 =	sld [smem:$0x3FFB];
	_ =	sdelay $0x3  }
0x92: {  	_ =	strace s18  }
0x93: {  	s3 =	sld [smem:$0x3FFC];
	_ =	sdelay $0x3  }
0x94: {  	_ =	strace s3  }
0x95: {  	s3 =	sld [smem:$0x3FFD];
	_ =	sdelay $0x3  }
0x96: {  	_ =	strace s3  }
0x97: {  	_ =	strace $0x8FFFFFFF  }
0x98: {  	s19 =	sld [smem:$0x3FDB];
	_ =	sdelay $0x1  }
0x99: {  	s4 =	simm.s32 $_scs_section_size  }
0x9a: {  	s5 =	simm.s32 $_size__tile_overlayer_lowered;
	s6 =	simm.s32 $_tile_overlayer_lowered  }
0x9b: {  	s22 =	simm.s32 $0x1BFF;
	s21 =	sshll.u32 s6, $0x1;
	s3 =	sadd.s32 s4, s19  }
0x9c: {  	s7 =	simm.s32 $0x0;
	s20 =	sshll.u32 s5, $0x1;
	s5 =	sadd.s32 s21, s3  }
0x9d: {  	[timem:s7], [sflag:s22] =	dma.local [hbm:s5], s20  }
0x9e: {  	_ =	swait.ge [sflag:s22], s20  }
0x9f: {  	s4 =	ssub.s32 $0x0, s20;
	[sflag:s22] =	ssyncset.done $0x0  }
0xa0: {  	[sflag:s22] =	ssyncadd.s32 s4;
	_ =	sdelay $0x1  }
0xa1: {  	s23 =	simm.s32 $0x1B8B  }
0xa2: {  	_ =	swait.ge [sflag:s23], $0x1  }
0xa3: {  	[sflag:s23] =	ssyncset.done $0x0  }
0xa4: {  	s25 =	simm.s32 $0x1B8E;
	s24 =	sld [smem:$0x3FFE];
	[sflag:s23] =	ssyncadd.s32 $0xFFFFFFFF  }
0xa5: {  	s26 =	simm.s32 $execute0_lowered;
	[smem:$0x3FD2] =	sst s25  }
0xa6: {  	s5 =	sshll.u32 s26, $0x1;
	_ =	strace $0x80000046;
	[dreg:$0x1] =	wrdreg $0xFFFFFFFF  }
0xa7: {  	s28 =	simm.s32 $_size_execute0_lowered;
	s3 =	sadd.s32 s3, s5;
	[dreg:$0x0] =	wrdreg $0x0  }
0xa8: {  	s5 =	sshll.u32 s28, $0x1;
	[dreg:$0x2] =	wrdreg s3  }
0xa9: {  	[dreg:$0x3] =	wrdreg s5  }
0xaa: {  	[dreg:$0x4] =	wrdreg $0xC0  }
0xab: {  	_ =	task [dreg:s7], $0x5FFFF  }
0xac: {  	[dreg:$0x1] =	wrdreg $0xFFFFFFFF  }
0xad: {  	[dreg:$0x0] =	wrdreg $0x60  }
0xae: {  	[dreg:$0x2] =	wrdreg s24  }
0xaf: {  	[dreg:$0x3] =	wrdreg s2  }
0xb0: {  	[dreg:$0x4] =	wrdreg $0xB9800  }
0xb1: {  	[dreg:$0x5] =	wrdreg $0xA  }
0xb2: {  	_ =	task.clear_ibuf [dreg:s7], $0x6FFFF;
	_ =	strace $0x90000046  }
0xb3: {  	s29 =	simm.s32 $0xA;
	_ =	strace $0x80000048  }
0xb4: {  	_ =	swait.ge [sflag:s29], $0x1  }
0xb5: {  	[sflag:s29] =	ssyncadd.s32 $0xFFFFFFFF  }
0xb6: {  	_ =	strace $0x90000048  }
0xb7: {  	_ =	sfence  }
0xb8: {  	s30 =	sld [smem:$0x0];
	_ =	sdelay $0x2  }
0xb9: {  	s31 =	sshll.u32 s1, $0xD;
	s1 =	sshrl.u32 s1, $0x2  }
0xba: {  	s3 =	sand.u32 $0x4000, s31;
	s1 =	sadd.s32 s1, s30  }
0xbb: {  	s0 =	sor.u32 s3, s0;
	s1 =	sshll.u32 s1, $0x11  }
0xbc: {  	s0 =	sor.u32 s1, s0  }
0xbd: {  	s0 =	sadd.s32 $0x8F2B, s0  }
0xbe: {  	[sflag:s0] =	ssyncadd.remote.s32 $0x1  }
0xbf: {  	_ =	sfence.sel $0xFFFF  }
0xc0: {  	[dreg:$0x0] =	wrdreg $0xFFFFFFFF;
	(pc) =	sbr.abs _section_cstart, $3  }
0xc1: {  	[dreg:$0x1] =	wrdreg $0xFFFFFFFF  }
0xc2: {  	_ =	task.clear_ibuf [dreg:s7], $0x2FFFF;
	_ =	strace $0x9FFFFFFF  }
0xc3: {  	(tm) =	ssettm $0x7FFFFFFF  }
tec
execute0_lowered:
.L_overlay_start_1:
0x0: {  	(tag) =	ssettag $0x1  }
0x1: {  	s0 =	rddreg [dreg:$0x0]  }
0x2: {  	s2 =	rddreg [dreg:$0x1]  }
0x3: {  	s3 =	rddreg [dreg:$0x2]  }
0x4: {  	s1 =	srdreg.scid;
	s12 =	stileid.u32;
	s4 =	simm.s32 $0x0  }
0x5: {  	s28 =	simm.s32 $0x4;
	s29 =	simm.s32 $0x4100;
	s31 =	simm.s32 $0x9180  }
0x6: {  	s30 =	simm.s32 $0x3;
	s1 =	sand.u32 $0x1, s1;
	s5 =	sshll.u32 s12, $0x1  }
0x7: {  	[smem:$0x7FF] =	sst s4;
	s8 =	sadd.s32 $0x3C00, s0;
	s10 =	smul.u32 $0x4E000, s12  }
0x8: {  	s9 =	sadd.s32 $0x1DA00, s0;
	s17 =	sshll.u32 s12, $0x6;
	s20 =	smul.u32 $0x4E20, s12  }
0x9: {  	s24 =	smul.u32 $0x2700, s12;
	s5 =	sor.u32 s1, s5;
	_ =	strace $0x80000047  }
0xa: {  	s13 =	smul.u32 $0x27100, s1;
	[dreg:$0x4] =	wrdreg s9;
	s14 =	ssub.s32 $0x2, s1  }
0xb: {  	s1 =	smul.u32 $0x2710, s1;
	s6 =	sshll.u32 s5, $0xB;
	s15 =	sshrl.u32 s14, $0x1  }
0xc: {  	s5 =	smul.u32 $0x2710, s5;
	s16 =	sshrl.u32 s10, $0x2;
	s10 =	simm.s32 $0x0  }
0xd: {  	s7 =	sadd.s32 s6, s0;
	s0 =	sadd.s32 s13, s0;
	s9 =	ssub.s32 s14, s15  }
0xe: {  	s11 =	sadd.s32 s16, s3;
	s13 =	sor.u32 $0x1C0A, s17;
	s1 =	sadd.s32 s1, s20  }
0xf: {  	s20 =	simm.s32 $0x50;
	s5 =	sshrl.u32 s5, $0x3;
	s18 =	sadd.s32 $0xDA00, s7  }
0x10: {  	s0 =	sadd.s32 $0x20200, s0;
	s25 =	smax.u32 s9, $0x1;
	s26 =	sadd.s32 $0x190, s1  }
0x11: {  	s17 =	sshrl.u32 s11, $0x3;
	s7 =	simm.s32 $0x8;
	[dreg:$0x5] =	wrdreg s18  }
0x12: {  	s19 =	sadd.s32 s8, s5;
	[dreg:$0xb] =	wrdreg s25;
	s5 =	sadd.s32 $0x1E0, s1  }
0x13: {  	s1 =	sadd.s32 $0x140, s1;
	s9 =	sshrl.u32 s26, $0x3;
	s18 =	simm.s32 $0xA  }
0x14: {  	s0 =	sadd.s32 s24, s0;
	s25 =	simm.s32 $0x6980;
	s26 =	simm.s32 $0x1  }
0x15: {  	s21 =	sadd.s32 $0xA, s19;
	s22 =	sadd.s32 $0x14, s19;
	[dreg:$0x6] =	wrdreg s19  }
0x16: {  	s23 =	sadd.s32 $0x1E, s19;
	s6 =	sadd.s32 $0x4D8, s19;
	[dreg:$0xd] =	wrdreg s0  }
0x17: {  	s5 =	sshrl.u32 s5, $0x3;
	s1 =	sshrl.u32 s1, $0x3;
	[dreg:$0x7] =	wrdreg s21  }
0x18: {  	s15 =	sadd.s32 s9, s8;
	s19 =	simm.s32 $0x4000;
	[dreg:$0x8] =	wrdreg s22  }
0x19: {  	s0 =	simm.s32 $0x2;
	s9 =	simm.s32 $0x9;
	[dreg:$0x9] =	wrdreg s23  }
0x1a: {  	[dreg:$0xa] =	wrdreg s6;
	s5 =	sadd.s32 s5, s8;
	s16 =	sadd.s32 s1, s8  }
0x1b: {  	s21 =	simm.s32 $0x4180;
	s22 =	simm.s32 $0x4080;
	s1 =	simm.s32 $0x5  }
0x1c: {  	s23 =	simm.s32 $0x7;
	[dreg:$0xc] =	wrdreg s5;
	s5 =	simm.s32 $0x6  }
.LBB2_1:
0x1d: {  	s6 =	rddreg [dreg:$0x4]  }
0x1e: {  	[spmem:s17], [sflag:s13] =	dma.local [hbm:s6], $0x2800  }
0x1f: {  	_ =	swait.ge [sflag:s18], $0x2800  }
0x20: {  	[sflag:s18] =	ssyncset.done $0x0  }
0x21: {  	[sflag:s18] =	ssyncadd.s32 $0xFFFFD800  }
0x22: {  	[bflag:$0x0] =	sbarrier.arrive $0xFFFF  }
0x23: {  	s8 =	rddreg [dreg:$0x5]  }
0x24: {  	[tilespmem:s4], [sflag:$0xA] =	stream.linear.gather [hbm4b:s8+s4], $0x3E80, $0x38;
	[tilespmem:$0x1F200] =	vst v63  }
0x25: {  	_ =	swait.ge [sflag:s18], $0x3E80  }
0x26: {  	[sflag:s18] =	ssyncset.done $0x0  }
0x27: {  	s11 =	rddreg [dreg:$0x6];
	[sflag:s18] =	ssyncadd.s32 $0xFFFFC180  }
0x28: {  	[tilespmem:s19], [sflag:$0x4] =	stream.linear.gather [hbm4b:s11+s4], $0x50, $0x38;
	[tilespmem:$0x1F200] =	vst v63  }
0x29: {  	_ = 	snop  }
0x2a: {  	[tilespmem:s21], [sflag:$0x1] =	stream.indirect.gather [hbm4b:s2+s20], $0x80, s4, s20, $0xb8;
	[tilespmem:$0x1F200] =	vst v63  }
0x2b: {  	s12 =	rddreg [dreg:$0x7]  }
0x2c: {  	[tilespmem:s22], [sflag:$0x5] =	stream.linear.gather [hbm4b:s12+s4], $0x50, $0x38;
	[tilespmem:$0x1F200] =	vst v63  }
0x2d: {  	s14 =	smov.u32 s13;
	s13 =	simm.s32 $0x80  }
0x2e: {  	[tilespmem:s25], [sflag:$0x2] =	stream.indirect.gather [hbm4b:s2+s20], $0x80, s13, s20, $0xb8;
	[tilespmem:$0x1F200] =	vst v63  }
0x2f: {  	_ =	swait.ge [sflag:s26], $0x2800  }
0x30: {  	[sflag:s26] =	ssyncset.done $0x0  }
0x31: {  	[sflag:s26] =	ssyncadd.s32 $0xFFFFD800  }
0x32: {  	_ =	swait.ge [sflag:s28], $0x50  }
0x33: {  	[sflag:s28] =	ssyncset.done $0x0  }
0x34: {  	[sflag:s28] =	ssyncadd.s32 $0xFFFFFFB0  }
0x35: {  	[spmem:s3] =	stream.indirect.scatter.add.f32 [tilespmem:s21], [sflag:$0x7], $0x80, s19, s20, $0xb8;
	[tilespmem:$0x1F200] =	vst v63  }
0x36: {  	s24 =	rddreg [dreg:$0x8]  }
0x37: {  	[tilespmem:s29], [sflag:$0x6] =	stream.linear.gather [hbm4b:s24+s4], $0x50, $0x38;
	[tilespmem:$0x1F200] =	vst v63  }
0x38: {  	s8 =	simm.s32 $0x100  }
0x39: {  	[tilespmem:s31], [sflag:$0x3] =	stream.indirect.gather [hbm4b:s2+s20], $0x80, s8, s20, $0xb8;
	[tilespmem:$0x1F200] =	vst v63  }
0x3a: {  	_ =	swait.ge [sflag:s0], $0x2800  }
0x3b: {  	[sflag:s0] =	ssyncset.done $0x0  }
0x3c: {  	[sflag:s0] =	ssyncadd.s32 $0xFFFFD800  }
0x3d: {  	_ =	swait.ge [sflag:s1], $0x50  }
0x3e: {  	[sflag:s1] =	ssyncset.done $0x0  }
0x3f: {  	[sflag:s1] =	ssyncadd.s32 $0xFFFFFFB0  }
0x40: {  	[spmem:s3] =	stream.indirect.scatter.add.f32 [tilespmem:s25], [sflag:$0x8], $0x80, s22, s20, $0xb8;
	[tilespmem:$0x1F200] =	vst v63  }
0x41: {  	_ =	swait.ge [sflag:s23], $0x2800  }
0x42: {  	[sflag:s23] =	ssyncset.done $0x0  }
0x43: {  	s11 =	rddreg [dreg:$0x9];
	[sflag:s23] =	ssyncadd.s32 $0xFFFFD800  }
0x44: {  	[tilespmem:s19], [sflag:$0x4] =	stream.linear.gather [hbm4b:s11+s4], $0x50, $0x38;
	[tilespmem:$0x1F200] =	vst v63  }
0x45: {  	s12 =	simm.s32 $0x180  }
0x46: {  	[tilespmem:s21], [sflag:$0x1] =	stream.indirect.gather [hbm4b:s2+s20], $0x80, s12, s20, $0xb8;
	[tilespmem:$0x1F200] =	vst v63  }
0x47: {  	_ =	swait.ge [sflag:s30], $0x2800  }
0x48: {  	[sflag:s30] =	ssyncset.done $0x0  }
0x49: {  	[sflag:s30] =	ssyncadd.s32 $0xFFFFD800  }
0x4a: {  	_ =	swait.ge [sflag:s5], $0x50  }
0x4b: {  	[sflag:s5] =	ssyncset.done $0x0  }
0x4c: {  	[sflag:s5] =	ssyncadd.s32 $0xFFFFFFB0  }
0x4d: {  	[spmem:s3] =	stream.indirect.scatter.add.f32 [tilespmem:s31], [sflag:$0x9], $0x80, s29, s20, $0xb8;
	[tilespmem:$0x1F200] =	vst v63  }
0x4e: {  	_ =	swait.ge [sflag:s7], $0x2800  }
0x4f: {  	[sflag:s7] =	ssyncset.done $0x0  }
0x50: {  	[sflag:s7] =	ssyncadd.s32 $0xFFFFD800  }
0x51: {  	[tilespmem:s22], [sflag:$0x5] =	stream.linear.gather [hbm4b:s16+s4], $0x50, $0x38;
	[tilespmem:$0x1F200] =	vst v63  }
0x52: {  	s8 =	simm.s32 $0x200  }
0x53: {  	[tilespmem:s25], [sflag:$0x2] =	stream.indirect.gather [hbm4b:s2+s20], $0x80, s8, s20, $0xb8;
	[tilespmem:$0x1F200] =	vst v63  }
0x54: {  	_ =	swait.ge [sflag:s26], $0x2800  }
0x55: {  	[sflag:s26] =	ssyncset.done $0x0  }
0x56: {  	[sflag:s26] =	ssyncadd.s32 $0xFFFFD800  }
0x57: {  	_ =	swait.ge [sflag:s28], $0x50  }
0x58: {  	[sflag:s28] =	ssyncset.done $0x0  }
0x59: {  	[sflag:s28] =	ssyncadd.s32 $0xFFFFFFB0  }
0x5a: {  	[spmem:s3] =	stream.indirect.scatter.add.f32 [tilespmem:s21], [sflag:$0x7], $0x80, s19, s20, $0xb8;
	[tilespmem:$0x1F200] =	vst v63  }
0x5b: {  	_ =	swait.ge [sflag:s9], $0x2800  }
0x5c: {  	[sflag:s9] =	ssyncset.done $0x0  }
0x5d: {  	[sflag:s9] =	ssyncadd.s32 $0xFFFFD800  }
0x5e: {  	[tilespmem:s29], [sflag:$0x6] =	stream.linear.gather [hbm4b:s15+s4], $0x50, $0x38;
	[tilespmem:$0x1F200] =	vst v63  }
0x5f: {  	s13 =	simm.s32 $0x280  }
0x60: {  	[tilespmem:s31], [sflag:$0x3] =	stream.indirect.gather [hbm4b:s2+s20], $0x80, s13, s20, $0xb8;
	[tilespmem:$0x1F200] =	vst v63  }
0x61: {  	_ =	swait.ge [sflag:s0], $0x2800  }
0x62: {  	[sflag:s0] =	ssyncset.done $0x0  }
0x63: {  	[sflag:s0] =	ssyncadd.s32 $0xFFFFD800  }
0x64: {  	_ =	swait.ge [sflag:s1], $0x50  }
0x65: {  	[sflag:s1] =	ssyncset.done $0x0  }
0x66: {  	[sflag:s1] =	ssyncadd.s32 $0xFFFFFFB0  }
0x67: {  	[spmem:s3] =	stream.indirect.scatter.add.f32 [tilespmem:s25], [sflag:$0x8], $0x80, s22, s20, $0xb8;
	[tilespmem:$0x1F200] =	vst v63  }
0x68: {  	_ =	swait.ge [sflag:s23], $0x2800  }
0x69: {  	s11 =	simm.s32 $0x600;
	[sflag:s23] =	ssyncset.done $0x0  }
0x6a: {  	s12 =	sadd.s32 $0x1E, s16;
	s24 =	rddreg [dreg:$0xc];
	[sflag:s23] =	ssyncadd.s32 $0xFFFFD800  }
0x6b: {  	[tilespmem:s19], [sflag:$0x4] =	stream.linear.gather [hbm4b:s24+s4], $0x50, $0x38;
	[tilespmem:$0x1F200] =	vst v63  }
0x6c: {  	s8 =	simm.s32 $0x300;
	s13 =	sadd.s32 $0x1E, s24;
	s24 =	sadd.s32 $0x1E, s15  }
.LBB2_2:
0x6d: {  	[tilespmem:s21], [sflag:$0x1] =	stream.indirect.gather [hbm4b:s2+s20], $0x80, s8, s20, $0xb8;
	[tilespmem:$0x1F200] =	vst v63  }
0x6e: {  	s8 =	smov.u32 s11  }
0x6f: {  	p0 =	sne.s32 s11, $0xEA00;
	s11 =	sadd.s32 $0x600, s11;
	_ =	swait.ge [sflag:s30], $0x2800  }
0x70: {  	[sflag:s30] =	ssyncset.done $0x0  }
0x71: {  	[sflag:s30] =	ssyncadd.s32 $0xFFFFD800  }
0x72: {  	_ =	swait.ge [sflag:s5], $0x50  }
0x73: {  	[sflag:s5] =	ssyncset.done $0x0  }
0x74: {  	[sflag:s5] =	ssyncadd.s32 $0xFFFFFFB0  }
0x75: {  	[spmem:s3] =	stream.indirect.scatter.add.f32 [tilespmem:s31], [sflag:$0x9], $0x80, s29, s20, $0xb8;
	[tilespmem:$0x1F200] =	vst v63  }
0x76: {  	_ =	swait.ge [sflag:s7], $0x2800  }
0x77: {  	[sflag:s7] =	ssyncset.done $0x0  }
0x78: {  	s8 =	sshra.s32 s8, $0x2;
	[sflag:s7] =	ssyncadd.s32 $0xFFFFD800  }
0x79: {  	[tilespmem:s22], [sflag:$0x5] =	stream.linear.gather [hbm4b:s12+s4], $0x50, $0x38;
	[tilespmem:$0x1F200] =	vst v63  }
0x7a: {  	s6 =	sadd.s32 $0x200, s8  }
0x7b: {  	[tilespmem:s25], [sflag:$0x2] =	stream.indirect.gather [hbm4b:s2+s20], $0x80, s6, s20, $0xb8;
	[tilespmem:$0x1F200] =	vst v63  }
0x7c: {  	_ =	swait.ge [sflag:s26], $0x2800  }
0x7d: {  	[sflag:s26] =	ssyncset.done $0x0  }
0x7e: {  	[sflag:s26] =	ssyncadd.s32 $0xFFFFD800  }
0x7f: {  	_ =	swait.ge [sflag:s28], $0x50  }
0x80: {  	[sflag:s28] =	ssyncset.done $0x0  }
0x81: {  	[sflag:s28] =	ssyncadd.s32 $0xFFFFFFB0  }
0x82: {  	[spmem:s3] =	stream.indirect.scatter.add.f32 [tilespmem:s21], [sflag:$0x7], $0x80, s19, s20, $0xb8;
	[tilespmem:$0x1F200] =	vst v63  }
0x83: {  	_ =	swait.ge [sflag:s9], $0x2800  }
0x84: {  	[sflag:s9] =	ssyncset.done $0x0  }
0x85: {  	[sflag:s9] =	ssyncadd.s32 $0xFFFFD800  }
0x86: {  	[tilespmem:s29], [sflag:$0x6] =	stream.linear.gather [hbm4b:s24+s4], $0x50, $0x38;
	[tilespmem:$0x1F200] =	vst v63  }
0x87: {  	s6 =	sadd.s32 $0x280, s8  }
0x88: {  	[tilespmem:s31], [sflag:$0x3] =	stream.indirect.gather [hbm4b:s2+s20], $0x80, s6, s20, $0xb8;
	[tilespmem:$0x1F200] =	vst v63  }
0x89: {  	_ =	swait.ge [sflag:s0], $0x2800  }
0x8a: {  	[sflag:s0] =	ssyncset.done $0x0  }
0x8b: {  	[sflag:s0] =	ssyncadd.s32 $0xFFFFD800  }
0x8c: {  	_ =	swait.ge [sflag:s1], $0x50  }
0x8d: {  	[sflag:s1] =	ssyncset.done $0x0  }
0x8e: {  	[sflag:s1] =	ssyncadd.s32 $0xFFFFFFB0  }
0x8f: {  	[spmem:s3] =	stream.indirect.scatter.add.f32 [tilespmem:s25], [sflag:$0x8], $0x80, s22, s20, $0xb8;
	[tilespmem:$0x1F200] =	vst v63  }
.Ltmp0:
0x90: {  	_ =	swait.ge [sflag:s23], $0x2800;
	(pc) =	sbr.rel @p0 .LBB2_2-.Ltmp0, $4  }
0x91: {  	[sflag:s23] =	ssyncset.done $0x0  }
0x92: {  	s12 =	sadd.s32 $0x1E, s12;
	[sflag:s23] =	ssyncadd.s32 $0xFFFFD800  }
0x93: {  	[tilespmem:s19], [sflag:$0x4] =	stream.linear.gather [hbm4b:s13+s4], $0x50, $0x38;
	[tilespmem:$0x1F200] =	vst v63  }
0x94: {  	s8 =	sadd.s32 $0x300, s8;
	s24 =	sadd.s32 $0x1E, s24;
	s13 =	sadd.s32 $0x1E, s13  }
0x95: {  	[tilespmem:s21], [sflag:$0x1] =	stream.indirect.gather [hbm4b:s2+s20], $0x80, s8, s20, $0xb8;
	[tilespmem:$0x1F200] =	vst v63  }
0x96: {  	_ =	swait.ge [sflag:s30], $0x2800  }
0x97: {  	[sflag:s30] =	ssyncset.done $0x0  }
0x98: {  	[sflag:s30] =	ssyncadd.s32 $0xFFFFD800  }
0x99: {  	_ =	swait.ge [sflag:s5], $0x50  }
0x9a: {  	[sflag:s5] =	ssyncset.done $0x0  }
0x9b: {  	[sflag:s5] =	ssyncadd.s32 $0xFFFFFFB0  }
0x9c: {  	[spmem:s3] =	stream.indirect.scatter.add.f32 [tilespmem:s31], [sflag:$0x9], $0x80, s29, s20, $0xb8;
	[tilespmem:$0x1F200] =	vst v63  }
0x9d: {  	_ =	swait.ge [sflag:s7], $0x2800  }
0x9e: {  	[sflag:s7] =	ssyncset.done $0x0  }
0x9f: {  	s6 =	rddreg [dreg:$0xa];
	[sflag:s7] =	ssyncadd.s32 $0xFFFFD800  }
0xa0: {  	[tilespmem:s22], [sflag:$0x5] =	stream.linear.gather [hbm4b:s6+s4], $0x50, $0x38;
	[tilespmem:$0x1F200] =	vst v63  }
0xa1: {  	s11 =	simm.s32 $0x3E00  }
0xa2: {  	[tilespmem:s25], [sflag:$0x2] =	stream.indirect.gather [hbm4b:s2+s20], $0x80, s11, s20, $0xb8;
	[tilespmem:$0x1F200] =	vst v63  }
0xa3: {  	_ =	swait.ge [sflag:s26], $0x2800  }
0xa4: {  	[sflag:s26] =	ssyncset.done $0x0  }
0xa5: {  	[sflag:s26] =	ssyncadd.s32 $0xFFFFD800  }
0xa6: {  	_ =	swait.ge [sflag:s28], $0x50  }
0xa7: {  	[sflag:s28] =	ssyncset.done $0x0  }
0xa8: {  	[sflag:s28] =	ssyncadd.s32 $0xFFFFFFB0  }
0xa9: {  	[spmem:s3] =	stream.indirect.scatter.add.f32 [tilespmem:s21], [sflag:$0x7], $0x80, s19, s20, $0xb8;
	[tilespmem:$0x1F200] =	vst v63  }
0xaa: {  	_ =	swait.ge [sflag:s9], $0x2800  }
0xab: {  	[sflag:s9] =	ssyncset.done $0x0  }
0xac: {  	[sflag:s9] =	ssyncadd.s32 $0xFFFFD800  }
0xad: {  	_ =	swait.ge [sflag:s0], $0x2800  }
0xae: {  	[sflag:s0] =	ssyncset.done $0x0  }
0xaf: {  	[sflag:s0] =	ssyncadd.s32 $0xFFFFD800  }
0xb0: {  	_ =	swait.ge [sflag:s1], $0x50  }
0xb1: {  	[sflag:s1] =	ssyncset.done $0x0  }
0xb2: {  	[sflag:s1] =	ssyncadd.s32 $0xFFFFFFB0  }
0xb3: {  	[spmem:s3] =	stream.indirect.scatter.add.f32 [tilespmem:s25], [sflag:$0x8], $0x80, s22, s20, $0xb8;
	[tilespmem:$0x1F200] =	vst v63  }
0xb4: {  	_ =	swait.ge [sflag:s23], $0x2800  }
0xb5: {  	[sflag:s23] =	ssyncset.done $0x0  }
0xb6: {  	[sflag:s23] =	ssyncadd.s32 $0xFFFFD800  }
0xb7: {  	_ =	swait.ge [sflag:s7], $0x2800  }
0xb8: {  	[sflag:s7] =	ssyncset.done $0x0  }
0xb9: {  	[sflag:s7] =	ssyncadd.s32 $0xFFFFD800  }
0xba: {  	[bflag:$0x0] =	sbarrier.arrive $0xFFFF  }
0xbb: {  	s12 =	rddreg [dreg:$0xd]  }
0xbc: {  	[hbm:s12], [sflag:s14] =	dma.local [spmem:s17], $0x2800  }
0xbd: {  	_ =	swait.ge [sflag:s18], $0x2800  }
0xbe: {  	s10 =	sadd.s32 $0x1, s10;
	s24 =	rddreg [dreg:$0xb]  }
0xbf: {  	p0 =	sne.s32 s10, s24  }
.Ltmp1:
0xc0: {  	_ = 	snop;
	(pc) =	sbr.rel @p0 .LBB2_1-.Ltmp1, $3  }
0xc1: {  	_ =	sdelay $0x1  }
0xc2: {  	[sflag:s18] =	ssyncset.done $0x0  }
0xc3: {  	s13 =	smov.u32 s14;
	[sflag:s18] =	ssyncadd.s32 $0xFFFFD800  }
0xc4: {  	_ =	sfence.sel $0x180000  }
0xc5: {  	[bflag:$0x0] =	sbarrier.arrive $0xFFFF  }
0xc6: {  	_ =	strace $0x90000047  }
0xc7: {  	s0 =	stileid.u32;
	[bflag:$0x2] =	sbarrier.arrive $0xFFFF  }
0xc8: {  	p0 =	sne.s32 s0, $0x0;
	s0 =	rddreg [dreg:$0x3]  }
0xc9: {  	s0 =	sadd.s32 @!p0 $0x100000, s0  }
0xca: {  	[sflag:s0] =	ssyncadd.tile.s32 @!p0 $0x1;
	_ =	shalt  }
.Lfunc_end2:
_tile_overlayer_lowered:
.L_overlay_start_2:
0xcb: {  	(tag) =	ssettag $0x2  }
0xcc: {  	s0 =	rddreg [dreg:$0x0];
	s2 =	stileid.u32  }
0xcd: {  	s1 =	rddreg [dreg:$0x1];
	p0 =	sne.s32 s2, $0x0  }
0xce: {  	s3 =	rddreg [dreg:$0x2];
	[bflag:$0x3] =	sbarrier.arrive $0xFFFF;
	s2 =	simm.s32 @!p0 $0x1C0A  }
0xcf: {  	[timem:s3], [sflag:s2] =	dma.local @!p0 [hbm:s0], s1  }
0xd0: {  	s0 =	simm.s32 @!p0 $0xA  }
0xd1: {  	_ =	swait.ge @!p0 [sflag:s0], s1  }
0xd2: {  	s1 =	ssub.s32 @!p0 $0x0, s1;
	[sflag:s0] =	ssyncset.done @!p0 $0x0  }
0xd3: {  	[sflag:s0] =	ssyncadd.s32 @!p0 s1  }
0xd4: {  	[bflag:$0x3] =	sbarrier.arrive $0xFFFF  }
0xd5: {  	_ =	shalt  }

// kernel: kernel.18.cloned.1.call-start
scs
__scs_entry_jumppad:
0x0: {  	(pc) =	sbr.rel $0x88, $3  }
0x1: {  	(tag) =	ssettag $0x0;
	lr =	simm.s32 $0x1  }
0x2: {  	[smem:$0x3F9B] =	sst lr;
	_ =	strace $0xD0000000  }
0x3: {  	_ = 	snop  }
0x4: {  	_ = 	snop  }
0x5: {  	_ = 	snop  }
0x6: {  	_ = 	snop  }
0x7: {  	_ = 	snop  }
__scs_overlays_trampoline_lowered:
0x8: {  	[smem:$0x3FAA] =	sst s0  }
0x9: {  	[smem:$0x3FAB] =	sst s1  }
0xa: {  	[smem:$0x3FAC] =	sst s2  }
0xb: {  	[smem:$0x3FAD] =	sst s3  }
0xc: {  	[smem:$0x3FAE] =	sst s4  }
0xd: {  	[smem:$0x3FAF] =	sst s5  }
0xe: {  	[smem:$0x3FB0] =	sst s6  }
0xf: {  	[smem:$0x3FB1] =	sst s7  }
0x10: {  	[smem:$0x3FB2] =	sst s8  }
0x11: {  	[smem:$0x3FB3] =	sst s9;
	s0 =	simm.s32 @!p0 $0x0  }
0x12: {  	s1 =	sld [smem:$0x3F99];
	s0 =	simm.s32 @p0 $0x1  }
0x13: {  	[smem:$0x3FB4] =	sst s0;
	s0 =	simm.s32 @!p1 $0x0  }
0x14: {  	s2 =	sld [smem:$0x3F98];
	s0 =	simm.s32 @p1 $0x1  }
0x15: {  	[smem:$0x3FB5] =	sst s0;
	s0 =	simm.s32 @!p2 $0x0  }
0x16: {  	s3 =	sld [smem:$0x3FDB];
	s0 =	simm.s32 @p2 $0x1  }
0x17: {  	s4 =	simm.s32 $0x1BF5;
	[smem:$0x3FB7] =	sst s0  }
0x18: {  	s0 =	sld [smem:$0x3F9A];
	_ =	swait.ge [sflag:s4], $0x0  }
0x19: {  	s7 =	sld [smem:$0x3F9B]  }
0x1a: {  	s8 =	sadd.s32 $0xFFFFE003, lr  }
0x1b: {  	s9 =	sadd.s32 $0xFFFFFEF7, lr;
	s5 =	simm.s32 $0xFFFFFFFF;
	p2 =	slt.u32 s8, $0xFFFFF086  }
0x1c: {  	p1 =	slt.u32 s9, $0xF7A;
	s5 =	simm.s32 @!p2 $0x0  }
0x1d: {  	s5 =	simm.s32 @p1 $0x1;
	p0 =	seq.s32 s7, s2  }
0x1e: {  	s7 =	smul.u32 @!p0 $0xF7A, s2;
	p2 =	seq.s32 @!p0 s5, $0x0  }
0x1f: {  	s9 =	smul.u32 $0xF7A, s1;
	s8 =	simm.s32 @!p0 $0x1BF5;
	p2 =	por !p2, p0  }
0x20: {  	[sflag:s8] =	ssyncset.s32 @!p0 $0xFFFFF086;
	s6 =	sadd.s32 @!p0 s3, s7;
	s7 =	simm.s32 @!p0 $0x108  }
0x21: {  	s3 =	sadd.s32 s3, s9;
	s6 =	sadd.s32 @!p0 $0x88, s6;
	s7 =	simm.s32 @p2 $0x1082  }
0x22: {  	[simem:s7], [sflag:s8] =	dma.local @!p0 [hbm:s6], $0xF7A  }
0x23: {  	s9 =	sor.u32 $0xD0000000, s2;
	s6 =	simm.s32 $0x108;
	_ =	swait.ge @!p0 [sflag:s8], $0x0  }
0x24: {  	s3 =	sadd.s32 $0x88, s3;
	s6 =	simm.s32 @!p1 $0x1082;
	[sflag:s4] =	ssyncset.s32 $0xFFFFF086  }
0x25: {  	[simem:s6], [sflag:s4] =	dma.local [hbm:s3], $0xF7A  }
0x26: {  	[smem:$0x3F9B] =	sst s1;
	(tag) =	ssettag s2;
	_ =	strace s9  }
0x27: {  	s1 =	sld [smem:$0x3FAB]  }
0x28: {  	s2 =	sld [smem:$0x3FAC]  }
0x29: {  	s4 =	sld [smem:$0x3FAE]  }
0x2a: {  	p0 =	seq.s32 s5, $0x0;
	s5 =	sld [smem:$0x3FAF]  }
0x2b: {  	s6 =	sld [smem:$0x3FB0]  }
0x2c: {  	s7 =	sld [smem:$0x3FB1]  }
0x2d: {  	s3 =	simm.s32 $0x108;
	s8 =	sld [smem:$0x3FB2]  }
0x2e: {  	s3 =	simm.s32 @!p0 $0x1082;
	s9 =	sld [smem:$0x3FB3]  }
0x2f: {  	lr =	sadd.s32 s0, s3;
	s0 =	sld [smem:$0x3FAA]  }
0x30: {  	s3 =	sld [smem:$0x3FAD]  }
0x31: {  	[smem:$0x3FB6] =	sst s10  }
0x32: {  	s10 =	sld [smem:$0x3FB4];
	_ =	sdelay $0x3  }
0x33: {  	p0 =	seq.s32 s10, $0x1;
	s10 =	sld [smem:$0x3FB6];
	_ =	sdelay $0x3  }
0x34: {  	[smem:$0x3FB6] =	sst s10  }
0x35: {  	s10 =	sld [smem:$0x3FB5];
	_ =	sdelay $0x3  }
0x36: {  	p1 =	seq.s32 s10, $0x1;
	s10 =	sld [smem:$0x3FB6];
	_ =	sdelay $0x3  }
0x37: {  	[smem:$0x3FB6] =	sst s10  }
0x38: {  	s10 =	sld [smem:$0x3FB7]  }
0x39: {  	_ = 	snop;
	(pc) =	sbr.ind lr, $3  }
0x3a: {  	_ = 	snop  }
0x3b: {  	_ = 	snop  }
0x3c: {  	p2 =	seq.s32 s10, $0x1;
	s10 =	sld [smem:$0x3FB6]  }
0x3d: {  	_ =	shalt  }
0x3e: {  	_ =	shalt  }
0x3f: {  	_ =	shalt  }
0x40: {  	_ =	shalt  }
0x41: {  	_ =	shalt  }
0x42: {  	_ =	shalt  }
0x43: {  	_ =	shalt  }
0x44: {  	_ =	shalt  }
0x45: {  	_ =	shalt  }
0x46: {  	_ =	shalt  }
0x47: {  	_ =	shalt  }
0x48: {  	_ =	shalt  }
0x49: {  	_ =	shalt  }
0x4a: {  	_ =	shalt  }
0x4b: {  	_ =	shalt  }
0x4c: {  	_ =	shalt  }
0x4d: {  	_ =	shalt  }
0x4e: {  	_ =	shalt  }
0x4f: {  	_ =	shalt  }
0x50: {  	_ =	shalt  }
0x51: {  	_ =	shalt  }
0x52: {  	_ =	shalt  }
0x53: {  	_ =	shalt  }
0x54: {  	_ =	shalt  }
0x55: {  	_ =	shalt  }
0x56: {  	_ =	shalt  }
0x57: {  	_ =	shalt  }
0x58: {  	_ =	shalt  }
0x59: {  	_ =	shalt  }
0x5a: {  	_ =	shalt  }
0x5b: {  	_ =	shalt  }
0x5c: {  	_ =	shalt  }
0x5d: {  	_ =	shalt  }
0x5e: {  	_ =	shalt  }
0x5f: {  	_ =	shalt  }
0x60: {  	_ =	shalt  }
0x61: {  	_ =	shalt  }
0x62: {  	_ =	shalt  }
0x63: {  	_ =	shalt  }
0x64: {  	_ =	shalt  }
0x65: {  	_ =	shalt  }
0x66: {  	_ =	shalt  }
0x67: {  	_ =	shalt  }
0x68: {  	_ =	shalt  }
0x69: {  	_ =	shalt  }
0x6a: {  	_ =	shalt  }
0x6b: {  	_ =	shalt  }
0x6c: {  	_ =	shalt  }
0x6d: {  	_ =	shalt  }
0x6e: {  	_ =	shalt  }
0x6f: {  	_ =	shalt  }
0x70: {  	_ =	shalt  }
0x71: {  	_ =	shalt  }
0x72: {  	_ =	shalt  }
0x73: {  	_ =	shalt  }
0x74: {  	_ =	shalt  }
0x75: {  	_ =	shalt  }
0x76: {  	_ =	shalt  }
0x77: {  	_ =	shalt  }
0x78: {  	_ =	shalt  }
0x79: {  	_ =	shalt  }
0x7a: {  	_ =	shalt  }
0x7b: {  	_ =	shalt  }
0x7c: {  	_ =	shalt  }
0x7d: {  	_ =	shalt  }
0x7e: {  	_ =	shalt  }
0x7f: {  	_ =	shalt  }
0x80: {  	_ =	shalt  }
0x81: {  	_ =	shalt  }
0x82: {  	_ =	shalt  }
0x83: {  	_ =	shalt  }
0x84: {  	_ =	shalt  }
0x85: {  	_ =	shalt  }
0x86: {  	_ =	shalt  }
0x87: {  	_ =	shalt  }
.Lfunc_end0:
.L_simem_size_0:
called_computation.2_lowered:
.L_overlay_start_0:
0x88: {  	s2 =	sld [smem:$0x3FD9]  }
0x89: {  	s3 =	sld [smem:$0x3FFE];
	_ =	sdelay $0x1  }
0x8a: {  	s1 =	srdreg.scid  }
0x8b: {  	s0 =	sand.u32 $0x1, s1  }
0x8c: {  	s17 =	sshll.u32 s0, $0xA;
	s2 =	sadd.s32 s3, s2  }
0x8d: {  	s2 =	sadd.s32 s2, s17  }
0x8e: {  	[smem:$0x3FC2] =	sst s2  }
0x8f: {  	_ = 	snop  }
0x90: {  	s2 =	sld [smem:$0x3FD0];
	(tm) =	ssettm $0x1  }
0x91: {  	s18 =	sld [smem:$0x3FFB];
	_ =	sdelay $0x3  }
0x92: {  	_ =	strace s18  }
0x93: {  	s3 =	sld [smem:$0x3FFC];
	_ =	sdelay $0x3  }
0x94: {  	_ =	strace s3  }
0x95: {  	s3 =	sld [smem:$0x3FFD];
	_ =	sdelay $0x3  }
0x96: {  	_ =	strace s3  }
0x97: {  	_ =	strace $0x8FFFFFFF  }
0x98: {  	s19 =	sld [smem:$0x3FDB];
	_ =	sdelay $0x1  }
0x99: {  	s4 =	simm.s32 $_scs_section_size  }
0x9a: {  	s5 =	simm.s32 $_size__tile_overlayer_lowered;
	s6 =	simm.s32 $_tile_overlayer_lowered  }
0x9b: {  	s22 =	simm.s32 $0x1BFF;
	s21 =	sshll.u32 s6, $0x1;
	s3 =	sadd.s32 s4, s19  }
0x9c: {  	s7 =	simm.s32 $0x0;
	s20 =	sshll.u32 s5, $0x1;
	s5 =	sadd.s32 s21, s3  }
0x9d: {  	[timem:s7], [sflag:s22] =	dma.local [hbm:s5], s20  }
0x9e: {  	_ =	swait.ge [sflag:s22], s20  }
0x9f: {  	s4 =	ssub.s32 $0x0, s20;
	[sflag:s22] =	ssyncset.done $0x0  }
0xa0: {  	[sflag:s22] =	ssyncadd.s32 s4;
	_ =	sdelay $0x1  }
0xa1: {  	s23 =	simm.s32 $0x1B8B  }
0xa2: {  	_ =	swait.ge [sflag:s23], $0x1  }
0xa3: {  	[sflag:s23] =	ssyncset.done $0x0  }
0xa4: {  	s25 =	simm.s32 $0x1B8E;
	s24 =	sld [smem:$0x3FFE];
	[sflag:s23] =	ssyncadd.s32 $0xFFFFFFFF  }
0xa5: {  	s26 =	simm.s32 $execute0_lowered;
	[smem:$0x3FD2] =	sst s25  }
0xa6: {  	s5 =	sshll.u32 s26, $0x1;
	_ =	strace $0x8000004C;
	[dreg:$0x1] =	wrdreg $0xFFFFFFFF  }
0xa7: {  	s28 =	simm.s32 $_size_execute0_lowered;
	s3 =	sadd.s32 s3, s5;
	[dreg:$0x0] =	wrdreg $0x0  }
0xa8: {  	s5 =	sshll.u32 s28, $0x1;
	[dreg:$0x2] =	wrdreg s3  }
0xa9: {  	[dreg:$0x3] =	wrdreg s5  }
0xaa: {  	[dreg:$0x4] =	wrdreg $0xC0  }
0xab: {  	_ =	task [dreg:s7], $0x5FFFF  }
0xac: {  	[dreg:$0x1] =	wrdreg $0xFFFFFFFF  }
0xad: {  	[dreg:$0x0] =	wrdreg $0x60  }
0xae: {  	[dreg:$0x2] =	wrdreg s24  }
0xaf: {  	[dreg:$0x3] =	wrdreg s2  }
0xb0: {  	[dreg:$0x4] =	wrdreg $0xB9800  }
0xb1: {  	[dreg:$0x5] =	wrdreg $0x9  }
0xb2: {  	_ =	task.clear_ibuf [dreg:s7], $0x6FFFF;
	_ =	strace $0x9000004C  }
0xb3: {  	s29 =	simm.s32 $0x9;
	_ =	strace $0x8000004E  }
0xb4: {  	_ =	swait.ge [sflag:s29], $0x1  }
0xb5: {  	[sflag:s29] =	ssyncadd.s32 $0xFFFFFFFF  }
0xb6: {  	_ =	strace $0x9000004E  }
0xb7: {  	_ =	sfence  }
0xb8: {  	s30 =	sld [smem:$0x0];
	_ =	sdelay $0x2  }
0xb9: {  	s31 =	sshll.u32 s1, $0xD;
	s1 =	sshrl.u32 s1, $0x2  }
0xba: {  	s3 =	sand.u32 $0x4000, s31;
	s1 =	sadd.s32 s1, s30  }
0xbb: {  	s0 =	sor.u32 s3, s0;
	s1 =	sshll.u32 s1, $0x11  }
0xbc: {  	s0 =	sor.u32 s1, s0  }
0xbd: {  	s0 =	sadd.s32 $0x8F2B, s0  }
0xbe: {  	[sflag:s0] =	ssyncadd.remote.s32 $0x1  }
0xbf: {  	_ =	sfence.sel $0xFFFF  }
0xc0: {  	[dreg:$0x0] =	wrdreg $0xFFFFFFFF;
	(pc) =	sbr.abs _section_cstart, $3  }
0xc1: {  	[dreg:$0x1] =	wrdreg $0xFFFFFFFF  }
0xc2: {  	_ =	task.clear_ibuf [dreg:s7], $0x2FFFF;
	_ =	strace $0x9FFFFFFF  }
0xc3: {  	(tm) =	ssettm $0x7FFFFFFF  }
tec
execute0_lowered:
.L_overlay_start_1:
0x0: {  	(tag) =	ssettag $0x1  }
0x1: {  	s0 =	rddreg [dreg:$0x0]  }
0x2: {  	s2 =	rddreg [dreg:$0x1]  }
0x3: {  	s3 =	rddreg [dreg:$0x2]  }
0x4: {  	s1 =	srdreg.scid;
	s12 =	stileid.u32;
	s4 =	simm.s32 $0x0  }
0x5: {  	s28 =	simm.s32 $0x4;
	s29 =	simm.s32 $0x4100;
	s31 =	simm.s32 $0x9180  }
0x6: {  	s30 =	simm.s32 $0x3;
	s1 =	sand.u32 $0x1, s1;
	s5 =	sshll.u32 s12, $0x1  }
0x7: {  	[smem:$0x7FF] =	sst s4;
	s8 =	sadd.s32 $0x3C00, s0;
	s10 =	smul.u32 $0x4E000, s12  }
0x8: {  	s9 =	sadd.s32 $0x1DA00, s0;
	s17 =	sshll.u32 s12, $0x6;
	s20 =	smul.u32 $0x4E20, s12  }
0x9: {  	s24 =	smul.u32 $0x2700, s12;
	s5 =	sor.u32 s1, s5;
	_ =	strace $0x8000004D  }
0xa: {  	s13 =	smul.u32 $0x27100, s1;
	[dreg:$0x4] =	wrdreg s9;
	s14 =	ssub.s32 $0x2, s1  }
0xb: {  	s1 =	smul.u32 $0x2710, s1;
	s6 =	sshll.u32 s5, $0xB;
	s15 =	sshrl.u32 s14, $0x1  }
0xc: {  	s5 =	smul.u32 $0x2710, s5;
	s16 =	sshrl.u32 s10, $0x2;
	s10 =	simm.s32 $0x0  }
0xd: {  	s7 =	sadd.s32 s6, s0;
	s0 =	sadd.s32 s13, s0;
	s9 =	ssub.s32 s14, s15  }
0xe: {  	s11 =	sadd.s32 s16, s3;
	s13 =	sor.u32 $0x1C0A, s17;
	s1 =	sadd.s32 s1, s20  }
0xf: {  	s20 =	simm.s32 $0x50;
	s5 =	sshrl.u32 s5, $0x3;
	s18 =	sadd.s32 $0xDA00, s7  }
0x10: {  	s0 =	sadd.s32 $0x20200, s0;
	s25 =	smax.u32 s9, $0x1;
	s26 =	sadd.s32 $0x190, s1  }
0x11: {  	s17 =	sshrl.u32 s11, $0x3;
	s7 =	simm.s32 $0x8;
	[dreg:$0x5] =	wrdreg s18  }
0x12: {  	s19 =	sadd.s32 s8, s5;
	[dreg:$0xb] =	wrdreg s25;
	s5 =	sadd.s32 $0x1E0, s1  }
0x13: {  	s1 =	sadd.s32 $0x140, s1;
	s9 =	sshrl.u32 s26, $0x3;
	s18 =	simm.s32 $0xA  }
0x14: {  	s0 =	sadd.s32 s24, s0;
	s25 =	simm.s32 $0x6980;
	s26 =	simm.s32 $0x1  }
0x15: {  	s21 =	sadd.s32 $0xA, s19;
	s22 =	sadd.s32 $0x14, s19;
	[dreg:$0x6] =	wrdreg s19  }
0x16: {  	s23 =	sadd.s32 $0x1E, s19;
	s6 =	sadd.s32 $0x4D8, s19;
	[dreg:$0xd] =	wrdreg s0  }
0x17: {  	s5 =	sshrl.u32 s5, $0x3;
	s1 =	sshrl.u32 s1, $0x3;
	[dreg:$0x7] =	wrdreg s21  }
0x18: {  	s15 =	sadd.s32 s9, s8;
	s19 =	simm.s32 $0x4000;
	[dreg:$0x8] =	wrdreg s22  }
0x19: {  	s0 =	simm.s32 $0x2;
	s9 =	simm.s32 $0x9;
	[dreg:$0x9] =	wrdreg s23  }
0x1a: {  	[dreg:$0xa] =	wrdreg s6;
	s5 =	sadd.s32 s5, s8;
	s16 =	sadd.s32 s1, s8  }
0x1b: {  	s21 =	simm.s32 $0x4180;
	s22 =	simm.s32 $0x4080;
	s1 =	simm.s32 $0x5  }
0x1c: {  	s23 =	simm.s32 $0x7;
	[dreg:$0xc] =	wrdreg s5;
	s5 =	simm.s32 $0x6  }
.LBB2_1:
0x1d: {  	s6 =	rddreg [dreg:$0x4]  }
0x1e: {  	[spmem:s17], [sflag:s13] =	dma.local [hbm:s6], $0x2800  }
0x1f: {  	_ =	swait.ge [sflag:s18], $0x2800  }
0x20: {  	[sflag:s18] =	ssyncset.done $0x0  }
0x21: {  	[sflag:s18] =	ssyncadd.s32 $0xFFFFD800  }
0x22: {  	[bflag:$0x0] =	sbarrier.arrive $0xFFFF  }
0x23: {  	s8 =	rddreg [dreg:$0x5]  }
0x24: {  	[tilespmem:s4], [sflag:$0xA] =	stream.linear.gather [hbm4b:s8+s4], $0x3E80, $0x38;
	[tilespmem:$0x1F200] =	vst v63  }
0x25: {  	_ =	swait.ge [sflag:s18], $0x3E80  }
0x26: {  	[sflag:s18] =	ssyncset.done $0x0  }
0x27: {  	s11 =	rddreg [dreg:$0x6];
	[sflag:s18] =	ssyncadd.s32 $0xFFFFC180  }
0x28: {  	[tilespmem:s19], [sflag:$0x4] =	stream.linear.gather [hbm4b:s11+s4], $0x50, $0x38;
	[tilespmem:$0x1F200] =	vst v63  }
0x29: {  	_ = 	snop  }
0x2a: {  	[tilespmem:s21], [sflag:$0x1] =	stream.indirect.gather [hbm4b:s2+s20], $0x80, s4, s20, $0xb8;
	[tilespmem:$0x1F200] =	vst v63  }
0x2b: {  	s12 =	rddreg [dreg:$0x7]  }
0x2c: {  	[tilespmem:s22], [sflag:$0x5] =	stream.linear.gather [hbm4b:s12+s4], $0x50, $0x38;
	[tilespmem:$0x1F200] =	vst v63  }
0x2d: {  	s14 =	smov.u32 s13;
	s13 =	simm.s32 $0x80  }
0x2e: {  	[tilespmem:s25], [sflag:$0x2] =	stream.indirect.gather [hbm4b:s2+s20], $0x80, s13, s20, $0xb8;
	[tilespmem:$0x1F200] =	vst v63  }
0x2f: {  	_ =	swait.ge [sflag:s26], $0x2800  }
0x30: {  	[sflag:s26] =	ssyncset.done $0x0  }
0x31: {  	[sflag:s26] =	ssyncadd.s32 $0xFFFFD800  }
0x32: {  	_ =	swait.ge [sflag:s28], $0x50  }
0x33: {  	[sflag:s28] =	ssyncset.done $0x0  }
0x34: {  	[sflag:s28] =	ssyncadd.s32 $0xFFFFFFB0  }
0x35: {  	[spmem:s3] =	stream.indirect.scatter.add.f32 [tilespmem:s21], [sflag:$0x7], $0x80, s19, s20, $0xb8;
	[tilespmem:$0x1F200] =	vst v63  }
0x36: {  	s24 =	rddreg [dreg:$0x8]  }
0x37: {  	[tilespmem:s29], [sflag:$0x6] =	stream.linear.gather [hbm4b:s24+s4], $0x50, $0x38;
	[tilespmem:$0x1F200] =	vst v63  }
0x38: {  	s8 =	simm.s32 $0x100  }
0x39: {  	[tilespmem:s31], [sflag:$0x3] =	stream.indirect.gather [hbm4b:s2+s20], $0x80, s8, s20, $0xb8;
	[tilespmem:$0x1F200] =	vst v63  }
0x3a: {  	_ =	swait.ge [sflag:s0], $0x2800  }
0x3b: {  	[sflag:s0] =	ssyncset.done $0x0  }
0x3c: {  	[sflag:s0] =	ssyncadd.s32 $0xFFFFD800  }
0x3d: {  	_ =	swait.ge [sflag:s1], $0x50  }
0x3e: {  	[sflag:s1] =	ssyncset.done $0x0  }
0x3f: {  	[sflag:s1] =	ssyncadd.s32 $0xFFFFFFB0  }
0x40: {  	[spmem:s3] =	stream.indirect.scatter.add.f32 [tilespmem:s25], [sflag:$0x8], $0x80, s22, s20, $0xb8;
	[tilespmem:$0x1F200] =	vst v63  }
0x41: {  	_ =	swait.ge [sflag:s23], $0x2800  }
0x42: {  	[sflag:s23] =	ssyncset.done $0x0  }
0x43: {  	s11 =	rddreg [dreg:$0x9];
	[sflag:s23] =	ssyncadd.s32 $0xFFFFD800  }
0x44: {  	[tilespmem:s19], [sflag:$0x4] =	stream.linear.gather [hbm4b:s11+s4], $0x50, $0x38;
	[tilespmem:$0x1F200] =	vst v63  }
0x45: {  	s12 =	simm.s32 $0x180  }
0x46: {  	[tilespmem:s21], [sflag:$0x1] =	stream.indirect.gather [hbm4b:s2+s20], $0x80, s12, s20, $0xb8;
	[tilespmem:$0x1F200] =	vst v63  }
0x47: {  	_ =	swait.ge [sflag:s30], $0x2800  }
0x48: {  	[sflag:s30] =	ssyncset.done $0x0  }
0x49: {  	[sflag:s30] =	ssyncadd.s32 $0xFFFFD800  }
0x4a: {  	_ =	swait.ge [sflag:s5], $0x50  }
0x4b: {  	[sflag:s5] =	ssyncset.done $0x0  }
0x4c: {  	[sflag:s5] =	ssyncadd.s32 $0xFFFFFFB0  }
0x4d: {  	[spmem:s3] =	stream.indirect.scatter.add.f32 [tilespmem:s31], [sflag:$0x9], $0x80, s29, s20, $0xb8;
	[tilespmem:$0x1F200] =	vst v63  }
0x4e: {  	_ =	swait.ge [sflag:s7], $0x2800  }
0x4f: {  	[sflag:s7] =	ssyncset.done $0x0  }
0x50: {  	[sflag:s7] =	ssyncadd.s32 $0xFFFFD800  }
0x51: {  	[tilespmem:s22], [sflag:$0x5] =	stream.linear.gather [hbm4b:s16+s4], $0x50, $0x38;
	[tilespmem:$0x1F200] =	vst v63  }
0x52: {  	s8 =	simm.s32 $0x200  }
0x53: {  	[tilespmem:s25], [sflag:$0x2] =	stream.indirect.gather [hbm4b:s2+s20], $0x80, s8, s20, $0xb8;
	[tilespmem:$0x1F200] =	vst v63  }
0x54: {  	_ =	swait.ge [sflag:s26], $0x2800  }
0x55: {  	[sflag:s26] =	ssyncset.done $0x0  }
0x56: {  	[sflag:s26] =	ssyncadd.s32 $0xFFFFD800  }
0x57: {  	_ =	swait.ge [sflag:s28], $0x50  }
0x58: {  	[sflag:s28] =	ssyncset.done $0x0  }
0x59: {  	[sflag:s28] =	ssyncadd.s32 $0xFFFFFFB0  }
0x5a: {  	[spmem:s3] =	stream.indirect.scatter.add.f32 [tilespmem:s21], [sflag:$0x7], $0x80, s19, s20, $0xb8;
	[tilespmem:$0x1F200] =	vst v63  }
0x5b: {  	_ =	swait.ge [sflag:s9], $0x2800  }
0x5c: {  	[sflag:s9] =	ssyncset.done $0x0  }
0x5d: {  	[sflag:s9] =	ssyncadd.s32 $0xFFFFD800  }
0x5e: {  	[tilespmem:s29], [sflag:$0x6] =	stream.linear.gather [hbm4b:s15+s4], $0x50, $0x38;
	[tilespmem:$0x1F200] =	vst v63  }
0x5f: {  	s13 =	simm.s32 $0x280  }
0x60: {  	[tilespmem:s31], [sflag:$0x3] =	stream.indirect.gather [hbm4b:s2+s20], $0x80, s13, s20, $0xb8;
	[tilespmem:$0x1F200] =	vst v63  }
0x61: {  	_ =	swait.ge [sflag:s0], $0x2800  }
0x62: {  	[sflag:s0] =	ssyncset.done $0x0  }
0x63: {  	[sflag:s0] =	ssyncadd.s32 $0xFFFFD800  }
0x64: {  	_ =	swait.ge [sflag:s1], $0x50  }
0x65: {  	[sflag:s1] =	ssyncset.done $0x0  }
0x66: {  	[sflag:s1] =	ssyncadd.s32 $0xFFFFFFB0  }
0x67: {  	[spmem:s3] =	stream.indirect.scatter.add.f32 [tilespmem:s25], [sflag:$0x8], $0x80, s22, s20, $0xb8;
	[tilespmem:$0x1F200] =	vst v63  }
0x68: {  	_ =	swait.ge [sflag:s23], $0x2800  }
0x69: {  	s11 =	simm.s32 $0x600;
	[sflag:s23] =	ssyncset.done $0x0  }
0x6a: {  	s12 =	sadd.s32 $0x1E, s16;
	s24 =	rddreg [dreg:$0xc];
	[sflag:s23] =	ssyncadd.s32 $0xFFFFD800  }
0x6b: {  	[tilespmem:s19], [sflag:$0x4] =	stream.linear.gather [hbm4b:s24+s4], $0x50, $0x38;
	[tilespmem:$0x1F200] =	vst v63  }
0x6c: {  	s8 =	simm.s32 $0x300;
	s13 =	sadd.s32 $0x1E, s24;
	s24 =	sadd.s32 $0x1E, s15  }
.LBB2_2:
0x6d: {  	[tilespmem:s21], [sflag:$0x1] =	stream.indirect.gather [hbm4b:s2+s20], $0x80, s8, s20, $0xb8;
	[tilespmem:$0x1F200] =	vst v63  }
0x6e: {  	s8 =	smov.u32 s11  }
0x6f: {  	p0 =	sne.s32 s11, $0xEA00;
	s11 =	sadd.s32 $0x600, s11;
	_ =	swait.ge [sflag:s30], $0x2800  }
0x70: {  	[sflag:s30] =	ssyncset.done $0x0  }
0x71: {  	[sflag:s30] =	ssyncadd.s32 $0xFFFFD800  }
0x72: {  	_ =	swait.ge [sflag:s5], $0x50  }
0x73: {  	[sflag:s5] =	ssyncset.done $0x0  }
0x74: {  	[sflag:s5] =	ssyncadd.s32 $0xFFFFFFB0  }
0x75: {  	[spmem:s3] =	stream.indirect.scatter.add.f32 [tilespmem:s31], [sflag:$0x9], $0x80, s29, s20, $0xb8;
	[tilespmem:$0x1F200] =	vst v63  }
0x76: {  	_ =	swait.ge [sflag:s7], $0x2800  }
0x77: {  	[sflag:s7] =	ssyncset.done $0x0  }
0x78: {  	s8 =	sshra.s32 s8, $0x2;
	[sflag:s7] =	ssyncadd.s32 $0xFFFFD800  }
0x79: {  	[tilespmem:s22], [sflag:$0x5] =	stream.linear.gather [hbm4b:s12+s4], $0x50, $0x38;
	[tilespmem:$0x1F200] =	vst v63  }
0x7a: {  	s6 =	sadd.s32 $0x200, s8  }
0x7b: {  	[tilespmem:s25], [sflag:$0x2] =	stream.indirect.gather [hbm4b:s2+s20], $0x80, s6, s20, $0xb8;
	[tilespmem:$0x1F200] =	vst v63  }
0x7c: {  	_ =	swait.ge [sflag:s26], $0x2800  }
0x7d: {  	[sflag:s26] =	ssyncset.done $0x0  }
0x7e: {  	[sflag:s26] =	ssyncadd.s32 $0xFFFFD800  }
0x7f: {  	_ =	swait.ge [sflag:s28], $0x50  }
0x80: {  	[sflag:s28] =	ssyncset.done $0x0  }
0x81: {  	[sflag:s28] =	ssyncadd.s32 $0xFFFFFFB0  }
0x82: {  	[spmem:s3] =	stream.indirect.scatter.add.f32 [tilespmem:s21], [sflag:$0x7], $0x80, s19, s20, $0xb8;
	[tilespmem:$0x1F200] =	vst v63  }
0x83: {  	_ =	swait.ge [sflag:s9], $0x2800  }
0x84: {  	[sflag:s9] =	ssyncset.done $0x0  }
0x85: {  	[sflag:s9] =	ssyncadd.s32 $0xFFFFD800  }
0x86: {  	[tilespmem:s29], [sflag:$0x6] =	stream.linear.gather [hbm4b:s24+s4], $0x50, $0x38;
	[tilespmem:$0x1F200] =	vst v63  }
0x87: {  	s6 =	sadd.s32 $0x280, s8  }
0x88: {  	[tilespmem:s31], [sflag:$0x3] =	stream.indirect.gather [hbm4b:s2+s20], $0x80, s6, s20, $0xb8;
	[tilespmem:$0x1F200] =	vst v63  }
0x89: {  	_ =	swait.ge [sflag:s0], $0x2800  }
0x8a: {  	[sflag:s0] =	ssyncset.done $0x0  }
0x8b: {  	[sflag:s0] =	ssyncadd.s32 $0xFFFFD800  }
0x8c: {  	_ =	swait.ge [sflag:s1], $0x50  }
0x8d: {  	[sflag:s1] =	ssyncset.done $0x0  }
0x8e: {  	[sflag:s1] =	ssyncadd.s32 $0xFFFFFFB0  }
0x8f: {  	[spmem:s3] =	stream.indirect.scatter.add.f32 [tilespmem:s25], [sflag:$0x8], $0x80, s22, s20, $0xb8;
	[tilespmem:$0x1F200] =	vst v63  }
.Ltmp0:
0x90: {  	_ =	swait.ge [sflag:s23], $0x2800;
	(pc) =	sbr.rel @p0 .LBB2_2-.Ltmp0, $4  }
0x91: {  	[sflag:s23] =	ssyncset.done $0x0  }
0x92: {  	s12 =	sadd.s32 $0x1E, s12;
	[sflag:s23] =	ssyncadd.s32 $0xFFFFD800  }
0x93: {  	[tilespmem:s19], [sflag:$0x4] =	stream.linear.gather [hbm4b:s13+s4], $0x50, $0x38;
	[tilespmem:$0x1F200] =	vst v63  }
0x94: {  	s8 =	sadd.s32 $0x300, s8;
	s24 =	sadd.s32 $0x1E, s24;
	s13 =	sadd.s32 $0x1E, s13  }
0x95: {  	[tilespmem:s21], [sflag:$0x1] =	stream.indirect.gather [hbm4b:s2+s20], $0x80, s8, s20, $0xb8;
	[tilespmem:$0x1F200] =	vst v63  }
0x96: {  	_ =	swait.ge [sflag:s30], $0x2800  }
0x97: {  	[sflag:s30] =	ssyncset.done $0x0  }
0x98: {  	[sflag:s30] =	ssyncadd.s32 $0xFFFFD800  }
0x99: {  	_ =	swait.ge [sflag:s5], $0x50  }
0x9a: {  	[sflag:s5] =	ssyncset.done $0x0  }
0x9b: {  	[sflag:s5] =	ssyncadd.s32 $0xFFFFFFB0  }
0x9c: {  	[spmem:s3] =	stream.indirect.scatter.add.f32 [tilespmem:s31], [sflag:$0x9], $0x80, s29, s20, $0xb8;
	[tilespmem:$0x1F200] =	vst v63  }
0x9d: {  	_ =	swait.ge [sflag:s7], $0x2800  }
0x9e: {  	[sflag:s7] =	ssyncset.done $0x0  }
0x9f: {  	s6 =	rddreg [dreg:$0xa];
	[sflag:s7] =	ssyncadd.s32 $0xFFFFD800  }
0xa0: {  	[tilespmem:s22], [sflag:$0x5] =	stream.linear.gather [hbm4b:s6+s4], $0x50, $0x38;
	[tilespmem:$0x1F200] =	vst v63  }
0xa1: {  	s11 =	simm.s32 $0x3E00  }
0xa2: {  	[tilespmem:s25], [sflag:$0x2] =	stream.indirect.gather [hbm4b:s2+s20], $0x80, s11, s20, $0xb8;
	[tilespmem:$0x1F200] =	vst v63  }
0xa3: {  	_ =	swait.ge [sflag:s26], $0x2800  }
0xa4: {  	[sflag:s26] =	ssyncset.done $0x0  }
0xa5: {  	[sflag:s26] =	ssyncadd.s32 $0xFFFFD800  }
0xa6: {  	_ =	swait.ge [sflag:s28], $0x50  }
0xa7: {  	[sflag:s28] =	ssyncset.done $0x0  }
0xa8: {  	[sflag:s28] =	ssyncadd.s32 $0xFFFFFFB0  }
0xa9: {  	[spmem:s3] =	stream.indirect.scatter.add.f32 [tilespmem:s21], [sflag:$0x7], $0x80, s19, s20, $0xb8;
	[tilespmem:$0x1F200] =	vst v63  }
0xaa: {  	_ =	swait.ge [sflag:s9], $0x2800  }
0xab: {  	[sflag:s9] =	ssyncset.done $0x0  }
0xac: {  	[sflag:s9] =	ssyncadd.s32 $0xFFFFD800  }
0xad: {  	_ =	swait.ge [sflag:s0], $0x2800  }
0xae: {  	[sflag:s0] =	ssyncset.done $0x0  }
0xaf: {  	[sflag:s0] =	ssyncadd.s32 $0xFFFFD800  }
0xb0: {  	_ =	swait.ge [sflag:s1], $0x50  }
0xb1: {  	[sflag:s1] =	ssyncset.done $0x0  }
0xb2: {  	[sflag:s1] =	ssyncadd.s32 $0xFFFFFFB0  }
0xb3: {  	[spmem:s3] =	stream.indirect.scatter.add.f32 [tilespmem:s25], [sflag:$0x8], $0x80, s22, s20, $0xb8;
	[tilespmem:$0x1F200] =	vst v63  }
0xb4: {  	_ =	swait.ge [sflag:s23], $0x2800  }
0xb5: {  	[sflag:s23] =	ssyncset.done $0x0  }
0xb6: {  	[sflag:s23] =	ssyncadd.s32 $0xFFFFD800  }
0xb7: {  	_ =	swait.ge [sflag:s7], $0x2800  }
0xb8: {  	[sflag:s7] =	ssyncset.done $0x0  }
0xb9: {  	[sflag:s7] =	ssyncadd.s32 $0xFFFFD800  }
0xba: {  	[bflag:$0x0] =	sbarrier.arrive $0xFFFF  }
0xbb: {  	s12 =	rddreg [dreg:$0xd]  }
0xbc: {  	[hbm:s12], [sflag:s14] =	dma.local [spmem:s17], $0x2800  }
0xbd: {  	_ =	swait.ge [sflag:s18], $0x2800  }
0xbe: {  	s10 =	sadd.s32 $0x1, s10;
	s24 =	rddreg [dreg:$0xb]  }
0xbf: {  	p0 =	sne.s32 s10, s24  }
.Ltmp1:
0xc0: {  	_ = 	snop;
	(pc) =	sbr.rel @p0 .LBB2_1-.Ltmp1, $3  }
0xc1: {  	_ =	sdelay $0x1  }
0xc2: {  	[sflag:s18] =	ssyncset.done $0x0  }
0xc3: {  	s13 =	smov.u32 s14;
	[sflag:s18] =	ssyncadd.s32 $0xFFFFD800  }
0xc4: {  	_ =	sfence.sel $0x180000  }
0xc5: {  	[bflag:$0x0] =	sbarrier.arrive $0xFFFF  }
0xc6: {  	_ =	strace $0x9000004D  }
0xc7: {  	s0 =	stileid.u32;
	[bflag:$0x2] =	sbarrier.arrive $0xFFFF  }
0xc8: {  	p0 =	sne.s32 s0, $0x0;
	s0 =	rddreg [dreg:$0x3]  }
0xc9: {  	s0 =	sadd.s32 @!p0 $0x100000, s0  }
0xca: {  	[sflag:s0] =	ssyncadd.tile.s32 @!p0 $0x1;
	_ =	shalt  }
.Lfunc_end2:
_tile_overlayer_lowered:
.L_overlay_start_2:
0xcb: {  	(tag) =	ssettag $0x2  }
0xcc: {  	s0 =	rddreg [dreg:$0x0];
	s2 =	stileid.u32  }
0xcd: {  	s1 =	rddreg [dreg:$0x1];
	p0 =	sne.s32 s2, $0x0  }
0xce: {  	s3 =	rddreg [dreg:$0x2];
	[bflag:$0x3] =	sbarrier.arrive $0xFFFF;
	s2 =	simm.s32 @!p0 $0x1C0A  }
0xcf: {  	[timem:s3], [sflag:s2] =	dma.local @!p0 [hbm:s0], s1  }
0xd0: {  	s0 =	simm.s32 @!p0 $0xA  }
0xd1: {  	_ =	swait.ge @!p0 [sflag:s0], s1  }
0xd2: {  	s1 =	ssub.s32 @!p0 $0x0, s1;
	[sflag:s0] =	ssyncset.done @!p0 $0x0  }
0xd3: {  	[sflag:s0] =	ssyncadd.s32 @!p0 s1  }
0xd4: {  	[bflag:$0x3] =	sbarrier.arrive $0xFFFF  }
0xd5: {  	_ =	shalt  }

// kernel: kernel.21.cloned.1.call-start
scs
__scs_entry_jumppad:
0x0: {  	(pc) =	sbr.rel $0x88, $3  }
0x1: {  	(tag) =	ssettag $0x0;
	lr =	simm.s32 $0x1  }
0x2: {  	[smem:$0x3F9B] =	sst lr;
	_ =	strace $0xD0000000  }
0x3: {  	_ = 	snop  }
0x4: {  	_ = 	snop  }
0x5: {  	_ = 	snop  }
0x6: {  	_ = 	snop  }
0x7: {  	_ = 	snop  }
__scs_overlays_trampoline_lowered:
0x8: {  	[smem:$0x3FAA] =	sst s0  }
0x9: {  	[smem:$0x3FAB] =	sst s1  }
0xa: {  	[smem:$0x3FAC] =	sst s2  }
0xb: {  	[smem:$0x3FAD] =	sst s3  }
0xc: {  	[smem:$0x3FAE] =	sst s4  }
0xd: {  	[smem:$0x3FAF] =	sst s5  }
0xe: {  	[smem:$0x3FB0] =	sst s6  }
0xf: {  	[smem:$0x3FB1] =	sst s7  }
0x10: {  	[smem:$0x3FB2] =	sst s8  }
0x11: {  	[smem:$0x3FB3] =	sst s9;
	s0 =	simm.s32 @!p0 $0x0  }
0x12: {  	s1 =	sld [smem:$0x3F99];
	s0 =	simm.s32 @p0 $0x1  }
0x13: {  	[smem:$0x3FB4] =	sst s0;
	s0 =	simm.s32 @!p1 $0x0  }
0x14: {  	s2 =	sld [smem:$0x3F98];
	s0 =	simm.s32 @p1 $0x1  }
0x15: {  	[smem:$0x3FB5] =	sst s0;
	s0 =	simm.s32 @!p2 $0x0  }
0x16: {  	s3 =	sld [smem:$0x3FDB];
	s0 =	simm.s32 @p2 $0x1  }
0x17: {  	s4 =	simm.s32 $0x1BF5;
	[smem:$0x3FB7] =	sst s0  }
0x18: {  	s0 =	sld [smem:$0x3F9A];
	_ =	swait.ge [sflag:s4], $0x0  }
0x19: {  	s7 =	sld [smem:$0x3F9B]  }
0x1a: {  	s8 =	sadd.s32 $0xFFFFE003, lr  }
0x1b: {  	s9 =	sadd.s32 $0xFFFFFEF7, lr;
	s5 =	simm.s32 $0xFFFFFFFF;
	p2 =	slt.u32 s8, $0xFFFFF086  }
0x1c: {  	p1 =	slt.u32 s9, $0xF7A;
	s5 =	simm.s32 @!p2 $0x0  }
0x1d: {  	s5 =	simm.s32 @p1 $0x1;
	p0 =	seq.s32 s7, s2  }
0x1e: {  	s7 =	smul.u32 @!p0 $0xF7A, s2;
	p2 =	seq.s32 @!p0 s5, $0x0  }
0x1f: {  	s9 =	smul.u32 $0xF7A, s1;
	s8 =	simm.s32 @!p0 $0x1BF5;
	p2 =	por !p2, p0  }
0x20: {  	[sflag:s8] =	ssyncset.s32 @!p0 $0xFFFFF086;
	s6 =	sadd.s32 @!p0 s3, s7;
	s7 =	simm.s32 @!p0 $0x108  }
0x21: {  	s3 =	sadd.s32 s3, s9;
	s6 =	sadd.s32 @!p0 $0x88, s6;
	s7 =	simm.s32 @p2 $0x1082  }
0x22: {  	[simem:s7], [sflag:s8] =	dma.local @!p0 [hbm:s6], $0xF7A  }
0x23: {  	s9 =	sor.u32 $0xD0000000, s2;
	s6 =	simm.s32 $0x108;
	_ =	swait.ge @!p0 [sflag:s8], $0x0  }
0x24: {  	s3 =	sadd.s32 $0x88, s3;
	s6 =	simm.s32 @!p1 $0x1082;
	[sflag:s4] =	ssyncset.s32 $0xFFFFF086  }
0x25: {  	[simem:s6], [sflag:s4] =	dma.local [hbm:s3], $0xF7A  }
0x26: {  	[smem:$0x3F9B] =	sst s1;
	(tag) =	ssettag s2;
	_ =	strace s9  }
0x27: {  	s1 =	sld [smem:$0x3FAB]  }
0x28: {  	s2 =	sld [smem:$0x3FAC]  }
0x29: {  	s4 =	sld [smem:$0x3FAE]  }
0x2a: {  	p0 =	seq.s32 s5, $0x0;
	s5 =	sld [smem:$0x3FAF]  }
0x2b: {  	s6 =	sld [smem:$0x3FB0]  }
0x2c: {  	s7 =	sld [smem:$0x3FB1]  }
0x2d: {  	s3 =	simm.s32 $0x108;
	s8 =	sld [smem:$0x3FB2]  }
0x2e: {  	s3 =	simm.s32 @!p0 $0x1082;
	s9 =	sld [smem:$0x3FB3]  }
0x2f: {  	lr =	sadd.s32 s0, s3;
	s0 =	sld [smem:$0x3FAA]  }
0x30: {  	s3 =	sld [smem:$0x3FAD]  }
0x31: {  	[smem:$0x3FB6] =	sst s10  }
0x32: {  	s10 =	sld [smem:$0x3FB4];
	_ =	sdelay $0x3  }
0x33: {  	p0 =	seq.s32 s10, $0x1;
	s10 =	sld [smem:$0x3FB6];
	_ =	sdelay $0x3  }
0x34: {  	[smem:$0x3FB6] =	sst s10  }
0x35: {  	s10 =	sld [smem:$0x3FB5];
	_ =	sdelay $0x3  }
0x36: {  	p1 =	seq.s32 s10, $0x1;
	s10 =	sld [smem:$0x3FB6];
	_ =	sdelay $0x3  }
0x37: {  	[smem:$0x3FB6] =	sst s10  }
0x38: {  	s10 =	sld [smem:$0x3FB7]  }
0x39: {  	_ = 	snop;
	(pc) =	sbr.ind lr, $3  }
0x3a: {  	_ = 	snop  }
0x3b: {  	_ = 	snop  }
0x3c: {  	p2 =	seq.s32 s10, $0x1;
	s10 =	sld [smem:$0x3FB6]  }
0x3d: {  	_ =	shalt  }
0x3e: {  	_ =	shalt  }
0x3f: {  	_ =	shalt  }
0x40: {  	_ =	shalt  }
0x41: {  	_ =	shalt  }
0x42: {  	_ =	shalt  }
0x43: {  	_ =	shalt  }
0x44: {  	_ =	shalt  }
0x45: {  	_ =	shalt  }
0x46: {  	_ =	shalt  }
0x47: {  	_ =	shalt  }
0x48: {  	_ =	shalt  }
0x49: {  	_ =	shalt  }
0x4a: {  	_ =	shalt  }
0x4b: {  	_ =	shalt  }
0x4c: {  	_ =	shalt  }
0x4d: {  	_ =	shalt  }
0x4e: {  	_ =	shalt  }
0x4f: {  	_ =	shalt  }
0x50: {  	_ =	shalt  }
0x51: {  	_ =	shalt  }
0x52: {  	_ =	shalt  }
0x53: {  	_ =	shalt  }
0x54: {  	_ =	shalt  }
0x55: {  	_ =	shalt  }
0x56: {  	_ =	shalt  }
0x57: {  	_ =	shalt  }
0x58: {  	_ =	shalt  }
0x59: {  	_ =	shalt  }
0x5a: {  	_ =	shalt  }
0x5b: {  	_ =	shalt  }
0x5c: {  	_ =	shalt  }
0x5d: {  	_ =	shalt  }
0x5e: {  	_ =	shalt  }
0x5f: {  	_ =	shalt  }
0x60: {  	_ =	shalt  }
0x61: {  	_ =	shalt  }
0x62: {  	_ =	shalt  }
0x63: {  	_ =	shalt  }
0x64: {  	_ =	shalt  }
0x65: {  	_ =	shalt  }
0x66: {  	_ =	shalt  }
0x67: {  	_ =	shalt  }
0x68: {  	_ =	shalt  }
0x69: {  	_ =	shalt  }
0x6a: {  	_ =	shalt  }
0x6b: {  	_ =	shalt  }
0x6c: {  	_ =	shalt  }
0x6d: {  	_ =	shalt  }
0x6e: {  	_ =	shalt  }
0x6f: {  	_ =	shalt  }
0x70: {  	_ =	shalt  }
0x71: {  	_ =	shalt  }
0x72: {  	_ =	shalt  }
0x73: {  	_ =	shalt  }
0x74: {  	_ =	shalt  }
0x75: {  	_ =	shalt  }
0x76: {  	_ =	shalt  }
0x77: {  	_ =	shalt  }
0x78: {  	_ =	shalt  }
0x79: {  	_ =	shalt  }
0x7a: {  	_ =	shalt  }
0x7b: {  	_ =	shalt  }
0x7c: {  	_ =	shalt  }
0x7d: {  	_ =	shalt  }
0x7e: {  	_ =	shalt  }
0x7f: {  	_ =	shalt  }
0x80: {  	_ =	shalt  }
0x81: {  	_ =	shalt  }
0x82: {  	_ =	shalt  }
0x83: {  	_ =	shalt  }
0x84: {  	_ =	shalt  }
0x85: {  	_ =	shalt  }
0x86: {  	_ =	shalt  }
0x87: {  	_ =	shalt  }
.Lfunc_end0:
.L_simem_size_0:
called_computation.3_lowered:
.L_overlay_start_0:
0x88: {  	s2 =	sld [smem:$0x3FD9]  }
0x89: {  	s3 =	sld [smem:$0x3FFE];
	_ =	sdelay $0x1  }
0x8a: {  	s1 =	srdreg.scid  }
0x8b: {  	s0 =	sand.u32 $0x1, s1  }
0x8c: {  	s17 =	sshll.u32 s0, $0xA;
	s2 =	sadd.s32 s3, s2  }
0x8d: {  	s2 =	sadd.s32 s2, s17  }
0x8e: {  	[smem:$0x3FC2] =	sst s2  }
0x8f: {  	_ = 	snop  }
0x90: {  	s2 =	sld [smem:$0x3FD0];
	(tm) =	ssettm $0x1  }
0x91: {  	s18 =	sld [smem:$0x3FFB];
	_ =	sdelay $0x3  }
0x92: {  	_ =	strace s18  }
0x93: {  	s3 =	sld [smem:$0x3FFC];
	_ =	sdelay $0x3  }
0x94: {  	_ =	strace s3  }
0x95: {  	s3 =	sld [smem:$0x3FFD];
	_ =	sdelay $0x3  }
0x96: {  	_ =	strace s3  }
0x97: {  	_ =	strace $0x8FFFFFFF  }
0x98: {  	s19 =	sld [smem:$0x3FDB];
	_ =	sdelay $0x1  }
0x99: {  	s4 =	simm.s32 $_scs_section_size  }
0x9a: {  	s5 =	simm.s32 $_size__tile_overlayer_lowered;
	s6 =	simm.s32 $_tile_overlayer_lowered  }
0x9b: {  	s22 =	simm.s32 $0x1BFF;
	s21 =	sshll.u32 s6, $0x1;
	s3 =	sadd.s32 s4, s19  }
0x9c: {  	s7 =	simm.s32 $0x0;
	s20 =	sshll.u32 s5, $0x1;
	s5 =	sadd.s32 s21, s3  }
0x9d: {  	[timem:s7], [sflag:s22] =	dma.local [hbm:s5], s20  }
0x9e: {  	_ =	swait.ge [sflag:s22], s20  }
0x9f: {  	s4 =	ssub.s32 $0x0, s20;
	[sflag:s22] =	ssyncset.done $0x0  }
0xa0: {  	[sflag:s22] =	ssyncadd.s32 s4;
	_ =	sdelay $0x1  }
0xa1: {  	s23 =	simm.s32 $0x1B8B  }
0xa2: {  	_ =	swait.ge [sflag:s23], $0x1  }
0xa3: {  	[sflag:s23] =	ssyncset.done $0x0  }
0xa4: {  	s25 =	simm.s32 $0x1B8E;
	s24 =	sld [smem:$0x3FFE];
	[sflag:s23] =	ssyncadd.s32 $0xFFFFFFFF  }
0xa5: {  	s26 =	simm.s32 $execute0_lowered;
	[smem:$0x3FD2] =	sst s25  }
0xa6: {  	s5 =	sshll.u32 s26, $0x1;
	_ =	strace $0x8000004F;
	[dreg:$0x1] =	wrdreg $0xFFFFFFFF  }
0xa7: {  	s28 =	simm.s32 $_size_execute0_lowered;
	s3 =	sadd.s32 s3, s5;
	[dreg:$0x0] =	wrdreg $0x0  }
0xa8: {  	s5 =	sshll.u32 s28, $0x1;
	[dreg:$0x2] =	wrdreg s3  }
0xa9: {  	[dreg:$0x3] =	wrdreg s5  }
0xaa: {  	[dreg:$0x4] =	wrdreg $0xC0  }
0xab: {  	_ =	task [dreg:s7], $0x5FFFF  }
0xac: {  	[dreg:$0x1] =	wrdreg $0xFFFFFFFF  }
0xad: {  	[dreg:$0x0] =	wrdreg $0x60  }
0xae: {  	[dreg:$0x2] =	wrdreg s24  }
0xaf: {  	[dreg:$0x3] =	wrdreg s2  }
0xb0: {  	[dreg:$0x4] =	wrdreg $0xB9800  }
0xb1: {  	[dreg:$0x5] =	wrdreg $0x9  }
0xb2: {  	_ =	task.clear_ibuf [dreg:s7], $0x6FFFF;
	_ =	strace $0x9000004F  }
0xb3: {  	s29 =	simm.s32 $0x9;
	_ =	strace $0x80000051  }
0xb4: {  	_ =	swait.ge [sflag:s29], $0x1  }
0xb5: {  	[sflag:s29] =	ssyncadd.s32 $0xFFFFFFFF  }
0xb6: {  	_ =	strace $0x90000051  }
0xb7: {  	_ =	sfence  }
0xb8: {  	s30 =	sld [smem:$0x0];
	_ =	sdelay $0x2  }
0xb9: {  	s31 =	sshll.u32 s1, $0xD;
	s1 =	sshrl.u32 s1, $0x2  }
0xba: {  	s3 =	sand.u32 $0x4000, s31;
	s1 =	sadd.s32 s1, s30  }
0xbb: {  	s0 =	sor.u32 s3, s0;
	s1 =	sshll.u32 s1, $0x11  }
0xbc: {  	s0 =	sor.u32 s1, s0  }
0xbd: {  	s0 =	sadd.s32 $0x8F2B, s0  }
0xbe: {  	[sflag:s0] =	ssyncadd.remote.s32 $0x1  }
0xbf: {  	_ =	sfence.sel $0xFFFF  }
0xc0: {  	[dreg:$0x0] =	wrdreg $0xFFFFFFFF;
	(pc) =	sbr.abs _section_cstart, $3  }
0xc1: {  	[dreg:$0x1] =	wrdreg $0xFFFFFFFF  }
0xc2: {  	_ =	task.clear_ibuf [dreg:s7], $0x2FFFF;
	_ =	strace $0x9FFFFFFF  }
0xc3: {  	(tm) =	ssettm $0x7FFFFFFF  }
tec
execute0_lowered:
.L_overlay_start_1:
0x0: {  	(tag) =	ssettag $0x1  }
0x1: {  	s0 =	rddreg [dreg:$0x0]  }
0x2: {  	s2 =	rddreg [dreg:$0x1]  }
0x3: {  	s3 =	rddreg [dreg:$0x2]  }
0x4: {  	s1 =	srdreg.scid;
	s12 =	stileid.u32;
	s4 =	simm.s32 $0x0  }
0x5: {  	s28 =	simm.s32 $0x4;
	s29 =	simm.s32 $0x4100;
	s31 =	simm.s32 $0x9180  }
0x6: {  	s30 =	simm.s32 $0x3;
	s1 =	sand.u32 $0x1, s1;
	s5 =	sshll.u32 s12, $0x1  }
0x7: {  	[smem:$0x7FF] =	sst s4;
	s8 =	sadd.s32 $0x3C00, s0;
	s10 =	smul.u32 $0x4E000, s12  }
0x8: {  	s9 =	sadd.s32 $0x1DA00, s0;
	s17 =	sshll.u32 s12, $0x6;
	s20 =	smul.u32 $0x4E20, s12  }
0x9: {  	s24 =	smul.u32 $0x2700, s12;
	s5 =	sor.u32 s1, s5;
	_ =	strace $0x80000050  }
0xa: {  	s13 =	smul.u32 $0x27100, s1;
	[dreg:$0x4] =	wrdreg s9;
	s14 =	ssub.s32 $0x2, s1  }
0xb: {  	s1 =	smul.u32 $0x2710, s1;
	s6 =	sshll.u32 s5, $0xB;
	s15 =	sshrl.u32 s14, $0x1  }
0xc: {  	s5 =	smul.u32 $0x2710, s5;
	s16 =	sshrl.u32 s10, $0x2;
	s10 =	simm.s32 $0x0  }
0xd: {  	s7 =	sadd.s32 s6, s0;
	s0 =	sadd.s32 s13, s0;
	s9 =	ssub.s32 s14, s15  }
0xe: {  	s11 =	sadd.s32 s16, s3;
	s13 =	sor.u32 $0x1C0A, s17;
	s1 =	sadd.s32 s1, s20  }
0xf: {  	s20 =	simm.s32 $0x50;
	s5 =	sshrl.u32 s5, $0x3;
	s18 =	sadd.s32 $0xDA00, s7  }
0x10: {  	s0 =	sadd.s32 $0x20200, s0;
	s25 =	smax.u32 s9, $0x1;
	s26 =	sadd.s32 $0x190, s1  }
0x11: {  	s17 =	sshrl.u32 s11, $0x3;
	s7 =	simm.s32 $0x8;
	[dreg:$0x5] =	wrdreg s18  }
0x12: {  	s19 =	sadd.s32 s8, s5;
	[dreg:$0xb] =	wrdreg s25;
	s5 =	sadd.s32 $0x1E0, s1  }
0x13: {  	s1 =	sadd.s32 $0x140, s1;
	s9 =	sshrl.u32 s26, $0x3;
	s18 =	simm.s32 $0xA  }
0x14: {  	s0 =	sadd.s32 s24, s0;
	s25 =	simm.s32 $0x6980;
	s26 =	simm.s32 $0x1  }
0x15: {  	s21 =	sadd.s32 $0xA, s19;
	s22 =	sadd.s32 $0x14, s19;
	[dreg:$0x6] =	wrdreg s19  }
0x16: {  	s23 =	sadd.s32 $0x1E, s19;
	s6 =	sadd.s32 $0x4D8, s19;
	[dreg:$0xd] =	wrdreg s0  }
0x17: {  	s5 =	sshrl.u32 s5, $0x3;
	s1 =	sshrl.u32 s1, $0x3;
	[dreg:$0x7] =	wrdreg s21  }
0x18: {  	s15 =	sadd.s32 s9, s8;
	s19 =	simm.s32 $0x4000;
	[dreg:$0x8] =	wrdreg s22  }
0x19: {  	s0 =	simm.s32 $0x2;
	s9 =	simm.s32 $0x9;
	[dreg:$0x9] =	wrdreg s23  }
0x1a: {  	[dreg:$0xa] =	wrdreg s6;
	s5 =	sadd.s32 s5, s8;
	s16 =	sadd.s32 s1, s8  }
0x1b: {  	s21 =	simm.s32 $0x4180;
	s22 =	simm.s32 $0x4080;
	s1 =	simm.s32 $0x5  }
0x1c: {  	s23 =	simm.s32 $0x7;
	[dreg:$0xc] =	wrdreg s5;
	s5 =	simm.s32 $0x6  }
.LBB2_1:
0x1d: {  	s6 =	rddreg [dreg:$0x4]  }
0x1e: {  	[spmem:s17], [sflag:s13] =	dma.local [hbm:s6], $0x2800  }
0x1f: {  	_ =	swait.ge [sflag:s18], $0x2800  }
0x20: {  	[sflag:s18] =	ssyncset.done $0x0  }
0x21: {  	[sflag:s18] =	ssyncadd.s32 $0xFFFFD800  }
0x22: {  	[bflag:$0x0] =	sbarrier.arrive $0xFFFF  }
0x23: {  	s8 =	rddreg [dreg:$0x5]  }
0x24: {  	[tilespmem:s4], [sflag:$0xA] =	stream.linear.gather [hbm4b:s8+s4], $0x3E80, $0x38;
	[tilespmem:$0x1F200] =	vst v63  }
0x25: {  	_ =	swait.ge [sflag:s18], $0x3E80  }
0x26: {  	[sflag:s18] =	ssyncset.done $0x0  }
0x27: {  	s11 =	rddreg [dreg:$0x6];
	[sflag:s18] =	ssyncadd.s32 $0xFFFFC180  }
0x28: {  	[tilespmem:s19], [sflag:$0x4] =	stream.linear.gather [hbm4b:s11+s4], $0x50, $0x38;
	[tilespmem:$0x1F200] =	vst v63  }
0x29: {  	_ = 	snop  }
0x2a: {  	[tilespmem:s21], [sflag:$0x1] =	stream.indirect.gather [hbm4b:s2+s20], $0x80, s4, s20, $0xb8;
	[tilespmem:$0x1F200] =	vst v63  }
0x2b: {  	s12 =	rddreg [dreg:$0x7]  }
0x2c: {  	[tilespmem:s22], [sflag:$0x5] =	stream.linear.gather [hbm4b:s12+s4], $0x50, $0x38;
	[tilespmem:$0x1F200] =	vst v63  }
0x2d: {  	s14 =	smov.u32 s13;
	s13 =	simm.s32 $0x80  }
0x2e: {  	[tilespmem:s25], [sflag:$0x2] =	stream.indirect.gather [hbm4b:s2+s20], $0x80, s13, s20, $0xb8;
	[tilespmem:$0x1F200] =	vst v63  }
0x2f: {  	_ =	swait.ge [sflag:s26], $0x2800  }
0x30: {  	[sflag:s26] =	ssyncset.done $0x0  }
0x31: {  	[sflag:s26] =	ssyncadd.s32 $0xFFFFD800  }
0x32: {  	_ =	swait.ge [sflag:s28], $0x50  }
0x33: {  	[sflag:s28] =	ssyncset.done $0x0  }
0x34: {  	[sflag:s28] =	ssyncadd.s32 $0xFFFFFFB0  }
0x35: {  	[spmem:s3] =	stream.indirect.scatter.add.f32 [tilespmem:s21], [sflag:$0x7], $0x80, s19, s20, $0xb8;
	[tilespmem:$0x1F200] =	vst v63  }
0x36: {  	s24 =	rddreg [dreg:$0x8]  }
0x37: {  	[tilespmem:s29], [sflag:$0x6] =	stream.linear.gather [hbm4b:s24+s4], $0x50, $0x38;
	[tilespmem:$0x1F200] =	vst v63  }
0x38: {  	s8 =	simm.s32 $0x100  }
0x39: {  	[tilespmem:s31], [sflag:$0x3] =	stream.indirect.gather [hbm4b:s2+s20], $0x80, s8, s20, $0xb8;
	[tilespmem:$0x1F200] =	vst v63  }
0x3a: {  	_ =	swait.ge [sflag:s0], $0x2800  }
0x3b: {  	[sflag:s0] =	ssyncset.done $0x0  }
0x3c: {  	[sflag:s0] =	ssyncadd.s32 $0xFFFFD800  }
0x3d: {  	_ =	swait.ge [sflag:s1], $0x50  }
0x3e: {  	[sflag:s1] =	ssyncset.done $0x0  }
0x3f: {  	[sflag:s1] =	ssyncadd.s32 $0xFFFFFFB0  }
0x40: {  	[spmem:s3] =	stream.indirect.scatter.add.f32 [tilespmem:s25], [sflag:$0x8], $0x80, s22, s20, $0xb8;
	[tilespmem:$0x1F200] =	vst v63  }
0x41: {  	_ =	swait.ge [sflag:s23], $0x2800  }
0x42: {  	[sflag:s23] =	ssyncset.done $0x0  }
0x43: {  	s11 =	rddreg [dreg:$0x9];
	[sflag:s23] =	ssyncadd.s32 $0xFFFFD800  }
0x44: {  	[tilespmem:s19], [sflag:$0x4] =	stream.linear.gather [hbm4b:s11+s4], $0x50, $0x38;
	[tilespmem:$0x1F200] =	vst v63  }
0x45: {  	s12 =	simm.s32 $0x180  }
0x46: {  	[tilespmem:s21], [sflag:$0x1] =	stream.indirect.gather [hbm4b:s2+s20], $0x80, s12, s20, $0xb8;
	[tilespmem:$0x1F200] =	vst v63  }
0x47: {  	_ =	swait.ge [sflag:s30], $0x2800  }
0x48: {  	[sflag:s30] =	ssyncset.done $0x0  }
0x49: {  	[sflag:s30] =	ssyncadd.s32 $0xFFFFD800  }
0x4a: {  	_ =	swait.ge [sflag:s5], $0x50  }
0x4b: {  	[sflag:s5] =	ssyncset.done $0x0  }
0x4c: {  	[sflag:s5] =	ssyncadd.s32 $0xFFFFFFB0  }
0x4d: {  	[spmem:s3] =	stream.indirect.scatter.add.f32 [tilespmem:s31], [sflag:$0x9], $0x80, s29, s20, $0xb8;
	[tilespmem:$0x1F200] =	vst v63  }
0x4e: {  	_ =	swait.ge [sflag:s7], $0x2800  }
0x4f: {  	[sflag:s7] =	ssyncset.done $0x0  }
0x50: {  	[sflag:s7] =	ssyncadd.s32 $0xFFFFD800  }
0x51: {  	[tilespmem:s22], [sflag:$0x5] =	stream.linear.gather [hbm4b:s16+s4], $0x50, $0x38;
	[tilespmem:$0x1F200] =	vst v63  }
0x52: {  	s8 =	simm.s32 $0x200  }
0x53: {  	[tilespmem:s25], [sflag:$0x2] =	stream.indirect.gather [hbm4b:s2+s20], $0x80, s8, s20, $0xb8;
	[tilespmem:$0x1F200] =	vst v63  }
0x54: {  	_ =	swait.ge [sflag:s26], $0x2800  }
0x55: {  	[sflag:s26] =	ssyncset.done $0x0  }
0x56: {  	[sflag:s26] =	ssyncadd.s32 $0xFFFFD800  }
0x57: {  	_ =	swait.ge [sflag:s28], $0x50  }
0x58: {  	[sflag:s28] =	ssyncset.done $0x0  }
0x59: {  	[sflag:s28] =	ssyncadd.s32 $0xFFFFFFB0  }
0x5a: {  	[spmem:s3] =	stream.indirect.scatter.add.f32 [tilespmem:s21], [sflag:$0x7], $0x80, s19, s20, $0xb8;
	[tilespmem:$0x1F200] =	vst v63  }
0x5b: {  	_ =	swait.ge [sflag:s9], $0x2800  }
0x5c: {  	[sflag:s9] =	ssyncset.done $0x0  }
0x5d: {  	[sflag:s9] =	ssyncadd.s32 $0xFFFFD800  }
0x5e: {  	[tilespmem:s29], [sflag:$0x6] =	stream.linear.gather [hbm4b:s15+s4], $0x50, $0x38;
	[tilespmem:$0x1F200] =	vst v63  }
0x5f: {  	s13 =	simm.s32 $0x280  }
0x60: {  	[tilespmem:s31], [sflag:$0x3] =	stream.indirect.gather [hbm4b:s2+s20], $0x80, s13, s20, $0xb8;
	[tilespmem:$0x1F200] =	vst v63  }
0x61: {  	_ =	swait.ge [sflag:s0], $0x2800  }
0x62: {  	[sflag:s0] =	ssyncset.done $0x0  }
0x63: {  	[sflag:s0] =	ssyncadd.s32 $0xFFFFD800  }
0x64: {  	_ =	swait.ge [sflag:s1], $0x50  }
0x65: {  	[sflag:s1] =	ssyncset.done $0x0  }
0x66: {  	[sflag:s1] =	ssyncadd.s32 $0xFFFFFFB0  }
0x67: {  	[spmem:s3] =	stream.indirect.scatter.add.f32 [tilespmem:s25], [sflag:$0x8], $0x80, s22, s20, $0xb8;
	[tilespmem:$0x1F200] =	vst v63  }
0x68: {  	_ =	swait.ge [sflag:s23], $0x2800  }
0x69: {  	s11 =	simm.s32 $0x600;
	[sflag:s23] =	ssyncset.done $0x0  }
0x6a: {  	s12 =	sadd.s32 $0x1E, s16;
	s24 =	rddreg [dreg:$0xc];
	[sflag:s23] =	ssyncadd.s32 $0xFFFFD800  }
0x6b: {  	[tilespmem:s19], [sflag:$0x4] =	stream.linear.gather [hbm4b:s24+s4], $0x50, $0x38;
	[tilespmem:$0x1F200] =	vst v63  }
0x6c: {  	s8 =	simm.s32 $0x300;
	s13 =	sadd.s32 $0x1E, s24;
	s24 =	sadd.s32 $0x1E, s15  }
.LBB2_2:
0x6d: {  	[tilespmem:s21], [sflag:$0x1] =	stream.indirect.gather [hbm4b:s2+s20], $0x80, s8, s20, $0xb8;
	[tilespmem:$0x1F200] =	vst v63  }
0x6e: {  	s8 =	smov.u32 s11  }
0x6f: {  	p0 =	sne.s32 s11, $0xEA00;
	s11 =	sadd.s32 $0x600, s11;
	_ =	swait.ge [sflag:s30], $0x2800  }
0x70: {  	[sflag:s30] =	ssyncset.done $0x0  }
0x71: {  	[sflag:s30] =	ssyncadd.s32 $0xFFFFD800  }
0x72: {  	_ =	swait.ge [sflag:s5], $0x50  }
0x73: {  	[sflag:s5] =	ssyncset.done $0x0  }
0x74: {  	[sflag:s5] =	ssyncadd.s32 $0xFFFFFFB0  }
0x75: {  	[spmem:s3] =	stream.indirect.scatter.add.f32 [tilespmem:s31], [sflag:$0x9], $0x80, s29, s20, $0xb8;
	[tilespmem:$0x1F200] =	vst v63  }
0x76: {  	_ =	swait.ge [sflag:s7], $0x2800  }
0x77: {  	[sflag:s7] =	ssyncset.done $0x0  }
0x78: {  	s8 =	sshra.s32 s8, $0x2;
	[sflag:s7] =	ssyncadd.s32 $0xFFFFD800  }
0x79: {  	[tilespmem:s22], [sflag:$0x5] =	stream.linear.gather [hbm4b:s12+s4], $0x50, $0x38;
	[tilespmem:$0x1F200] =	vst v63  }
0x7a: {  	s6 =	sadd.s32 $0x200, s8  }
0x7b: {  	[tilespmem:s25], [sflag:$0x2] =	stream.indirect.gather [hbm4b:s2+s20], $0x80, s6, s20, $0xb8;
	[tilespmem:$0x1F200] =	vst v63  }
0x7c: {  	_ =	swait.ge [sflag:s26], $0x2800  }
0x7d: {  	[sflag:s26] =	ssyncset.done $0x0  }
0x7e: {  	[sflag:s26] =	ssyncadd.s32 $0xFFFFD800  }
0x7f: {  	_ =	swait.ge [sflag:s28], $0x50  }
0x80: {  	[sflag:s28] =	ssyncset.done $0x0  }
0x81: {  	[sflag:s28] =	ssyncadd.s32 $0xFFFFFFB0  }
0x82: {  	[spmem:s3] =	stream.indirect.scatter.add.f32 [tilespmem:s21], [sflag:$0x7], $0x80, s19, s20, $0xb8;
	[tilespmem:$0x1F200] =	vst v63  }
0x83: {  	_ =	swait.ge [sflag:s9], $0x2800  }
0x84: {  	[sflag:s9] =	ssyncset.done $0x0  }
0x85: {  	[sflag:s9] =	ssyncadd.s32 $0xFFFFD800  }
0x86: {  	[tilespmem:s29], [sflag:$0x6] =	stream.linear.gather [hbm4b:s24+s4], $0x50, $0x38;
	[tilespmem:$0x1F200] =	vst v63  }
0x87: {  	s6 =	sadd.s32 $0x280, s8  }
0x88: {  	[tilespmem:s31], [sflag:$0x3] =	stream.indirect.gather [hbm4b:s2+s20], $0x80, s6, s20, $0xb8;
	[tilespmem:$0x1F200] =	vst v63  }
0x89: {  	_ =	swait.ge [sflag:s0], $0x2800  }
0x8a: {  	[sflag:s0] =	ssyncset.done $0x0  }
0x8b: {  	[sflag:s0] =	ssyncadd.s32 $0xFFFFD800  }
0x8c: {  	_ =	swait.ge [sflag:s1], $0x50  }
0x8d: {  	[sflag:s1] =	ssyncset.done $0x0  }
0x8e: {  	[sflag:s1] =	ssyncadd.s32 $0xFFFFFFB0  }
0x8f: {  	[spmem:s3] =	stream.indirect.scatter.add.f32 [tilespmem:s25], [sflag:$0x8], $0x80, s22, s20, $0xb8;
	[tilespmem:$0x1F200] =	vst v63  }
.Ltmp0:
0x90: {  	_ =	swait.ge [sflag:s23], $0x2800;
	(pc) =	sbr.rel @p0 .LBB2_2-.Ltmp0, $4  }
0x91: {  	[sflag:s23] =	ssyncset.done $0x0  }
0x92: {  	s12 =	sadd.s32 $0x1E, s12;
	[sflag:s23] =	ssyncadd.s32 $0xFFFFD800  }
0x93: {  	[tilespmem:s19], [sflag:$0x4] =	stream.linear.gather [hbm4b:s13+s4], $0x50, $0x38;
	[tilespmem:$0x1F200] =	vst v63  }
0x94: {  	s8 =	sadd.s32 $0x300, s8;
	s24 =	sadd.s32 $0x1E, s24;
	s13 =	sadd.s32 $0x1E, s13  }
0x95: {  	[tilespmem:s21], [sflag:$0x1] =	stream.indirect.gather [hbm4b:s2+s20], $0x80, s8, s20, $0xb8;
	[tilespmem:$0x1F200] =	vst v63  }
0x96: {  	_ =	swait.ge [sflag:s30], $0x2800  }
0x97: {  	[sflag:s30] =	ssyncset.done $0x0  }
0x98: {  	[sflag:s30] =	ssyncadd.s32 $0xFFFFD800  }
0x99: {  	_ =	swait.ge [sflag:s5], $0x50  }
0x9a: {  	[sflag:s5] =	ssyncset.done $0x0  }
0x9b: {  	[sflag:s5] =	ssyncadd.s32 $0xFFFFFFB0  }
0x9c: {  	[spmem:s3] =	stream.indirect.scatter.add.f32 [tilespmem:s31], [sflag:$0x9], $0x80, s29, s20, $0xb8;
	[tilespmem:$0x1F200] =	vst v63  }
0x9d: {  	_ =	swait.ge [sflag:s7], $0x2800  }
0x9e: {  	[sflag:s7] =	ssyncset.done $0x0  }
0x9f: {  	s6 =	rddreg [dreg:$0xa];
	[sflag:s7] =	ssyncadd.s32 $0xFFFFD800  }
0xa0: {  	[tilespmem:s22], [sflag:$0x5] =	stream.linear.gather [hbm4b:s6+s4], $0x50, $0x38;
	[tilespmem:$0x1F200] =	vst v63  }
0xa1: {  	s11 =	simm.s32 $0x3E00  }
0xa2: {  	[tilespmem:s25], [sflag:$0x2] =	stream.indirect.gather [hbm4b:s2+s20], $0x80, s11, s20, $0xb8;
	[tilespmem:$0x1F200] =	vst v63  }
0xa3: {  	_ =	swait.ge [sflag:s26], $0x2800  }
0xa4: {  	[sflag:s26] =	ssyncset.done $0x0  }
0xa5: {  	[sflag:s26] =	ssyncadd.s32 $0xFFFFD800  }
0xa6: {  	_ =	swait.ge [sflag:s28], $0x50  }
0xa7: {  	[sflag:s28] =	ssyncset.done $0x0  }
0xa8: {  	[sflag:s28] =	ssyncadd.s32 $0xFFFFFFB0  }
0xa9: {  	[spmem:s3] =	stream.indirect.scatter.add.f32 [tilespmem:s21], [sflag:$0x7], $0x80, s19, s20, $0xb8;
	[tilespmem:$0x1F200] =	vst v63  }
0xaa: {  	_ =	swait.ge [sflag:s9], $0x2800  }
0xab: {  	[sflag:s9] =	ssyncset.done $0x0  }
0xac: {  	[sflag:s9] =	ssyncadd.s32 $0xFFFFD800  }
0xad: {  	_ =	swait.ge [sflag:s0], $0x2800  }
0xae: {  	[sflag:s0] =	ssyncset.done $0x0  }
0xaf: {  	[sflag:s0] =	ssyncadd.s32 $0xFFFFD800  }
0xb0: {  	_ =	swait.ge [sflag:s1], $0x50  }
0xb1: {  	[sflag:s1] =	ssyncset.done $0x0  }
0xb2: {  	[sflag:s1] =	ssyncadd.s32 $0xFFFFFFB0  }
0xb3: {  	[spmem:s3] =	stream.indirect.scatter.add.f32 [tilespmem:s25], [sflag:$0x8], $0x80, s22, s20, $0xb8;
	[tilespmem:$0x1F200] =	vst v63  }
0xb4: {  	_ =	swait.ge [sflag:s23], $0x2800  }
0xb5: {  	[sflag:s23] =	ssyncset.done $0x0  }
0xb6: {  	[sflag:s23] =	ssyncadd.s32 $0xFFFFD800  }
0xb7: {  	_ =	swait.ge [sflag:s7], $0x2800  }
0xb8: {  	[sflag:s7] =	ssyncset.done $0x0  }
0xb9: {  	[sflag:s7] =	ssyncadd.s32 $0xFFFFD800  }
0xba: {  	[bflag:$0x0] =	sbarrier.arrive $0xFFFF  }
0xbb: {  	s12 =	rddreg [dreg:$0xd]  }
0xbc: {  	[hbm:s12], [sflag:s14] =	dma.local [spmem:s17], $0x2800  }
0xbd: {  	_ =	swait.ge [sflag:s18], $0x2800  }
0xbe: {  	s10 =	sadd.s32 $0x1, s10;
	s24 =	rddreg [dreg:$0xb]  }
0xbf: {  	p0 =	sne.s32 s10, s24  }
.Ltmp1:
0xc0: {  	_ = 	snop;
	(pc) =	sbr.rel @p0 .LBB2_1-.Ltmp1, $3  }
0xc1: {  	_ =	sdelay $0x1  }
0xc2: {  	[sflag:s18] =	ssyncset.done $0x0  }
0xc3: {  	s13 =	smov.u32 s14;
	[sflag:s18] =	ssyncadd.s32 $0xFFFFD800  }
0xc4: {  	_ =	sfence.sel $0x180000  }
0xc5: {  	[bflag:$0x0] =	sbarrier.arrive $0xFFFF  }
0xc6: {  	_ =	strace $0x90000050  }
0xc7: {  	s0 =	stileid.u32;
	[bflag:$0x2] =	sbarrier.arrive $0xFFFF  }
0xc8: {  	p0 =	sne.s32 s0, $0x0;
	s0 =	rddreg [dreg:$0x3]  }
0xc9: {  	s0 =	sadd.s32 @!p0 $0x100000, s0  }
0xca: {  	[sflag:s0] =	ssyncadd.tile.s32 @!p0 $0x1;
	_ =	shalt  }
.Lfunc_end2:
_tile_overlayer_lowered:
.L_overlay_start_2:
0xcb: {  	(tag) =	ssettag $0x2  }
0xcc: {  	s0 =	rddreg [dreg:$0x0];
	s2 =	stileid.u32  }
0xcd: {  	s1 =	rddreg [dreg:$0x1];
	p0 =	sne.s32 s2, $0x0  }
0xce: {  	s3 =	rddreg [dreg:$0x2];
	[bflag:$0x3] =	sbarrier.arrive $0xFFFF;
	s2 =	simm.s32 @!p0 $0x1C0A  }
0xcf: {  	[timem:s3], [sflag:s2] =	dma.local @!p0 [hbm:s0], s1  }
0xd0: {  	s0 =	simm.s32 @!p0 $0xA  }
0xd1: {  	_ =	swait.ge @!p0 [sflag:s0], s1  }
0xd2: {  	s1 =	ssub.s32 @!p0 $0x0, s1;
	[sflag:s0] =	ssyncset.done @!p0 $0x0  }
0xd3: {  	[sflag:s0] =	ssyncadd.s32 @!p0 s1  }
0xd4: {  	[bflag:$0x3] =	sbarrier.arrive $0xFFFF  }
0xd5: {  	_ =	shalt  }

// kernel: kernel.24.cloned.1.call-start
scs
__scs_entry_jumppad:
0x0: {  	(pc) =	sbr.rel $0x88, $3  }
0x1: {  	(tag) =	ssettag $0x0;
	lr =	simm.s32 $0x1  }
0x2: {  	[smem:$0x3F9B] =	sst lr;
	_ =	strace $0xD0000000  }
0x3: {  	_ = 	snop  }
0x4: {  	_ = 	snop  }
0x5: {  	_ = 	snop  }
0x6: {  	_ = 	snop  }
0x7: {  	_ = 	snop  }
__scs_overlays_trampoline_lowered:
0x8: {  	[smem:$0x3FAA] =	sst s0  }
0x9: {  	[smem:$0x3FAB] =	sst s1  }
0xa: {  	[smem:$0x3FAC] =	sst s2  }
0xb: {  	[smem:$0x3FAD] =	sst s3  }
0xc: {  	[smem:$0x3FAE] =	sst s4  }
0xd: {  	[smem:$0x3FAF] =	sst s5  }
0xe: {  	[smem:$0x3FB0] =	sst s6  }
0xf: {  	[smem:$0x3FB1] =	sst s7  }
0x10: {  	[smem:$0x3FB2] =	sst s8  }
0x11: {  	[smem:$0x3FB3] =	sst s9;
	s0 =	simm.s32 @!p0 $0x0  }
0x12: {  	s1 =	sld [smem:$0x3F99];
	s0 =	simm.s32 @p0 $0x1  }
0x13: {  	[smem:$0x3FB4] =	sst s0;
	s0 =	simm.s32 @!p1 $0x0  }
0x14: {  	s2 =	sld [smem:$0x3F98];
	s0 =	simm.s32 @p1 $0x1  }
0x15: {  	[smem:$0x3FB5] =	sst s0;
	s0 =	simm.s32 @!p2 $0x0  }
0x16: {  	s3 =	sld [smem:$0x3FDB];
	s0 =	simm.s32 @p2 $0x1  }
0x17: {  	s4 =	simm.s32 $0x1BF5;
	[smem:$0x3FB7] =	sst s0  }
0x18: {  	s0 =	sld [smem:$0x3F9A];
	_ =	swait.ge [sflag:s4], $0x0  }
0x19: {  	s7 =	sld [smem:$0x3F9B]  }
0x1a: {  	s8 =	sadd.s32 $0xFFFFE003, lr  }
0x1b: {  	s9 =	sadd.s32 $0xFFFFFEF7, lr;
	s5 =	simm.s32 $0xFFFFFFFF;
	p2 =	slt.u32 s8, $0xFFFFF086  }
0x1c: {  	p1 =	slt.u32 s9, $0xF7A;
	s5 =	simm.s32 @!p2 $0x0  }
0x1d: {  	s5 =	simm.s32 @p1 $0x1;
	p0 =	seq.s32 s7, s2  }
0x1e: {  	s7 =	smul.u32 @!p0 $0xF7A, s2;
	p2 =	seq.s32 @!p0 s5, $0x0  }
0x1f: {  	s9 =	smul.u32 $0xF7A, s1;
	s8 =	simm.s32 @!p0 $0x1BF5;
	p2 =	por !p2, p0  }
0x20: {  	[sflag:s8] =	ssyncset.s32 @!p0 $0xFFFFF086;
	s6 =	sadd.s32 @!p0 s3, s7;
	s7 =	simm.s32 @!p0 $0x108  }
0x21: {  	s3 =	sadd.s32 s3, s9;
	s6 =	sadd.s32 @!p0 $0x88, s6;
	s7 =	simm.s32 @p2 $0x1082  }
0x22: {  	[simem:s7], [sflag:s8] =	dma.local @!p0 [hbm:s6], $0xF7A  }
0x23: {  	s9 =	sor.u32 $0xD0000000, s2;
	s6 =	simm.s32 $0x108;
	_ =	swait.ge @!p0 [sflag:s8], $0x0  }
0x24: {  	s3 =	sadd.s32 $0x88, s3;
	s6 =	simm.s32 @!p1 $0x1082;
	[sflag:s4] =	ssyncset.s32 $0xFFFFF086  }
0x25: {  	[simem:s6], [sflag:s4] =	dma.local [hbm:s3], $0xF7A  }
0x26: {  	[smem:$0x3F9B] =	sst s1;
	(tag) =	ssettag s2;
	_ =	strace s9  }
0x27: {  	s1 =	sld [smem:$0x3FAB]  }
0x28: {  	s2 =	sld [smem:$0x3FAC]  }
0x29: {  	s4 =	sld [smem:$0x3FAE]  }
0x2a: {  	p0 =	seq.s32 s5, $0x0;
	s5 =	sld [smem:$0x3FAF]  }
0x2b: {  	s6 =	sld [smem:$0x3FB0]  }
0x2c: {  	s7 =	sld [smem:$0x3FB1]  }
0x2d: {  	s3 =	simm.s32 $0x108;
	s8 =	sld [smem:$0x3FB2]  }
0x2e: {  	s3 =	simm.s32 @!p0 $0x1082;
	s9 =	sld [smem:$0x3FB3]  }
0x2f: {  	lr =	sadd.s32 s0, s3;
	s0 =	sld [smem:$0x3FAA]  }
0x30: {  	s3 =	sld [smem:$0x3FAD]  }
0x31: {  	[smem:$0x3FB6] =	sst s10  }
0x32: {  	s10 =	sld [smem:$0x3FB4];
	_ =	sdelay $0x3  }
0x33: {  	p0 =	seq.s32 s10, $0x1;
	s10 =	sld [smem:$0x3FB6];
	_ =	sdelay $0x3  }
0x34: {  	[smem:$0x3FB6] =	sst s10  }
0x35: {  	s10 =	sld [smem:$0x3FB5];
	_ =	sdelay $0x3  }
0x36: {  	p1 =	seq.s32 s10, $0x1;
	s10 =	sld [smem:$0x3FB6];
	_ =	sdelay $0x3  }
0x37: {  	[smem:$0x3FB6] =	sst s10  }
0x38: {  	s10 =	sld [smem:$0x3FB7]  }
0x39: {  	_ = 	snop;
	(pc) =	sbr.ind lr, $3  }
0x3a: {  	_ = 	snop  }
0x3b: {  	_ = 	snop  }
0x3c: {  	p2 =	seq.s32 s10, $0x1;
	s10 =	sld [smem:$0x3FB6]  }
0x3d: {  	_ =	shalt  }
0x3e: {  	_ =	shalt  }
0x3f: {  	_ =	shalt  }
0x40: {  	_ =	shalt  }
0x41: {  	_ =	shalt  }
0x42: {  	_ =	shalt  }
0x43: {  	_ =	shalt  }
0x44: {  	_ =	shalt  }
0x45: {  	_ =	shalt  }
0x46: {  	_ =	shalt  }
0x47: {  	_ =	shalt  }
0x48: {  	_ =	shalt  }
0x49: {  	_ =	shalt  }
0x4a: {  	_ =	shalt  }
0x4b: {  	_ =	shalt  }
0x4c: {  	_ =	shalt  }
0x4d: {  	_ =	shalt  }
0x4e: {  	_ =	shalt  }
0x4f: {  	_ =	shalt  }
0x50: {  	_ =	shalt  }
0x51: {  	_ =	shalt  }
0x52: {  	_ =	shalt  }
0x53: {  	_ =	shalt  }
0x54: {  	_ =	shalt  }
0x55: {  	_ =	shalt  }
0x56: {  	_ =	shalt  }
0x57: {  	_ =	shalt  }
0x58: {  	_ =	shalt  }
0x59: {  	_ =	shalt  }
0x5a: {  	_ =	shalt  }
0x5b: {  	_ =	shalt  }
0x5c: {  	_ =	shalt  }
0x5d: {  	_ =	shalt  }
0x5e: {  	_ =	shalt  }
0x5f: {  	_ =	shalt  }
0x60: {  	_ =	shalt  }
0x61: {  	_ =	shalt  }
0x62: {  	_ =	shalt  }
0x63: {  	_ =	shalt  }
0x64: {  	_ =	shalt  }
0x65: {  	_ =	shalt  }
0x66: {  	_ =	shalt  }
0x67: {  	_ =	shalt  }
0x68: {  	_ =	shalt  }
0x69: {  	_ =	shalt  }
0x6a: {  	_ =	shalt  }
0x6b: {  	_ =	shalt  }
0x6c: {  	_ =	shalt  }
0x6d: {  	_ =	shalt  }
0x6e: {  	_ =	shalt  }
0x6f: {  	_ =	shalt  }
0x70: {  	_ =	shalt  }
0x71: {  	_ =	shalt  }
0x72: {  	_ =	shalt  }
0x73: {  	_ =	shalt  }
0x74: {  	_ =	shalt  }
0x75: {  	_ =	shalt  }
0x76: {  	_ =	shalt  }
0x77: {  	_ =	shalt  }
0x78: {  	_ =	shalt  }
0x79: {  	_ =	shalt  }
0x7a: {  	_ =	shalt  }
0x7b: {  	_ =	shalt  }
0x7c: {  	_ =	shalt  }
0x7d: {  	_ =	shalt  }
0x7e: {  	_ =	shalt  }
0x7f: {  	_ =	shalt  }
0x80: {  	_ =	shalt  }
0x81: {  	_ =	shalt  }
0x82: {  	_ =	shalt  }
0x83: {  	_ =	shalt  }
0x84: {  	_ =	shalt  }
0x85: {  	_ =	shalt  }
0x86: {  	_ =	shalt  }
0x87: {  	_ =	shalt  }
.Lfunc_end0:
.L_simem_size_0:
called_computation.4_lowered:
.L_overlay_start_0:
0x88: {  	s2 =	sld [smem:$0x3FD9]  }
0x89: {  	s3 =	sld [smem:$0x3FFE];
	_ =	sdelay $0x1  }
0x8a: {  	s1 =	srdreg.scid  }
0x8b: {  	s0 =	sand.u32 $0x1, s1  }
0x8c: {  	s17 =	sshll.u32 s0, $0xA;
	s2 =	sadd.s32 s3, s2  }
0x8d: {  	s2 =	sadd.s32 s2, s17  }
0x8e: {  	[smem:$0x3FC2] =	sst s2  }
0x8f: {  	_ = 	snop  }
0x90: {  	s2 =	sld [smem:$0x3FC7]  }
0x91: {  	s18 =	sld [smem:$0x3FD0];
	(tm) =	ssettm $0x1  }
0x92: {  	s4 =	sld [smem:$0x3FFB];
	_ =	sdelay $0x3  }
0x93: {  	_ =	strace s4  }
0x94: {  	s4 =	sld [smem:$0x3FFC];
	_ =	sdelay $0x3  }
0x95: {  	_ =	strace s4  }
0x96: {  	s4 =	sld [smem:$0x3FFD];
	_ =	sdelay $0x3  }
0x97: {  	_ =	strace s4  }
0x98: {  	_ =	strace $0x8FFFFFFF  }
0x99: {  	s19 =	sld [smem:$0x3FDB];
	_ =	sdelay $0x1  }
0x9a: {  	s5 =	simm.s32 $_scs_section_size  }
0x9b: {  	s6 =	simm.s32 $_size__tile_overlayer_lowered;
	s7 =	simm.s32 $_tile_overlayer_lowered  }
0x9c: {  	s22 =	simm.s32 $0x1BFF;
	s21 =	sshll.u32 s7, $0x1;
	s4 =	sadd.s32 s5, s19  }
0x9d: {  	s8 =	simm.s32 $0x0;
	s20 =	sshll.u32 s6, $0x1;
	s6 =	sadd.s32 s21, s4  }
0x9e: {  	[timem:s8], [sflag:s22] =	dma.local [hbm:s6], s20  }
0x9f: {  	_ =	swait.ge [sflag:s22], s20  }
0xa0: {  	s5 =	ssub.s32 $0x0, s20;
	[sflag:s22] =	ssyncset.done $0x0  }
0xa1: {  	[sflag:s22] =	ssyncadd.s32 s5;
	_ =	sdelay $0x1  }
0xa2: {  	s23 =	simm.s32 $0x1B8B  }
0xa3: {  	_ =	swait.ge [sflag:s23], $0x1  }
0xa4: {  	[sflag:s23] =	ssyncset.done $0x0  }
0xa5: {  	s25 =	simm.s32 $0x1B8E;
	s24 =	sld [smem:$0x3FFE];
	[sflag:s23] =	ssyncadd.s32 $0xFFFFFFFF  }
0xa6: {  	s26 =	simm.s32 $execute0_lowered;
	[smem:$0x3FD2] =	sst s25  }
0xa7: {  	s6 =	sshll.u32 s26, $0x1;
	_ =	strace $0x80000052;
	[dreg:$0x1] =	wrdreg $0xFFFFFFFF  }
0xa8: {  	s28 =	simm.s32 $_size_execute0_lowered;
	s4 =	sadd.s32 s4, s6;
	[dreg:$0x0] =	wrdreg $0x0  }
0xa9: {  	s6 =	sshll.u32 s28, $0x1;
	[dreg:$0x2] =	wrdreg s4  }
0xaa: {  	[dreg:$0x3] =	wrdreg s6  }
0xab: {  	[dreg:$0x4] =	wrdreg $0xC0  }
0xac: {  	_ =	task [dreg:s8], $0x5FFFF  }
0xad: {  	[dreg:$0x1] =	wrdreg $0xFFFFFFFF  }
0xae: {  	[dreg:$0x0] =	wrdreg $0x60  }
0xaf: {  	[dreg:$0x2] =	wrdreg s18  }
0xb0: {  	[dreg:$0x3] =	wrdreg s2  }
0xb1: {  	[dreg:$0x4] =	wrdreg s24  }
0xb2: {  	[dreg:$0x5] =	wrdreg $0x28800  }
0xb3: {  	[dreg:$0x6] =	wrdreg $0x9  }
0xb4: {  	_ =	task.clear_ibuf [dreg:s8], $0x7FFFF;
	_ =	strace $0x90000052  }
0xb5: {  	s29 =	simm.s32 $0x9;
	_ =	strace $0x80000054  }
0xb6: {  	_ =	swait.ge [sflag:s29], $0x1  }
0xb7: {  	[sflag:s29] =	ssyncadd.s32 $0xFFFFFFFF  }
0xb8: {  	_ =	strace $0x90000054  }
0xb9: {  	_ =	sfence  }
0xba: {  	s30 =	sld [smem:$0x0];
	_ =	sdelay $0x2  }
0xbb: {  	s31 =	sshll.u32 s1, $0xD;
	s1 =	sshrl.u32 s1, $0x2  }
0xbc: {  	s3 =	sand.u32 $0x4000, s31;
	s1 =	sadd.s32 s1, s30  }
0xbd: {  	s0 =	sor.u32 s3, s0;
	s1 =	sshll.u32 s1, $0x11  }
0xbe: {  	s0 =	sor.u32 s1, s0  }
0xbf: {  	s0 =	sadd.s32 $0x8F2B, s0  }
0xc0: {  	[sflag:s0] =	ssyncadd.remote.s32 $0x1  }
0xc1: {  	_ =	sfence.sel $0xFFFF  }
0xc2: {  	[dreg:$0x0] =	wrdreg $0xFFFFFFFF;
	(pc) =	sbr.abs _section_cstart, $3  }
0xc3: {  	[dreg:$0x1] =	wrdreg $0xFFFFFFFF  }
0xc4: {  	_ =	task.clear_ibuf [dreg:s8], $0x2FFFF;
	_ =	strace $0x9FFFFFFF  }
0xc5: {  	(tm) =	ssettm $0x7FFFFFFF  }
tec
execute0_lowered:
.L_overlay_start_1:
0x0: {  	(tag) =	ssettag $0x1  }
0x1: {  	s10 =	rddreg [dreg:$0x0]  }
0x2: {  	s11 =	rddreg [dreg:$0x1]  }
0x3: {  	s5 =	rddreg [dreg:$0x2]  }
0x4: {  	s1 =	rddreg [dreg:$0x3]  }
0x5: {  	s0 =	rddreg [dreg:$0x4];
	s2 =	simm.s32 $0x0;
	s4 =	srdreg.scid  }
0x6: {  	s3 =	stileid.u32;
	s15 =	simm.s32 $0x80;
	s16 =	simm.s32 $0x50  }
0x7: {  	s18 =	simm.s32 $0x0;
	p4 =	por $0x0, $0x0;
	[smem:$0x7FF] =	sst s2  }
0x8: {  	s6 =	sand.u32 $0x1, s4;
	s7 =	smul.u32 $0xFA, s3;
	s4 =	sadd.s32 $0x1DA00, s5  }
0x9: {  	s8 =	sshll.u32 s3, $0x1;
	p0 =	seq.s32 s3, $0x1;
	s9 =	smul.u32 $0x7D, s6  }
0xa: {  	_ =	strace $0x80000053;
	s12 =	smul.u32 $0x3E80, s6;
	s13 =	ssub.s32 $0x2, s6  }
0xb: {  	s6 =	sor.u32 s6, s8;
	p2 =	sne.s32 @!p0 s3, $0x0;
	s25 =	sshrl.u32 s13, $0x1  }
0xc: {  	s6 =	smul.u32 $0x7D, s6;
	p3 =	por p2, p0;
	p1 =	por !p2, p0  }
0xd: {  	p2 =	sne.s32 s3, $0x0;
	s7 =	sadd.s32 s9, s7;
	s26 =	sadd.s32 s12, s5  }
0xe: {  	s28 =	ssub.s32 s13, s25;
	s5 =	sadd.s32 $0x13800, s1;
	s29 =	sshrl.u32 s7, $0x5  }
0xf: {  	s13 =	sshrl.u32 @!p3 s1, $0x3;
	s30 =	sadd.s32 $0x7D, s6;
	s14 =	smul.u32 $0xA, s29  }
0x10: {  	s17 =	sshrl.u32 @!p2 s1, $0x3;
	s6 =	sshrl.u32 s6, $0x5;
	s7 =	sshrl.u32 s30, $0x5  }
.Ltmp0:
0x11: {  	s11 =	sadd.s32 s14, s11;
	s14 =	simm.s32 @!p1 $0x0;
	(pc) =	sbr.rel .LBB2_1-.Ltmp0, $4  }
0x12: {  	s8 =	sadd.s32 $0x3C00, s26;
	s14 =	simm.s32 @p1 $0x1;
	p1 =	sge.u32 s6, s7  }
0x13: {  	s31 =	smul.u32 $0x500, s29;
	[smem:$0x7FC] =	sst s14;
	s14 =	simm.s32 @!p1 $0x0  }
0x14: {  	s9 =	smax.u32 s28, $0x1;
	s12 =	sshrl.u32 @p0 s5, $0x3;
	s14 =	simm.s32 @p1 $0x1  }
0x15: {  	s10 =	sadd.s32 s31, s10;
	[smem:$0x7FD] =	sst s14;
	s14 =	simm.s32 $0x1  }
.LBB2_4:
0x16: {  	[sflag:s14] =	ssyncadd.s32 $0xFFFFD800  }
.LBB2_5:
0x17: {  	[bflag:$0x0] =	sbarrier.arrive $0xFFFF;
	s19 =	simm.s32 @!p2 $0x1C01  }
0x18: {  	[hbm:s8], [sflag:s19] =	dma.local @!p2 [spmem:s17], $0x2800  }
0x19: {  	s20 =	sld [smem:$0x7FC];
	_ =	sdelay $0x2  }
0x1a: {  	p1 =	por @!p3 $0x0, $0x0;
	s19 =	simm.s32 @!p2 $0x1;
	p5 =	seq.s32 s20, $0x1  }
0x1b: {  	p6 =	por @p0 $0x1, $0x1;
	_ =	swait.ge @!p2 [sflag:s19], $0x2800;
	p1 =	por @!p5 p4, p4  }
0x1c: {  	s18 =	sadd.s32 $0x1, s18;
	[sflag:s19] =	ssyncset.done @!p2 $0x0;
	p6 =	por @!p0 p1, p1  }
0x1d: {  	[sflag:s19] =	ssyncadd.s32 @!p2 $0xFFFFD800;
	p1 =	sne.s32 s18, s9;
	s19 =	sshll.u32 @p6 s3, $0x6  }
0x1e: {  	s20 =	sadd.s32 @p6 $0x2700, s8;
	s21 =	sshrl.u32 @p6 s5, $0x3;
	s19 =	sor.u32 @p6 $0x1C01, s19  }
0x1f: {  	[hbm:s20], [sflag:s19] =	dma.local @p6 [spmem:s21], $0x1780  }
.Ltmp1:
0x20: {  	_ = 	snop;
	(pc) =	sbr.rel @!p1 .LBB2_6-.Ltmp1, $4  }
0x21: {  	s19 =	simm.s32 @p6 $0x1  }
0x22: {  	_ =	swait.ge @p6 [sflag:s19], $0x1780  }
0x23: {  	[sflag:s19] =	ssyncset.done @p6 $0x0  }
0x24: {  	[sflag:s19] =	ssyncadd.s32 @p6 $0xFFFFE880  }
.LBB2_1:
0x25: {  	s19 =	simm.s32 @p0 $0x1C41  }
0x26: {  	[spmem:s12], [sflag:s19] =	dma.local @p0 [hbm:s4], $0x1780  }
0x27: {  	s19 =	simm.s32 @p0 $0x1  }
0x28: {  	_ =	swait.ge @p0 [sflag:s19], $0x1780  }
0x29: {  	[sflag:s19] =	ssyncset.done @p0 $0x0  }
0x2a: {  	[sflag:s19] =	ssyncadd.s32 @p0 $0xFFFFE880;
	s19 =	simm.s32 @!p3 $0x1C01  }
0x2b: {  	[spmem:s13], [sflag:s19] =	dma.local @!p3 [hbm:s4], $0x2800  }
0x2c: {  	s19 =	simm.s32 @!p3 $0x1  }
0x2d: {  	_ =	swait.ge @!p3 [sflag:s19], $0x2800  }
0x2e: {  	[sflag:s19] =	ssyncset.done @!p3 $0x0  }
0x2f: {  	[sflag:s19] =	ssyncadd.s32 @!p3 $0xFFFFD800  }
0x30: {  	[bflag:$0x0] =	sbarrier.arrive $0xFFFF  }
0x31: {  	s31 =	sld [smem:$0x7FD];
	_ =	sdelay $0x2  }
0x32: {  	p1 =	seq.s32 s31, $0x1  }
.Ltmp2:
0x33: {  	_ = 	snop;
	(pc) =	sbr.rel @p1 .LBB2_5-.Ltmp2, $1  }
0x34: {  	_ =	sdelay $0x3  }
0x35: {  	[tilespmem:s2], [sflag:$0x1] =	stream.linear.gather [hbm4b:s11+s2], $0x50, $0x38;
	[tilespmem:$0x47C0] =	vst v63  }
0x36: {  	_ =	swait.ge [sflag:s14], $0x50  }
0x37: {  	[sflag:s14] =	ssyncset.done $0x0  }
0x38: {  	s19 =	sadd.s32 $0x1, s6;
	[sflag:s14] =	ssyncadd.s32 $0xFFFFFFB0  }
0x39: {  	[tilespmem:s15], [sflag:$0x1] =	stream.linear.gather [hbm4b:s10+s2], $0x2800, $0x38;
	[tilespmem:$0x47C0] =	vst v63  }
0x3a: {  	p6 =	slt.u32 s19, s7;
	_ =	swait.ge [sflag:s14], $0x2800  }
.Ltmp3:
0x3b: {  	[sflag:s14] =	ssyncset.done $0x0;
	(pc) =	sbr.rel @!p6 .LBB2_4-.Ltmp3, $4  }
0x3c: {  	[sflag:s14] =	ssyncadd.s32 $0xFFFFD800  }
0x3d: {  	[spmem:s1] =	stream.indirect.scatter.add.f32 [tilespmem:s15], [sflag:$0x1], $0x80, s2, s16, $0xb8;
	[tilespmem:$0x47C0] =	vst v63  }
0x3e: {  	_ =	swait.ge [sflag:s14], $0x2800  }
0x3f: {  	s20 =	sadd.s32 $0xA, s11;
	s21 =	smov.u32 s10;
	[sflag:s14] =	ssyncset.done $0x0  }
.LBB2_3:
0x40: {  	s19 =	sadd.s32 $0x1, s19;
	[sflag:s14] =	ssyncadd.s32 $0xFFFFD800;
	s21 =	sadd.s32 $0x500, s21  }
0x41: {  	[tilespmem:s2], [sflag:$0x1] =	stream.linear.gather [hbm4b:s20+s2], $0x50, $0x38;
	[tilespmem:$0x47C0] =	vst v63  }
0x42: {  	p6 =	slt.u32 s19, s7;
	_ =	swait.ge [sflag:s14], $0x50  }
0x43: {  	[sflag:s14] =	ssyncset.done $0x0  }
0x44: {  	[sflag:s14] =	ssyncadd.s32 $0xFFFFFFB0  }
0x45: {  	[tilespmem:s15], [sflag:$0x1] =	stream.linear.gather [hbm4b:s21+s2], $0x2800, $0x38;
	[tilespmem:$0x47C0] =	vst v63  }
0x46: {  	_ =	swait.ge [sflag:s14], $0x2800  }
.Ltmp4:
0x47: {  	[sflag:s14] =	ssyncset.done $0x0;
	(pc) =	sbr.rel @p6 .LBB2_3-.Ltmp4, $4  }
0x48: {  	[sflag:s14] =	ssyncadd.s32 $0xFFFFD800  }
0x49: {  	[spmem:s1] =	stream.indirect.scatter.add.f32 [tilespmem:s15], [sflag:$0x1], $0x80, s2, s16, $0xb8;
	[tilespmem:$0x47C0] =	vst v63  }
0x4a: {  	_ =	swait.ge [sflag:s14], $0x2800  }
0x4b: {  	s20 =	sadd.s32 $0xA, s20;
	[sflag:s14] =	ssyncset.done $0x0  }
.Ltmp5:
0x4c: {  	_ = 	snop;
	(pc) =	sbr.rel .LBB2_4-.Ltmp5, $1  }
0x4d: {  	_ =	sdelay $0x3  }
.LBB2_6:
0x4e: {  	_ =	sfence.sel $0x180000  }
0x4f: {  	[bflag:$0x0] =	sbarrier.arrive $0xFFFF  }
0x50: {  	_ =	strace $0x90000053  }
0x51: {  	s0 =	sadd.s32 @!p2 $0x100000, s0;
	[bflag:$0x2] =	sbarrier.arrive $0xFFFF  }
0x52: {  	[sflag:s0] =	ssyncadd.tile.s32 @!p2 $0x1;
	_ =	shalt  }
.Lfunc_end2:
_tile_overlayer_lowered:
.L_overlay_start_2:
0x53: {  	(tag) =	ssettag $0x2  }
0x54: {  	s0 =	rddreg [dreg:$0x0];
	s2 =	stileid.u32  }
0x55: {  	s1 =	rddreg [dreg:$0x1];
	p0 =	sne.s32 s2, $0x0  }
0x56: {  	s3 =	rddreg [dreg:$0x2];
	[bflag:$0x3] =	sbarrier.arrive $0xFFFF;
	s2 =	simm.s32 @!p0 $0x1C01  }
0x57: {  	[timem:s3], [sflag:s2] =	dma.local @!p0 [hbm:s0], s1  }
0x58: {  	s0 =	simm.s32 @!p0 $0x1  }
0x59: {  	_ =	swait.ge @!p0 [sflag:s0], s1  }
0x5a: {  	s1 =	ssub.s32 @!p0 $0x0, s1;
	[sflag:s0] =	ssyncset.done @!p0 $0x0  }
0x5b: {  	[sflag:s0] =	ssyncadd.s32 @!p0 s1  }
0x5c: {  	[bflag:$0x3] =	sbarrier.arrive $0xFFFF  }
0x5d: {  	_ =	shalt  }

// kernel: kernel.27.cloned.1.call-start
scs
__scs_entry_jumppad:
0x0: {  	(pc) =	sbr.rel $0x88, $3  }
0x1: {  	(tag) =	ssettag $0x0;
	lr =	simm.s32 $0x1  }
0x2: {  	[smem:$0x3F9B] =	sst lr;
	_ =	strace $0xD0000000  }
0x3: {  	_ = 	snop  }
0x4: {  	_ = 	snop  }
0x5: {  	_ = 	snop  }
0x6: {  	_ = 	snop  }
0x7: {  	_ = 	snop  }
__scs_overlays_trampoline_lowered:
0x8: {  	[smem:$0x3FAA] =	sst s0  }
0x9: {  	[smem:$0x3FAB] =	sst s1  }
0xa: {  	[smem:$0x3FAC] =	sst s2  }
0xb: {  	[smem:$0x3FAD] =	sst s3  }
0xc: {  	[smem:$0x3FAE] =	sst s4  }
0xd: {  	[smem:$0x3FAF] =	sst s5  }
0xe: {  	[smem:$0x3FB0] =	sst s6  }
0xf: {  	[smem:$0x3FB1] =	sst s7  }
0x10: {  	[smem:$0x3FB2] =	sst s8  }
0x11: {  	[smem:$0x3FB3] =	sst s9;
	s0 =	simm.s32 @!p0 $0x0  }
0x12: {  	s1 =	sld [smem:$0x3F99];
	s0 =	simm.s32 @p0 $0x1  }
0x13: {  	[smem:$0x3FB4] =	sst s0;
	s0 =	simm.s32 @!p1 $0x0  }
0x14: {  	s2 =	sld [smem:$0x3F98];
	s0 =	simm.s32 @p1 $0x1  }
0x15: {  	[smem:$0x3FB5] =	sst s0;
	s0 =	simm.s32 @!p2 $0x0  }
0x16: {  	s3 =	sld [smem:$0x3FDB];
	s0 =	simm.s32 @p2 $0x1  }
0x17: {  	s4 =	simm.s32 $0x1BF5;
	[smem:$0x3FB7] =	sst s0  }
0x18: {  	s0 =	sld [smem:$0x3F9A];
	_ =	swait.ge [sflag:s4], $0x0  }
0x19: {  	s7 =	sld [smem:$0x3F9B]  }
0x1a: {  	s8 =	sadd.s32 $0xFFFFE003, lr  }
0x1b: {  	s9 =	sadd.s32 $0xFFFFFEF7, lr;
	s5 =	simm.s32 $0xFFFFFFFF;
	p2 =	slt.u32 s8, $0xFFFFF086  }
0x1c: {  	p1 =	slt.u32 s9, $0xF7A;
	s5 =	simm.s32 @!p2 $0x0  }
0x1d: {  	s5 =	simm.s32 @p1 $0x1;
	p0 =	seq.s32 s7, s2  }
0x1e: {  	s7 =	smul.u32 @!p0 $0xF7A, s2;
	p2 =	seq.s32 @!p0 s5, $0x0  }
0x1f: {  	s9 =	smul.u32 $0xF7A, s1;
	s8 =	simm.s32 @!p0 $0x1BF5;
	p2 =	por !p2, p0  }
0x20: {  	[sflag:s8] =	ssyncset.s32 @!p0 $0xFFFFF086;
	s6 =	sadd.s32 @!p0 s3, s7;
	s7 =	simm.s32 @!p0 $0x108  }
0x21: {  	s3 =	sadd.s32 s3, s9;
	s6 =	sadd.s32 @!p0 $0x88, s6;
	s7 =	simm.s32 @p2 $0x1082  }
0x22: {  	[simem:s7], [sflag:s8] =	dma.local @!p0 [hbm:s6], $0xF7A  }
0x23: {  	s9 =	sor.u32 $0xD0000000, s2;
	s6 =	simm.s32 $0x108;
	_ =	swait.ge @!p0 [sflag:s8], $0x0  }
0x24: {  	s3 =	sadd.s32 $0x88, s3;
	s6 =	simm.s32 @!p1 $0x1082;
	[sflag:s4] =	ssyncset.s32 $0xFFFFF086  }
0x25: {  	[simem:s6], [sflag:s4] =	dma.local [hbm:s3], $0xF7A  }
0x26: {  	[smem:$0x3F9B] =	sst s1;
	(tag) =	ssettag s2;
	_ =	strace s9  }
0x27: {  	s1 =	sld [smem:$0x3FAB]  }
0x28: {  	s2 =	sld [smem:$0x3FAC]  }
0x29: {  	s4 =	sld [smem:$0x3FAE]  }
0x2a: {  	p0 =	seq.s32 s5, $0x0;
	s5 =	sld [smem:$0x3FAF]  }
0x2b: {  	s6 =	sld [smem:$0x3FB0]  }
0x2c: {  	s7 =	sld [smem:$0x3FB1]  }
0x2d: {  	s3 =	simm.s32 $0x108;
	s8 =	sld [smem:$0x3FB2]  }
0x2e: {  	s3 =	simm.s32 @!p0 $0x1082;
	s9 =	sld [smem:$0x3FB3]  }
0x2f: {  	lr =	sadd.s32 s0, s3;
	s0 =	sld [smem:$0x3FAA]  }
0x30: {  	s3 =	sld [smem:$0x3FAD]  }
0x31: {  	[smem:$0x3FB6] =	sst s10  }
0x32: {  	s10 =	sld [smem:$0x3FB4];
	_ =	sdelay $0x3  }
0x33: {  	p0 =	seq.s32 s10, $0x1;
	s10 =	sld [smem:$0x3FB6];
	_ =	sdelay $0x3  }
0x34: {  	[smem:$0x3FB6] =	sst s10  }
0x35: {  	s10 =	sld [smem:$0x3FB5];
	_ =	sdelay $0x3  }
0x36: {  	p1 =	seq.s32 s10, $0x1;
	s10 =	sld [smem:$0x3FB6];
	_ =	sdelay $0x3  }
0x37: {  	[smem:$0x3FB6] =	sst s10  }
0x38: {  	s10 =	sld [smem:$0x3FB7]  }
0x39: {  	_ = 	snop;
	(pc) =	sbr.ind lr, $3  }
0x3a: {  	_ = 	snop  }
0x3b: {  	_ = 	snop  }
0x3c: {  	p2 =	seq.s32 s10, $0x1;
	s10 =	sld [smem:$0x3FB6]  }
0x3d: {  	_ =	shalt  }
0x3e: {  	_ =	shalt  }
0x3f: {  	_ =	shalt  }
0x40: {  	_ =	shalt  }
0x41: {  	_ =	shalt  }
0x42: {  	_ =	shalt  }
0x43: {  	_ =	shalt  }
0x44: {  	_ =	shalt  }
0x45: {  	_ =	shalt  }
0x46: {  	_ =	shalt  }
0x47: {  	_ =	shalt  }
0x48: {  	_ =	shalt  }
0x49: {  	_ =	shalt  }
0x4a: {  	_ =	shalt  }
0x4b: {  	_ =	shalt  }
0x4c: {  	_ =	shalt  }
0x4d: {  	_ =	shalt  }
0x4e: {  	_ =	shalt  }
0x4f: {  	_ =	shalt  }
0x50: {  	_ =	shalt  }
0x51: {  	_ =	shalt  }
0x52: {  	_ =	shalt  }
0x53: {  	_ =	shalt  }
0x54: {  	_ =	shalt  }
0x55: {  	_ =	shalt  }
0x56: {  	_ =	shalt  }
0x57: {  	_ =	shalt  }
0x58: {  	_ =	shalt  }
0x59: {  	_ =	shalt  }
0x5a: {  	_ =	shalt  }
0x5b: {  	_ =	shalt  }
0x5c: {  	_ =	shalt  }
0x5d: {  	_ =	shalt  }
0x5e: {  	_ =	shalt  }
0x5f: {  	_ =	shalt  }
0x60: {  	_ =	shalt  }
0x61: {  	_ =	shalt  }
0x62: {  	_ =	shalt  }
0x63: {  	_ =	shalt  }
0x64: {  	_ =	shalt  }
0x65: {  	_ =	shalt  }
0x66: {  	_ =	shalt  }
0x67: {  	_ =	shalt  }
0x68: {  	_ =	shalt  }
0x69: {  	_ =	shalt  }
0x6a: {  	_ =	shalt  }
0x6b: {  	_ =	shalt  }
0x6c: {  	_ =	shalt  }
0x6d: {  	_ =	shalt  }
0x6e: {  	_ =	shalt  }
0x6f: {  	_ =	shalt  }
0x70: {  	_ =	shalt  }
0x71: {  	_ =	shalt  }
0x72: {  	_ =	shalt  }
0x73: {  	_ =	shalt  }
0x74: {  	_ =	shalt  }
0x75: {  	_ =	shalt  }
0x76: {  	_ =	shalt  }
0x77: {  	_ =	shalt  }
0x78: {  	_ =	shalt  }
0x79: {  	_ =	shalt  }
0x7a: {  	_ =	shalt  }
0x7b: {  	_ =	shalt  }
0x7c: {  	_ =	shalt  }
0x7d: {  	_ =	shalt  }
0x7e: {  	_ =	shalt  }
0x7f: {  	_ =	shalt  }
0x80: {  	_ =	shalt  }
0x81: {  	_ =	shalt  }
0x82: {  	_ =	shalt  }
0x83: {  	_ =	shalt  }
0x84: {  	_ =	shalt  }
0x85: {  	_ =	shalt  }
0x86: {  	_ =	shalt  }
0x87: {  	_ =	shalt  }
.Lfunc_end0:
.L_simem_size_0:
called_computation.5_lowered:
.L_overlay_start_0:
0x88: {  	s2 =	sld [smem:$0x3FD9]  }
0x89: {  	s3 =	sld [smem:$0x3FFE];
	_ =	sdelay $0x1  }
0x8a: {  	s1 =	srdreg.scid  }
0x8b: {  	s0 =	sand.u32 $0x1, s1  }
0x8c: {  	s17 =	sshll.u32 s0, $0xA;
	s2 =	sadd.s32 s3, s2  }
0x8d: {  	s2 =	sadd.s32 s2, s17  }
0x8e: {  	[smem:$0x3FC2] =	sst s2  }
0x8f: {  	_ = 	snop  }
0x90: {  	s2 =	sld [smem:$0x3FC7]  }
0x91: {  	s18 =	sld [smem:$0x3FD0];
	(tm) =	ssettm $0x1  }
0x92: {  	s4 =	sld [smem:$0x3FFB];
	_ =	sdelay $0x3  }
0x93: {  	_ =	strace s4  }
0x94: {  	s4 =	sld [smem:$0x3FFC];
	_ =	sdelay $0x3  }
0x95: {  	_ =	strace s4  }
0x96: {  	s4 =	sld [smem:$0x3FFD];
	_ =	sdelay $0x3  }
0x97: {  	_ =	strace s4  }
0x98: {  	_ =	strace $0x8FFFFFFF  }
0x99: {  	s19 =	sld [smem:$0x3FDB];
	_ =	sdelay $0x1  }
0x9a: {  	s5 =	simm.s32 $_scs_section_size  }
0x9b: {  	s6 =	simm.s32 $_size__tile_overlayer_lowered;
	s7 =	simm.s32 $_tile_overlayer_lowered  }
0x9c: {  	s22 =	simm.s32 $0x1BFF;
	s21 =	sshll.u32 s7, $0x1;
	s4 =	sadd.s32 s5, s19  }
0x9d: {  	s8 =	simm.s32 $0x0;
	s20 =	sshll.u32 s6, $0x1;
	s6 =	sadd.s32 s21, s4  }
0x9e: {  	[timem:s8], [sflag:s22] =	dma.local [hbm:s6], s20  }
0x9f: {  	_ =	swait.ge [sflag:s22], s20  }
0xa0: {  	s5 =	ssub.s32 $0x0, s20;
	[sflag:s22] =	ssyncset.done $0x0  }
0xa1: {  	[sflag:s22] =	ssyncadd.s32 s5;
	_ =	sdelay $0x1  }
0xa2: {  	s23 =	simm.s32 $0x1B8B  }
0xa3: {  	_ =	swait.ge [sflag:s23], $0x1  }
0xa4: {  	[sflag:s23] =	ssyncset.done $0x0  }
0xa5: {  	s25 =	simm.s32 $0x1B8E;
	s24 =	sld [smem:$0x3FFE];
	[sflag:s23] =	ssyncadd.s32 $0xFFFFFFFF  }
0xa6: {  	s26 =	simm.s32 $execute0_lowered;
	[smem:$0x3FD2] =	sst s25  }
0xa7: {  	s6 =	sshll.u32 s26, $0x1;
	_ =	strace $0x80000055;
	[dreg:$0x1] =	wrdreg $0xFFFFFFFF  }
0xa8: {  	s28 =	simm.s32 $_size_execute0_lowered;
	s4 =	sadd.s32 s4, s6;
	[dreg:$0x0] =	wrdreg $0x0  }
0xa9: {  	s6 =	sshll.u32 s28, $0x1;
	[dreg:$0x2] =	wrdreg s4  }
0xaa: {  	[dreg:$0x3] =	wrdreg s6  }
0xab: {  	[dreg:$0x4] =	wrdreg $0xC0  }
0xac: {  	_ =	task [dreg:s8], $0x5FFFF  }
0xad: {  	[dreg:$0x1] =	wrdreg $0xFFFFFFFF  }
0xae: {  	[dreg:$0x0] =	wrdreg $0x60  }
0xaf: {  	[dreg:$0x2] =	wrdreg s24  }
0xb0: {  	[dreg:$0x3] =	wrdreg s2  }
0xb1: {  	[dreg:$0x4] =	wrdreg s18  }
0xb2: {  	[dreg:$0x5] =	wrdreg $0x9  }
0xb3: {  	_ =	task.clear_ibuf [dreg:s8], $0x6FFFF;
	_ =	strace $0x90000055  }
0xb4: {  	s29 =	simm.s32 $0x9;
	_ =	strace $0x80000057  }
0xb5: {  	_ =	swait.ge [sflag:s29], $0x1  }
0xb6: {  	[sflag:s29] =	ssyncadd.s32 $0xFFFFFFFF  }
0xb7: {  	_ =	strace $0x90000057  }
0xb8: {  	_ =	sfence  }
0xb9: {  	s30 =	sld [smem:$0x0];
	_ =	sdelay $0x2  }
0xba: {  	s31 =	sshll.u32 s1, $0xD;
	s1 =	sshrl.u32 s1, $0x2  }
0xbb: {  	s3 =	sand.u32 $0x4000, s31;
	s1 =	sadd.s32 s1, s30  }
0xbc: {  	s0 =	sor.u32 s3, s0;
	s1 =	sshll.u32 s1, $0x11  }
0xbd: {  	s0 =	sor.u32 s1, s0  }
0xbe: {  	s0 =	sadd.s32 $0x8F2B, s0  }
0xbf: {  	[sflag:s0] =	ssyncadd.remote.s32 $0x1  }
0xc0: {  	_ =	sfence.sel $0xFFFF  }
0xc1: {  	[dreg:$0x0] =	wrdreg $0xFFFFFFFF;
	(pc) =	sbr.abs _section_cstart, $3  }
0xc2: {  	[dreg:$0x1] =	wrdreg $0xFFFFFFFF  }
0xc3: {  	_ =	task.clear_ibuf [dreg:s8], $0x2FFFF;
	_ =	strace $0x9FFFFFFF  }
0xc4: {  	(tm) =	ssettm $0x7FFFFFFF  }
0xc5: {  	_ =	shalt  }
tec
execute0_lowered:
.L_overlay_start_1:
0x0: {  	(tag) =	ssettag $0x1  }
0x1: {  	s1 =	srdreg.scid;
	s0 =	stileid.u32  }
0x2: {  	s4 =	sand.u32 $0x1, s1;
	s31 =	sshll.u32 s0, $0x1  }
0x3: {  	s1 =	sor.u32 s4, s31  }
0x4: {  	s7 =	smul.u32 $0x7D, s1;
	_ =	sdelay $0x1  }
0x5: {  	s8 =	sadd.s32 $0x7D, s7  }
0x6: {  	s7 =	sshrl.u32 s7, $0x5;
	s8 =	sshrl.u32 s8, $0x5  }
0x7: {  	p0 =	sle.u32 s8, s7  }
.Ltmp0:
0x8: {  	s3 =	rddreg [dreg:$0x0];
	(pc) =	sbr.rel @p0 .LBB2_5-.Ltmp0, $4  }
0x9: {  	s6 =	rddreg [dreg:$0x1]  }
0xa: {  	s5 =	rddreg [dreg:$0x2];
	s2 =	simm.s32 $0x0  }
0xb: {  	[smem:$0x7FF] =	sst s2  }
0xc: {  	s1 =	rddreg [dreg:$0x3];
	_ =	strace $0x80000056  }
0xd: {  	s9 =	smul.u32 $0x500, s7  }
0xe: {  	s4 =	ssub.s32 $0x2, s4;
	s11 =	smul.u32 $0xA, s7  }
0xf: {  	s3 =	sadd.s32 $0x3C00, s3;
	s7 =	ssub.s32 s8, s7;
	s10 =	sshrl.u32 s4, $0x1  }
0x10: {  	s8 =	simm.s32 $0x2;
	s12 =	simm.s32 $0x0;
	s4 =	ssub.s32 s4, s10  }
0x11: {  	s5 =	sadd.s32 s9, s5;
	s6 =	sadd.s32 s11, s6;
	s9 =	simm.s32 $0x50  }
0x12: {  	s10 =	simm.s32 $0x80;
	s11 =	simm.s32 $0x1;
	s4 =	smax.u32 s4, $0x1  }
.LBB2_2:
0x13: {  	[tilespmem:s2], [sflag:$0x2] =	stream.linear.gather [hbm4b:s6+s2], $0x50, $0x38;
	[tilespmem:$0x2880] =	vst v63  }
0x14: {  	_ =	swait.ge [sflag:s8], $0x50  }
0x15: {  	[sflag:s8] =	ssyncset.done $0x0  }
0x16: {  	[sflag:s8] =	ssyncadd.s32 $0xFFFFFFB0  }
0x17: {  	[tilespmem:s10], [sflag:$0x1] =	stream.indirect.gather [hbm4b:s3+s9], $0x80, s2, s9, $0xb8;
	[tilespmem:$0x2880] =	vst v63  }
0x18: {  	p0 =	sne.s32 s7, $0x1;
	_ =	swait.ge [sflag:s11], $0x2800  }
.Ltmp1:
0x19: {  	[sflag:s11] =	ssyncset.done $0x0;
	(pc) =	sbr.rel @!p0 .LBB2_4-.Ltmp1, $4  }
0x1a: {  	[sflag:s11] =	ssyncadd.s32 $0xFFFFD800  }
0x1b: {  	[hbm4b:s5+s2] =	stream.linear.scatter [tilespmem:s10], [sflag:$0x2], $0x2800, $0x38;
	[tilespmem:$0x2880] =	vst v63  }
0x1c: {  	s13 =	sadd.s32 $0xFFFFFFFF, s7;
	_ =	swait.ge [sflag:s8], $0x2800  }
0x1d: {  	s14 =	smov.u32 s5;
	s15 =	smov.u32 s6;
	[sflag:s8] =	ssyncset.done $0x0  }
.LBB2_3:
0x1e: {  	[sflag:s8] =	ssyncadd.s32 $0xFFFFD800;
	s14 =	sadd.s32 $0x500, s14;
	s15 =	sadd.s32 $0xA, s15  }
0x1f: {  	[tilespmem:s2], [sflag:$0x2] =	stream.linear.gather [hbm4b:s15+s2], $0x50, $0x38;
	[tilespmem:$0x2880] =	vst v63  }
0x20: {  	p0 =	sne.s32 s13, $0x1;
	s13 =	sadd.s32 $0xFFFFFFFF, s13;
	_ =	swait.ge [sflag:s8], $0x50  }
0x21: {  	[sflag:s8] =	ssyncset.done $0x0  }
0x22: {  	[sflag:s8] =	ssyncadd.s32 $0xFFFFFFB0  }
0x23: {  	[tilespmem:s10], [sflag:$0x1] =	stream.indirect.gather [hbm4b:s3+s9], $0x80, s2, s9, $0xb8;
	[tilespmem:$0x2880] =	vst v63  }
0x24: {  	_ =	swait.ge [sflag:s11], $0x2800  }
.Ltmp2:
0x25: {  	[sflag:s11] =	ssyncset.done $0x0;
	(pc) =	sbr.rel @p0 .LBB2_3-.Ltmp2, $4  }
0x26: {  	[sflag:s11] =	ssyncadd.s32 $0xFFFFD800  }
0x27: {  	[hbm4b:s14+s2] =	stream.linear.scatter [tilespmem:s10], [sflag:$0x2], $0x2800, $0x38;
	[tilespmem:$0x2880] =	vst v63  }
0x28: {  	_ =	swait.ge [sflag:s8], $0x2800  }
0x29: {  	[sflag:s8] =	ssyncset.done $0x0  }
.LBB2_4:
0x2a: {  	s12 =	sadd.s32 $0x1, s12  }
0x2b: {  	p0 =	sne.s32 s12, s4  }
.Ltmp3:
0x2c: {  	_ = 	snop;
	(pc) =	sbr.rel @p0 .LBB2_2-.Ltmp3, $2  }
0x2d: {  	_ =	sdelay $0x2  }
0x2e: {  	[sflag:s8] =	ssyncadd.s32 $0xFFFFD800  }
.LBB2_5:
0x2f: {  	_ =	sfence.sel $0x180000  }
0x30: {  	[bflag:$0x0] =	sbarrier.arrive $0xFFFF  }
0x31: {  	p0 =	sne.s32 s0, $0x0;
	_ =	strace $0x90000056  }
0x32: {  	s0 =	sadd.s32 @!p0 $0x100000, s1;
	[bflag:$0x2] =	sbarrier.arrive $0xFFFF  }
0x33: {  	[sflag:s0] =	ssyncadd.tile.s32 @!p0 $0x1;
	_ =	shalt  }
.Lfunc_end2:
_tile_overlayer_lowered:
.L_overlay_start_2:
0x34: {  	(tag) =	ssettag $0x2  }
0x35: {  	s0 =	rddreg [dreg:$0x0];
	s2 =	stileid.u32  }
0x36: {  	s1 =	rddreg [dreg:$0x1];
	p0 =	sne.s32 s2, $0x0  }
0x37: {  	s3 =	rddreg [dreg:$0x2];
	[bflag:$0x3] =	sbarrier.arrive $0xFFFF;
	s2 =	simm.s32 @!p0 $0x1C02  }
0x38: {  	[timem:s3], [sflag:s2] =	dma.local @!p0 [hbm:s0], s1  }
0x39: {  	s0 =	simm.s32 @!p0 $0x2  }
0x3a: {  	_ =	swait.ge @!p0 [sflag:s0], s1  }
0x3b: {  	s1 =	ssub.s32 @!p0 $0x0, s1;
	[sflag:s0] =	ssyncset.done @!p0 $0x0  }
0x3c: {  	[sflag:s0] =	ssyncadd.s32 @!p0 s1  }
0x3d: {  	[bflag:$0x3] =	sbarrier.arrive $0xFFFF  }
0x3e: {  	_ =	shalt  }

</sc_bundles>
